<compile_context>
chip_gen: v7x
topology: tpu7x:2x2x1
jax: 0.10.2.dev20260603
libtpu: 0.0.44.dev20260713+nightly
codegen_flags: <defaults>
</compile_context>

<pallas_src>
import functools

import jax
import jax.numpy as jnp
import numpy as np
from jax import lax
from jax.experimental import pallas as pl
from jax.experimental.pallas import tpu as pltpu
from jax.experimental.pallas import tpu_sc as plsc

N_FFT = 2048
HOP = 512
NBINS = N_FFT // 2 + 1
NF = 1040
T = 257
TBLK = 32
NTBLK = 9
TPAD = NTBLK * TBLK
REGION = TBLK * HOP + (N_FFT - HOP)
LPAD = (NTBLK - 1) * TBLK * HOP + REGION
NW = 32
RPW = 65
NCHUNK = NF // 16
BSTEPS = 11


def _dft_consts():
    n = np.arange(N_FFT, dtype=np.float64)
    k = np.arange(NF, dtype=np.float64)
    ang = 2.0 * np.pi * np.outer(n, k) / N_FFT
    cos = np.cos(ang)
    sin = np.sin(ang)
    cos[:, NBINS:] = 0.0
    sin[:, NBINS:] = 0.0
    w = np.concatenate([cos, sin], axis=1).astype(np.float32)
    wh = w.astype(jnp.bfloat16)
    wl = (w - wh.astype(np.float32)).astype(jnp.bfloat16)
    hann = (0.5 - 0.5 * np.cos(2.0 * np.pi * n / N_FFT)).astype(np.float32)
    tri = np.triu(np.ones((NF, NF), dtype=np.float32))
    return wh, wl, hann.reshape(1, N_FFT), tri.astype(jnp.bfloat16)


_WH, _WL, _HANN, _TRI = _dft_consts()


def _split_dot(a, bh, bl=None):
    ah = a.astype(jnp.bfloat16)
    al = (a - ah.astype(jnp.float32)).astype(jnp.bfloat16)
    f32 = jnp.float32
    o = jnp.dot(ah, bh, preferred_element_type=f32)
    o += jnp.dot(al, bh, preferred_element_type=f32)
    if bl is not None:
        o += jnp.dot(ah, bl, preferred_element_type=f32)
    return o


def _stft_cdf_body(xy_ref, wh_ref, wl_ref, hann_ref, tri_ref, out_ref):
    g = pl.program_id(0)
    bs = xy_ref.shape[1]
    rows = 2 * bs * TBLK
    reg = xy_ref[:, :, pl.ds(g * TBLK, TBLK + 3), :]
    frames = jnp.concatenate(
        [reg[:, :, j:j + TBLK, :] for j in range(4)], axis=3
    )
    frames = frames.reshape(rows, N_FFT) * hann_ref[...]
    o = _split_dot(frames, wh_ref[...], wl_ref[...])
    c = o[:, :NF]
    s = o[:, NF:]
    mag = jnp.sqrt(c * c + s * s)
    F = _split_dot(mag, tri_ref[...])
    Fn = F / F[:, NF - 1:NF]
    Fx = Fn[:rows // 2]
    Fy = Fn[rows // 2:]
    mm = jnp.minimum(Fx, Fy)
    cm = _split_dot(mm, tri_ref[...])
    out_ref[:, :, 0:NF] = jnp.maximum(Fx, Fy).reshape(bs, TBLK, NF)
    out_ref[:, :, NF:2 * NF] = mm.reshape(bs, TBLK, NF)
    out_ref[:, :, 2 * NF:3 * NF] = cm.reshape(bs, TBLK, NF)


def _stft_cdf(xy):
    bs = xy.shape[1]
    out_sds = jax.ShapeDtypeStruct((bs, TPAD, 3 * NF), jnp.float32)
    return pl.pallas_call(
        _stft_cdf_body,
        grid=(NTBLK,),
        in_specs=[
            pl.BlockSpec((2, bs, LPAD // 512, 512), lambda g: (0, 0, 0, 0)),
            pl.BlockSpec((N_FFT, 2 * NF), lambda g: (0, 0)),
            pl.BlockSpec((N_FFT, 2 * NF), lambda g: (0, 0)),
            pl.BlockSpec((1, N_FFT), lambda g: (0, 0)),
            pl.BlockSpec((NF, NF), lambda g: (0, 0)),
        ],
        out_specs=pl.BlockSpec((bs, TBLK, 3 * NF), lambda g: (0, g, 0)),
        out_shape=out_sds,
    )(xy, jnp.asarray(_WH), jnp.asarray(_WL), jnp.asarray(_HANN),
      jnp.asarray(_TRI))


def _ot_body(P_hbm, out_hbm, pa, pb, res, sem):
    wid = lax.axis_index("s") * 2 + lax.axis_index("c")
    iot = lax.iota(jnp.int32, 16)
    nrows = P_hbm.shape[0] // TPAD * T
    rpw = -(-nrows // NW)
    base = wid * rpw

    def rk(k):
        kc = jnp.minimum(k, nrows - 1)
        b = kc // T
        return b * TPAD + (kc - b * T)

    def compute(buf, i):
        def chunk_body(cc, acc):
            q = buf[pl.ds(cc * 16, 16)]
            lo0 = jnp.zeros((16,), jnp.int32)
            hi0 = jnp.full((16,), NBINS, jnp.int32)

            def bs_body(_, lh):
                lo, hi = lh
                mid = (lo + hi) >> 1
                mval = plsc.load_gather(buf, [NF + mid])
                pred = mval < q
                return (jnp.where(pred, mid + 1, lo),
                        jnp.where(pred, hi, mid))

            K, _ = lax.fori_loop(0, BSTEPS, bs_body, (lo0, hi0))
            jvec = cc * 16 + iot
            kp = jnp.maximum(K, jvec + 1)
            cmk = plsc.load_gather(buf, [2 * NF + kp - 1])
            cmj = buf[pl.ds(2 * NF + cc * 16, 16)]
            mj = buf[pl.ds(NF + cc * 16, 16)]
            cnt = (kp - 1 - jvec).astype(jnp.float32)
            return acc + (q - mj) + 2.0 * (cnt * q - cmk + cmj)

        acc = lax.fori_loop(0, NCHUNK, chunk_body,
                            jnp.zeros((16,), jnp.float32))
        sval = jnp.sum(acc)
        plsc.store_scatter(res, [jnp.full((16,), i, jnp.int32)],
                           jnp.full((16,), sval, jnp.float32),
                           mask=iot == (i & 15))

    pltpu.async_copy(P_hbm.at[rk(base)], pa, sem)

    def pair_body(p, carry):
        i0 = p * 2
        pltpu.make_async_copy(P_hbm.at[rk(base)], pa, sem).wait()
        pltpu.async_copy(P_hbm.at[rk(base + i0 + 1)], pb, sem)
        compute(pa, i0)
        pltpu.make_async_copy(P_hbm.at[rk(base)], pb, sem).wait()
        pltpu.async_copy(P_hbm.at[rk(base + i0 + 2)], pa, sem)
        compute(pb, i0 + 1)
        return carry

    lax.fori_loop(0, rpw // 2, pair_body, 0)
    pltpu.make_async_copy(P_hbm.at[rk(base)], pa, sem).wait()
    compute(pa, rpw - 1)
    pltpu.sync_copy(res, out_hbm.at[wid])


@functools.lru_cache(maxsize=None)
def _make_ot_sc(nrows):
    rpw = -(-nrows // NW)
    width = -(-rpw // 16) * 16
    return functools.partial(
        pl.kernel,
        out_type=jax.ShapeDtypeStruct((NW, width), jnp.float32),
        mesh=plsc.VectorSubcoreMesh(core_axis_name="c", subcore_axis_name="s"),
        scratch_types=[
            pltpu.VMEM((3 * NF,), jnp.float32),
            pltpu.VMEM((3 * NF,), jnp.float32),
            pltpu.VMEM((width,), jnp.float32),
            pltpu.SemaphoreType.DMA,
        ],
        compiler_params=pltpu.CompilerParams(needs_layout_passes=False),
    )(_ot_body)


@jax.jit
def kernel(y, x):
    bs = x.shape[0]
    pad = N_FFT // 2
    xp = jnp.pad(x, ((0, 0), (pad, pad)), mode="reflect")
    yp = jnp.pad(y, ((0, 0), (pad, pad)), mode="reflect")
    xy = jnp.stack([xp, yp])
    xy = jnp.pad(xy, ((0, 0), (0, 0), (0, LPAD - xy.shape[2])))
    xy = xy.reshape(2, bs, LPAD // 512, 512)
    hb = bs // 2
    parts = []
    for h in range(2):
        P = _stft_cdf(xy[:, h * hb:(h + 1) * hb])
        nrows = hb * T
        rpw = -(-nrows // NW)
        S = _make_ot_sc(nrows)(P.reshape(hb * TPAD, 3 * NF))
        parts.append(S[:, :rpw].reshape(-1)[:nrows].reshape(hb, T))
    d = 1.0 / N_FFT
    return jnp.concatenate(parts).mean(axis=1) * (100.0 * d * d)

# --- scband reference (transcript-rebuilt; emitter-appended) ---
"""Pipeline reference for scband-spectral-ot-loss-20658792694558 (READ-ONLY COPY).

The authoritative reference and input builder live on the scoring server;
editing this copy changes nothing except your own understanding.
"""

import jax, jax.numpy as jnp
import numpy as np

SR = 44100
N_FFT = 2048
HOP = 512
BS = 8
N_SAMPLES = 131072


def _hann(n):
    # periodic hann window (matches scipy.signal.get_window('hann', n, fftbins=True) used by nnAudio)
    return (0.5 - 0.5 * jnp.cos(2.0 * jnp.pi * jnp.arange(n) / n)).astype(jnp.float32)


def _stft_mag(x):
    # center=True, pad_mode='reflect' STFT, magnitude output, shape [bs, freq, time]
    pad = N_FFT // 2
    xp = jnp.pad(x, ((0, 0), (pad, pad)), mode='reflect')
    n_frames = 1 + (xp.shape[1] - N_FFT) // HOP
    idx = jnp.arange(n_frames)[:, None] * HOP + jnp.arange(N_FFT)[None, :]
    frames = xp[:, idx] * _hann(N_FFT)[None, None, :]
    spec = jnp.abs(jnp.fft.rfft(frames, axis=-1))
    return jnp.swapaxes(spec, 1, 2)


def setup_inputs(seed: int = 0) -> dict:
    key = jax.random.key(seed)
    k1, k2 = jax.random.split(key)
    y = jax.random.normal(k1, (BS, N_SAMPLES), dtype=jnp.float32)
    x = jax.random.normal(k2, (BS, N_SAMPLES), dtype=jnp.float32)
    return {"y": y, "x": x}


def reference(y, x):
    bs = x.shape[0]
    fx = _stft_mag(x)
    fy = _stft_mag(y)
    Fx = jnp.cumsum(fx, axis=1)
    Fx = Fx / Fx[:, -1:, :]
    Fy = jnp.cumsum(fy, axis=1)
    Fy = Fy / Fy[:, -1:, :]
    nbins = N_FFT // 2 + 1
    T = fy.shape[2]
    f = jnp.fft.rfftfreq(N_FFT).astype(jnp.float32)
    fexp = jnp.broadcast_to(f[None, None, :], (bs, T, nbins))
    quantiles = jnp.sort(jnp.concatenate((Fx, Fy), axis=1), axis=1)
    q_sw = jnp.swapaxes(quantiles, 1, 2)
    Fx_sw = jnp.swapaxes(Fx, 1, 2)
    Fy_sw = jnp.swapaxes(Fy, 1, 2)
    ss = jax.vmap(jax.vmap(lambda a, v: jnp.searchsorted(a, v)))
    idx_x = jnp.clip(ss(Fx_sw, q_sw), 0, nbins - 1)
    idx_y = jnp.clip(ss(Fy_sw, q_sw), 0, nbins - 1)
    Finv_x = jnp.swapaxes(jnp.take_along_axis(fexp, idx_x, axis=2), 1, 2)
    Finv_y = jnp.swapaxes(jnp.take_along_axis(fexp, idx_y, axis=2), 1, 2)
    dr = quantiles[:, 1:, :] - quantiles[:, :-1, :]
    OT_loss = (jnp.square((Finv_y - Finv_x)[:, 1:, :]) * dr).sum(axis=1).mean(axis=1) * 100.0
    return OT_loss

if __name__ == "__main__":
    import jax
    _d = setup_inputs()
    print(jax.jit(kernel)(*tuple(_d.values())))

</pallas_src>

<mosaic_0001>
#map = affine_map<(d0, d1) -> (0, 0)>
module attributes {stable_mosaic.version = 14 : i64} {
  func.func @_ot_body(%arg0: i32, %arg1: i32, %arg2: memref<1152x3120xf32, #tpu.memory_space<hbm>>, %arg3: memref<32x48xf32, #tpu.memory_space<hbm>>, %arg4: memref<3120xf32, #tpu.memory_space<vmem>>, %arg5: memref<3120xf32, #tpu.memory_space<vmem>>, %arg6: memref<48xf32, #tpu.memory_space<vmem>>, %arg7: memref<!tpu.dma_semaphore, #tpu.memory_space<semaphore_mem>>) attributes {dimension_semantics = [#tpu.dimension_semantics<core_parallel>, #tpu.dimension_semantics<subcore_parallel>], iteration_bounds = array<i64: 2, 16>, scalar_prefetch = 0 : i64, scratch_operands = 4 : i64, tpu.core_type = #tpu.core_type<sc_vector_subcore>, window_params = [{transform_indices = #map}, {transform_indices = #map}]} {
    %mul3A = arith.constant 2 : i32
    %mul3A_0 = arith.muli %arg1, %mul3A : i32
    %add3A = arith.addi %mul3A_0, %arg0 : i32
    %iota3A = tpu.iota {dimensions = array<i32: 0>} : vector<16xi32>
    %mul3A_1 = arith.constant 33 : i32
    %mul3A_2 = arith.muli %add3A, %mul3A_1 : i32
    %min3A = arith.constant 1027 : i32
    %min3A_3 = arith.minsi %mul3A_2, %min3A : i32
    %jit3A = arith.constant 257 : i32
    %div3A = arith.divsi %min3A_3, %jit3A : i32
    %sign3A = arith.constant 0 : i32
    %sign3A_4 = arith.cmpi sgt, %min3A_3, %sign3A : i32
    %sign3A_5 = arith.extui %sign3A_4 : i1 to i32
    %sign3A_6 = arith.constant 0 : i32
    %sign3A_7 = arith.cmpi slt, %min3A_3, %sign3A_6 : i32
    %sign3A_8 = arith.extui %sign3A_7 : i1 to i32
    %sign3A_9 = arith.subi %sign3A_5, %sign3A_8 : i32
    %sign3A_10 = arith.constant 0 : i32
    %sign3A_11 = arith.cmpi sgt, %jit3A, %sign3A_10 : i32
    %sign3A_12 = arith.extui %sign3A_11 : i1 to i32
    %sign3A_13 = arith.constant 0 : i32
    %sign3A_14 = arith.cmpi slt, %jit3A, %sign3A_13 : i32
    %sign3A_15 = arith.extui %sign3A_14 : i1 to i32
    %sign3A_16 = arith.subi %sign3A_12, %sign3A_15 : i32
    %ne3A = arith.cmpi ne, %sign3A_9, %sign3A_16 : i32
    %rem3A = arith.remsi %min3A_3, %jit3A : i32
    %ne3A_17 = arith.constant 0 : i32
    %ne3A_18 = arith.cmpi ne, %rem3A, %ne3A_17 : i32
    %and3A = arith.andi %ne3A, %ne3A_18 : i1
    %sub3A = arith.constant 1 : i32
    %sub3A_19 = arith.subi %div3A, %sub3A : i32
    %select_n3A = arith.select %and3A, %sub3A_19, %div3A : i32
    %mul3A_20 = arith.constant 288 : i32
    %mul3A_21 = arith.muli %select_n3A, %mul3A_20 : i32
    %mul3A_22 = arith.constant 257 : i32
    %mul3A_23 = arith.muli %select_n3A, %mul3A_22 : i32
    %sub3A_24 = arith.subi %min3A_3, %mul3A_23 : i32
    %add3A_25 = arith.addi %mul3A_21, %sub3A_24 : i32
    %dma_start3A = arith.constant 0 : i32
    %dma_start3A_26 = tpu.memref_slice %arg2[%add3A_25, %dma_start3A] : memref<1152x3120xf32, #tpu.memory_space<hbm>> -> memref<1x3120xf32, #tpu.memory_space<hbm>>
    %dma_start3A_27 = tpu.memref_squeeze %dma_start3A_26 : memref<1x3120xf32, #tpu.memory_space<hbm>> -> memref<3120xf32, #tpu.memory_space<hbm>>
    %dma_start3A_28 = arith.constant 0 : i32
    %dma_start3A_29 = tpu.memref_slice %arg2[%add3A_25, %dma_start3A_28] : memref<1152x3120xf32, #tpu.memory_space<hbm>> -> memref<1x3120xf32, #tpu.memory_space<hbm>>
    %dma_start3A_30 = tpu.memref_squeeze %dma_start3A_29 : memref<1x3120xf32, #tpu.memory_space<hbm>> -> memref<3120xf32, #tpu.memory_space<hbm>>
    tpu.enqueue_dma source(%dma_start3A_30 : memref<3120xf32, #tpu.memory_space<hbm>>) target(%arg4 : memref<3120xf32, #tpu.memory_space<vmem>>) target_semaphore(%arg7 : memref<!tpu.dma_semaphore, #tpu.memory_space<semaphore_mem>>)
    %scan3A = arith.constant 0 : i32
    %scan3A_31 = arith.constant 0 : i32
    %scan3A_32 = arith.constant 16 : i32
    %scan3A_33 = arith.addi %scan3A_31, %scan3A_32 : i32
    %scan3A_34 = arith.constant 1 : i32
    scf.for %scan3A_88 = %scan3A_31 to %scan3A_33 step %scan3A_34  : i32 {
      %mul3A_89 = arith.constant 2 : i32
      %mul3A_90 = arith.muli %scan3A_88, %mul3A_89 : i32
      %min3A_91 = arith.constant 1027 : i32
      %min3A_92 = arith.minsi %mul3A_2, %min3A_91 : i32
      %jit3A_93 = arith.constant 257 : i32
      %div3A_94 = arith.divsi %min3A_92, %jit3A_93 : i32
      %sign3A_95 = arith.constant 0 : i32
      %sign3A_96 = arith.cmpi sgt, %min3A_92, %sign3A_95 : i32
      %sign3A_97 = arith.extui %sign3A_96 : i1 to i32
      %sign3A_98 = arith.constant 0 : i32
      %sign3A_99 = arith.cmpi slt, %min3A_92, %sign3A_98 : i32
      %sign3A_100 = arith.extui %sign3A_99 : i1 to i32
      %sign3A_101 = arith.subi %sign3A_97, %sign3A_100 : i32
      %sign3A_102 = arith.constant 0 : i32
      %sign3A_103 = arith.cmpi sgt, %jit3A_93, %sign3A_102 : i32
      %sign3A_104 = arith.extui %sign3A_103 : i1 to i32
      %sign3A_105 = arith.constant 0 : i32
      %sign3A_106 = arith.cmpi slt, %jit3A_93, %sign3A_105 : i32
      %sign3A_107 = arith.extui %sign3A_106 : i1 to i32
      %sign3A_108 = arith.subi %sign3A_104, %sign3A_107 : i32
      %ne3A_109 = arith.cmpi ne, %sign3A_101, %sign3A_108 : i32
      %rem3A_110 = arith.remsi %min3A_92, %jit3A_93 : i32
      %ne3A_111 = arith.constant 0 : i32
      %ne3A_112 = arith.cmpi ne, %rem3A_110, %ne3A_111 : i32
      %and3A_113 = arith.andi %ne3A_109, %ne3A_112 : i1
      %sub3A_114 = arith.constant 1 : i32
      %sub3A_115 = arith.subi %div3A_94, %sub3A_114 : i32
      %select_n3A_116 = arith.select %and3A_113, %sub3A_115, %div3A_94 : i32
      %mul3A_117 = arith.constant 288 : i32
      %mul3A_118 = arith.muli %select_n3A_116, %mul3A_117 : i32
      %mul3A_119 = arith.constant 257 : i32
      %mul3A_120 = arith.muli %select_n3A_116, %mul3A_119 : i32
      %sub3A_121 = arith.subi %min3A_92, %mul3A_120 : i32
      %add3A_122 = arith.addi %mul3A_118, %sub3A_121 : i32
      %dma_wait3A_123 = arith.constant 0 : i32
      %dma_wait3A_124 = tpu.memref_slice %arg2[%add3A_122, %dma_wait3A_123] : memref<1152x3120xf32, #tpu.memory_space<hbm>> -> memref<1x3120xf32, #tpu.memory_space<hbm>>
      %dma_wait3A_125 = tpu.memref_squeeze %dma_wait3A_124 : memref<1x3120xf32, #tpu.memory_space<hbm>> -> memref<3120xf32, #tpu.memory_space<hbm>>
      %dma_wait3A_126 = arith.constant 0 : i32
      %dma_wait3A_127 = tpu.memref_slice %arg2[%add3A_122, %dma_wait3A_126] : memref<1152x3120xf32, #tpu.memory_space<hbm>> -> memref<1x3120xf32, #tpu.memory_space<hbm>>
      %dma_wait3A_128 = tpu.memref_squeeze %dma_wait3A_127 : memref<1x3120xf32, #tpu.memory_space<hbm>> -> memref<3120xf32, #tpu.memory_space<hbm>>
      tpu.wait_dma2 semaphore(%arg7 : memref<!tpu.dma_semaphore, #tpu.memory_space<semaphore_mem>>) src(%dma_wait3A_128 : memref<3120xf32, #tpu.memory_space<hbm>>) dst(%arg4 : memref<3120xf32, #tpu.memory_space<vmem>>)
      %add3A_129 = arith.addi %mul3A_2, %mul3A_90 : i32
      %add3A_130 = arith.constant 1 : i32
      %add3A_131 = arith.addi %add3A_129, %add3A_130 : i32
      %min3A_132 = arith.constant 1027 : i32
      %min3A_133 = arith.minsi %add3A_131, %min3A_132 : i32
      %jit3A_134 = arith.constant 257 : i32
      %div3A_135 = arith.divsi %min3A_133, %jit3A_134 : i32
      %sign3A_136 = arith.constant 0 : i32
      %sign3A_137 = arith.cmpi sgt, %min3A_133, %sign3A_136 : i32
      %sign3A_138 = arith.extui %sign3A_137 : i1 to i32
      %sign3A_139 = arith.constant 0 : i32
      %sign3A_140 = arith.cmpi slt, %min3A_133, %sign3A_139 : i32
      %sign3A_141 = arith.extui %sign3A_140 : i1 to i32
      %sign3A_142 = arith.subi %sign3A_138, %sign3A_141 : i32
      %sign3A_143 = arith.constant 0 : i32
      %sign3A_144 = arith.cmpi sgt, %jit3A_134, %sign3A_143 : i32
      %sign3A_145 = arith.extui %sign3A_144 : i1 to i32
      %sign3A_146 = arith.constant 0 : i32
      %sign3A_147 = arith.cmpi slt, %jit3A_134, %sign3A_146 : i32
      %sign3A_148 = arith.extui %sign3A_147 : i1 to i32
      %sign3A_149 = arith.subi %sign3A_145, %sign3A_148 : i32
      %ne3A_150 = arith.cmpi ne, %sign3A_142, %sign3A_149 : i32
      %rem3A_151 = arith.remsi %min3A_133, %jit3A_134 : i32
      %ne3A_152 = arith.constant 0 : i32
      %ne3A_153 = arith.cmpi ne, %rem3A_151, %ne3A_152 : i32
      %and3A_154 = arith.andi %ne3A_150, %ne3A_153 : i1
      %sub3A_155 = arith.constant 1 : i32
      %sub3A_156 = arith.subi %div3A_135, %sub3A_155 : i32
      %select_n3A_157 = arith.select %and3A_154, %sub3A_156, %div3A_135 : i32
      %mul3A_158 = arith.constant 288 : i32
      %mul3A_159 = arith.muli %select_n3A_157, %mul3A_158 : i32
      %mul3A_160 = arith.constant 257 : i32
      %mul3A_161 = arith.muli %select_n3A_157, %mul3A_160 : i32
      %sub3A_162 = arith.subi %min3A_133, %mul3A_161 : i32
      %add3A_163 = arith.addi %mul3A_159, %sub3A_162 : i32
      %dma_start3A_164 = arith.constant 0 : i32
      %dma_start3A_165 = tpu.memref_slice %arg2[%add3A_163, %dma_start3A_164] : memref<1152x3120xf32, #tpu.memory_space<hbm>> -> memref<1x3120xf32, #tpu.memory_space<hbm>>
      %dma_start3A_166 = tpu.memref_squeeze %dma_start3A_165 : memref<1x3120xf32, #tpu.memory_space<hbm>> -> memref<3120xf32, #tpu.memory_space<hbm>>
      %dma_start3A_167 = arith.constant 0 : i32
      %dma_start3A_168 = tpu.memref_slice %arg2[%add3A_163, %dma_start3A_167] : memref<1152x3120xf32, #tpu.memory_space<hbm>> -> memref<1x3120xf32, #tpu.memory_space<hbm>>
      %dma_start3A_169 = tpu.memref_squeeze %dma_start3A_168 : memref<1x3120xf32, #tpu.memory_space<hbm>> -> memref<3120xf32, #tpu.memory_space<hbm>>
      tpu.enqueue_dma source(%dma_start3A_169 : memref<3120xf32, #tpu.memory_space<hbm>>) target(%arg5 : memref<3120xf32, #tpu.memory_space<vmem>>) target_semaphore(%arg7 : memref<!tpu.dma_semaphore, #tpu.memory_space<semaphore_mem>>)
      %broadcast_in_dim3A_170 = arith.constant 0.000000e+00 : f32
      %broadcast_in_dim3A_171 = vector.broadcast %broadcast_in_dim3A_170 : f32 to vector<16xf32>
      %scan3A_172 = arith.constant 0 : i32
      %scan3A_173 = arith.constant 65 : i32
      %scan3A_174 = arith.addi %scan3A_172, %scan3A_173 : i32
      %scan3A_175 = arith.constant 1 : i32
      %scan3A_176 = scf.for %scan3A_287 = %scan3A_172 to %scan3A_174 step %scan3A_175 iter_args(%scan3A_288 = %broadcast_in_dim3A_171) -> (vector<16xf32>)  : i32 {
        %mul3A_289 = arith.constant 16 : i32
        %mul3A_290 = arith.muli %scan3A_287, %mul3A_289 : i32
        %get3A = arith.index_cast %mul3A_290 : i32 to index
        %get3A_291 = tpu.vector_load %arg4[%get3A] {strides = array<i32>} : memref<3120xf32, #tpu.memory_space<vmem>>, vector<16xf32>,
        %broadcast_in_dim3A_292 = arith.constant 0 : i32
        %broadcast_in_dim3A_293 = vector.broadcast %broadcast_in_dim3A_292 : i32 to vector<16xi32>
        %broadcast_in_dim3A_294 = arith.constant 1025 : i32
        %broadcast_in_dim3A_295 = vector.broadcast %broadcast_in_dim3A_294 : i32 to vector<16xi32>
        %scan3A_296 = arith.constant 0 : i32
        %scan3A_297 = arith.constant 11 : i32
        %scan3A_298 = arith.addi %scan3A_296, %scan3A_297 : i32
        %scan3A_299 = arith.constant 1 : i32
        %scan3A_300:2 = scf.for %scan3A_340 = %scan3A_296 to %scan3A_298 step %scan3A_299 iter_args(%scan3A_341 = %broadcast_in_dim3A_293, %scan3A_342 = %broadcast_in_dim3A_295) -> (vector<16xi32>, vector<16xi32>)  : i32 {
          %add3A_343 = arith.addi %scan3A_341, %scan3A_342 : vector<16xi32>
          %shift_right_arithmetic3A = arith.constant 1 : i32
          %shift_right_arithmetic3A_344 = vector.broadcast %shift_right_arithmetic3A : i32 to vector<16xi32>
          %shift_right_arithmetic3A_345 = arith.shrsi %add3A_343, %shift_right_arithmetic3A_344 : vector<16xi32>
          %add3A_346 = arith.constant 1040 : i32
          %add3A_347 = vector.broadcast %add3A_346 : i32 to vector<16xi32>
          %add3A_348 = arith.addi %add3A_347, %shift_right_arithmetic3A_345 : vector<16xi32>
          %gather3A_349 = tpu.vector_load_idx %arg4[%add3A_348] : memref<3120xf32, #tpu.memory_space<vmem>>[vector<16xi32>], vector<16xf32>,
          %lt3A = arith.cmpf olt, %gather3A_349, %get3A_291 : vector<16xf32>
          %add3A_350 = arith.constant 1 : i32
          %add3A_351 = vector.broadcast %add3A_350 : i32 to vector<16xi32>
          %add3A_352 = arith.addi %shift_right_arithmetic3A_345, %add3A_351 : vector<16xi32>
          %select_n3A_353 = arith.select %lt3A, %add3A_352, %scan3A_341 : vector<16xi1>, vector<16xi32>
          %select_n3A_354 = arith.select %lt3A, %scan3A_342, %shift_right_arithmetic3A_345 : vector<16xi1>, vector<16xi32>
          scf.yield %select_n3A_353, %select_n3A_354 : vector<16xi32>, vector<16xi32>
        }
        %scan3A_301 = arith.constant 11 : i32
        %mul3A_302 = arith.constant 16 : i32
        %mul3A_303 = arith.muli %scan3A_287, %mul3A_302 : i32
        %add3A_304 = vector.broadcast %mul3A_303 : i32 to vector<16xi32>
        %add3A_305 = arith.addi %add3A_304, %iota3A : vector<16xi32>
        %add3A_306 = arith.constant 1 : i32
        %add3A_307 = vector.broadcast %add3A_306 : i32 to vector<16xi32>
        %add3A_308 = arith.addi %add3A_305, %add3A_307 : vector<16xi32>
        %max3A = arith.maxsi %scan3A_300#0, %add3A_308 : vector<16xi32>
        %add3A_309 = arith.constant 2080 : i32
        %add3A_310 = vector.broadcast %add3A_309 : i32 to vector<16xi32>
        %add3A_311 = arith.addi %add3A_310, %max3A : vector<16xi32>
        %sub3A_312 = arith.constant 1 : i32
        %sub3A_313 = vector.broadcast %sub3A_312 : i32 to vector<16xi32>
        %sub3A_314 = arith.subi %add3A_311, %sub3A_313 : vector<16xi32>
        %gather3A = tpu.vector_load_idx %arg4[%sub3A_314] : memref<3120xf32, #tpu.memory_space<vmem>>[vector<16xi32>], vector<16xf32>,
        %mul3A_315 = arith.constant 16 : i32
        %mul3A_316 = arith.muli %scan3A_287, %mul3A_315 : i32
        %add3A_317 = arith.constant 2080 : i32
        %add3A_318 = arith.addi %add3A_317, %mul3A_316 : i32
        %get3A_319 = arith.index_cast %add3A_318 : i32 to index
        %get3A_320 = tpu.vector_load %arg4[%get3A_319] {strides = array<i32>} : memref<3120xf32, #tpu.memory_space<vmem>>, vector<16xf32>,
        %mul3A_321 = arith.constant 16 : i32
        %mul3A_322 = arith.muli %scan3A_287, %mul3A_321 : i32
        %add3A_323 = arith.constant 1040 : i32
        %add3A_324 = arith.addi %add3A_323, %mul3A_322 : i32
        %get3A_325 = arith.index_cast %add3A_324 : i32 to index
        %get3A_326 = tpu.vector_load %arg4[%get3A_325] {strides = array<i32>} : memref<3120xf32, #tpu.memory_space<vmem>>, vector<16xf32>,
        %sub3A_327 = arith.constant 1 : i32
        %sub3A_328 = vector.broadcast %sub3A_327 : i32 to vector<16xi32>
        %sub3A_329 = arith.subi %max3A, %sub3A_328 : vector<16xi32>
        %sub3A_330 = arith.subi %sub3A_329, %add3A_305 : vector<16xi32>
        %convert_element_type3A = arith.sitofp %sub3A_330 : vector<16xi32> to vector<16xf32>
        %sub3A_331 = arith.subf %get3A_291, %get3A_326 : vector<16xf32>
        %add3A_332 = arith.addf %scan3A_288, %sub3A_331 : vector<16xf32>
        %mul3A_333 = arith.mulf %convert_element_type3A, %get3A_291 : vector<16xf32>
        %sub3A_334 = arith.subf %mul3A_333, %gather3A : vector<16xf32>
        %add3A_335 = arith.addf %sub3A_334, %get3A_320 : vector<16xf32>
        %mul3A_336 = arith.constant 2.000000e+00 : f32
        %mul3A_337 = vector.broadcast %mul3A_336 : f32 to vector<16xf32>
        %mul3A_338 = arith.mulf %mul3A_337, %add3A_335 : vector<16xf32>
        %add3A_339 = arith.addf %add3A_332, %mul3A_338 : vector<16xf32>
        scf.yield %add3A_339 : vector<16xf32>
      }
      %scan3A_177 = arith.constant 65 : i32
      %reduce_sum3A_178 = arith.constant true
      %reduce_sum3A_179 = vector.broadcast %reduce_sum3A_178 : i1 to vector<16xi1>
      %reduce_sum3A_180 = tpu.scan <sum>, %scan3A_176 masked %reduce_sum3A_179 : vector<16xf32>, vector<16xi1> -> vector<16xf32>
      %reduce_sum3A_181 = vector.extract %reduce_sum3A_180[15] : f32 from vector<16xf32>
      %broadcast_in_dim3A_182 = vector.broadcast %mul3A_90 : i32 to vector<16xi32>
      %broadcast_in_dim3A_183 = vector.broadcast %reduce_sum3A_181 : f32 to vector<16xf32>
      %and3A_184 = arith.constant 15 : i32
      %and3A_185 = arith.andi %mul3A_90, %and3A_184 : i32
      %eq3A_186 = vector.broadcast %and3A_185 : i32 to vector<16xi32>
      %eq3A_187 = arith.cmpi eq, %iota3A, %eq3A_186 : vector<16xi32>
      tpu.vector_store_idx %arg6[%broadcast_in_dim3A_182], %broadcast_in_dim3A_183 masked %eq3A_187 : memref<48xf32, #tpu.memory_space<vmem>>[vector<16xi32>], vector<16xf32>, vector<16xi1>
      %min3A_188 = arith.constant 1027 : i32
      %min3A_189 = arith.minsi %mul3A_2, %min3A_188 : i32
      %jit3A_190 = arith.constant 257 : i32
      %div3A_191 = arith.divsi %min3A_189, %jit3A_190 : i32
      %sign3A_192 = arith.constant 0 : i32
      %sign3A_193 = arith.cmpi sgt, %min3A_189, %sign3A_192 : i32
      %sign3A_194 = arith.extui %sign3A_193 : i1 to i32
      %sign3A_195 = arith.constant 0 : i32
      %sign3A_196 = arith.cmpi slt, %min3A_189, %sign3A_195 : i32
      %sign3A_197 = arith.extui %sign3A_196 : i1 to i32
      %sign3A_198 = arith.subi %sign3A_194, %sign3A_197 : i32
      %sign3A_199 = arith.constant 0 : i32
      %sign3A_200 = arith.cmpi sgt, %jit3A_190, %sign3A_199 : i32
      %sign3A_201 = arith.extui %sign3A_200 : i1 to i32
      %sign3A_202 = arith.constant 0 : i32
      %sign3A_203 = arith.cmpi slt, %jit3A_190, %sign3A_202 : i32
      %sign3A_204 = arith.extui %sign3A_203 : i1 to i32
      %sign3A_205 = arith.subi %sign3A_201, %sign3A_204 : i32
      %ne3A_206 = arith.cmpi ne, %sign3A_198, %sign3A_205 : i32
      %rem3A_207 = arith.remsi %min3A_189, %jit3A_190 : i32
      %ne3A_208 = arith.constant 0 : i32
      %ne3A_209 = arith.cmpi ne, %rem3A_207, %ne3A_208 : i32
      %and3A_210 = arith.andi %ne3A_206, %ne3A_209 : i1
      %sub3A_211 = arith.constant 1 : i32
      %sub3A_212 = arith.subi %div3A_191, %sub3A_211 : i32
      %select_n3A_213 = arith.select %and3A_210, %sub3A_212, %div3A_191 : i32
      %mul3A_214 = arith.constant 288 : i32
      %mul3A_215 = arith.muli %select_n3A_213, %mul3A_214 : i32
      %mul3A_216 = arith.constant 257 : i32
      %mul3A_217 = arith.muli %select_n3A_213, %mul3A_216 : i32
      %sub3A_218 = arith.subi %min3A_189, %mul3A_217 : i32
      %add3A_219 = arith.addi %mul3A_215, %sub3A_218 : i32
      %dma_wait3A_220 = arith.constant 0 : i32
      %dma_wait3A_221 = tpu.memref_slice %arg2[%add3A_219, %dma_wait3A_220] : memref<1152x3120xf32, #tpu.memory_space<hbm>> -> memref<1x3120xf32, #tpu.memory_space<hbm>>
      %dma_wait3A_222 = tpu.memref_squeeze %dma_wait3A_221 : memref<1x3120xf32, #tpu.memory_space<hbm>> -> memref<3120xf32, #tpu.memory_space<hbm>>
      %dma_wait3A_223 = arith.constant 0 : i32
      %dma_wait3A_224 = tpu.memref_slice %arg2[%add3A_219, %dma_wait3A_223] : memref<1152x3120xf32, #tpu.memory_space<hbm>> -> memref<1x3120xf32, #tpu.memory_space<hbm>>
      %dma_wait3A_225 = tpu.memref_squeeze %dma_wait3A_224 : memref<1x3120xf32, #tpu.memory_space<hbm>> -> memref<3120xf32, #tpu.memory_space<hbm>>
      tpu.wait_dma2 semaphore(%arg7 : memref<!tpu.dma_semaphore, #tpu.memory_space<semaphore_mem>>) src(%dma_wait3A_225 : memref<3120xf32, #tpu.memory_space<hbm>>) dst(%arg5 : memref<3120xf32, #tpu.memory_space<vmem>>)
      %add3A_226 = arith.addi %mul3A_2, %mul3A_90 : i32
      %add3A_227 = arith.constant 2 : i32
      %add3A_228 = arith.addi %add3A_226, %add3A_227 : i32
      %min3A_229 = arith.constant 1027 : i32
      %min3A_230 = arith.minsi %add3A_228, %min3A_229 : i32
      %jit3A_231 = arith.constant 257 : i32
      %div3A_232 = arith.divsi %min3A_230, %jit3A_231 : i32
      %sign3A_233 = arith.constant 0 : i32
      %sign3A_234 = arith.cmpi sgt, %min3A_230, %sign3A_233 : i32
      %sign3A_235 = arith.extui %sign3A_234 : i1 to i32
      %sign3A_236 = arith.constant 0 : i32
      %sign3A_237 = arith.cmpi slt, %min3A_230, %sign3A_236 : i32
      %sign3A_238 = arith.extui %sign3A_237 : i1 to i32
      %sign3A_239 = arith.subi %sign3A_235, %sign3A_238 : i32
      %sign3A_240 = arith.constant 0 : i32
      %sign3A_241 = arith.cmpi sgt, %jit3A_231, %sign3A_240 : i32
      %sign3A_242 = arith.extui %sign3A_241 : i1 to i32
      %sign3A_243 = arith.constant 0 : i32
      %sign3A_244 = arith.cmpi slt, %jit3A_231, %sign3A_243 : i32
      %sign3A_245 = arith.extui %sign3A_244 : i1 to i32
      %sign3A_246 = arith.subi %sign3A_242, %sign3A_245 : i32
      %ne3A_247 = arith.cmpi ne, %sign3A_239, %sign3A_246 : i32
      %rem3A_248 = arith.remsi %min3A_230, %jit3A_231 : i32
      %ne3A_249 = arith.constant 0 : i32
      %ne3A_250 = arith.cmpi ne, %rem3A_248, %ne3A_249 : i32
      %and3A_251 = arith.andi %ne3A_247, %ne3A_250 : i1
      %sub3A_252 = arith.constant 1 : i32
      %sub3A_253 = arith.subi %div3A_232, %sub3A_252 : i32
      %select_n3A_254 = arith.select %and3A_251, %sub3A_253, %div3A_232 : i32
      %mul3A_255 = arith.constant 288 : i32
      %mul3A_256 = arith.muli %select_n3A_254, %mul3A_255 : i32
      %mul3A_257 = arith.constant 257 : i32
      %mul3A_258 = arith.muli %select_n3A_254, %mul3A_257 : i32
      %sub3A_259 = arith.subi %min3A_230, %mul3A_258 : i32
      %add3A_260 = arith.addi %mul3A_256, %sub3A_259 : i32
      %dma_start3A_261 = arith.constant 0 : i32
      %dma_start3A_262 = tpu.memref_slice %arg2[%add3A_260, %dma_start3A_261] : memref<1152x3120xf32, #tpu.memory_space<hbm>> -> memref<1x3120xf32, #tpu.memory_space<hbm>>
      %dma_start3A_263 = tpu.memref_squeeze %dma_start3A_262 : memref<1x3120xf32, #tpu.memory_space<hbm>> -> memref<3120xf32, #tpu.memory_space<hbm>>
      %dma_start3A_264 = arith.constant 0 : i32
      %dma_start3A_265 = tpu.memref_slice %arg2[%add3A_260, %dma_start3A_264] : memref<1152x3120xf32, #tpu.memory_space<hbm>> -> memref<1x3120xf32, #tpu.memory_space<hbm>>
      %dma_start3A_266 = tpu.memref_squeeze %dma_start3A_265 : memref<1x3120xf32, #tpu.memory_space<hbm>> -> memref<3120xf32, #tpu.memory_space<hbm>>
      tpu.enqueue_dma source(%dma_start3A_266 : memref<3120xf32, #tpu.memory_space<hbm>>) target(%arg4 : memref<3120xf32, #tpu.memory_space<vmem>>) target_semaphore(%arg7 : memref<!tpu.dma_semaphore, #tpu.memory_space<semaphore_mem>>)
      %add3A_267 = arith.constant 1 : i32
      %add3A_268 = arith.addi %mul3A_90, %add3A_267 : i32
      %broadcast_in_dim3A_269 = arith.constant 0.000000e+00 : f32
      %broadcast_in_dim3A_270 = vector.broadcast %broadcast_in_dim3A_269 : f32 to vector<16xf32>
      %scan3A_271 = arith.constant 0 : i32
      %scan3A_272 = arith.constant 65 : i32
      %scan3A_273 = arith.addi %scan3A_271, %scan3A_272 : i32
      %scan3A_274 = arith.constant 1 : i32
      %scan3A_275 = scf.for %scan3A_287 = %scan3A_271 to %scan3A_273 step %scan3A_274 iter_args(%scan3A_288 = %broadcast_in_dim3A_270) -> (vector<16xf32>)  : i32 {
        %mul3A_289 = arith.constant 16 : i32
        %mul3A_290 = arith.muli %scan3A_287, %mul3A_289 : i32
        %get3A = arith.index_cast %mul3A_290 : i32 to index
        %get3A_291 = tpu.vector_load %arg5[%get3A] {strides = array<i32>} : memref<3120xf32, #tpu.memory_space<vmem>>, vector<16xf32>,
        %broadcast_in_dim3A_292 = arith.constant 0 : i32
        %broadcast_in_dim3A_293 = vector.broadcast %broadcast_in_dim3A_292 : i32 to vector<16xi32>
        %broadcast_in_dim3A_294 = arith.constant 1025 : i32
        %broadcast_in_dim3A_295 = vector.broadcast %broadcast_in_dim3A_294 : i32 to vector<16xi32>
        %scan3A_296 = arith.constant 0 : i32
        %scan3A_297 = arith.constant 11 : i32
        %scan3A_298 = arith.addi %scan3A_296, %scan3A_297 : i32
        %scan3A_299 = arith.constant 1 : i32
        %scan3A_300:2 = scf.for %scan3A_340 = %scan3A_296 to %scan3A_298 step %scan3A_299 iter_args(%scan3A_341 = %broadcast_in_dim3A_293, %scan3A_342 = %broadcast_in_dim3A_295) -> (vector<16xi32>, vector<16xi32>)  : i32 {
          %add3A_343 = arith.addi %scan3A_341, %scan3A_342 : vector<16xi32>
          %shift_right_arithmetic3A = arith.constant 1 : i32
          %shift_right_arithmetic3A_344 = vector.broadcast %shift_right_arithmetic3A : i32 to vector<16xi32>
          %shift_right_arithmetic3A_345 = arith.shrsi %add3A_343, %shift_right_arithmetic3A_344 : vector<16xi32>
          %add3A_346 = arith.constant 1040 : i32
          %add3A_347 = vector.broadcast %add3A_346 : i32 to vector<16xi32>
          %add3A_348 = arith.addi %add3A_347, %shift_right_arithmetic3A_345 : vector<16xi32>
          %gather3A_349 = tpu.vector_load_idx %arg5[%add3A_348] : memref<3120xf32, #tpu.memory_space<vmem>>[vector<16xi32>], vector<16xf32>,
          %lt3A = arith.cmpf olt, %gather3A_349, %get3A_291 : vector<16xf32>
          %add3A_350 = arith.constant 1 : i32
          %add3A_351 = vector.broadcast %add3A_350 : i32 to vector<16xi32>
          %add3A_352 = arith.addi %shift_right_arithmetic3A_345, %add3A_351 : vector<16xi32>
          %select_n3A_353 = arith.select %lt3A, %add3A_352, %scan3A_341 : vector<16xi1>, vector<16xi32>
          %select_n3A_354 = arith.select %lt3A, %scan3A_342, %shift_right_arithmetic3A_345 : vector<16xi1>, vector<16xi32>
          scf.yield %select_n3A_353, %select_n3A_354 : vector<16xi32>, vector<16xi32>
        }
        %scan3A_301 = arith.constant 11 : i32
        %mul3A_302 = arith.constant 16 : i32
        %mul3A_303 = arith.muli %scan3A_287, %mul3A_302 : i32
        %add3A_304 = vector.broadcast %mul3A_303 : i32 to vector<16xi32>
        %add3A_305 = arith.addi %add3A_304, %iota3A : vector<16xi32>
        %add3A_306 = arith.constant 1 : i32
        %add3A_307 = vector.broadcast %add3A_306 : i32 to vector<16xi32>
        %add3A_308 = arith.addi %add3A_305, %add3A_307 : vector<16xi32>
        %max3A = arith.maxsi %scan3A_300#0, %add3A_308 : vector<16xi32>
        %add3A_309 = arith.constant 2080 : i32
        %add3A_310 = vector.broadcast %add3A_309 : i32 to vector<16xi32>
        %add3A_311 = arith.addi %add3A_310, %max3A : vector<16xi32>
        %sub3A_312 = arith.constant 1 : i32
        %sub3A_313 = vector.broadcast %sub3A_312 : i32 to vector<16xi32>
        %sub3A_314 = arith.subi %add3A_311, %sub3A_313 : vector<16xi32>
        %gather3A = tpu.vector_load_idx %arg5[%sub3A_314] : memref<3120xf32, #tpu.memory_space<vmem>>[vector<16xi32>], vector<16xf32>,
        %mul3A_315 = arith.constant 16 : i32
        %mul3A_316 = arith.muli %scan3A_287, %mul3A_315 : i32
        %add3A_317 = arith.constant 2080 : i32
        %add3A_318 = arith.addi %add3A_317, %mul3A_316 : i32
        %get3A_319 = arith.index_cast %add3A_318 : i32 to index
        %get3A_320 = tpu.vector_load %arg5[%get3A_319] {strides = array<i32>} : memref<3120xf32, #tpu.memory_space<vmem>>, vector<16xf32>,
        %mul3A_321 = arith.constant 16 : i32
        %mul3A_322 = arith.muli %scan3A_287, %mul3A_321 : i32
        %add3A_323 = arith.constant 1040 : i32
        %add3A_324 = arith.addi %add3A_323, %mul3A_322 : i32
        %get3A_325 = arith.index_cast %add3A_324 : i32 to index
        %get3A_326 = tpu.vector_load %arg5[%get3A_325] {strides = array<i32>} : memref<3120xf32, #tpu.memory_space<vmem>>, vector<16xf32>,
        %sub3A_327 = arith.constant 1 : i32
        %sub3A_328 = vector.broadcast %sub3A_327 : i32 to vector<16xi32>
        %sub3A_329 = arith.subi %max3A, %sub3A_328 : vector<16xi32>
        %sub3A_330 = arith.subi %sub3A_329, %add3A_305 : vector<16xi32>
        %convert_element_type3A = arith.sitofp %sub3A_330 : vector<16xi32> to vector<16xf32>
        %sub3A_331 = arith.subf %get3A_291, %get3A_326 : vector<16xf32>
        %add3A_332 = arith.addf %scan3A_288, %sub3A_331 : vector<16xf32>
        %mul3A_333 = arith.mulf %convert_element_type3A, %get3A_291 : vector<16xf32>
        %sub3A_334 = arith.subf %mul3A_333, %gather3A : vector<16xf32>
        %add3A_335 = arith.addf %sub3A_334, %get3A_320 : vector<16xf32>
        %mul3A_336 = arith.constant 2.000000e+00 : f32
        %mul3A_337 = vector.broadcast %mul3A_336 : f32 to vector<16xf32>
        %mul3A_338 = arith.mulf %mul3A_337, %add3A_335 : vector<16xf32>
        %add3A_339 = arith.addf %add3A_332, %mul3A_338 : vector<16xf32>
        scf.yield %add3A_339 : vector<16xf32>
      }
      %scan3A_276 = arith.constant 65 : i32
      %reduce_sum3A_277 = arith.constant true
      %reduce_sum3A_278 = vector.broadcast %reduce_sum3A_277 : i1 to vector<16xi1>
      %reduce_sum3A_279 = tpu.scan <sum>, %scan3A_275 masked %reduce_sum3A_278 : vector<16xf32>, vector<16xi1> -> vector<16xf32>
      %reduce_sum3A_280 = vector.extract %reduce_sum3A_279[15] : f32 from vector<16xf32>
      %broadcast_in_dim3A_281 = vector.broadcast %add3A_268 : i32 to vector<16xi32>
      %broadcast_in_dim3A_282 = vector.broadcast %reduce_sum3A_280 : f32 to vector<16xf32>
      %and3A_283 = arith.constant 15 : i32
      %and3A_284 = arith.andi %add3A_268, %and3A_283 : i32
      %eq3A_285 = vector.broadcast %and3A_284 : i32 to vector<16xi32>
      %eq3A_286 = arith.cmpi eq, %iota3A, %eq3A_285 : vector<16xi32>
      tpu.vector_store_idx %arg6[%broadcast_in_dim3A_281], %broadcast_in_dim3A_282 masked %eq3A_286 : memref<48xf32, #tpu.memory_space<vmem>>[vector<16xi32>], vector<16xf32>, vector<16xi1>
    }
    %scan3A_35 = arith.constant 16 : i32
    %min3A_36 = arith.constant 1027 : i32
    %min3A_37 = arith.minsi %mul3A_2, %min3A_36 : i32
    %jit3A_38 = arith.constant 257 : i32
    %div3A_39 = arith.divsi %min3A_37, %jit3A_38 : i32
    %sign3A_40 = arith.constant 0 : i32
    %sign3A_41 = arith.cmpi sgt, %min3A_37, %sign3A_40 : i32
    %sign3A_42 = arith.extui %sign3A_41 : i1 to i32
    %sign3A_43 = arith.constant 0 : i32
    %sign3A_44 = arith.cmpi slt, %min3A_37, %sign3A_43 : i32
    %sign3A_45 = arith.extui %sign3A_44 : i1 to i32
    %sign3A_46 = arith.subi %sign3A_42, %sign3A_45 : i32
    %sign3A_47 = arith.constant 0 : i32
    %sign3A_48 = arith.cmpi sgt, %jit3A_38, %sign3A_47 : i32
    %sign3A_49 = arith.extui %sign3A_48 : i1 to i32
    %sign3A_50 = arith.constant 0 : i32
    %sign3A_51 = arith.cmpi slt, %jit3A_38, %sign3A_50 : i32
    %sign3A_52 = arith.extui %sign3A_51 : i1 to i32
    %sign3A_53 = arith.subi %sign3A_49, %sign3A_52 : i32
    %ne3A_54 = arith.cmpi ne, %sign3A_46, %sign3A_53 : i32
    %rem3A_55 = arith.remsi %min3A_37, %jit3A_38 : i32
    %ne3A_56 = arith.constant 0 : i32
    %ne3A_57 = arith.cmpi ne, %rem3A_55, %ne3A_56 : i32
    %and3A_58 = arith.andi %ne3A_54, %ne3A_57 : i1
    %sub3A_59 = arith.constant 1 : i32
    %sub3A_60 = arith.subi %div3A_39, %sub3A_59 : i32
    %select_n3A_61 = arith.select %and3A_58, %sub3A_60, %div3A_39 : i32
    %mul3A_62 = arith.constant 288 : i32
    %mul3A_63 = arith.muli %select_n3A_61, %mul3A_62 : i32
    %mul3A_64 = arith.constant 257 : i32
    %mul3A_65 = arith.muli %select_n3A_61, %mul3A_64 : i32
    %sub3A_66 = arith.subi %min3A_37, %mul3A_65 : i32
    %add3A_67 = arith.addi %mul3A_63, %sub3A_66 : i32
    %dma_wait3A = arith.constant 0 : i32
    %dma_wait3A_68 = tpu.memref_slice %arg2[%add3A_67, %dma_wait3A] : memref<1152x3120xf32, #tpu.memory_space<hbm>> -> memref<1x3120xf32, #tpu.memory_space<hbm>>
    %dma_wait3A_69 = tpu.memref_squeeze %dma_wait3A_68 : memref<1x3120xf32, #tpu.memory_space<hbm>> -> memref<3120xf32, #tpu.memory_space<hbm>>
    %dma_wait3A_70 = arith.constant 0 : i32
    %dma_wait3A_71 = tpu.memref_slice %arg2[%add3A_67, %dma_wait3A_70] : memref<1152x3120xf32, #tpu.memory_space<hbm>> -> memref<1x3120xf32, #tpu.memory_space<hbm>>
    %dma_wait3A_72 = tpu.memref_squeeze %dma_wait3A_71 : memref<1x3120xf32, #tpu.memory_space<hbm>> -> memref<3120xf32, #tpu.memory_space<hbm>>
    tpu.wait_dma2 semaphore(%arg7 : memref<!tpu.dma_semaphore, #tpu.memory_space<semaphore_mem>>) src(%dma_wait3A_72 : memref<3120xf32, #tpu.memory_space<hbm>>) dst(%arg4 : memref<3120xf32, #tpu.memory_space<vmem>>)
    %broadcast_in_dim3A = arith.constant 0.000000e+00 : f32
    %broadcast_in_dim3A_73 = vector.broadcast %broadcast_in_dim3A : f32 to vector<16xf32>
    %scan3A_74 = arith.constant 0 : i32
    %scan3A_75 = arith.constant 65 : i32
    %scan3A_76 = arith.addi %scan3A_74, %scan3A_75 : i32
    %scan3A_77 = arith.constant 1 : i32
    %scan3A_78 = scf.for %scan3A_88 = %scan3A_74 to %scan3A_76 step %scan3A_77 iter_args(%scan3A_89 = %broadcast_in_dim3A_73) -> (vector<16xf32>)  : i32 {
      %mul3A_90 = arith.constant 16 : i32
      %mul3A_91 = arith.muli %scan3A_88, %mul3A_90 : i32
      %get3A = arith.index_cast %mul3A_91 : i32 to index
      %get3A_92 = tpu.vector_load %arg4[%get3A] {strides = array<i32>} : memref<3120xf32, #tpu.memory_space<vmem>>, vector<16xf32>,
      %broadcast_in_dim3A_93 = arith.constant 0 : i32
      %broadcast_in_dim3A_94 = vector.broadcast %broadcast_in_dim3A_93 : i32 to vector<16xi32>
      %broadcast_in_dim3A_95 = arith.constant 1025 : i32
      %broadcast_in_dim3A_96 = vector.broadcast %broadcast_in_dim3A_95 : i32 to vector<16xi32>
      %scan3A_97 = arith.constant 0 : i32
      %scan3A_98 = arith.constant 11 : i32
      %scan3A_99 = arith.addi %scan3A_97, %scan3A_98 : i32
      %scan3A_100 = arith.constant 1 : i32
      %scan3A_101:2 = scf.for %scan3A_141 = %scan3A_97 to %scan3A_99 step %scan3A_100 iter_args(%scan3A_142 = %broadcast_in_dim3A_94, %scan3A_143 = %broadcast_in_dim3A_96) -> (vector<16xi32>, vector<16xi32>)  : i32 {
        %add3A_144 = arith.addi %scan3A_142, %scan3A_143 : vector<16xi32>
        %shift_right_arithmetic3A = arith.constant 1 : i32
        %shift_right_arithmetic3A_145 = vector.broadcast %shift_right_arithmetic3A : i32 to vector<16xi32>
        %shift_right_arithmetic3A_146 = arith.shrsi %add3A_144, %shift_right_arithmetic3A_145 : vector<16xi32>
        %add3A_147 = arith.constant 1040 : i32
        %add3A_148 = vector.broadcast %add3A_147 : i32 to vector<16xi32>
        %add3A_149 = arith.addi %add3A_148, %shift_right_arithmetic3A_146 : vector<16xi32>
        %gather3A_150 = tpu.vector_load_idx %arg4[%add3A_149] : memref<3120xf32, #tpu.memory_space<vmem>>[vector<16xi32>], vector<16xf32>,
        %lt3A = arith.cmpf olt, %gather3A_150, %get3A_92 : vector<16xf32>
        %add3A_151 = arith.constant 1 : i32
        %add3A_152 = vector.broadcast %add3A_151 : i32 to vector<16xi32>
        %add3A_153 = arith.addi %shift_right_arithmetic3A_146, %add3A_152 : vector<16xi32>
        %select_n3A_154 = arith.select %lt3A, %add3A_153, %scan3A_142 : vector<16xi1>, vector<16xi32>
        %select_n3A_155 = arith.select %lt3A, %scan3A_143, %shift_right_arithmetic3A_146 : vector<16xi1>, vector<16xi32>
        scf.yield %select_n3A_154, %select_n3A_155 : vector<16xi32>, vector<16xi32>
      }
      %scan3A_102 = arith.constant 11 : i32
      %mul3A_103 = arith.constant 16 : i32
      %mul3A_104 = arith.muli %scan3A_88, %mul3A_103 : i32
      %add3A_105 = vector.broadcast %mul3A_104 : i32 to vector<16xi32>
      %add3A_106 = arith.addi %add3A_105, %iota3A : vector<16xi32>
      %add3A_107 = arith.constant 1 : i32
      %add3A_108 = vector.broadcast %add3A_107 : i32 to vector<16xi32>
      %add3A_109 = arith.addi %add3A_106, %add3A_108 : vector<16xi32>
      %max3A = arith.maxsi %scan3A_101#0, %add3A_109 : vector<16xi32>
      %add3A_110 = arith.constant 2080 : i32
      %add3A_111 = vector.broadcast %add3A_110 : i32 to vector<16xi32>
      %add3A_112 = arith.addi %add3A_111, %max3A : vector<16xi32>
      %sub3A_113 = arith.constant 1 : i32
      %sub3A_114 = vector.broadcast %sub3A_113 : i32 to vector<16xi32>
      %sub3A_115 = arith.subi %add3A_112, %sub3A_114 : vector<16xi32>
      %gather3A = tpu.vector_load_idx %arg4[%sub3A_115] : memref<3120xf32, #tpu.memory_space<vmem>>[vector<16xi32>], vector<16xf32>,
      %mul3A_116 = arith.constant 16 : i32
      %mul3A_117 = arith.muli %scan3A_88, %mul3A_116 : i32
      %add3A_118 = arith.constant 2080 : i32
      %add3A_119 = arith.addi %add3A_118, %mul3A_117 : i32
      %get3A_120 = arith.index_cast %add3A_119 : i32 to index
      %get3A_121 = tpu.vector_load %arg4[%get3A_120] {strides = array<i32>} : memref<3120xf32, #tpu.memory_space<vmem>>, vector<16xf32>,
      %mul3A_122 = arith.constant 16 : i32
      %mul3A_123 = arith.muli %scan3A_88, %mul3A_122 : i32
      %add3A_124 = arith.constant 1040 : i32
      %add3A_125 = arith.addi %add3A_124, %mul3A_123 : i32
      %get3A_126 = arith.index_cast %add3A_125 : i32 to index
      %get3A_127 = tpu.vector_load %arg4[%get3A_126] {strides = array<i32>} : memref<3120xf32, #tpu.memory_space<vmem>>, vector<16xf32>,
      %sub3A_128 = arith.constant 1 : i32
      %sub3A_129 = vector.broadcast %sub3A_128 : i32 to vector<16xi32>
      %sub3A_130 = arith.subi %max3A, %sub3A_129 : vector<16xi32>
      %sub3A_131 = arith.subi %sub3A_130, %add3A_106 : vector<16xi32>
      %convert_element_type3A = arith.sitofp %sub3A_131 : vector<16xi32> to vector<16xf32>
      %sub3A_132 = arith.subf %get3A_92, %get3A_127 : vector<16xf32>
      %add3A_133 = arith.addf %scan3A_89, %sub3A_132 : vector<16xf32>
      %mul3A_134 = arith.mulf %convert_element_type3A, %get3A_92 : vector<16xf32>
      %sub3A_135 = arith.subf %mul3A_134, %gather3A : vector<16xf32>
      %add3A_136 = arith.addf %sub3A_135, %get3A_121 : vector<16xf32>
      %mul3A_137 = arith.constant 2.000000e+00 : f32
      %mul3A_138 = vector.broadcast %mul3A_137 : f32 to vector<16xf32>
      %mul3A_139 = arith.mulf %mul3A_138, %add3A_136 : vector<16xf32>
      %add3A_140 = arith.addf %add3A_133, %mul3A_139 : vector<16xf32>
      scf.yield %add3A_140 : vector<16xf32>
    }
    %scan3A_79 = arith.constant 65 : i32
    %reduce_sum3A = arith.constant true
    %reduce_sum3A_80 = vector.broadcast %reduce_sum3A : i1 to vector<16xi1>
    %reduce_sum3A_81 = tpu.scan <sum>, %scan3A_78 masked %reduce_sum3A_80 : vector<16xf32>, vector<16xi1> -> vector<16xf32>
    %reduce_sum3A_82 = vector.extract %reduce_sum3A_81[15] : f32 from vector<16xf32>
    %broadcast_in_dim3A_83 = arith.constant 32 : i32
    %broadcast_in_dim3A_84 = vector.broadcast %broadcast_in_dim3A_83 : i32 to vector<16xi32>
    %broadcast_in_dim3A_85 = vector.broadcast %reduce_sum3A_82 : f32 to vector<16xf32>
    %eq3A = arith.constant 0 : i32
    %eq3A_86 = vector.broadcast %eq3A : i32 to vector<16xi32>
    %eq3A_87 = arith.cmpi eq, %iota3A, %eq3A_86 : vector<16xi32>
    tpu.vector_store_idx %arg6[%broadcast_in_dim3A_84], %broadcast_in_dim3A_85 masked %eq3A_87 : memref<48xf32, #tpu.memory_space<vmem>>[vector<16xi32>], vector<16xf32>, vector<16xi1>
    "tpu.region"() ({
      %run_scoped3A = tpu.sem_alloc : memref<!tpu.dma_semaphore, #tpu.memory_space<semaphore_mem>>
      %dma_start3A_88 = arith.constant 0 : i32
      %dma_start3A_89 = tpu.memref_slice %arg3[%add3A, %dma_start3A_88] : memref<32x48xf32, #tpu.memory_space<hbm>> -> memref<1x48xf32, #tpu.memory_space<hbm>>
      %dma_start3A_90 = tpu.memref_squeeze %dma_start3A_89 : memref<1x48xf32, #tpu.memory_space<hbm>> -> memref<48xf32, #tpu.memory_space<hbm>>
      %dma_start3A_91 = arith.constant 0 : i32
      %dma_start3A_92 = tpu.memref_slice %arg3[%add3A, %dma_start3A_91] : memref<32x48xf32, #tpu.memory_space<hbm>> -> memref<1x48xf32, #tpu.memory_space<hbm>>
      %dma_start3A_93 = tpu.memref_squeeze %dma_start3A_92 : memref<1x48xf32, #tpu.memory_space<hbm>> -> memref<48xf32, #tpu.memory_space<hbm>>
      tpu.enqueue_dma source(%arg6 : memref<48xf32, #tpu.memory_space<vmem>>) target(%dma_start3A_93 : memref<48xf32, #tpu.memory_space<hbm>>) target_semaphore(%run_scoped3A : memref<!tpu.dma_semaphore, #tpu.memory_space<semaphore_mem>>)
      %dma_wait3A_94 = arith.constant 0 : i32
      %dma_wait3A_95 = tpu.memref_slice %arg3[%add3A, %dma_wait3A_94] : memref<32x48xf32, #tpu.memory_space<hbm>> -> memref<1x48xf32, #tpu.memory_space<hbm>>
      %dma_wait3A_96 = tpu.memref_squeeze %dma_wait3A_95 : memref<1x48xf32, #tpu.memory_space<hbm>> -> memref<48xf32, #tpu.memory_space<hbm>>
      %dma_wait3A_97 = arith.constant 0 : i32
      %dma_wait3A_98 = tpu.memref_slice %arg3[%add3A, %dma_wait3A_97] : memref<32x48xf32, #tpu.memory_space<hbm>> -> memref<1x48xf32, #tpu.memory_space<hbm>>
      %dma_wait3A_99 = tpu.memref_squeeze %dma_wait3A_98 : memref<1x48xf32, #tpu.memory_space<hbm>> -> memref<48xf32, #tpu.memory_space<hbm>>
      tpu.wait_dma2 semaphore(%run_scoped3A : memref<!tpu.dma_semaphore, #tpu.memory_space<semaphore_mem>>) src(%arg6 : memref<48xf32, #tpu.memory_space<vmem>>) dst(%dma_wait3A_99 : memref<48xf32, #tpu.memory_space<hbm>>)
      tpu.yield
    }) : () -> ()
    return
  }
}

#map = affine_map<(d0, d1) -> (0, 0)>
module attributes {stable_mosaic.version = 14 : i64} {
  func.func @_ot_body(%arg0: i32, %arg1: i32, %arg2: memref<1152x3120xf32, #tpu.memory_space<hbm>>, %arg3: memref<32x48xf32, #tpu.memory_space<hbm>>, %arg4: memref<3120xf32, #tpu.memory_space<vmem>>, %arg5: memref<3120xf32, #tpu.memory_space<vmem>>, %arg6: memref<48xf32, #tpu.memory_space<vmem>>, %arg7: memref<!tpu.dma_semaphore, #tpu.memory_space<semaphore_mem>>) attributes {dimension_semantics = [#tpu.dimension_semantics<core_parallel>, #tpu.dimension_semantics<subcore_parallel>], iteration_bounds = array<i64: 2, 16>, scalar_prefetch = 0 : i64, scratch_operands = 4 : i64, tpu.core_type = #tpu.core_type<sc_vector_subcore>, window_params = [{transform_indices = #map}, {transform_indices = #map}]} {
    %mul3A = arith.constant 2 : i32
    %mul3A_0 = arith.muli %arg1, %mul3A : i32
    %add3A = arith.addi %mul3A_0, %arg0 : i32
    %iota3A = tpu.iota {dimensions = array<i32: 0>} : vector<16xi32>
    %mul3A_1 = arith.constant 33 : i32
    %mul3A_2 = arith.muli %add3A, %mul3A_1 : i32
    %min3A = arith.constant 1027 : i32
    %min3A_3 = arith.minsi %mul3A_2, %min3A : i32
    %jit3A = arith.constant 257 : i32
    %div3A = arith.divsi %min3A_3, %jit3A : i32
    %sign3A = arith.constant 0 : i32
    %sign3A_4 = arith.cmpi sgt, %min3A_3, %sign3A : i32
    %sign3A_5 = arith.extui %sign3A_4 : i1 to i32
    %sign3A_6 = arith.constant 0 : i32
    %sign3A_7 = arith.cmpi slt, %min3A_3, %sign3A_6 : i32
    %sign3A_8 = arith.extui %sign3A_7 : i1 to i32
    %sign3A_9 = arith.subi %sign3A_5, %sign3A_8 : i32
    %sign3A_10 = arith.constant 0 : i32
    %sign3A_11 = arith.cmpi sgt, %jit3A, %sign3A_10 : i32
    %sign3A_12 = arith.extui %sign3A_11 : i1 to i32
    %sign3A_13 = arith.constant 0 : i32
    %sign3A_14 = arith.cmpi slt, %jit3A, %sign3A_13 : i32
    %sign3A_15 = arith.extui %sign3A_14 : i1 to i32
    %sign3A_16 = arith.subi %sign3A_12, %sign3A_15 : i32
    %ne3A = arith.cmpi ne, %sign3A_9, %sign3A_16 : i32
    %rem3A = arith.remsi %min3A_3, %jit3A : i32
    %ne3A_17 = arith.constant 0 : i32
    %ne3A_18 = arith.cmpi ne, %rem3A, %ne3A_17 : i32
    %and3A = arith.andi %ne3A, %ne3A_18 : i1
    %sub3A = arith.constant 1 : i32
    %sub3A_19 = arith.subi %div3A, %sub3A : i32
    %select_n3A = arith.select %and3A, %sub3A_19, %div3A : i32
    %mul3A_20 = arith.constant 288 : i32
    %mul3A_21 = arith.muli %select_n3A, %mul3A_20 : i32
    %mul3A_22 = arith.constant 257 : i32
    %mul3A_23 = arith.muli %select_n3A, %mul3A_22 : i32
    %sub3A_24 = arith.subi %min3A_3, %mul3A_23 : i32
    %add3A_25 = arith.addi %mul3A_21, %sub3A_24 : i32
    %dma_start3A = arith.constant 0 : i32
    %dma_start3A_26 = tpu.memref_slice %arg2[%add3A_25, %dma_start3A] : memref<1152x3120xf32, #tpu.memory_space<hbm>> -> memref<1x3120xf32, #tpu.memory_space<hbm>>
    %dma_start3A_27 = tpu.memref_squeeze %dma_start3A_26 : memref<1x3120xf32, #tpu.memory_space<hbm>> -> memref<3120xf32, #tpu.memory_space<hbm>>
    %dma_start3A_28 = arith.constant 0 : i32
    %dma_start3A_29 = tpu.memref_slice %arg2[%add3A_25, %dma_start3A_28] : memref<1152x3120xf32, #tpu.memory_space<hbm>> -> memref<1x3120xf32, #tpu.memory_space<hbm>>
    %dma_start3A_30 = tpu.memref_squeeze %dma_start3A_29 : memref<1x3120xf32, #tpu.memory_space<hbm>> -> memref<3120xf32, #tpu.memory_space<hbm>>
    tpu.enqueue_dma source(%dma_start3A_30 : memref<3120xf32, #tpu.memory_space<hbm>>) target(%arg4 : memref<3120xf32, #tpu.memory_space<vmem>>) target_semaphore(%arg7 : memref<!tpu.dma_semaphore, #tpu.memory_space<semaphore_mem>>)
    %scan3A = arith.constant 0 : i32
    %scan3A_31 = arith.constant 0 : i32
    %scan3A_32 = arith.constant 16 : i32
    %scan3A_33 = arith.addi %scan3A_31, %scan3A_32 : i32
    %scan3A_34 = arith.constant 1 : i32
    scf.for %scan3A_88 = %scan3A_31 to %scan3A_33 step %scan3A_34  : i32 {
      %mul3A_89 = arith.constant 2 : i32
      %mul3A_90 = arith.muli %scan3A_88, %mul3A_89 : i32
      %min3A_91 = arith.constant 1027 : i32
      %min3A_92 = arith.minsi %mul3A_2, %min3A_91 : i32
      %jit3A_93 = arith.constant 257 : i32
      %div3A_94 = arith.divsi %min3A_92, %jit3A_93 : i32
      %sign3A_95 = arith.constant 0 : i32
      %sign3A_96 = arith.cmpi sgt, %min3A_92, %sign3A_95 : i32
      %sign3A_97 = arith.extui %sign3A_96 : i1 to i32
      %sign3A_98 = arith.constant 0 : i32
      %sign3A_99 = arith.cmpi slt, %min3A_92, %sign3A_98 : i32
      %sign3A_100 = arith.extui %sign3A_99 : i1 to i32
      %sign3A_101 = arith.subi %sign3A_97, %sign3A_100 : i32
      %sign3A_102 = arith.constant 0 : i32
      %sign3A_103 = arith.cmpi sgt, %jit3A_93, %sign3A_102 : i32
      %sign3A_104 = arith.extui %sign3A_103 : i1 to i32
      %sign3A_105 = arith.constant 0 : i32
      %sign3A_106 = arith.cmpi slt, %jit3A_93, %sign3A_105 : i32
      %sign3A_107 = arith.extui %sign3A_106 : i1 to i32
      %sign3A_108 = arith.subi %sign3A_104, %sign3A_107 : i32
      %ne3A_109 = arith.cmpi ne, %sign3A_101, %sign3A_108 : i32
      %rem3A_110 = arith.remsi %min3A_92, %jit3A_93 : i32
      %ne3A_111 = arith.constant 0 : i32
      %ne3A_112 = arith.cmpi ne, %rem3A_110, %ne3A_111 : i32
      %and3A_113 = arith.andi %ne3A_109, %ne3A_112 : i1
      %sub3A_114 = arith.constant 1 : i32
      %sub3A_115 = arith.subi %div3A_94, %sub3A_114 : i32
      %select_n3A_116 = arith.select %and3A_113, %sub3A_115, %div3A_94 : i32
      %mul3A_117 = arith.constant 288 : i32
      %mul3A_118 = arith.muli %select_n3A_116, %mul3A_117 : i32
      %mul3A_119 = arith.constant 257 : i32
      %mul3A_120 = arith.muli %select_n3A_116, %mul3A_119 : i32
      %sub3A_121 = arith.subi %min3A_92, %mul3A_120 : i32
      %add3A_122 = arith.addi %mul3A_118, %sub3A_121 : i32
      %dma_wait3A_123 = arith.constant 0 : i32
      %dma_wait3A_124 = tpu.memref_slice %arg2[%add3A_122, %dma_wait3A_123] : memref<1152x3120xf32, #tpu.memory_space<hbm>> -> memref<1x3120xf32, #tpu.memory_space<hbm>>
      %dma_wait3A_125 = tpu.memref_squeeze %dma_wait3A_124 : memref<1x3120xf32, #tpu.memory_space<hbm>> -> memref<3120xf32, #tpu.memory_space<hbm>>
      %dma_wait3A_126 = arith.constant 0 : i32
      %dma_wait3A_127 = tpu.memref_slice %arg2[%add3A_122, %dma_wait3A_126] : memref<1152x3120xf32, #tpu.memory_space<hbm>> -> memref<1x3120xf32, #tpu.memory_space<hbm>>
      %dma_wait3A_128 = tpu.memref_squeeze %dma_wait3A_127 : memref<1x3120xf32, #tpu.memory_space<hbm>> -> memref<3120xf32, #tpu.memory_space<hbm>>
      tpu.wait_dma2 semaphore(%arg7 : memref<!tpu.dma_semaphore, #tpu.memory_space<semaphore_mem>>) src(%dma_wait3A_128 : memref<3120xf32, #tpu.memory_space<hbm>>) dst(%arg4 : memref<3120xf32, #tpu.memory_space<vmem>>)
      %add3A_129 = arith.addi %mul3A_2, %mul3A_90 : i32
      %add3A_130 = arith.constant 1 : i32
      %add3A_131 = arith.addi %add3A_129, %add3A_130 : i32
      %min3A_132 = arith.constant 1027 : i32
      %min3A_133 = arith.minsi %add3A_131, %min3A_132 : i32
      %jit3A_134 = arith.constant 257 : i32
      %div3A_135 = arith.divsi %min3A_133, %jit3A_134 : i32
      %sign3A_136 = arith.constant 0 : i32
      %sign3A_137 = arith.cmpi sgt, %min3A_133, %sign3A_136 : i32
      %sign3A_138 = arith.extui %sign3A_137 : i1 to i32
      %sign3A_139 = arith.constant 0 : i32
      %sign3A_140 = arith.cmpi slt, %min3A_133, %sign3A_139 : i32
      %sign3A_141 = arith.extui %sign3A_140 : i1 to i32
      %sign3A_142 = arith.subi %sign3A_138, %sign3A_141 : i32
      %sign3A_143 = arith.constant 0 : i32
      %sign3A_144 = arith.cmpi sgt, %jit3A_134, %sign3A_143 : i32
      %sign3A_145 = arith.extui %sign3A_144 : i1 to i32
      %sign3A_146 = arith.constant 0 : i32
      %sign3A_147 = arith.cmpi slt, %jit3A_134, %sign3A_146 : i32
      %sign3A_148 = arith.extui %sign3A_147 : i1 to i32
      %sign3A_149 = arith.subi %sign3A_145, %sign3A_148 : i32
      %ne3A_150 = arith.cmpi ne, %sign3A_142, %sign3A_149 : i32
      %rem3A_151 = arith.remsi %min3A_133, %jit3A_134 : i32
      %ne3A_152 = arith.constant 0 : i32
      %ne3A_153 = arith.cmpi ne, %rem3A_151, %ne3A_152 : i32
      %and3A_154 = arith.andi %ne3A_150, %ne3A_153 : i1
      %sub3A_155 = arith.constant 1 : i32
      %sub3A_156 = arith.subi %div3A_135, %sub3A_155 : i32
      %select_n3A_157 = arith.select %and3A_154, %sub3A_156, %div3A_135 : i32
      %mul3A_158 = arith.constant 288 : i32
      %mul3A_159 = arith.muli %select_n3A_157, %mul3A_158 : i32
      %mul3A_160 = arith.constant 257 : i32
      %mul3A_161 = arith.muli %select_n3A_157, %mul3A_160 : i32
      %sub3A_162 = arith.subi %min3A_133, %mul3A_161 : i32
      %add3A_163 = arith.addi %mul3A_159, %sub3A_162 : i32
      %dma_start3A_164 = arith.constant 0 : i32
      %dma_start3A_165 = tpu.memref_slice %arg2[%add3A_163, %dma_start3A_164] : memref<1152x3120xf32, #tpu.memory_space<hbm>> -> memref<1x3120xf32, #tpu.memory_space<hbm>>
      %dma_start3A_166 = tpu.memref_squeeze %dma_start3A_165 : memref<1x3120xf32, #tpu.memory_space<hbm>> -> memref<3120xf32, #tpu.memory_space<hbm>>
      %dma_start3A_167 = arith.constant 0 : i32
      %dma_start3A_168 = tpu.memref_slice %arg2[%add3A_163, %dma_start3A_167] : memref<1152x3120xf32, #tpu.memory_space<hbm>> -> memref<1x3120xf32, #tpu.memory_space<hbm>>
      %dma_start3A_169 = tpu.memref_squeeze %dma_start3A_168 : memref<1x3120xf32, #tpu.memory_space<hbm>> -> memref<3120xf32, #tpu.memory_space<hbm>>
      tpu.enqueue_dma source(%dma_start3A_169 : memref<3120xf32, #tpu.memory_space<hbm>>) target(%arg5 : memref<3120xf32, #tpu.memory_space<vmem>>) target_semaphore(%arg7 : memref<!tpu.dma_semaphore, #tpu.memory_space<semaphore_mem>>)
      %broadcast_in_dim3A_170 = arith.constant 0.000000e+00 : f32
      %broadcast_in_dim3A_171 = vector.broadcast %broadcast_in_dim3A_170 : f32 to vector<16xf32>
      %scan3A_172 = arith.constant 0 : i32
      %scan3A_173 = arith.constant 65 : i32
      %scan3A_174 = arith.addi %scan3A_172, %scan3A_173 : i32
      %scan3A_175 = arith.constant 1 : i32
      %scan3A_176 = scf.for %scan3A_287 = %scan3A_172 to %scan3A_174 step %scan3A_175 iter_args(%scan3A_288 = %broadcast_in_dim3A_171) -> (vector<16xf32>)  : i32 {
        %mul3A_289 = arith.constant 16 : i32
        %mul3A_290 = arith.muli %scan3A_287, %mul3A_289 : i32
        %get3A = arith.index_cast %mul3A_290 : i32 to index
        %get3A_291 = tpu.vector_load %arg4[%get3A] {strides = array<i32>} : memref<3120xf32, #tpu.memory_space<vmem>>, vector<16xf32>,
        %broadcast_in_dim3A_292 = arith.constant 0 : i32
        %broadcast_in_dim3A_293 = vector.broadcast %broadcast_in_dim3A_292 : i32 to vector<16xi32>
        %broadcast_in_dim3A_294 = arith.constant 1025 : i32
        %broadcast_in_dim3A_295 = vector.broadcast %broadcast_in_dim3A_294 : i32 to vector<16xi32>
        %scan3A_296 = arith.constant 0 : i32
        %scan3A_297 = arith.constant 11 : i32
        %scan3A_298 = arith.addi %scan3A_296, %scan3A_297 : i32
        %scan3A_299 = arith.constant 1 : i32
        %scan3A_300:2 = scf.for %scan3A_340 = %scan3A_296 to %scan3A_298 step %scan3A_299 iter_args(%scan3A_341 = %broadcast_in_dim3A_293, %scan3A_342 = %broadcast_in_dim3A_295) -> (vector<16xi32>, vector<16xi32>)  : i32 {
          %add3A_343 = arith.addi %scan3A_341, %scan3A_342 : vector<16xi32>
          %shift_right_arithmetic3A = arith.constant 1 : i32
          %shift_right_arithmetic3A_344 = vector.broadcast %shift_right_arithmetic3A : i32 to vector<16xi32>
          %shift_right_arithmetic3A_345 = arith.shrsi %add3A_343, %shift_right_arithmetic3A_344 : vector<16xi32>
          %add3A_346 = arith.constant 1040 : i32
          %add3A_347 = vector.broadcast %add3A_346 : i32 to vector<16xi32>
          %add3A_348 = arith.addi %add3A_347, %shift_right_arithmetic3A_345 : vector<16xi32>
          %gather3A_349 = tpu.vector_load_idx %arg4[%add3A_348] : memref<3120xf32, #tpu.memory_space<vmem>>[vector<16xi32>], vector<16xf32>,
          %lt3A = arith.cmpf olt, %gather3A_349, %get3A_291 : vector<16xf32>
          %add3A_350 = arith.constant 1 : i32
          %add3A_351 = vector.broadcast %add3A_350 : i32 to vector<16xi32>
          %add3A_352 = arith.addi %shift_right_arithmetic3A_345, %add3A_351 : vector<16xi32>
          %select_n3A_353 = arith.select %lt3A, %add3A_352, %scan3A_341 : vector<16xi1>, vector<16xi32>
          %select_n3A_354 = arith.select %lt3A, %scan3A_342, %shift_right_arithmetic3A_345 : vector<16xi1>, vector<16xi32>
          scf.yield %select_n3A_353, %select_n3A_354 : vector<16xi32>, vector<16xi32>
        }
        %scan3A_301 = arith.constant 11 : i32
        %mul3A_302 = arith.constant 16 : i32
        %mul3A_303 = arith.muli %scan3A_287, %mul3A_302 : i32
        %add3A_304 = vector.broadcast %mul3A_303 : i32 to vector<16xi32>
        %add3A_305 = arith.addi %add3A_304, %iota3A : vector<16xi32>
        %add3A_306 = arith.constant 1 : i32
        %add3A_307 = vector.broadcast %add3A_306 : i32 to vector<16xi32>
        %add3A_308 = arith.addi %add3A_305, %add3A_307 : vector<16xi32>
        %max3A = arith.maxsi %scan3A_300#0, %add3A_308 : vector<16xi32>
        %add3A_309 = arith.constant 2080 : i32
        %add3A_310 = vector.broadcast %add3A_309 : i32 to vector<16xi32>
        %add3A_311 = arith.addi %add3A_310, %max3A : vector<16xi32>
        %sub3A_312 = arith.constant 1 : i32
        %sub3A_313 = vector.broadcast %sub3A_312 : i32 to vector<16xi32>
        %sub3A_314 = arith.subi %add3A_311, %sub3A_313 : vector<16xi32>
        %gather3A = tpu.vector_load_idx %arg4[%sub3A_314] : memref<3120xf32, #tpu.memory_space<vmem>>[vector<16xi32>], vector<16xf32>,
        %mul3A_315 = arith.constant 16 : i32
        %mul3A_316 = arith.muli %scan3A_287, %mul3A_315 : i32
        %add3A_317 = arith.constant 2080 : i32
        %add3A_318 = arith.addi %add3A_317, %mul3A_316 : i32
        %get3A_319 = arith.index_cast %add3A_318 : i32 to index
        %get3A_320 = tpu.vector_load %arg4[%get3A_319] {strides = array<i32>} : memref<3120xf32, #tpu.memory_space<vmem>>, vector<16xf32>,
        %mul3A_321 = arith.constant 16 : i32
        %mul3A_322 = arith.muli %scan3A_287, %mul3A_321 : i32
        %add3A_323 = arith.constant 1040 : i32
        %add3A_324 = arith.addi %add3A_323, %mul3A_322 : i32
        %get3A_325 = arith.index_cast %add3A_324 : i32 to index
        %get3A_326 = tpu.vector_load %arg4[%get3A_325] {strides = array<i32>} : memref<3120xf32, #tpu.memory_space<vmem>>, vector<16xf32>,
        %sub3A_327 = arith.constant 1 : i32
        %sub3A_328 = vector.broadcast %sub3A_327 : i32 to vector<16xi32>
        %sub3A_329 = arith.subi %max3A, %sub3A_328 : vector<16xi32>
        %sub3A_330 = arith.subi %sub3A_329, %add3A_305 : vector<16xi32>
        %convert_element_type3A = arith.sitofp %sub3A_330 : vector<16xi32> to vector<16xf32>
        %sub3A_331 = arith.subf %get3A_291, %get3A_326 : vector<16xf32>
        %add3A_332 = arith.addf %scan3A_288, %sub3A_331 : vector<16xf32>
        %mul3A_333 = arith.mulf %convert_element_type3A, %get3A_291 : vector<16xf32>
        %sub3A_334 = arith.subf %mul3A_333, %gather3A : vector<16xf32>
        %add3A_335 = arith.addf %sub3A_334, %get3A_320 : vector<16xf32>
        %mul3A_336 = arith.constant 2.000000e+00 : f32
        %mul3A_337 = vector.broadcast %mul3A_336 : f32 to vector<16xf32>
        %mul3A_338 = arith.mulf %mul3A_337, %add3A_335 : vector<16xf32>
        %add3A_339 = arith.addf %add3A_332, %mul3A_338 : vector<16xf32>
        scf.yield %add3A_339 : vector<16xf32>
      }
      %scan3A_177 = arith.constant 65 : i32
      %reduce_sum3A_178 = arith.constant true
      %reduce_sum3A_179 = vector.broadcast %reduce_sum3A_178 : i1 to vector<16xi1>
      %reduce_sum3A_180 = tpu.scan <sum>, %scan3A_176 masked %reduce_sum3A_179 : vector<16xf32>, vector<16xi1> -> vector<16xf32>
      %reduce_sum3A_181 = vector.extract %reduce_sum3A_180[15] : f32 from vector<16xf32>
      %broadcast_in_dim3A_182 = vector.broadcast %mul3A_90 : i32 to vector<16xi32>
      %broadcast_in_dim3A_183 = vector.broadcast %reduce_sum3A_181 : f32 to vector<16xf32>
      %and3A_184 = arith.constant 15 : i32
      %and3A_185 = arith.andi %mul3A_90, %and3A_184 : i32
      %eq3A_186 = vector.broadcast %and3A_185 : i32 to vector<16xi32>
      %eq3A_187 = arith.cmpi eq, %iota3A, %eq3A_186 : vector<16xi32>
      tpu.vector_store_idx %arg6[%broadcast_in_dim3A_182], %broadcast_in_dim3A_183 masked %eq3A_187 : memref<48xf32, #tpu.memory_space<vmem>>[vector<16xi32>], vector<16xf32>, vector<16xi1>
      %min3A_188 = arith.constant 1027 : i32
      %min3A_189 = arith.minsi %mul3A_2, %min3A_188 : i32
      %jit3A_190 = arith.constant 257 : i32
      %div3A_191 = arith.divsi %min3A_189, %jit3A_190 : i32
      %sign3A_192 = arith.constant 0 : i32
      %sign3A_193 = arith.cmpi sgt, %min3A_189, %sign3A_192 : i32
      %sign3A_194 = arith.extui %sign3A_193 : i1 to i32
      %sign3A_195 = arith.constant 0 : i32
      %sign3A_196 = arith.cmpi slt, %min3A_189, %sign3A_195 : i32
      %sign3A_197 = arith.extui %sign3A_196 : i1 to i32
      %sign3A_198 = arith.subi %sign3A_194, %sign3A_197 : i32
      %sign3A_199 = arith.constant 0 : i32
      %sign3A_200 = arith.cmpi sgt, %jit3A_190, %sign3A_199 : i32
      %sign3A_201 = arith.extui %sign3A_200 : i1 to i32
      %sign3A_202 = arith.constant 0 : i32
      %sign3A_203 = arith.cmpi slt, %jit3A_190, %sign3A_202 : i32
      %sign3A_204 = arith.extui %sign3A_203 : i1 to i32
      %sign3A_205 = arith.subi %sign3A_201, %sign3A_204 : i32
      %ne3A_206 = arith.cmpi ne, %sign3A_198, %sign3A_205 : i32
      %rem3A_207 = arith.remsi %min3A_189, %jit3A_190 : i32
      %ne3A_208 = arith.constant 0 : i32
      %ne3A_209 = arith.cmpi ne, %rem3A_207, %ne3A_208 : i32
      %and3A_210 = arith.andi %ne3A_206, %ne3A_209 : i1
      %sub3A_211 = arith.constant 1 : i32
      %sub3A_212 = arith.subi %div3A_191, %sub3A_211 : i32
      %select_n3A_213 = arith.select %and3A_210, %sub3A_212, %div3A_191 : i32
      %mul3A_214 = arith.constant 288 : i32
      %mul3A_215 = arith.muli %select_n3A_213, %mul3A_214 : i32
      %mul3A_216 = arith.constant 257 : i32
      %mul3A_217 = arith.muli %select_n3A_213, %mul3A_216 : i32
      %sub3A_218 = arith.subi %min3A_189, %mul3A_217 : i32
      %add3A_219 = arith.addi %mul3A_215, %sub3A_218 : i32
      %dma_wait3A_220 = arith.constant 0 : i32
      %dma_wait3A_221 = tpu.memref_slice %arg2[%add3A_219, %dma_wait3A_220] : memref<1152x3120xf32, #tpu.memory_space<hbm>> -> memref<1x3120xf32, #tpu.memory_space<hbm>>
      %dma_wait3A_222 = tpu.memref_squeeze %dma_wait3A_221 : memref<1x3120xf32, #tpu.memory_space<hbm>> -> memref<3120xf32, #tpu.memory_space<hbm>>
      %dma_wait3A_223 = arith.constant 0 : i32
      %dma_wait3A_224 = tpu.memref_slice %arg2[%add3A_219, %dma_wait3A_223] : memref<1152x3120xf32, #tpu.memory_space<hbm>> -> memref<1x3120xf32, #tpu.memory_space<hbm>>
      %dma_wait3A_225 = tpu.memref_squeeze %dma_wait3A_224 : memref<1x3120xf32, #tpu.memory_space<hbm>> -> memref<3120xf32, #tpu.memory_space<hbm>>
      tpu.wait_dma2 semaphore(%arg7 : memref<!tpu.dma_semaphore, #tpu.memory_space<semaphore_mem>>) src(%dma_wait3A_225 : memref<3120xf32, #tpu.memory_space<hbm>>) dst(%arg5 : memref<3120xf32, #tpu.memory_space<vmem>>)
      %add3A_226 = arith.addi %mul3A_2, %mul3A_90 : i32
      %add3A_227 = arith.constant 2 : i32
      %add3A_228 = arith.addi %add3A_226, %add3A_227 : i32
      %min3A_229 = arith.constant 1027 : i32
      %min3A_230 = arith.minsi %add3A_228, %min3A_229 : i32
      %jit3A_231 = arith.constant 257 : i32
      %div3A_232 = arith.divsi %min3A_230, %jit3A_231 : i32
      %sign3A_233 = arith.constant 0 : i32
      %sign3A_234 = arith.cmpi sgt, %min3A_230, %sign3A_233 : i32
      %sign3A_235 = arith.extui %sign3A_234 : i1 to i32
      %sign3A_236 = arith.constant 0 : i32
      %sign3A_237 = arith.cmpi slt, %min3A_230, %sign3A_236 : i32
      %sign3A_238 = arith.extui %sign3A_237 : i1 to i32
      %sign3A_239 = arith.subi %sign3A_235, %sign3A_238 : i32
      %sign3A_240 = arith.constant 0 : i32
      %sign3A_241 = arith.cmpi sgt, %jit3A_231, %sign3A_240 : i32
      %sign3A_242 = arith.extui %sign3A_241 : i1 to i32
      %sign3A_243 = arith.constant 0 : i32
      %sign3A_244 = arith.cmpi slt, %jit3A_231, %sign3A_243 : i32
      %sign3A_245 = arith.extui %sign3A_244 : i1 to i32
      %sign3A_246 = arith.subi %sign3A_242, %sign3A_245 : i32
      %ne3A_247 = arith.cmpi ne, %sign3A_239, %sign3A_246 : i32
      %rem3A_248 = arith.remsi %min3A_230, %jit3A_231 : i32
      %ne3A_249 = arith.constant 0 : i32
      %ne3A_250 = arith.cmpi ne, %rem3A_248, %ne3A_249 : i32
      %and3A_251 = arith.andi %ne3A_247, %ne3A_250 : i1
      %sub3A_252 = arith.constant 1 : i32
      %sub3A_253 = arith.subi %div3A_232, %sub3A_252 : i32
      %select_n3A_254 = arith.select %and3A_251, %sub3A_253, %div3A_232 : i32
      %mul3A_255 = arith.constant 288 : i32
      %mul3A_256 = arith.muli %select_n3A_254, %mul3A_255 : i32
      %mul3A_257 = arith.constant 257 : i32
      %mul3A_258 = arith.muli %select_n3A_254, %mul3A_257 : i32
      %sub3A_259 = arith.subi %min3A_230, %mul3A_258 : i32
      %add3A_260 = arith.addi %mul3A_256, %sub3A_259 : i32
      %dma_start3A_261 = arith.constant 0 : i32
      %dma_start3A_262 = tpu.memref_slice %arg2[%add3A_260, %dma_start3A_261] : memref<1152x3120xf32, #tpu.memory_space<hbm>> -> memref<1x3120xf32, #tpu.memory_space<hbm>>
      %dma_start3A_263 = tpu.memref_squeeze %dma_start3A_262 : memref<1x3120xf32, #tpu.memory_space<hbm>> -> memref<3120xf32, #tpu.memory_space<hbm>>
      %dma_start3A_264 = arith.constant 0 : i32
      %dma_start3A_265 = tpu.memref_slice %arg2[%add3A_260, %dma_start3A_264] : memref<1152x3120xf32, #tpu.memory_space<hbm>> -> memref<1x3120xf32, #tpu.memory_space<hbm>>
      %dma_start3A_266 = tpu.memref_squeeze %dma_start3A_265 : memref<1x3120xf32, #tpu.memory_space<hbm>> -> memref<3120xf32, #tpu.memory_space<hbm>>
      tpu.enqueue_dma source(%dma_start3A_266 : memref<3120xf32, #tpu.memory_space<hbm>>) target(%arg4 : memref<3120xf32, #tpu.memory_space<vmem>>) target_semaphore(%arg7 : memref<!tpu.dma_semaphore, #tpu.memory_space<semaphore_mem>>)
      %add3A_267 = arith.constant 1 : i32
      %add3A_268 = arith.addi %mul3A_90, %add3A_267 : i32
      %broadcast_in_dim3A_269 = arith.constant 0.000000e+00 : f32
      %broadcast_in_dim3A_270 = vector.broadcast %broadcast_in_dim3A_269 : f32 to vector<16xf32>
      %scan3A_271 = arith.constant 0 : i32
      %scan3A_272 = arith.constant 65 : i32
      %scan3A_273 = arith.addi %scan3A_271, %scan3A_272 : i32
      %scan3A_274 = arith.constant 1 : i32
      %scan3A_275 = scf.for %scan3A_287 = %scan3A_271 to %scan3A_273 step %scan3A_274 iter_args(%scan3A_288 = %broadcast_in_dim3A_270) -> (vector<16xf32>)  : i32 {
        %mul3A_289 = arith.constant 16 : i32
        %mul3A_290 = arith.muli %scan3A_287, %mul3A_289 : i32
        %get3A = arith.index_cast %mul3A_290 : i32 to index
        %get3A_291 = tpu.vector_load %arg5[%get3A] {strides = array<i32>} : memref<3120xf32, #tpu.memory_space<vmem>>, vector<16xf32>,
        %broadcast_in_dim3A_292 = arith.constant 0 : i32
        %broadcast_in_dim3A_293 = vector.broadcast %broadcast_in_dim3A_292 : i32 to vector<16xi32>
        %broadcast_in_dim3A_294 = arith.constant 1025 : i32
        %broadcast_in_dim3A_295 = vector.broadcast %broadcast_in_dim3A_294 : i32 to vector<16xi32>
        %scan3A_296 = arith.constant 0 : i32
        %scan3A_297 = arith.constant 11 : i32
        %scan3A_298 = arith.addi %scan3A_296, %scan3A_297 : i32
        %scan3A_299 = arith.constant 1 : i32
        %scan3A_300:2 = scf.for %scan3A_340 = %scan3A_296 to %scan3A_298 step %scan3A_299 iter_args(%scan3A_341 = %broadcast_in_dim3A_293, %scan3A_342 = %broadcast_in_dim3A_295) -> (vector<16xi32>, vector<16xi32>)  : i32 {
          %add3A_343 = arith.addi %scan3A_341, %scan3A_342 : vector<16xi32>
          %shift_right_arithmetic3A = arith.constant 1 : i32
          %shift_right_arithmetic3A_344 = vector.broadcast %shift_right_arithmetic3A : i32 to vector<16xi32>
          %shift_right_arithmetic3A_345 = arith.shrsi %add3A_343, %shift_right_arithmetic3A_344 : vector<16xi32>
          %add3A_346 = arith.constant 1040 : i32
          %add3A_347 = vector.broadcast %add3A_346 : i32 to vector<16xi32>
          %add3A_348 = arith.addi %add3A_347, %shift_right_arithmetic3A_345 : vector<16xi32>
          %gather3A_349 = tpu.vector_load_idx %arg5[%add3A_348] : memref<3120xf32, #tpu.memory_space<vmem>>[vector<16xi32>], vector<16xf32>,
          %lt3A = arith.cmpf olt, %gather3A_349, %get3A_291 : vector<16xf32>
          %add3A_350 = arith.constant 1 : i32
          %add3A_351 = vector.broadcast %add3A_350 : i32 to vector<16xi32>
          %add3A_352 = arith.addi %shift_right_arithmetic3A_345, %add3A_351 : vector<16xi32>
          %select_n3A_353 = arith.select %lt3A, %add3A_352, %scan3A_341 : vector<16xi1>, vector<16xi32>
          %select_n3A_354 = arith.select %lt3A, %scan3A_342, %shift_right_arithmetic3A_345 : vector<16xi1>, vector<16xi32>
          scf.yield %select_n3A_353, %select_n3A_354 : vector<16xi32>, vector<16xi32>
        }
        %scan3A_301 = arith.constant 11 : i32
        %mul3A_302 = arith.constant 16 : i32
        %mul3A_303 = arith.muli %scan3A_287, %mul3A_302 : i32
        %add3A_304 = vector.broadcast %mul3A_303 : i32 to vector<16xi32>
        %add3A_305 = arith.addi %add3A_304, %iota3A : vector<16xi32>
        %add3A_306 = arith.constant 1 : i32
        %add3A_307 = vector.broadcast %add3A_306 : i32 to vector<16xi32>
        %add3A_308 = arith.addi %add3A_305, %add3A_307 : vector<16xi32>
        %max3A = arith.maxsi %scan3A_300#0, %add3A_308 : vector<16xi32>
        %add3A_309 = arith.constant 2080 : i32
        %add3A_310 = vector.broadcast %add3A_309 : i32 to vector<16xi32>
        %add3A_311 = arith.addi %add3A_310, %max3A : vector<16xi32>
        %sub3A_312 = arith.constant 1 : i32
        %sub3A_313 = vector.broadcast %sub3A_312 : i32 to vector<16xi32>
        %sub3A_314 = arith.subi %add3A_311, %sub3A_313 : vector<16xi32>
        %gather3A = tpu.vector_load_idx %arg5[%sub3A_314] : memref<3120xf32, #tpu.memory_space<vmem>>[vector<16xi32>], vector<16xf32>,
        %mul3A_315 = arith.constant 16 : i32
        %mul3A_316 = arith.muli %scan3A_287, %mul3A_315 : i32
        %add3A_317 = arith.constant 2080 : i32
        %add3A_318 = arith.addi %add3A_317, %mul3A_316 : i32
        %get3A_319 = arith.index_cast %add3A_318 : i32 to index
        %get3A_320 = tpu.vector_load %arg5[%get3A_319] {strides = array<i32>} : memref<3120xf32, #tpu.memory_space<vmem>>, vector<16xf32>,
        %mul3A_321 = arith.constant 16 : i32
        %mul3A_322 = arith.muli %scan3A_287, %mul3A_321 : i32
        %add3A_323 = arith.constant 1040 : i32
        %add3A_324 = arith.addi %add3A_323, %mul3A_322 : i32
        %get3A_325 = arith.index_cast %add3A_324 : i32 to index
        %get3A_326 = tpu.vector_load %arg5[%get3A_325] {strides = array<i32>} : memref<3120xf32, #tpu.memory_space<vmem>>, vector<16xf32>,
        %sub3A_327 = arith.constant 1 : i32
        %sub3A_328 = vector.broadcast %sub3A_327 : i32 to vector<16xi32>
        %sub3A_329 = arith.subi %max3A, %sub3A_328 : vector<16xi32>
        %sub3A_330 = arith.subi %sub3A_329, %add3A_305 : vector<16xi32>
        %convert_element_type3A = arith.sitofp %sub3A_330 : vector<16xi32> to vector<16xf32>
        %sub3A_331 = arith.subf %get3A_291, %get3A_326 : vector<16xf32>
        %add3A_332 = arith.addf %scan3A_288, %sub3A_331 : vector<16xf32>
        %mul3A_333 = arith.mulf %convert_element_type3A, %get3A_291 : vector<16xf32>
        %sub3A_334 = arith.subf %mul3A_333, %gather3A : vector<16xf32>
        %add3A_335 = arith.addf %sub3A_334, %get3A_320 : vector<16xf32>
        %mul3A_336 = arith.constant 2.000000e+00 : f32
        %mul3A_337 = vector.broadcast %mul3A_336 : f32 to vector<16xf32>
        %mul3A_338 = arith.mulf %mul3A_337, %add3A_335 : vector<16xf32>
        %add3A_339 = arith.addf %add3A_332, %mul3A_338 : vector<16xf32>
        scf.yield %add3A_339 : vector<16xf32>
      }
      %scan3A_276 = arith.constant 65 : i32
      %reduce_sum3A_277 = arith.constant true
      %reduce_sum3A_278 = vector.broadcast %reduce_sum3A_277 : i1 to vector<16xi1>
      %reduce_sum3A_279 = tpu.scan <sum>, %scan3A_275 masked %reduce_sum3A_278 : vector<16xf32>, vector<16xi1> -> vector<16xf32>
      %reduce_sum3A_280 = vector.extract %reduce_sum3A_279[15] : f32 from vector<16xf32>
      %broadcast_in_dim3A_281 = vector.broadcast %add3A_268 : i32 to vector<16xi32>
      %broadcast_in_dim3A_282 = vector.broadcast %reduce_sum3A_280 : f32 to vector<16xf32>
      %and3A_283 = arith.constant 15 : i32
      %and3A_284 = arith.andi %add3A_268, %and3A_283 : i32
      %eq3A_285 = vector.broadcast %and3A_284 : i32 to vector<16xi32>
      %eq3A_286 = arith.cmpi eq, %iota3A, %eq3A_285 : vector<16xi32>
      tpu.vector_store_idx %arg6[%broadcast_in_dim3A_281], %broadcast_in_dim3A_282 masked %eq3A_286 : memref<48xf32, #tpu.memory_space<vmem>>[vector<16xi32>], vector<16xf32>, vector<16xi1>
    }
    %scan3A_35 = arith.constant 16 : i32
    %min3A_36 = arith.constant 1027 : i32
    %min3A_37 = arith.minsi %mul3A_2, %min3A_36 : i32
    %jit3A_38 = arith.constant 257 : i32
    %div3A_39 = arith.divsi %min3A_37, %jit3A_38 : i32
    %sign3A_40 = arith.constant 0 : i32
    %sign3A_41 = arith.cmpi sgt, %min3A_37, %sign3A_40 : i32
    %sign3A_42 = arith.extui %sign3A_41 : i1 to i32
    %sign3A_43 = arith.constant 0 : i32
    %sign3A_44 = arith.cmpi slt, %min3A_37, %sign3A_43 : i32
    %sign3A_45 = arith.extui %sign3A_44 : i1 to i32
    %sign3A_46 = arith.subi %sign3A_42, %sign3A_45 : i32
    %sign3A_47 = arith.constant 0 : i32
    %sign3A_48 = arith.cmpi sgt, %jit3A_38, %sign3A_47 : i32
    %sign3A_49 = arith.extui %sign3A_48 : i1 to i32
    %sign3A_50 = arith.constant 0 : i32
    %sign3A_51 = arith.cmpi slt, %jit3A_38, %sign3A_50 : i32
    %sign3A_52 = arith.extui %sign3A_51 : i1 to i32
    %sign3A_53 = arith.subi %sign3A_49, %sign3A_52 : i32
    %ne3A_54 = arith.cmpi ne, %sign3A_46, %sign3A_53 : i32
    %rem3A_55 = arith.remsi %min3A_37, %jit3A_38 : i32
    %ne3A_56 = arith.constant 0 : i32
    %ne3A_57 = arith.cmpi ne, %rem3A_55, %ne3A_56 : i32
    %and3A_58 = arith.andi %ne3A_54, %ne3A_57 : i1
    %sub3A_59 = arith.constant 1 : i32
    %sub3A_60 = arith.subi %div3A_39, %sub3A_59 : i32
    %select_n3A_61 = arith.select %and3A_58, %sub3A_60, %div3A_39 : i32
    %mul3A_62 = arith.constant 288 : i32
    %mul3A_63 = arith.muli %select_n3A_61, %mul3A_62 : i32
    %mul3A_64 = arith.constant 257 : i32
    %mul3A_65 = arith.muli %select_n3A_61, %mul3A_64 : i32
    %sub3A_66 = arith.subi %min3A_37, %mul3A_65 : i32
    %add3A_67 = arith.addi %mul3A_63, %sub3A_66 : i32
    %dma_wait3A = arith.constant 0 : i32
    %dma_wait3A_68 = tpu.memref_slice %arg2[%add3A_67, %dma_wait3A] : memref<1152x3120xf32, #tpu.memory_space<hbm>> -> memref<1x3120xf32, #tpu.memory_space<hbm>>
    %dma_wait3A_69 = tpu.memref_squeeze %dma_wait3A_68 : memref<1x3120xf32, #tpu.memory_space<hbm>> -> memref<3120xf32, #tpu.memory_space<hbm>>
    %dma_wait3A_70 = arith.constant 0 : i32
    %dma_wait3A_71 = tpu.memref_slice %arg2[%add3A_67, %dma_wait3A_70] : memref<1152x3120xf32, #tpu.memory_space<hbm>> -> memref<1x3120xf32, #tpu.memory_space<hbm>>
    %dma_wait3A_72 = tpu.memref_squeeze %dma_wait3A_71 : memref<1x3120xf32, #tpu.memory_space<hbm>> -> memref<3120xf32, #tpu.memory_space<hbm>>
    tpu.wait_dma2 semaphore(%arg7 : memref<!tpu.dma_semaphore, #tpu.memory_space<semaphore_mem>>) src(%dma_wait3A_72 : memref<3120xf32, #tpu.memory_space<hbm>>) dst(%arg4 : memref<3120xf32, #tpu.memory_space<vmem>>)
    %broadcast_in_dim3A = arith.constant 0.000000e+00 : f32
    %broadcast_in_dim3A_73 = vector.broadcast %broadcast_in_dim3A : f32 to vector<16xf32>
    %scan3A_74 = arith.constant 0 : i32
    %scan3A_75 = arith.constant 65 : i32
    %scan3A_76 = arith.addi %scan3A_74, %scan3A_75 : i32
    %scan3A_77 = arith.constant 1 : i32
    %scan3A_78 = scf.for %scan3A_88 = %scan3A_74 to %scan3A_76 step %scan3A_77 iter_args(%scan3A_89 = %broadcast_in_dim3A_73) -> (vector<16xf32>)  : i32 {
      %mul3A_90 = arith.constant 16 : i32
      %mul3A_91 = arith.muli %scan3A_88, %mul3A_90 : i32
      %get3A = arith.index_cast %mul3A_91 : i32 to index
      %get3A_92 = tpu.vector_load %arg4[%get3A] {strides = array<i32>} : memref<3120xf32, #tpu.memory_space<vmem>>, vector<16xf32>,
      %broadcast_in_dim3A_93 = arith.constant 0 : i32
      %broadcast_in_dim3A_94 = vector.broadcast %broadcast_in_dim3A_93 : i32 to vector<16xi32>
      %broadcast_in_dim3A_95 = arith.constant 1025 : i32
      %broadcast_in_dim3A_96 = vector.broadcast %broadcast_in_dim3A_95 : i32 to vector<16xi32>
      %scan3A_97 = arith.constant 0 : i32
      %scan3A_98 = arith.constant 11 : i32
      %scan3A_99 = arith.addi %scan3A_97, %scan3A_98 : i32
      %scan3A_100 = arith.constant 1 : i32
      %scan3A_101:2 = scf.for %scan3A_141 = %scan3A_97 to %scan3A_99 step %scan3A_100 iter_args(%scan3A_142 = %broadcast_in_dim3A_94, %scan3A_143 = %broadcast_in_dim3A_96) -> (vector<16xi32>, vector<16xi32>)  : i32 {
        %add3A_144 = arith.addi %scan3A_142, %scan3A_143 : vector<16xi32>
        %shift_right_arithmetic3A = arith.constant 1 : i32
        %shift_right_arithmetic3A_145 = vector.broadcast %shift_right_arithmetic3A : i32 to vector<16xi32>
        %shift_right_arithmetic3A_146 = arith.shrsi %add3A_144, %shift_right_arithmetic3A_145 : vector<16xi32>
        %add3A_147 = arith.constant 1040 : i32
        %add3A_148 = vector.broadcast %add3A_147 : i32 to vector<16xi32>
        %add3A_149 = arith.addi %add3A_148, %shift_right_arithmetic3A_146 : vector<16xi32>
        %gather3A_150 = tpu.vector_load_idx %arg4[%add3A_149] : memref<3120xf32, #tpu.memory_space<vmem>>[vector<16xi32>], vector<16xf32>,
        %lt3A = arith.cmpf olt, %gather3A_150, %get3A_92 : vector<16xf32>
        %add3A_151 = arith.constant 1 : i32
        %add3A_152 = vector.broadcast %add3A_151 : i32 to vector<16xi32>
        %add3A_153 = arith.addi %shift_right_arithmetic3A_146, %add3A_152 : vector<16xi32>
        %select_n3A_154 = arith.select %lt3A, %add3A_153, %scan3A_142 : vector<16xi1>, vector<16xi32>
        %select_n3A_155 = arith.select %lt3A, %scan3A_143, %shift_right_arithmetic3A_146 : vector<16xi1>, vector<16xi32>
        scf.yield %select_n3A_154, %select_n3A_155 : vector<16xi32>, vector<16xi32>
      }
      %scan3A_102 = arith.constant 11 : i32
      %mul3A_103 = arith.constant 16 : i32
      %mul3A_104 = arith.muli %scan3A_88, %mul3A_103 : i32
      %add3A_105 = vector.broadcast %mul3A_104 : i32 to vector<16xi32>
      %add3A_106 = arith.addi %add3A_105, %iota3A : vector<16xi32>
      %add3A_107 = arith.constant 1 : i32
      %add3A_108 = vector.broadcast %add3A_107 : i32 to vector<16xi32>
      %add3A_109 = arith.addi %add3A_106, %add3A_108 : vector<16xi32>
      %max3A = arith.maxsi %scan3A_101#0, %add3A_109 : vector<16xi32>
      %add3A_110 = arith.constant 2080 : i32
      %add3A_111 = vector.broadcast %add3A_110 : i32 to vector<16xi32>
      %add3A_112 = arith.addi %add3A_111, %max3A : vector<16xi32>
      %sub3A_113 = arith.constant 1 : i32
      %sub3A_114 = vector.broadcast %sub3A_113 : i32 to vector<16xi32>
      %sub3A_115 = arith.subi %add3A_112, %sub3A_114 : vector<16xi32>
      %gather3A = tpu.vector_load_idx %arg4[%sub3A_115] : memref<3120xf32, #tpu.memory_space<vmem>>[vector<16xi32>], vector<16xf32>,
      %mul3A_116 = arith.constant 16 : i32
      %mul3A_117 = arith.muli %scan3A_88, %mul3A_116 : i32
      %add3A_118 = arith.constant 2080 : i32
      %add3A_119 = arith.addi %add3A_118, %mul3A_117 : i32
      %get3A_120 = arith.index_cast %add3A_119 : i32 to index
      %get3A_121 = tpu.vector_load %arg4[%get3A_120] {strides = array<i32>} : memref<3120xf32, #tpu.memory_space<vmem>>, vector<16xf32>,
      %mul3A_122 = arith.constant 16 : i32
      %mul3A_123 = arith.muli %scan3A_88, %mul3A_122 : i32
      %add3A_124 = arith.constant 1040 : i32
      %add3A_125 = arith.addi %add3A_124, %mul3A_123 : i32
      %get3A_126 = arith.index_cast %add3A_125 : i32 to index
      %get3A_127 = tpu.vector_load %arg4[%get3A_126] {strides = array<i32>} : memref<3120xf32, #tpu.memory_space<vmem>>, vector<16xf32>,
      %sub3A_128 = arith.constant 1 : i32
      %sub3A_129 = vector.broadcast %sub3A_128 : i32 to vector<16xi32>
      %sub3A_130 = arith.subi %max3A, %sub3A_129 : vector<16xi32>
      %sub3A_131 = arith.subi %sub3A_130, %add3A_106 : vector<16xi32>
      %convert_element_type3A = arith.sitofp %sub3A_131 : vector<16xi32> to vector<16xf32>
      %sub3A_132 = arith.subf %get3A_92, %get3A_127 : vector<16xf32>
      %add3A_133 = arith.addf %scan3A_89, %sub3A_132 : vector<16xf32>
      %mul3A_134 = arith.mulf %convert_element_type3A, %get3A_92 : vector<16xf32>
      %sub3A_135 = arith.subf %mul3A_134, %gather3A : vector<16xf32>
      %add3A_136 = arith.addf %sub3A_135, %get3A_121 : vector<16xf32>
      %mul3A_137 = arith.constant 2.000000e+00 : f32
      %mul3A_138 = vector.broadcast %mul3A_137 : f32 to vector<16xf32>
      %mul3A_139 = arith.mulf %mul3A_138, %add3A_136 : vector<16xf32>
      %add3A_140 = arith.addf %add3A_133, %mul3A_139 : vector<16xf32>
      scf.yield %add3A_140 : vector<16xf32>
    }
    %scan3A_79 = arith.constant 65 : i32
    %reduce_sum3A = arith.constant true
    %reduce_sum3A_80 = vector.broadcast %reduce_sum3A : i1 to vector<16xi1>
    %reduce_sum3A_81 = tpu.scan <sum>, %scan3A_78 masked %reduce_sum3A_80 : vector<16xf32>, vector<16xi1> -> vector<16xf32>
    %reduce_sum3A_82 = vector.extract %reduce_sum3A_81[15] : f32 from vector<16xf32>
    %broadcast_in_dim3A_83 = arith.constant 32 : i32
    %broadcast_in_dim3A_84 = vector.broadcast %broadcast_in_dim3A_83 : i32 to vector<16xi32>
    %broadcast_in_dim3A_85 = vector.broadcast %reduce_sum3A_82 : f32 to vector<16xf32>
    %eq3A = arith.constant 0 : i32
    %eq3A_86 = vector.broadcast %eq3A : i32 to vector<16xi32>
    %eq3A_87 = arith.cmpi eq, %iota3A, %eq3A_86 : vector<16xi32>
    tpu.vector_store_idx %arg6[%broadcast_in_dim3A_84], %broadcast_in_dim3A_85 masked %eq3A_87 : memref<48xf32, #tpu.memory_space<vmem>>[vector<16xi32>], vector<16xf32>, vector<16xi1>
    "tpu.region"() ({
      %run_scoped3A = tpu.sem_alloc : memref<!tpu.dma_semaphore, #tpu.memory_space<semaphore_mem>>
      %dma_start3A_88 = arith.constant 0 : i32
      %dma_start3A_89 = tpu.memref_slice %arg3[%add3A, %dma_start3A_88] : memref<32x48xf32, #tpu.memory_space<hbm>> -> memref<1x48xf32, #tpu.memory_space<hbm>>
      %dma_start3A_90 = tpu.memref_squeeze %dma_start3A_89 : memref<1x48xf32, #tpu.memory_space<hbm>> -> memref<48xf32, #tpu.memory_space<hbm>>
      %dma_start3A_91 = arith.constant 0 : i32
      %dma_start3A_92 = tpu.memref_slice %arg3[%add3A, %dma_start3A_91] : memref<32x48xf32, #tpu.memory_space<hbm>> -> memref<1x48xf32, #tpu.memory_space<hbm>>
      %dma_start3A_93 = tpu.memref_squeeze %dma_start3A_92 : memref<1x48xf32, #tpu.memory_space<hbm>> -> memref<48xf32, #tpu.memory_space<hbm>>
      tpu.enqueue_dma source(%arg6 : memref<48xf32, #tpu.memory_space<vmem>>) target(%dma_start3A_93 : memref<48xf32, #tpu.memory_space<hbm>>) target_semaphore(%run_scoped3A : memref<!tpu.dma_semaphore, #tpu.memory_space<semaphore_mem>>)
      %dma_wait3A_94 = arith.constant 0 : i32
      %dma_wait3A_95 = tpu.memref_slice %arg3[%add3A, %dma_wait3A_94] : memref<32x48xf32, #tpu.memory_space<hbm>> -> memref<1x48xf32, #tpu.memory_space<hbm>>
      %dma_wait3A_96 = tpu.memref_squeeze %dma_wait3A_95 : memref<1x48xf32, #tpu.memory_space<hbm>> -> memref<48xf32, #tpu.memory_space<hbm>>
      %dma_wait3A_97 = arith.constant 0 : i32
      %dma_wait3A_98 = tpu.memref_slice %arg3[%add3A, %dma_wait3A_97] : memref<32x48xf32, #tpu.memory_space<hbm>> -> memref<1x48xf32, #tpu.memory_space<hbm>>
      %dma_wait3A_99 = tpu.memref_squeeze %dma_wait3A_98 : memref<1x48xf32, #tpu.memory_space<hbm>> -> memref<48xf32, #tpu.memory_space<hbm>>
      tpu.wait_dma2 semaphore(%run_scoped3A : memref<!tpu.dma_semaphore, #tpu.memory_space<semaphore_mem>>) src(%arg6 : memref<48xf32, #tpu.memory_space<vmem>>) dst(%dma_wait3A_99 : memref<48xf32, #tpu.memory_space<hbm>>)
      tpu.yield
    }) : () -> ()
    return
  }
}

module attributes {stable_mosaic.version = 14 : i64} {
  func.func @_stft_cdf_body(%arg0: i32, %arg1: memref<2x4x291x512xf32, #tpu.memory_space<vmem>>, %arg2: memref<2048x2080xbf16, #tpu.memory_space<vmem>>, %arg3: memref<2048x2080xbf16, #tpu.memory_space<vmem>>, %arg4: memref<1x2048xf32, #tpu.memory_space<vmem>>, %arg5: memref<1040x1040xbf16, #tpu.memory_space<vmem>>, %arg6: memref<4x32x3120xf32, #tpu.memory_space<vmem>>) attributes {dimension_semantics = [#tpu.dimension_semantics<arbitrary>], iteration_bounds = array<i64: 9>, scalar_prefetch = 0 : i64, scratch_operands = 0 : i64, tpu.core_type = #tpu.core_type<tc>, window_params = [{pipeline_mode = #tpu.pipeline_mode<synchronous>, transform_indices = @transform_0, window_bounds = array<i64: 2, 4, 291, 512>}, {pipeline_mode = #tpu.pipeline_mode<synchronous>, transform_indices = @transform_1, window_bounds = array<i64: 2048, 2080>}, {pipeline_mode = #tpu.pipeline_mode<synchronous>, transform_indices = @transform_2, window_bounds = array<i64: 2048, 2080>}, {pipeline_mode = #tpu.pipeline_mode<synchronous>, transform_indices = @transform_3, window_bounds = array<i64: 1, 2048>}, {pipeline_mode = #tpu.pipeline_mode<synchronous>, transform_indices = @transform_4, window_bounds = array<i64: 1040, 1040>}, {transform_indices = @transform_5, window_bounds = array<i64: 4, 32, 3120>}]} {
    %mul3A = arith.constant 32 : i32
    %mul3A_0 = arith.muli %arg0, %mul3A : i32
    %get3A = arith.constant 0 : index
    %get3A_1 = arith.constant 0 : index
    %get3A_2 = arith.index_cast %mul3A_0 : i32 to index
    %get3A_3 = arith.constant 0 : index
    %get3A_4 = vector.load %arg1[%get3A, %get3A_1, %get3A_2, %get3A_3] : memref<2x4x291x512xf32, #tpu.memory_space<vmem>>, vector<2x4x35x512xf32>
    %slice3A = vector.extract_strided_slice %get3A_4 {offsets = [0, 0, 0, 0], sizes = [2, 4, 32, 512], strides = [1, 1, 1, 1]} : vector<2x4x35x512xf32> to vector<2x4x32x512xf32>
    %slice3A_5 = vector.extract_strided_slice %get3A_4 {offsets = [0, 0, 1, 0], sizes = [2, 4, 32, 512], strides = [1, 1, 1, 1]} : vector<2x4x35x512xf32> to vector<2x4x32x512xf32>
    %slice3A_6 = vector.extract_strided_slice %get3A_4 {offsets = [0, 0, 2, 0], sizes = [2, 4, 32, 512], strides = [1, 1, 1, 1]} : vector<2x4x35x512xf32> to vector<2x4x32x512xf32>
    %slice3A_7 = vector.extract_strided_slice %get3A_4 {offsets = [0, 0, 3, 0], sizes = [2, 4, 32, 512], strides = [1, 1, 1, 1]} : vector<2x4x35x512xf32> to vector<2x4x32x512xf32>
    %concatenate3A = tpu.concatenate %slice3A, %slice3A_5, %slice3A_6, %slice3A_7 in 3 : vector<2x4x32x512xf32>, vector<2x4x32x512xf32>, vector<2x4x32x512xf32>, vector<2x4x32x512xf32> -> vector<2x4x32x2048xf32>
    %reshape3A = vector.shape_cast %concatenate3A : vector<2x4x32x2048xf32> to vector<256x2048xf32>
    %get3A_8 = arith.constant 0 : index
    %get3A_9 = arith.constant 0 : index
    %get3A_10 = vector.load %arg4[%get3A_8, %get3A_9] : memref<1x2048xf32, #tpu.memory_space<vmem>>, vector<1x2048xf32>
    %mul3A_11 = vector.broadcast %get3A_10 : vector<1x2048xf32> to vector<256x2048xf32>
    %mul3A_12 = arith.mulf %reshape3A, %mul3A_11 : vector<256x2048xf32>
    %get3A_13 = arith.constant 0 : index
    %get3A_14 = arith.constant 0 : index
    %get3A_15 = vector.load %arg2[%get3A_13, %get3A_14] : memref<2048x2080xbf16, #tpu.memory_space<vmem>>, vector<2048x2080xbf16>
    %get3A_16 = arith.constant 0 : index
    %get3A_17 = arith.constant 0 : index
    %get3A_18 = vector.load %arg3[%get3A_16, %get3A_17] : memref<2048x2080xbf16, #tpu.memory_space<vmem>>, vector<2048x2080xbf16>
    %convert_element_type3A = arith.truncf %mul3A_12 : vector<256x2048xf32> to vector<256x2048xbf16>
    %convert_element_type3A_19 = arith.extf %convert_element_type3A : vector<256x2048xbf16> to vector<256x2048xf32>
    %sub3A = arith.subf %mul3A_12, %convert_element_type3A_19 : vector<256x2048xf32>
    %convert_element_type3A_20 = arith.truncf %sub3A : vector<256x2048xf32> to vector<256x2048xbf16>
    %dot_general3A = arith.constant dense<0.000000e+00> : vector<256x2080xf32>
    %dot_general3A_21 = tpu.matmul %convert_element_type3A, %get3A_15, %dot_general3A {dimension_numbers = #tpu.dot_dimension_numbers<[1], [0], [0], [1], [0, 0, 1, 1], [], []>, transpose_lhs_hint = false} : vector<256x2048xbf16>, vector<2048x2080xbf16>, vector<256x2080xf32> -> vector<256x2080xf32>
    %dot_general3A_22 = arith.constant dense<0.000000e+00> : vector<256x2080xf32>
    %dot_general3A_23 = tpu.matmul %convert_element_type3A_20, %get3A_15, %dot_general3A_22 {dimension_numbers = #tpu.dot_dimension_numbers<[1], [0], [0], [1], [0, 0, 1, 1], [], []>, transpose_lhs_hint = false} : vector<256x2048xbf16>, vector<2048x2080xbf16>, vector<256x2080xf32> -> vector<256x2080xf32>
    %add3A = arith.addf %dot_general3A_21, %dot_general3A_23 : vector<256x2080xf32>
    %dot_general3A_24 = arith.constant dense<0.000000e+00> : vector<256x2080xf32>
    %dot_general3A_25 = tpu.matmul %convert_element_type3A, %get3A_18, %dot_general3A_24 {dimension_numbers = #tpu.dot_dimension_numbers<[1], [0], [0], [1], [0, 0, 1, 1], [], []>, transpose_lhs_hint = false} : vector<256x2048xbf16>, vector<2048x2080xbf16>, vector<256x2080xf32> -> vector<256x2080xf32>
    %add3A_26 = arith.addf %add3A, %dot_general3A_25 : vector<256x2080xf32>
    %slice3A_27 = vector.extract_strided_slice %add3A_26 {offsets = [0, 0], sizes = [256, 1040], strides = [1, 1]} : vector<256x2080xf32> to vector<256x1040xf32>
    %slice3A_28 = vector.extract_strided_slice %add3A_26 {offsets = [0, 1040], sizes = [256, 1040], strides = [1, 1]} : vector<256x2080xf32> to vector<256x1040xf32>
    %mul3A_29 = arith.mulf %slice3A_27, %slice3A_27 : vector<256x1040xf32>
    %mul3A_30 = arith.mulf %slice3A_28, %slice3A_28 : vector<256x1040xf32>
    %add3A_31 = arith.addf %mul3A_29, %mul3A_30 : vector<256x1040xf32>
    %sqrt3A = math.sqrt %add3A_31 : vector<256x1040xf32>
    %get3A_32 = arith.constant 0 : index
    %get3A_33 = arith.constant 0 : index
    %get3A_34 = vector.load %arg5[%get3A_32, %get3A_33] : memref<1040x1040xbf16, #tpu.memory_space<vmem>>, vector<1040x1040xbf16>
    %convert_element_type3A_35 = arith.truncf %sqrt3A : vector<256x1040xf32> to vector<256x1040xbf16>
    %convert_element_type3A_36 = arith.extf %convert_element_type3A_35 : vector<256x1040xbf16> to vector<256x1040xf32>
    %sub3A_37 = arith.subf %sqrt3A, %convert_element_type3A_36 : vector<256x1040xf32>
    %convert_element_type3A_38 = arith.truncf %sub3A_37 : vector<256x1040xf32> to vector<256x1040xbf16>
    %dot_general3A_39 = arith.constant dense<0.000000e+00> : vector<256x1040xf32>
    %dot_general3A_40 = tpu.matmul %convert_element_type3A_35, %get3A_34, %dot_general3A_39 {dimension_numbers = #tpu.dot_dimension_numbers<[1], [0], [0], [1], [0, 0, 1, 1], [], []>, transpose_lhs_hint = false} : vector<256x1040xbf16>, vector<1040x1040xbf16>, vector<256x1040xf32> -> vector<256x1040xf32>
    %dot_general3A_41 = arith.constant dense<0.000000e+00> : vector<256x1040xf32>
    %dot_general3A_42 = tpu.matmul %convert_element_type3A_38, %get3A_34, %dot_general3A_41 {dimension_numbers = #tpu.dot_dimension_numbers<[1], [0], [0], [1], [0, 0, 1, 1], [], []>, transpose_lhs_hint = false} : vector<256x1040xbf16>, vector<1040x1040xbf16>, vector<256x1040xf32> -> vector<256x1040xf32>
    %add3A_43 = arith.addf %dot_general3A_40, %dot_general3A_42 : vector<256x1040xf32>
    %slice3A_44 = vector.extract_strided_slice %add3A_43 {offsets = [0, 1039], sizes = [256, 1], strides = [1, 1]} : vector<256x1040xf32> to vector<256x1xf32>
    %div3A = vector.broadcast %slice3A_44 : vector<256x1xf32> to vector<256x1040xf32>
    %div3A_45 = arith.divf %add3A_43, %div3A : vector<256x1040xf32>
    %slice3A_46 = vector.extract_strided_slice %div3A_45 {offsets = [0, 0], sizes = [128, 1040], strides = [1, 1]} : vector<256x1040xf32> to vector<128x1040xf32>
    %slice3A_47 = vector.extract_strided_slice %div3A_45 {offsets = [128, 0], sizes = [128, 1040], strides = [1, 1]} : vector<256x1040xf32> to vector<128x1040xf32>
    %min3A = arith.minimumf %slice3A_46, %slice3A_47 : vector<128x1040xf32>
    %get3A_48 = arith.constant 0 : index
    %get3A_49 = arith.constant 0 : index
    %get3A_50 = vector.load %arg5[%get3A_48, %get3A_49] : memref<1040x1040xbf16, #tpu.memory_space<vmem>>, vector<1040x1040xbf16>
    %convert_element_type3A_51 = arith.truncf %min3A : vector<128x1040xf32> to vector<128x1040xbf16>
    %convert_element_type3A_52 = arith.extf %convert_element_type3A_51 : vector<128x1040xbf16> to vector<128x1040xf32>
    %sub3A_53 = arith.subf %min3A, %convert_element_type3A_52 : vector<128x1040xf32>
    %convert_element_type3A_54 = arith.truncf %sub3A_53 : vector<128x1040xf32> to vector<128x1040xbf16>
    %dot_general3A_55 = arith.constant dense<0.000000e+00> : vector<128x1040xf32>
    %dot_general3A_56 = tpu.matmul %convert_element_type3A_51, %get3A_50, %dot_general3A_55 {dimension_numbers = #tpu.dot_dimension_numbers<[1], [0], [0], [1], [0, 0, 1, 1], [], []>, transpose_lhs_hint = false} : vector<128x1040xbf16>, vector<1040x1040xbf16>, vector<128x1040xf32> -> vector<128x1040xf32>
    %dot_general3A_57 = arith.constant dense<0.000000e+00> : vector<128x1040xf32>
    %dot_general3A_58 = tpu.matmul %convert_element_type3A_54, %get3A_50, %dot_general3A_57 {dimension_numbers = #tpu.dot_dimension_numbers<[1], [0], [0], [1], [0, 0, 1, 1], [], []>, transpose_lhs_hint = false} : vector<128x1040xbf16>, vector<1040x1040xbf16>, vector<128x1040xf32> -> vector<128x1040xf32>
    %add3A_59 = arith.addf %dot_general3A_56, %dot_general3A_58 : vector<128x1040xf32>
    %max3A = arith.maximumf %slice3A_46, %slice3A_47 : vector<128x1040xf32>
    %reshape3A_60 = vector.shape_cast %max3A : vector<128x1040xf32> to vector<4x32x1040xf32>
    %swap3A = arith.constant 0 : index
    %swap3A_61 = arith.constant 0 : index
    %swap3A_62 = arith.constant 0 : index
    %swap3A_63 = vector.load %arg6[%swap3A, %swap3A_61, %swap3A_62] : memref<4x32x3120xf32, #tpu.memory_space<vmem>>, vector<4x32x1040xf32>
    tpu.vector_store %arg6[%swap3A, %swap3A_61, %swap3A_62], %reshape3A_60 {strides = array<i32>} : memref<4x32x3120xf32, #tpu.memory_space<vmem>>, vector<4x32x1040xf32>,
    %reshape3A_64 = vector.shape_cast %min3A : vector<128x1040xf32> to vector<4x32x1040xf32>
    %swap3A_65 = arith.constant 0 : index
    %swap3A_66 = arith.constant 0 : index
    %swap3A_67 = arith.constant 1040 : index
    %swap3A_68 = vector.load %arg6[%swap3A_65, %swap3A_66, %swap3A_67] : memref<4x32x3120xf32, #tpu.memory_space<vmem>>, vector<4x32x1040xf32>
    tpu.vector_store %arg6[%swap3A_65, %swap3A_66, %swap3A_67], %reshape3A_64 {strides = array<i32>} : memref<4x32x3120xf32, #tpu.memory_space<vmem>>, vector<4x32x1040xf32>,
    %reshape3A_69 = vector.shape_cast %add3A_59 : vector<128x1040xf32> to vector<4x32x1040xf32>
    %swap3A_70 = arith.constant 0 : index
    %swap3A_71 = arith.constant 0 : index
    %swap3A_72 = arith.constant 2080 : index
    %swap3A_73 = vector.load %arg6[%swap3A_70, %swap3A_71, %swap3A_72] : memref<4x32x3120xf32, #tpu.memory_space<vmem>>, vector<4x32x1040xf32>
    tpu.vector_store %arg6[%swap3A_70, %swap3A_71, %swap3A_72], %reshape3A_69 {strides = array<i32>} : memref<4x32x3120xf32, #tpu.memory_space<vmem>>, vector<4x32x1040xf32>,
    return
  }
  func.func @transform_0(%arg0: i32) -> (i32, i32, i32, i32) {
    %c0_i32 = arith.constant 0 : i32
    %c0_i32_0 = arith.constant 0 : i32
    %c0_i32_1 = arith.constant 0 : i32
    %c0_i32_2 = arith.constant 0 : i32
    %c0_i32_3 = arith.constant 0 : i32
    return %c0_i32, %c0_i32_0, %c0_i32_1, %c0_i32_2 : i32, i32, i32, i32
  }
  func.func @transform_1(%arg0: i32) -> (i32, i32) {
    %c0_i32 = arith.constant 0 : i32
    %c0_i32_0 = arith.constant 0 : i32
    %c0_i32_1 = arith.constant 0 : i32
    return %c0_i32, %c0_i32_0 : i32, i32
  }
  func.func @transform_2(%arg0: i32) -> (i32, i32) {
    %c0_i32 = arith.constant 0 : i32
    %c0_i32_0 = arith.constant 0 : i32
    %c0_i32_1 = arith.constant 0 : i32
    return %c0_i32, %c0_i32_0 : i32, i32
  }
  func.func @transform_3(%arg0: i32) -> (i32, i32) {
    %c0_i32 = arith.constant 0 : i32
    %c0_i32_0 = arith.constant 0 : i32
    %c0_i32_1 = arith.constant 0 : i32
    return %c0_i32, %c0_i32_0 : i32, i32
  }
  func.func @transform_4(%arg0: i32) -> (i32, i32) {
    %c0_i32 = arith.constant 0 : i32
    %c0_i32_0 = arith.constant 0 : i32
    %c0_i32_1 = arith.constant 0 : i32
    return %c0_i32, %c0_i32_0 : i32, i32
  }
  func.func @transform_5(%arg0: i32) -> (i32, i32, i32) {
    %c0_i32 = arith.constant 0 : i32
    %c0_i32_0 = arith.constant 0 : i32
    %c0_i32_1 = arith.constant 0 : i32
    return %c0_i32, %arg0, %c0_i32_0 : i32, i32, i32
  }
}

</mosaic_0001>

<sc_bundles>
// kernel: kernel.6.cloned.1.call-start
scs
__scs_entry_jumppad:
0x0: {  	(pc) =	sbr.rel $0x88, $3  }
0x1: {  	(tag) =	ssettag $0x0;
	lr =	simm.s32 $0x1  }
0x2: {  	[smem:$0x3F9F] =	sst lr;
	_ =	strace $0xD0000000  }
0x3: {  	_ = 	snop  }
0x4: {  	_ = 	snop  }
0x5: {  	_ = 	snop  }
0x6: {  	_ = 	snop  }
0x7: {  	_ = 	snop  }
__scs_overlays_trampoline_lowered:
0x8: {  	[smem:$0x3FAE] =	sst s0  }
0x9: {  	[smem:$0x3FAF] =	sst s1  }
0xa: {  	[smem:$0x3FB0] =	sst s2  }
0xb: {  	[smem:$0x3FB1] =	sst s3  }
0xc: {  	[smem:$0x3FB2] =	sst s4  }
0xd: {  	[smem:$0x3FB3] =	sst s5  }
0xe: {  	[smem:$0x3FB4] =	sst s6  }
0xf: {  	[smem:$0x3FB5] =	sst s7  }
0x10: {  	[smem:$0x3FB6] =	sst s8  }
0x11: {  	[smem:$0x3FB7] =	sst s9;
	s0 =	simm.s32 @!p0 $0x0  }
0x12: {  	s1 =	sld [smem:$0x3F9D];
	s0 =	simm.s32 @p0 $0x1  }
0x13: {  	[smem:$0x3FB8] =	sst s0;
	s0 =	simm.s32 @!p1 $0x0  }
0x14: {  	s2 =	sld [smem:$0x3F9C];
	s0 =	simm.s32 @p1 $0x1  }
0x15: {  	[smem:$0x3FB9] =	sst s0;
	s0 =	simm.s32 @!p2 $0x0  }
0x16: {  	s3 =	sld [smem:$0x3FDB];
	s0 =	simm.s32 @p2 $0x1  }
0x17: {  	s4 =	simm.s32 $0x1BF5;
	[smem:$0x3FBB] =	sst s0  }
0x18: {  	s0 =	sld [smem:$0x3F9E];
	_ =	swait.ge [sflag:s4], $0x0  }
0x19: {  	s7 =	sld [smem:$0x3F9F]  }
0x1a: {  	s8 =	sadd.s32 $0xFFFFE003, lr  }
0x1b: {  	s9 =	sadd.s32 $0xFFFFFEF7, lr;
	s5 =	simm.s32 $0xFFFFFFFF;
	p2 =	slt.u32 s8, $0xFFFFF086  }
0x1c: {  	p1 =	slt.u32 s9, $0xF7A;
	s5 =	simm.s32 @!p2 $0x0  }
0x1d: {  	s5 =	simm.s32 @p1 $0x1;
	p0 =	seq.s32 s7, s2  }
0x1e: {  	s7 =	smul.u32 @!p0 $0xF7A, s2;
	p2 =	seq.s32 @!p0 s5, $0x0  }
0x1f: {  	s9 =	smul.u32 $0xF7A, s1;
	s8 =	simm.s32 @!p0 $0x1BF5;
	p2 =	por !p2, p0  }
0x20: {  	[sflag:s8] =	ssyncset.s32 @!p0 $0xFFFFF086;
	s6 =	sadd.s32 @!p0 s3, s7;
	s7 =	simm.s32 @!p0 $0x108  }
0x21: {  	s3 =	sadd.s32 s3, s9;
	s6 =	sadd.s32 @!p0 $0x88, s6;
	s7 =	simm.s32 @p2 $0x1082  }
0x22: {  	[simem:s7], [sflag:s8] =	dma.local @!p0 [hbm:s6], $0xF7A  }
0x23: {  	s9 =	sor.u32 $0xD0000000, s2;
	s6 =	simm.s32 $0x108;
	_ =	swait.ge @!p0 [sflag:s8], $0x0  }
0x24: {  	s3 =	sadd.s32 $0x88, s3;
	s6 =	simm.s32 @!p1 $0x1082;
	[sflag:s4] =	ssyncset.s32 $0xFFFFF086  }
0x25: {  	[simem:s6], [sflag:s4] =	dma.local [hbm:s3], $0xF7A  }
0x26: {  	[smem:$0x3F9F] =	sst s1;
	(tag) =	ssettag s2;
	_ =	strace s9  }
0x27: {  	s1 =	sld [smem:$0x3FAF]  }
0x28: {  	s2 =	sld [smem:$0x3FB0]  }
0x29: {  	s4 =	sld [smem:$0x3FB2]  }
0x2a: {  	p0 =	seq.s32 s5, $0x0;
	s5 =	sld [smem:$0x3FB3]  }
0x2b: {  	s6 =	sld [smem:$0x3FB4]  }
0x2c: {  	s7 =	sld [smem:$0x3FB5]  }
0x2d: {  	s3 =	simm.s32 $0x108;
	s8 =	sld [smem:$0x3FB6]  }
0x2e: {  	s3 =	simm.s32 @!p0 $0x1082;
	s9 =	sld [smem:$0x3FB7]  }
0x2f: {  	lr =	sadd.s32 s0, s3;
	s0 =	sld [smem:$0x3FAE]  }
0x30: {  	s3 =	sld [smem:$0x3FB1]  }
0x31: {  	[smem:$0x3FBA] =	sst s10  }
0x32: {  	s10 =	sld [smem:$0x3FB8];
	_ =	sdelay $0x3  }
0x33: {  	p0 =	seq.s32 s10, $0x1;
	s10 =	sld [smem:$0x3FBA];
	_ =	sdelay $0x3  }
0x34: {  	[smem:$0x3FBA] =	sst s10  }
0x35: {  	s10 =	sld [smem:$0x3FB9];
	_ =	sdelay $0x3  }
0x36: {  	p1 =	seq.s32 s10, $0x1;
	s10 =	sld [smem:$0x3FBA];
	_ =	sdelay $0x3  }
0x37: {  	[smem:$0x3FBA] =	sst s10  }
0x38: {  	s10 =	sld [smem:$0x3FBB]  }
0x39: {  	_ = 	snop;
	(pc) =	sbr.ind lr, $3  }
0x3a: {  	_ = 	snop  }
0x3b: {  	_ = 	snop  }
0x3c: {  	p2 =	seq.s32 s10, $0x1;
	s10 =	sld [smem:$0x3FBA]  }
0x3d: {  	_ =	shalt  }
0x3e: {  	_ =	shalt  }
0x3f: {  	_ =	shalt  }
0x40: {  	_ =	shalt  }
0x41: {  	_ =	shalt  }
0x42: {  	_ =	shalt  }
0x43: {  	_ =	shalt  }
0x44: {  	_ =	shalt  }
0x45: {  	_ =	shalt  }
0x46: {  	_ =	shalt  }
0x47: {  	_ =	shalt  }
0x48: {  	_ =	shalt  }
0x49: {  	_ =	shalt  }
0x4a: {  	_ =	shalt  }
0x4b: {  	_ =	shalt  }
0x4c: {  	_ =	shalt  }
0x4d: {  	_ =	shalt  }
0x4e: {  	_ =	shalt  }
0x4f: {  	_ =	shalt  }
0x50: {  	_ =	shalt  }
0x51: {  	_ =	shalt  }
0x52: {  	_ =	shalt  }
0x53: {  	_ =	shalt  }
0x54: {  	_ =	shalt  }
0x55: {  	_ =	shalt  }
0x56: {  	_ =	shalt  }
0x57: {  	_ =	shalt  }
0x58: {  	_ =	shalt  }
0x59: {  	_ =	shalt  }
0x5a: {  	_ =	shalt  }
0x5b: {  	_ =	shalt  }
0x5c: {  	_ =	shalt  }
0x5d: {  	_ =	shalt  }
0x5e: {  	_ =	shalt  }
0x5f: {  	_ =	shalt  }
0x60: {  	_ =	shalt  }
0x61: {  	_ =	shalt  }
0x62: {  	_ =	shalt  }
0x63: {  	_ =	shalt  }
0x64: {  	_ =	shalt  }
0x65: {  	_ =	shalt  }
0x66: {  	_ =	shalt  }
0x67: {  	_ =	shalt  }
0x68: {  	_ =	shalt  }
0x69: {  	_ =	shalt  }
0x6a: {  	_ =	shalt  }
0x6b: {  	_ =	shalt  }
0x6c: {  	_ =	shalt  }
0x6d: {  	_ =	shalt  }
0x6e: {  	_ =	shalt  }
0x6f: {  	_ =	shalt  }
0x70: {  	_ =	shalt  }
0x71: {  	_ =	shalt  }
0x72: {  	_ =	shalt  }
0x73: {  	_ =	shalt  }
0x74: {  	_ =	shalt  }
0x75: {  	_ =	shalt  }
0x76: {  	_ =	shalt  }
0x77: {  	_ =	shalt  }
0x78: {  	_ =	shalt  }
0x79: {  	_ =	shalt  }
0x7a: {  	_ =	shalt  }
0x7b: {  	_ =	shalt  }
0x7c: {  	_ =	shalt  }
0x7d: {  	_ =	shalt  }
0x7e: {  	_ =	shalt  }
0x7f: {  	_ =	shalt  }
0x80: {  	_ =	shalt  }
0x81: {  	_ =	shalt  }
0x82: {  	_ =	shalt  }
0x83: {  	_ =	shalt  }
0x84: {  	_ =	shalt  }
0x85: {  	_ =	shalt  }
0x86: {  	_ =	shalt  }
0x87: {  	_ =	shalt  }
.Lfunc_end0:
.L_simem_size_0:
called_computation_lowered:
.L_overlay_start_0:
0x88: {  	s2 =	sld [smem:$0x3FD9]  }
0x89: {  	s3 =	sld [smem:$0x3FFE];
	_ =	sdelay $0x1  }
0x8a: {  	s1 =	srdreg.scid  }
0x8b: {  	s0 =	sand.u32 $0x1, s1  }
0x8c: {  	s16 =	sshll.u32 s0, $0xA;
	s2 =	sadd.s32 s3, s2  }
0x8d: {  	s2 =	sadd.s32 s2, s16  }
0x8e: {  	[smem:$0x3FC6] =	sst s2  }
0x8f: {  	_ = 	snop  }
0x90: {  	(tm) =	ssettm $0x1  }
0x91: {  	s17 =	sld [smem:$0x3FFB];
	_ =	sdelay $0x3  }
0x92: {  	_ =	strace s17  }
0x93: {  	s2 =	sld [smem:$0x3FFC];
	_ =	sdelay $0x3  }
0x94: {  	_ =	strace s2  }
0x95: {  	s2 =	sld [smem:$0x3FFD];
	_ =	sdelay $0x3  }
0x96: {  	_ =	strace s2  }
0x97: {  	_ =	strace $0x8FFFFFFF  }
0x98: {  	s18 =	sld [smem:$0x3FDB];
	_ =	sdelay $0x1  }
0x99: {  	s19 =	simm.s32 $_scs_section_size  }
0x9a: {  	s4 =	simm.s32 $_size__tile_overlayer_lowered;
	s5 =	simm.s32 $_tile_overlayer_lowered  }
0x9b: {  	s22 =	simm.s32 $0x1BFF;
	s21 =	sshll.u32 s5, $0x1;
	s2 =	sadd.s32 s19, s18  }
0x9c: {  	s6 =	simm.s32 $0x0;
	s20 =	sshll.u32 s4, $0x1;
	s4 =	sadd.s32 s21, s2  }
0x9d: {  	[timem:s6], [sflag:s22] =	dma.local [hbm:s4], s20  }
0x9e: {  	_ =	swait.ge [sflag:s22], s20  }
0x9f: {  	s3 =	ssub.s32 $0x0, s20;
	[sflag:s22] =	ssyncset.done $0x0  }
0xa0: {  	[sflag:s22] =	ssyncadd.s32 s3;
	_ =	sdelay $0x1  }
0xa1: {  	s23 =	simm.s32 $0x1B8B  }
0xa2: {  	_ =	swait.ge [sflag:s23], $0x1  }
0xa3: {  	[sflag:s23] =	ssyncset.done $0x0  }
0xa4: {  	s25 =	simm.s32 $0x1B8E;
	s24 =	sld [smem:$0x3FFE];
	[sflag:s23] =	ssyncadd.s32 $0xFFFFFFFF  }
0xa5: {  	s26 =	simm.s32 $execute0_lowered;
	[smem:$0x3FD2] =	sst s25  }
0xa6: {  	s4 =	sshll.u32 s26, $0x1;
	_ =	strace $0x80000046;
	[dreg:$0x1] =	wrdreg $0xFFFFFFFF  }
0xa7: {  	s28 =	simm.s32 $_size_execute0_lowered;
	s2 =	sadd.s32 s2, s4;
	[dreg:$0x0] =	wrdreg $0x0  }
0xa8: {  	s4 =	sshll.u32 s28, $0x1;
	[dreg:$0x2] =	wrdreg s2  }
0xa9: {  	[dreg:$0x3] =	wrdreg s4  }
0xaa: {  	[dreg:$0x4] =	wrdreg $0xC0  }
0xab: {  	_ =	task [dreg:s6], $0x5FFFF  }
0xac: {  	[dreg:$0x1] =	wrdreg $0xFFFFFFFF  }
0xad: {  	[dreg:$0x0] =	wrdreg $0x60  }
0xae: {  	[dreg:$0x2] =	wrdreg s24  }
0xaf: {  	[dreg:$0x3] =	wrdreg $0x9  }
0xb0: {  	_ =	task.clear_ibuf [dreg:s6], $0x4FFFF;
	_ =	strace $0x90000046  }
0xb1: {  	s29 =	simm.s32 $0x9;
	_ =	strace $0x80000048  }
0xb2: {  	_ =	swait.ge [sflag:s29], $0x1  }
0xb3: {  	[sflag:s29] =	ssyncadd.s32 $0xFFFFFFFF  }
0xb4: {  	_ =	strace $0x90000048  }
0xb5: {  	_ =	sfence  }
0xb6: {  	s30 =	sld [smem:$0x0];
	_ =	sdelay $0x2  }
0xb7: {  	s31 =	sshll.u32 s1, $0xD;
	s1 =	sshrl.u32 s1, $0x2  }
0xb8: {  	s3 =	sand.u32 $0x4000, s31;
	s1 =	sadd.s32 s1, s30  }
0xb9: {  	s0 =	sor.u32 s3, s0;
	s1 =	sshll.u32 s1, $0x11  }
0xba: {  	s0 =	sor.u32 s1, s0  }
0xbb: {  	s0 =	sadd.s32 $0x8F2B, s0  }
0xbc: {  	[sflag:s0] =	ssyncadd.remote.s32 $0x1  }
0xbd: {  	_ =	sfence.sel $0xFFFF  }
0xbe: {  	[dreg:$0x0] =	wrdreg $0xFFFFFFFF;
	(pc) =	sbr.abs _section_cstart, $3  }
0xbf: {  	[dreg:$0x1] =	wrdreg $0xFFFFFFFF  }
0xc0: {  	_ =	task.clear_ibuf [dreg:s6], $0x2FFFF;
	_ =	strace $0x9FFFFFFF  }
0xc1: {  	(tm) =	ssettm $0x7FFFFFFF  }
tec
execute0_lowered:
.L_overlay_start_1:
0x0: {  	(tag) =	ssettag $0x1  }
0x1: {  	s1 =	srdreg.scid;
	s0 =	stileid.u32  }
0x2: {  	s1 =	sand.u32 $0x1, s1;
	s2 =	sshll.u32 s0, $0x1  }
0x3: {  	s5 =	sor.u32 s1, s2  }
0x4: {  	s2 =	smul.u32 $0xFFFFDF21, s5;
	_ =	sdelay $0x1  }
0x5: {  	s2 =	sand.u32 $0xFFFF, s2  }
0x6: {  	p0 =	seq.s32 s5, $0x0;
	p1 =	sgt.u32 s2, $0xFF  }
0x7: {  	s29 =	smul.u32 $0x839D, s5;
	p0 =	por !p0, !p1  }
0x8: {  	s3 =	simm.s32 $0x1;
	p0 =	por !p0, !p0  }
0x9: {  	s4 =	sshrl.u32 s29, $0x12;
	s3 =	simm.s32 @!p0 $0x0  }
0xa: {  	s2 =	smul.u32 $0x21, s5;
	s3 =	ssub.s32 s4, s3  }
0xb: {  	s6 =	rddreg [dreg:$0x0];
	s10 =	simm.s32 $0x400;
	s4 =	smul.u32 $0xFFFFFEFF, s3  }
0xc: {  	s11 =	simm.s32 $0xC80;
	s12 =	simm.s32 $0x1900;
	s7 =	smul.u32 $0x120, s3  }
0xd: {  	s13 =	simm.s32 $0x2;
	s1 =	ssub.s32 $0x2, s1;
	s8 =	sadd.s32 s2, s4  }
0xe: {  	s14 =	simm.s32 $0x0;
	s30 =	sshrl.u32 s1, $0x1;
	s4 =	sadd.s32 s7, s8  }
0xf: {  	s1 =	ssub.s32 s1, s30;
	s5 =	sshll.u32 s5, $0x4;
	s7 =	sshrl.u32 s4, $0x3  }
0x10: {  	s3 =	simm.s32 $0x0;
	s8 =	sshll.u32 s8, $0x7;
	s7 =	smul.u32 $0x6400, s7  }
0x11: {  	v0 =	vlaneseq.u32;
	s9 =	sadd.s32 s5, s6;
	[smem:$0x7FF] =	sst s3;
	s8 =	sand.u32 $0x380, s8  }
0x12: {  	v1 =	vimm.s32 $0x610;
	v6 =	vmul.u32 $0xFFFFFFFF, v0;
	s5 =	simm.s32 $0x1;
	_ =	strace $0x80000047;
	s31 =	sor.u32 s8, s7  }
0x13: {  	v2 =	vimm.s32 $0x0;
	v3 =	vimm.s32 $0x200;
	v4 =	vimm.s32 $0x100;
	s4 =	sadd.s32 $0x45C00, s6;
	s7 =	sadd.s32 $0xB6400, s9;
	s6 =	sshrl.u32 s31, $0x3  }
0x14: {  	v7 =	vimm.s32 $0x20;
	v5 =	vadd.s32 $0x1, v0;
	v6 =	vadd.s32 $0xFFFFFFFF, v6;
	s8 =	smax.u32 s1, $0x1;
	s9 =	simm.s32 $0x80;
	s6 =	sadd.s32 s4, s6  }
.LBB2_1:
0x15: {  	[tilespmem:s3], [sflag:$0x1] =	stream.strided.gather [hbm4b:s6+s9], $0xC80, s10, s9, $0x38;
	[tilespmem:$0x1980] =	vst v63  }
0x16: {  	s15 =	simm.s32 $0x0  }
.LBB2_2:
0x17: {  	s16 =	sshll.u32 s15, $0x1  }
0x18: {  	s17 =	sadd.s32 s2, s16  }
0x19: {  	s1 =	smin.u32 s17, $0x402  }
0x1a: {  	s1 =	sadd.s32 $0x1, s1  }
0x1b: {  	s18 =	smulhi.u32 $0xFF0100, s1;
	_ =	sdelay $0x1  }
0x1c: {  	s19 =	smul.u32 $0xFFFFFEFF, s18  }
0x1d: {  	s18 =	smul.u32 $0x120, s18  }
0x1e: {  	s1 =	sadd.s32 s1, s19  }
0x1f: {  	s18 =	sadd.s32 s18, s1  }
0x20: {  	s18 =	sshrl.u32 s18, $0x3  }
0x21: {  	s1 =	sshll.u32 s1, $0x7;
	s18 =	smul.u32 $0x6400, s18  }
0x22: {  	s1 =	sand.u32 $0x380, s1  }
0x23: {  	_ =	swait.ge [sflag:s5], $0xC80;
	s1 =	sor.u32 s1, s18  }
0x24: {  	[sflag:s5] =	ssyncset.done $0x0;
	s1 =	sshrl.u32 s1, $0x3  }
0x25: {  	s22 =	simm.s32 $0x0;
	[sflag:s5] =	ssyncadd.s32 $0xFFFFF380;
	s1 =	sadd.s32 s4, s1  }
0x26: {  	[tilespmem:s11], [sflag:$0x1] =	stream.strided.gather [hbm4b:s1+s9], $0xC80, s10, s9, $0x38;
	[tilespmem:$0x1980] =	vst v63  }
0x27: {  	s20 =	simm.s32 $0x410;
	v14 =	vld.idx.msk [tilespmem:v1+s22+$0x0], $0xffff  }
0x28: {  	v10 =	vld [tilespmem:s20+$0xFFFFFBF0];
	_ =	sdelay $0x4  }
0x29: {  	vm0 =	vlt.f32 v14, v10  }
0x2a: {  	v8 =	vsel vm0, $0x301, v4  }
0x2b: {  	v9 =	vor.u32 $0x410, v8;
	_ =	sdelay $0x4  }
0x2c: {  	v9 =	vld.idx.msk [tilespmem:v9+s3+$0x0], $0xffff;
	_ =	sdelay $0x4  }
0x2d: {  	v11 =	vsel vm0, $0x401, v3;
	vm1 =	vlt.f32 v9, v10  }
0x2e: {  	v12 =	vadd.s32 $0x1, v8;
	v9 =	vsel vm0, $0x201, v2;
	v11 =	vsel vm1, v11, v8  }
0x2f: {  	v9 =	vsel vm1, v12, v9;
	v8 =	vadd.s32 $0xFFFFFFFF, v11  }
0x30: {  	v12 =	vxor.u32 v8, v9  }
0x31: {  	v8 =	vor.u32 v8, v9;
	v12 =	vshrl.u32 v12, $0x1  }
0x32: {  	v12 =	vsub.s32 v8, v12  }
0x33: {  	v13 =	vadd.s32 $0x410, v12;
	_ =	sdelay $0x1  }
0x34: {  	s18 =	simm.s32 $0x420  }
0x35: {  	v8 =	vld [tilespmem:s18+$0xFFFFFBF0];
	_ =	sdelay $0x1  }
0x36: {  	v13 =	vld.idx.msk [tilespmem:v13+s3+$0x0], $0xffff;
	_ =	sdelay $0x2  }
0x37: {  	vm0 =	vlt.f32 v14, v8  }
0x38: {  	v15 =	vsel vm0, $0x301, v4  }
0x39: {  	v16 =	vor.u32 $0x410, v15;
	vm1 =	vlt.f32 v13, v10;
	v13 =	vadd.s32 $0x1, v12  }
0x3a: {  	v9 =	vsel vm1, v13, v9;
	v11 =	vsel vm1, v11, v12  }
0x3b: {  	v12 =	vxor.u32 v9, v11  }
0x3c: {  	v13 =	vand.u32 v9, v11;
	v12 =	vshrl.u32 v12, $0x1  }
0x3d: {  	v12 =	vadd.s32 v12, v13  }
0x3e: {  	v16 =	vld.idx.msk [tilespmem:v16+s3+$0x0], $0xffff;
	v13 =	vadd.s32 $0x410, v12;
	_ =	sdelay $0x4  }
0x3f: {  	v17 =	vsel vm0, $0x401, v3;
	vm1 =	vlt.f32 v16, v8;
	v13 =	vld.idx.msk [tilespmem:v13+s3+$0x0], $0xffff  }
0x40: {  	v18 =	vadd.s32 $0x1, v15;
	v16 =	vsel vm0, $0x201, v2;
	v15 =	vsel vm1, v17, v15  }
0x41: {  	v16 =	vsel vm1, v18, v16;
	v17 =	vadd.s32 $0xFFFFFFFF, v15  }
0x42: {  	v18 =	vxor.u32 v17, v16  }
0x43: {  	v17 =	vor.u32 v17, v16;
	v18 =	vshrl.u32 v18, $0x1  }
0x44: {  	v17 =	vsub.s32 v17, v18;
	vm0 =	vlt.f32 v13, v10;
	v13 =	vadd.s32 $0x1, v12  }
0x45: {  	v13 =	vsel vm0, v13, v9;
	v11 =	vsel vm0, v11, v12;
	v12 =	vadd.s32 $0x410, v17  }
0x46: {  	s19 =	simm.s32 $0x430;
	v18 =	vadd.s32 v13, v11  }
0x47: {  	v9 =	vld [tilespmem:s19+$0xFFFFFBF0];
	v18 =	vshrl.u32 v18, $0x1  }
0x48: {  	v19 =	vadd.s32 $0x410, v18;
	_ =	sdelay $0x1  }
0x49: {  	v12 =	vld.idx.msk [tilespmem:v12+s3+$0x0], $0xffff;
	_ =	sdelay $0x1  }
0x4a: {  	vm0 =	vlt.f32 v14, v9  }
0x4b: {  	v20 =	vsel vm0, $0x301, v4;
	v19 =	vld.idx.msk [tilespmem:v19+s3+$0x0], $0xffff  }
0x4c: {  	v21 =	vor.u32 $0x410, v20  }
0x4d: {  	vm1 =	vlt.f32 v12, v8;
	v12 =	vadd.s32 $0x1, v17  }
0x4e: {  	v12 =	vsel vm1, v12, v16;
	v15 =	vsel vm1, v15, v17  }
0x4f: {  	v16 =	vand.u32 v12, v15;
	v17 =	vxor.u32 v12, v15  }
0x50: {  	v17 =	vshrl.u32 v17, $0x1;
	vm1 =	vlt.f32 v19, v10;
	v19 =	vadd.s32 $0x1, v18  }
0x51: {  	v16 =	vadd.s32 v17, v16;
	v13 =	vsel vm1, v19, v13;
	v17 =	vsel vm1, v11, v18;
	v11 =	vld.idx.msk [tilespmem:v21+s3+$0x0], $0xffff  }
0x52: {  	v18 =	vadd.s32 $0x410, v16;
	v19 =	vadd.s32 v13, v17  }
0x53: {  	v19 =	vshrl.u32 v19, $0x1  }
0x54: {  	v21 =	vadd.s32 $0x410, v19;
	_ =	sdelay $0x1  }
0x55: {  	v22 =	vsel vm0, $0x401, v3;
	vm1 =	vlt.f32 v11, v9  }
0x56: {  	v23 =	vadd.s32 $0x1, v20;
	v11 =	vsel vm0, $0x201, v2;
	v18 =	vld.idx.msk [tilespmem:v18+s3+$0x0], $0xffff;
	v20 =	vsel vm1, v22, v20  }
0x57: {  	v22 =	vsel vm1, v23, v11;
	v11 =	vadd.s32 $0xFFFFFFFF, v20  }
0x58: {  	v21 =	vld.idx.msk [tilespmem:v21+s3+$0x0], $0xffff;
	v23 =	vxor.u32 v11, v22  }
0x59: {  	v11 =	vor.u32 v11, v22;
	v23 =	vshrl.u32 v23, $0x1  }
0x5a: {  	v23 =	vsub.s32 v11, v23  }
0x5b: {  	v11 =	vadd.s32 $0x1, v16;
	vm0 =	vlt.f32 v18, v8;
	v18 =	vadd.s32 $0x410, v23  }
0x5c: {  	v12 =	vsel vm0, v11, v12;
	v15 =	vsel vm0, v15, v16  }
0x5d: {  	s21 =	simm.s32 $0x440;
	v16 =	vadd.s32 v12, v15;
	vm0 =	vlt.f32 v21, v10;
	v21 =	vadd.s32 $0x1, v19  }
0x5e: {  	v11 =	vld [tilespmem:s21+$0xFFFFFBF0];
	v16 =	vshrl.u32 v16, $0x1;
	v13 =	vsel vm0, v21, v13;
	v17 =	vsel vm0, v17, v19  }
0x5f: {  	v19 =	vadd.s32 $0x410, v16;
	v21 =	vadd.s32 v13, v17  }
0x60: {  	v21 =	vshrl.u32 v21, $0x1;
	v18 =	vld.idx.msk [tilespmem:v18+s3+$0x0], $0xffff  }
0x61: {  	v24 =	vadd.s32 $0x410, v21;
	_ =	sdelay $0x1  }
0x62: {  	vm0 =	vlt.f32 v14, v11  }
0x63: {  	v25 =	vsel vm0, $0x301, v4;
	v19 =	vld.idx.msk [tilespmem:v19+s3+$0x0], $0xffff  }
0x64: {  	v26 =	vor.u32 $0x410, v25;
	vm1 =	vlt.f32 v18, v9;
	v18 =	vadd.s32 $0x1, v23  }
0x65: {  	v24 =	vld.idx.msk [tilespmem:v24+s3+$0x0], $0xffff;
	v18 =	vsel vm1, v18, v22;
	v20 =	vsel vm1, v20, v23  }
0x66: {  	v22 =	vxor.u32 v18, v20  }
0x67: {  	v23 =	vand.u32 v18, v20;
	v22 =	vshrl.u32 v22, $0x1  }
0x68: {  	vm1 =	vlt.f32 v19, v8;
	v19 =	vadd.s32 $0x1, v16;
	v22 =	vadd.s32 v22, v23  }
0x69: {  	v12 =	vsel vm1, v19, v12;
	v15 =	vsel vm1, v15, v16;
	v16 =	vadd.s32 $0x410, v22;
	v19 =	vld.idx.msk [tilespmem:v26+s3+$0x0], $0xffff  }
0x6a: {  	v23 =	vadd.s32 v12, v15;
	vm1 =	vlt.f32 v24, v10;
	v24 =	vadd.s32 $0x1, v21  }
0x6b: {  	v23 =	vshrl.u32 v23, $0x1;
	v13 =	vsel vm1, v24, v13;
	v17 =	vsel vm1, v17, v21  }
0x6c: {  	v21 =	vadd.s32 $0x410, v23;
	v24 =	vadd.s32 v13, v17  }
0x6d: {  	v24 =	vshrl.u32 v24, $0x1  }
0x6e: {  	v26 =	vsel vm0, $0x401, v3;
	v16 =	vld.idx.msk [tilespmem:v16+s3+$0x0], $0xffff;
	v27 =	vadd.s32 $0x410, v24;
	vm1 =	vlt.f32 v19, v11  }
0x6f: {  	v28 =	vadd.s32 $0x1, v25;
	v19 =	vsel vm0, $0x201, v2;
	v25 =	vsel vm1, v26, v25  }
0x70: {  	v19 =	vsel vm1, v28, v19;
	v26 =	vadd.s32 $0xFFFFFFFF, v25  }
0x71: {  	v21 =	vld.idx.msk [tilespmem:v21+s3+$0x0], $0xffff;
	v28 =	vxor.u32 v26, v19  }
0x72: {  	v26 =	vor.u32 v26, v19;
	v28 =	vshrl.u32 v28, $0x1  }
0x73: {  	vm0 =	vlt.f32 v16, v9;
	v16 =	vadd.s32 $0x1, v22;
	v27 =	vld.idx.msk [tilespmem:v27+s3+$0x0], $0xffff;
	v26 =	vsub.s32 v26, v28  }
0x74: {  	v16 =	vsel vm0, v16, v18;
	v18 =	vsel vm0, v20, v22;
	v20 =	vadd.s32 $0x410, v26  }
0x75: {  	v22 =	vadd.s32 v16, v18  }
0x76: {  	v22 =	vshrl.u32 v22, $0x1;
	vm0 =	vlt.f32 v21, v8;
	v21 =	vadd.s32 $0x1, v23  }
0x77: {  	s23 =	simm.s32 $0x450;
	v21 =	vsel vm0, v21, v12;
	v15 =	vsel vm0, v15, v23;
	v23 =	vadd.s32 $0x410, v22  }
0x78: {  	v12 =	vld [tilespmem:s23+$0xFFFFFBF0];
	v28 =	vadd.s32 v21, v15;
	vm0 =	vlt.f32 v27, v10;
	v27 =	vadd.s32 $0x1, v24  }
0x79: {  	v28 =	vshrl.u32 v28, $0x1;
	v13 =	vsel vm0, v27, v13;
	v17 =	vsel vm0, v17, v24;
	v20 =	vld.idx.msk [tilespmem:v20+s3+$0x0], $0xffff  }
0x7a: {  	v24 =	vadd.s32 $0x410, v28;
	v27 =	vadd.s32 v13, v17  }
0x7b: {  	v27 =	vshrl.u32 v27, $0x1  }
0x7c: {  	v23 =	vld.idx.msk [tilespmem:v23+s3+$0x0], $0xffff;
	v29 =	vadd.s32 $0x410, v27  }
0x7d: {  	vm0 =	vlt.f32 v14, v12  }
0x7e: {  	v30 =	vsel vm0, $0x301, v4;
	vm1 =	vlt.f32 v20, v11;
	v20 =	vadd.s32 $0x1, v26  }
0x7f: {  	v31 =	vor.u32 $0x410, v30;
	v24 =	vld.idx.msk [tilespmem:v24+s3+$0x0], $0xffff;
	v19 =	vsel vm1, v20, v19;
	v20 =	vsel vm1, v25, v26  }
0x80: {  	v25 =	vand.u32 v19, v20;
	v26 =	vxor.u32 v19, v20  }
0x81: {  	v29 =	vld.idx.msk [tilespmem:v29+s3+$0x0], $0xffff;
	v26 =	vshrl.u32 v26, $0x1;
	vm1 =	vlt.f32 v23, v9;
	v23 =	vadd.s32 $0x1, v22  }
0x82: {  	v25 =	vadd.s32 v26, v25;
	v16 =	vsel vm1, v23, v16;
	v18 =	vsel vm1, v18, v22  }
0x83: {  	v22 =	vadd.s32 $0x410, v25;
	v23 =	vadd.s32 v16, v18  }
0x84: {  	v26 =	vld.idx.msk [tilespmem:v31+s3+$0x0], $0xffff;
	v23 =	vshrl.u32 v23, $0x1;
	vm1 =	vlt.f32 v24, v8;
	v24 =	vadd.s32 $0x1, v28  }
0x85: {  	v31 =	vadd.s32 $0x410, v23;
	v24 =	vsel vm1, v24, v21;
	v15 =	vsel vm1, v15, v28  }
0x86: {  	v28 =	vadd.s32 $0x1, v27;
	v21 =	vadd.s32 v24, v15;
	vm1 =	vlt.f32 v29, v10  }
0x87: {  	v29 =	vshrl.u32 v21, $0x1;
	v28 =	vsel vm1, v28, v13;
	v17 =	vsel vm1, v17, v27  }
0x88: {  	v32 =	vsel vm0, $0x401, v3;
	v21 =	vld.idx.msk [tilespmem:v22+s3+$0x0], $0xffff;
	v22 =	vadd.s32 $0x410, v29;
	v27 =	vadd.s32 v28, v17  }
0x89: {  	v13 =	vsel vm0, $0x201, v2;
	vm0 =	vlt.f32 v26, v12;
	v26 =	vshrl.u32 v27, $0x1  }
0x8a: {  	v27 =	vadd.s32 $0x1, v30;
	v30 =	vsel vm0, v32, v30;
	v61 =	vadd.s32 $0x410, v26  }
0x8b: {  	v31 =	vld.idx.msk [tilespmem:v31+s3+$0x0], $0xffff;
	v27 =	vsel vm0, v27, v13;
	v13 =	vadd.s32 $0xFFFFFFFF, v30  }
0x8c: {  	v33 =	vor.u32 v13, v27;
	v13 =	vxor.u32 v13, v27  }
0x8d: {  	v13 =	vshrl.u32 v13, $0x1;
	vm0 =	vlt.f32 v21, v11;
	v21 =	vadd.s32 $0x1, v25;
	v34 =	vld.idx.msk [tilespmem:v22+s3+$0x0], $0xffff  }
0x8e: {  	v36 =	vsub.s32 v33, v13;
	v37 =	vsel vm0, v21, v19;
	v25 =	vsel vm0, v20, v25  }
0x8f: {  	v33 =	vadd.s32 $0x410, v36;
	v13 =	vadd.s32 v37, v25;
	v32 =	vld.idx.msk [tilespmem:v61+s3+$0x0], $0xffff  }
0x90: {  	vm0 =	vlt.f32 v31, v9;
	v38 =	vshrl.u32 v13, $0x1;
	v13 =	vadd.s32 $0x1, v23  }
0x91: {  	v19 =	vadd.s32 $0x1, v29;
	v22 =	vsel vm0, v18, v23;
	v21 =	vsel vm0, v13, v16  }
0x92: {  	s31 =	simm.s32 $0x460;
	v18 =	vadd.s32 $0x410, v38;
	v16 =	vadd.s32 v21, v22;
	vm0 =	vlt.f32 v34, v8  }
0x93: {  	v13 =	vld [tilespmem:s31+$0xFFFFFBF0];
	v23 =	vshrl.u32 v16, $0x1;
	v20 =	vsel vm0, v19, v24;
	v19 =	vsel vm0, v15, v29  }
0x94: {  	v29 =	vld.idx.msk [tilespmem:v33+s3+$0x0], $0xffff;
	v15 =	vadd.s32 $0x1, v26;
	vm0 =	vlt.f32 v32, v10;
	v24 =	vadd.s32 v20, v19  }
0x95: {  	v16 =	vsel vm0, v15, v28;
	v15 =	vsel vm0, v17, v26;
	v26 =	vadd.s32 $0x410, v23  }
0x96: {  	v24 =	vshrl.u32 v24, $0x1;
	v15 =	vadd.s32 v16, v15  }
0x97: {  	v63 =	vadd.s32 $0x1, v38;
	v62 =	vld.idx.msk [tilespmem:v18+s3+$0x0], $0xffff;
	v28 =	vadd.s32 $0x410, v24;
	v18 =	vshrl.u32 v15, $0x1  }
0x98: {  	v17 =	vadd.s32 s22, v5;
	vm0 =	vlt.f32 v14, v13;
	v39 =	vadd.s32 $0x410, v18  }
0x99: {  	v33 =	vsel vm0, $0x301, v4;
	vm1 =	vlt.f32 v29, v12;
	v29 =	vadd.s32 $0x1, v36  }
0x9a: {  	v35 =	vor.u32 $0x410, v33;
	v29 =	vsel vm1, v29, v27;
	v30 =	vsel vm1, v30, v36;
	v31 =	vld.idx.msk [tilespmem:v26+s3+$0x0], $0xffff  }
0x9b: {  	s30 =	simm.s32 $0x10;
	v15 =	vimm.f32 $0.0e+00;
	v34 =	vsel vm0, $0x201, v2;
	v27 =	vxor.u32 v29, v30  }
0x9c: {  	s29 =	simm.s32 $0x20;
	s28 =	simm.s32 $0x30;
	s26 =	simm.s32 $0x40;
	v26 =	vand.u32 v29, v30;
	v28 =	vld.idx.msk [tilespmem:v28+s3+$0x0], $0xffff;
	v27 =	vshrl.u32 v27, $0x1;
	vm1 =	vlt.f32 v62, v11  }
0x9d: {  	s25 =	simm.s32 $0x50;
	s24 =	simm.s32 $0x460;
	s1 =	simm.s32 $0x60;
	v32 =	vadd.s32 v27, v26;
	v27 =	vsel vm1, v63, v37;
	v26 =	vsel vm1, v25, v38;
	v25 =	vld.idx.msk [tilespmem:v39+s3+$0x0], $0xffff  }
.LBB2_3:
0x9e: {  	p0 =	sne.s32 s1, $0x400;
	v36 =	vsel vm0, $0x401, v3;
	v37 =	vadd.s32 $0x410, v32;
	v38 =	vadd.s32 v27, v26  }
0x9f: {  	vm0 =	vlt.f32 v31, v9;
	v31 =	vadd.s32 $0x1, v23;
	v35 =	vld.idx.msk [tilespmem:v35+s3+$0x0], $0xffff;
	v38 =	vshrl.u32 v38, $0x1  }
0xa0: {  	v31 =	vsel vm0, v31, v21;
	v40 =	vsel vm0, v22, v23;
	v39 =	vadd.s32 $0x410, v38  }
0xa1: {  	v22 =	vadd.s32 $0x1, v24;
	v21 =	vadd.s32 v31, v40;
	vm0 =	vlt.f32 v28, v8  }
0xa2: {  	v23 =	vadd.s32 $0x1, v33;
	v28 =	vshrl.u32 v21, $0x1;
	v41 =	vsel vm0, v22, v20  }
0xa3: {  	v18 =	vadd.s32 $0x1, v18;
	v20 =	vld.idx.msk [tilespmem:v37+s3+$0x0], $0xffff;
	v37 =	vsel vm0, v19, v24;
	vm0 =	vlt.f32 v25, v10  }
0xa4: {  	v19 =	vadd.s32 $0x410, v28;
	v21 =	vadd.s32 v41, v37;
	v16 =	vsel vm0, v18, v16  }
0xa5: {  	vm0 =	vlt.f32 v35, v13;
	v18 =	vshrl.u32 v21, $0x1;
	vm1 =	vgt.s32 v16, v17;
	v21 =	vld [tilespmem:s20+$0x0]  }
0xa6: {  	v25 =	vsel vm0, v36, v33;
	v22 =	vld.idx.msk [tilespmem:v39+s3+$0x0], $0xffff;
	v24 =	vadd.s32 $0x410, v18;
	v16 =	vsel vm1, v16, v17  }
0xa7: {  	v34 =	vsel vm0, v23, v34;
	v17 =	vadd.s32 $0xFFFFFFFF, v25;
	v23 =	vadd.s32 $0x81F, v16  }
0xa8: {  	v35 =	vxor.u32 s22, v6;
	s22 =	smov.u32 s30;
	s30 =	smov.u32 s29;
	s29 =	smov.u32 s28;
	v33 =	vor.u32 v17, v34;
	v17 =	vxor.u32 v17, v34  }
0xa9: {  	s31 =	sadd.s32 $0x10, s31;
	s28 =	smov.u32 s26;
	s26 =	smov.u32 s25;
	v17 =	vshrl.u32 v17, $0x1;
	vm0 =	vlt.f32 v20, v12;
	v20 =	vadd.s32 $0x1, v32;
	v19 =	vld.idx.msk [tilespmem:v19+s3+$0x0], $0xffff  }
0xaa: {  	s25 =	smov.u32 s1;
	v39 =	vsub.s32 v33, v17;
	v42 =	vsel vm0, v20, v29;
	v43 =	vsel vm0, v30, v32;
	v36 =	vld [tilespmem:s31+$0xFFFFFBF0]  }
0xab: {  	v17 =	vadd.s32 $0x410, v39;
	v20 =	vadd.s32 v42, v43;
	v29 =	vsub.f32 v10, v21;
	v24 =	vld.idx.msk [tilespmem:v24+s3+$0x0], $0xffff  }
0xac: {  	v44 =	vshrl.u32 v20, $0x1;
	vm0 =	vlt.f32 v22, v11;
	v20 =	vadd.s32 $0x1, v38;
	v30 =	vld.idx.msk [tilespmem:v23+s3+$0x0], $0xffff  }
0xad: {  	v16 =	vadd.s32 v35, v16;
	v21 =	vsel vm0, v20, v27;
	v22 =	vsel vm0, v26, v38  }
0xae: {  	v16 =	vcvt.s32.f32 v16;
	v26 =	vadd.s32 $0x410, v44;
	v20 =	vadd.s32 v21, v22  }
0xaf: {  	v23 =	vshrl.u32 v20, $0x1;
	vm0 =	vlt.f32 v19, v9;
	v19 =	vadd.s32 $0x1, v28;
	v27 =	vld [tilespmem:s20+$0x410];
	s20 =	smov.u32 s18;
	s18 =	smov.u32 s19;
	s19 =	smov.u32 s21  }
0xb0: {  	v16 =	vmul.f32 v16, v10;
	v10 =	vmovc v8;
	v20 =	vsel vm0, v19, v31;
	v19 =	vsel vm0, v40, v28;
	s21 =	smov.u32 s23;
	s23 =	smov.u32 s24;
	s24 =	smov.u32 s31  }
0xb1: {  	v8 =	vmovc v9;
	vm0 =	vlt.f32 v14, v36;
	v31 =	vadd.s32 $0x410, v23;
	v28 =	vld.idx.msk [tilespmem:v17+s3+$0x0], $0xffff;
	v17 =	vadd.s32 v20, v19  }
0xb2: {  	v32 =	vadd.s32 $0x1, v18;
	v9 =	vmovc v11;
	v11 =	vmovc v12;
	vm1 =	vlt.f32 v24, v10;
	v30 =	vsub.f32 v16, v30  }
0xb3: {  	v12 =	vmovc v13;
	v13 =	vmovc v36;
	v16 =	vsel vm1, v32, v41;
	v24 =	vshrl.u32 v17, $0x1;
	v17 =	vsel vm1, v37, v18  }
0xb4: {  	v32 =	vadd.s32 $0x410, v24;
	v17 =	vadd.s32 v16, v17;
	v26 =	vld.idx.msk [tilespmem:v26+s3+$0x0], $0xffff;
	v27 =	vadd.f32 v27, v30  }
0xb5: {  	v33 =	vsel vm0, $0x301, v4;
	v18 =	vshrl.u32 v17, $0x1;
	v17 =	vadd.s32 s22, v5  }
0xb6: {  	v15 =	vadd.f32 v29, v15;
	v36 =	vadd.s32 $0x410, v18;
	v27 =	vadd.f32 v27, v27  }
.Ltmp0:
0xb7: {  	v35 =	vor.u32 $0x410, v33;
	vm1 =	vlt.f32 v28, v12;
	v28 =	vadd.s32 $0x1, v39;
	v31 =	vld.idx.msk [tilespmem:v31+s3+$0x0], $0xffff;
	(pc) =	sbr.rel @p0 .LBB2_3-.Ltmp0, $4  }
0xb8: {  	v29 =	vsel vm1, v28, v34;
	v30 =	vsel vm1, v25, v39;
	v15 =	vadd.f32 v15, v27  }
0xb9: {  	v34 =	vsel vm0, $0x201, v2;
	v25 =	vand.u32 v29, v30;
	v27 =	vxor.u32 v29, v30;
	v28 =	vld.idx.msk [tilespmem:v32+s3+$0x0], $0xffff  }
0xba: {  	v27 =	vshrl.u32 v27, $0x1;
	vm1 =	vlt.f32 v26, v11;
	v26 =	vadd.s32 $0x1, v44  }
0xbb: {  	s1 =	sadd.s32 $0x10, s1;
	v32 =	vadd.s32 v27, v25;
	v27 =	vsel vm1, v26, v42;
	v26 =	vsel vm1, v43, v44;
	v25 =	vld.idx.msk [tilespmem:v36+s3+$0x0], $0xffff  }
0xbc: {  	_ =	sdelay $0x3  }
0xbd: {  	v14 =	vld.idx.msk [tilespmem:v35+s3+$0x0], $0xffff;
	_ =	sdelay $0x4  }
0xbe: {  	v62 =	vsel vm0, $0x401, v3;
	vm0 =	vlt.f32 v14, v13  }
0xbf: {  	v14 =	vadd.s32 $0x1, v33;
	v63 =	vsel vm0, v62, v33  }
0xc0: {  	v14 =	vsel vm0, v14, v34;
	v37 =	vadd.s32 $0xFFFFFFFF, v63  }
0xc1: {  	v38 =	vxor.u32 v37, v14  }
0xc2: {  	v34 =	vor.u32 v37, v14;
	v35 =	vshrl.u32 v38, $0x1  }
0xc3: {  	v34 =	vsub.s32 v34, v35  }
0xc4: {  	v35 =	vadd.s32 $0x410, v34;
	_ =	sdelay $0x4  }
0xc5: {  	v35 =	vld.idx.msk [tilespmem:v35+s3+$0x0], $0xffff;
	_ =	sdelay $0x3  }
0xc6: {  	v36 =	vadd.s32 $0x410, v32  }
0xc7: {  	v39 =	vadd.s32 $0x1, v34;
	vm0 =	vlt.f32 v35, v13  }
0xc8: {  	v14 =	vsel vm0, v39, v14;
	v33 =	vsel vm0, v63, v34  }
0xc9: {  	v34 =	vxor.u32 v14, v33  }
0xca: {  	v35 =	vand.u32 v14, v33;
	v34 =	vshrl.u32 v34, $0x1  }
0xcb: {  	v40 =	vld.idx.msk [tilespmem:v36+s3+$0x0], $0xffff;
	v34 =	vadd.s32 v34, v35  }
0xcc: {  	v41 =	vadd.s32 $0x410, v34;
	_ =	sdelay $0x3  }
0xcd: {  	v42 =	vadd.s32 $0x1, v32;
	vm0 =	vlt.f32 v40, v12  }
0xce: {  	v29 =	vsel vm0, v42, v29;
	v30 =	vsel vm0, v30, v32;
	v36 =	vld.idx.msk [tilespmem:v41+s3+$0x0], $0xffff  }
0xcf: {  	v32 =	vadd.s32 v29, v30  }
0xd0: {  	v32 =	vshrl.u32 v32, $0x1  }
0xd1: {  	v43 =	vadd.s32 $0x410, v32;
	_ =	sdelay $0x1  }
0xd2: {  	v44 =	vadd.s32 $0x1, v34;
	vm0 =	vlt.f32 v36, v13  }
0xd3: {  	v14 =	vsel vm0, v44, v14;
	v33 =	vsel vm0, v33, v34  }
0xd4: {  	v34 =	vadd.s32 v14, v33  }
0xd5: {  	v35 =	vld.idx.msk [tilespmem:v43+s3+$0x0], $0xffff;
	v34 =	vshrl.u32 v34, $0x1  }
0xd6: {  	v37 =	vadd.s32 v27, v26;
	v45 =	vadd.s32 $0x410, v34  }
0xd7: {  	v37 =	vshrl.u32 v37, $0x1  }
0xd8: {  	v38 =	vadd.s32 $0x410, v37;
	_ =	sdelay $0x1  }
0xd9: {  	v46 =	vadd.s32 $0x1, v32;
	vm0 =	vlt.f32 v35, v12  }
0xda: {  	v29 =	vsel vm0, v46, v29;
	v30 =	vsel vm0, v30, v32;
	v36 =	vld.idx.msk [tilespmem:v45+s3+$0x0], $0xffff  }
0xdb: {  	v32 =	vadd.s32 v29, v30  }
0xdc: {  	v47 =	vld.idx.msk [tilespmem:v38+s3+$0x0], $0xffff;
	v32 =	vshrl.u32 v32, $0x1  }
0xdd: {  	v48 =	vadd.s32 $0x410, v32;
	_ =	sdelay $0x1  }
0xde: {  	v49 =	vadd.s32 $0x1, v34;
	vm0 =	vlt.f32 v36, v13  }
0xdf: {  	v14 =	vsel vm0, v49, v14;
	v33 =	vsel vm0, v33, v34  }
0xe0: {  	v50 =	vadd.s32 $0x1, v37;
	vm0 =	vlt.f32 v47, v11;
	v34 =	vadd.s32 v14, v33  }
0xe1: {  	v51 =	vld.idx.msk [tilespmem:v48+s3+$0x0], $0xffff;
	v27 =	vsel vm0, v50, v27;
	v26 =	vsel vm0, v26, v37;
	v34 =	vshrl.u32 v34, $0x1  }
0xe2: {  	v35 =	vadd.s32 v27, v26;
	v52 =	vadd.s32 $0x410, v34  }
0xe3: {  	v35 =	vshrl.u32 v35, $0x1  }
0xe4: {  	v53 =	vadd.s32 $0x410, v35;
	_ =	sdelay $0x1  }
0xe5: {  	v54 =	vadd.s32 $0x1, v32;
	vm0 =	vlt.f32 v51, v12  }
0xe6: {  	v29 =	vsel vm0, v54, v29;
	v30 =	vsel vm0, v30, v32;
	v38 =	vld.idx.msk [tilespmem:v52+s3+$0x0], $0xffff  }
0xe7: {  	vm0 =	vlt.f32 v31, v9;
	v32 =	vadd.s32 v29, v30  }
0xe8: {  	v31 =	vadd.s32 $0x1, v23;
	v22 =	vsel vm0, v22, v23;
	v32 =	vshrl.u32 v32, $0x1;
	v23 =	vld.idx.msk [tilespmem:v53+s3+$0x0], $0xffff  }
0xe9: {  	v21 =	vsel vm0, v31, v21;
	v31 =	vadd.s32 $0x410, v32  }
0xea: {  	v55 =	vadd.s32 v21, v22  }
0xeb: {  	v56 =	vadd.s32 $0x1, v34;
	v36 =	vshrl.u32 v55, $0x1;
	vm0 =	vlt.f32 v38, v13  }
0xec: {  	v57 =	vadd.s32 $0x410, v36;
	v14 =	vsel vm0, v56, v14  }
0xed: {  	v33 =	vsel vm0, v33, v34;
	vm0 =	vlt.f32 v23, v11;
	v23 =	vadd.s32 $0x1, v35  }
0xee: {  	v31 =	vld.idx.msk [tilespmem:v31+s3+$0x0], $0xffff;
	v37 =	vadd.s32 v14, v33;
	v23 =	vsel vm0, v23, v27  }
0xef: {  	v26 =	vsel vm0, v26, v35;
	vm0 =	vlt.f32 v28, v8;
	v37 =	vshrl.u32 v37, $0x1  }
0xf0: {  	v28 =	vadd.s32 $0x1, v24;
	v27 =	vadd.s32 v23, v26;
	v58 =	vadd.s32 $0x410, v37  }
0xf1: {  	v20 =	vsel vm0, v28, v20;
	v19 =	vsel vm0, v19, v24;
	v27 =	vshrl.u32 v27, $0x1  }
0xf2: {  	v34 =	vld.idx.msk [tilespmem:v57+s3+$0x0], $0xffff;
	v28 =	vadd.s32 v20, v19;
	v24 =	vadd.s32 $0x410, v27  }
0xf3: {  	vm0 =	vlt.f32 v31, v12;
	v31 =	vadd.s32 $0x1, v32;
	v28 =	vshrl.u32 v28, $0x1  }
0xf4: {  	v29 =	vsel vm0, v31, v29;
	v30 =	vsel vm0, v30, v32;
	v31 =	vadd.s32 $0x410, v28  }
0xf5: {  	v32 =	vadd.s32 v29, v30;
	v59 =	vld.idx.msk [tilespmem:v58+s3+$0x0], $0xffff  }
0xf6: {  	v32 =	vshrl.u32 v32, $0x1  }
0xf7: {  	v60 =	vadd.s32 $0x1, v36;
	vm0 =	vlt.f32 v34, v9;
	v61 =	vadd.s32 $0x410, v32;
	v24 =	vld.idx.msk [tilespmem:v24+s3+$0x0], $0xffff  }
0xf8: {  	v21 =	vsel vm0, v60, v21;
	v22 =	vsel vm0, v22, v36  }
0xf9: {  	v36 =	vadd.s32 v21, v22;
	v31 =	vld.idx.msk [tilespmem:v31+s3+$0x0], $0xffff  }
0xfa: {  	v62 =	vadd.s32 $0x1, v37;
	v36 =	vshrl.u32 v36, $0x1;
	vm0 =	vlt.f32 v59, v13  }
0xfb: {  	v63 =	vadd.s32 $0x410, v36;
	v14 =	vsel vm0, v62, v14  }
0xfc: {  	v34 =	vld.idx.msk [tilespmem:v61+s3+$0x0], $0xffff;
	v33 =	vsel vm0, v33, v37;
	vm0 =	vlt.f32 v24, v11;
	v24 =	vadd.s32 $0x1, v27  }
0xfd: {  	v37 =	vadd.s32 v14, v33;
	v23 =	vsel vm0, v24, v23  }
0xfe: {  	v24 =	vsel vm0, v26, v27;
	vm0 =	vlt.f32 v31, v8;
	v37 =	vshrl.u32 v37, $0x1  }
0xff: {  	v31 =	vadd.s32 $0x1, v28;
	v26 =	vadd.s32 v23, v24;
	v40 =	vadd.s32 $0x410, v37  }
0x100: {  	v18 =	vadd.s32 $0x1, v18;
	v27 =	vld.idx.msk [tilespmem:v63+s3+$0x0], $0xffff;
	v20 =	vsel vm0, v31, v20;
	v26 =	vshrl.u32 v26, $0x1  }
0x101: {  	vm1 =	vlt.f32 v34, v12;
	v31 =	vadd.s32 $0x1, v32;
	v41 =	vadd.s32 $0x410, v26  }
0x102: {  	v19 =	vsel vm0, v19, v28;
	vm0 =	vlt.f32 v25, v10;
	v28 =	vsel vm1, v31, v29  }
0x103: {  	v29 =	vsel vm1, v30, v32;
	v19 =	vadd.s32 v20, v19;
	v43 =	vadd.s32 $0x1, v37  }
0x104: {  	v16 =	vsel vm0, v18, v16;
	v25 =	vadd.s32 v28, v29;
	v19 =	vshrl.u32 v19, $0x1;
	v42 =	vld.idx.msk [tilespmem:v40+s3+$0x0], $0xffff  }
0x105: {  	v25 =	vshrl.u32 v25, $0x1;
	vm1 =	vlt.f32 v27, v9;
	v27 =	vadd.s32 $0x1, v36  }
0x106: {  	v30 =	vadd.s32 $0x410, v25;
	v21 =	vsel vm1, v27, v21;
	v22 =	vsel vm1, v22, v36;
	v27 =	vld.idx.msk [tilespmem:v41+s3+$0x0], $0xffff  }
0x107: {  	vm0 =	vgt.s32 v16, v17;
	v47 =	vadd.s32 $0x410, v19;
	v31 =	vadd.s32 v21, v22  }
0x108: {  	v16 =	vsel vm0, v16, v17;
	v17 =	vxor.u32 s22, v6;
	v31 =	vshrl.u32 v31, $0x1  }
0x109: {  	v17 =	vadd.s32 v17, v16;
	v45 =	vadd.s32 $0x410, v31;
	vm1 =	vlt.f32 v42, v13  }
0x10a: {  	v16 =	vadd.s32 $0x81F, v16;
	v14 =	vsel vm1, v43, v14;
	v44 =	vsel vm1, v33, v37  }
0x10b: {  	v30 =	vld.idx.msk [tilespmem:v30+s3+$0x0], $0xffff;
	vm1 =	vlt.f32 v27, v11;
	v27 =	vadd.s32 $0x1, v26;
	v46 =	vadd.s32 v14, v44  }
0x10c: {  	v18 =	vsel vm1, v27, v23;
	v23 =	vsel vm1, v24, v26;
	v34 =	vshrl.u32 v46, $0x1  }
0x10d: {  	v24 =	vadd.s32 v18, v23;
	v48 =	vadd.s32 $0x410, v34  }
0x10e: {  	v26 =	vld.idx.msk [tilespmem:v45+s3+$0x0], $0xffff;
	v24 =	vshrl.u32 v24, $0x1  }
0x10f: {  	v27 =	vld.idx.msk [tilespmem:v47+s3+$0x0], $0xffff;
	v49 =	vadd.s32 $0x410, v24  }
0x110: {  	v17 =	vcvt.s32.f32 v17;
	v16 =	vld.idx.msk [tilespmem:v16+s3+$0x0], $0xffff;
	vm0 =	vlt.f32 v30, v12;
	v30 =	vadd.s32 $0x1, v25  }
0x111: {  	v28 =	vsel vm0, v30, v28;
	v25 =	vsel vm0, v29, v25  }
0x112: {  	v19 =	vadd.s32 $0x1, v19;
	v17 =	vmul.f32 v17, v10;
	v30 =	vadd.s32 v28, v25;
	v50 =	vld.idx.msk [tilespmem:v48+s3+$0x0], $0xffff  }
0x113: {  	v30 =	vshrl.u32 v30, $0x1;
	vm0 =	vlt.f32 v26, v9;
	v26 =	vadd.s32 $0x1, v31  }
0x114: {  	vm1 =	vlt.f32 v27, v8;
	v27 =	vadd.s32 $0x410, v30;
	v21 =	vsel vm0, v26, v21;
	v26 =	vld.idx.msk [tilespmem:v49+s3+$0x0], $0xffff  }
0x115: {  	v16 =	vsub.f32 v17, v16;
	v29 =	vadd.s32 s30, v5;
	v22 =	vsel vm0, v22, v31  }
0x116: {  	v51 =	vld [tilespmem:s20+$0x0];
	v31 =	vadd.s32 $0x1, v34;
	v19 =	vsel vm1, v19, v20;
	v22 =	vadd.s32 v21, v22  }
0x117: {  	v53 =	vld [tilespmem:s20+$0x410];
	vm1 =	vgt.s32 v19, v29;
	v22 =	vshrl.u32 v22, $0x1;
	vm0 =	vlt.f32 v50, v13  }
0x118: {  	v20 =	vadd.s32 $0x410, v22;
	v14 =	vsel vm0, v31, v14;
	v31 =	vsel vm0, v44, v34  }
0x119: {  	v27 =	vld.idx.msk [tilespmem:v27+s3+$0x0], $0xffff;
	vm0 =	vlt.f32 v26, v11;
	v26 =	vadd.s32 $0x1, v24;
	v52 =	vadd.s32 v14, v31  }
0x11a: {  	v18 =	vsel vm0, v26, v18;
	v23 =	vsel vm0, v23, v24;
	v33 =	vshrl.u32 v52, $0x1  }
0x11b: {  	v17 =	vsel vm1, v19, v29;
	v19 =	vadd.s32 v18, v23;
	v54 =	vadd.s32 $0x410, v33  }
0x11c: {  	v10 =	vsub.f32 v10, v51;
	v16 =	vadd.f32 v53, v16;
	v19 =	vshrl.u32 v19, $0x1  }
0x11d: {  	v24 =	vxor.u32 s30, v6;
	v20 =	vld.idx.msk [tilespmem:v20+s3+$0x0], $0xffff;
	v23 =	vadd.s32 $0x81F, v17;
	v26 =	vadd.s32 $0x410, v19  }
0x11e: {  	v17 =	vadd.s32 v24, v17;
	vm0 =	vlt.f32 v27, v12;
	v24 =	vadd.s32 $0x1, v30  }
0x11f: {  	v10 =	vadd.f32 v10, v15;
	v15 =	vadd.f32 v16, v16;
	v24 =	vsel vm0, v24, v28;
	v28 =	vld [tilespmem:s18+$0x0]  }
0x120: {  	v25 =	vsel vm0, v25, v30;
	v27 =	vld.idx.msk [tilespmem:v54+s3+$0x0], $0xffff  }
0x121: {  	v10 =	vadd.f32 v10, v15;
	v17 =	vcvt.s32.f32 v17;
	v16 =	vadd.s32 v24, v25  }
0x122: {  	v25 =	vadd.s32 s29, v5;
	vm0 =	vlt.f32 v20, v9;
	v20 =	vadd.s32 $0x1, v22;
	v22 =	vld.idx.msk [tilespmem:v26+s3+$0x0], $0xffff  }
0x123: {  	v19 =	vadd.s32 $0x1, v19;
	v17 =	vmul.f32 v17, v8;
	v16 =	vshrl.u32 v16, $0x1  }
0x124: {  	v23 =	vld.idx.msk [tilespmem:v23+s3+$0x0], $0xffff;
	v20 =	vsel vm0, v20, v21;
	v21 =	vadd.s32 $0x1, v33;
	v26 =	vadd.s32 $0x410, v16  }
0x125: {  	vm1 =	vgt.s32 v20, v25;
	v8 =	vsub.f32 v8, v28;
	vm0 =	vlt.f32 v27, v13  }
0x126: {  	v15 =	vsel vm1, v20, v25;
	v14 =	vsel vm0, v21, v14;
	v21 =	vsel vm0, v31, v33  }
0x127: {  	v25 =	vadd.s32 s28, v5;
	v27 =	vld [tilespmem:s18+$0x410];
	vm0 =	vlt.f32 v22, v11;
	v20 =	vadd.s32 v14, v21  }
0x128: {  	v21 =	vadd.s32 $0x81F, v15;
	v18 =	vsel vm0, v19, v18;
	v20 =	vshrl.u32 v20, $0x1  }
0x129: {  	v17 =	vsub.f32 v17, v23;
	v22 =	vld.idx.msk [tilespmem:v26+s3+$0x0], $0xffff;
	vm0 =	vgt.s32 v18, v25;
	v23 =	vadd.s32 $0x410, v20  }
0x12a: {  	v8 =	vadd.f32 v8, v10;
	v10 =	vld [tilespmem:s19+$0x0];
	v19 =	vxor.u32 s29, v6;
	v18 =	vsel vm0, v18, v25  }
0x12b: {  	v15 =	vadd.s32 v19, v15;
	v19 =	vadd.s32 $0x81F, v18  }
0x12c: {  	v15 =	vcvt.s32.f32 v15;
	v17 =	vadd.f32 v27, v17  }
0x12d: {  	v16 =	vadd.s32 $0x1, v16;
	v25 =	vadd.s32 s26, v5;
	v21 =	vld.idx.msk [tilespmem:v21+s3+$0x0], $0xffff  }
0x12e: {  	vm0 =	vlt.f32 v22, v12;
	v15 =	vmul.f32 v15, v9;
	v17 =	vadd.f32 v17, v17;
	v22 =	vld.idx.msk [tilespmem:v23+s3+$0x0], $0xffff  }
0x12f: {  	v9 =	vsub.f32 v9, v10;
	v10 =	vxor.u32 s28, v6;
	v16 =	vsel vm0, v16, v24;
	v23 =	vld [tilespmem:s19+$0x410]  }
0x130: {  	v10 =	vadd.s32 v10, v18;
	vm0 =	vgt.s32 v16, v25;
	v8 =	vadd.f32 v8, v17;
	v17 =	vld.idx.msk [tilespmem:v19+s3+$0x0], $0xffff  }
0x131: {  	v10 =	vcvt.s32.f32 v10;
	v16 =	vsel vm0, v16, v25  }
0x132: {  	v20 =	vadd.s32 $0x1, v20;
	v18 =	vadd.s32 $0x81F, v16;
	v15 =	vsub.f32 v15, v21  }
0x133: {  	v8 =	vadd.f32 v9, v8;
	v9 =	vmul.f32 v10, v11;
	v21 =	vld [tilespmem:s21+$0x410];
	vm0 =	vlt.f32 v22, v13  }
0x134: {  	v19 =	vld [tilespmem:s21+$0x0];
	v15 =	vadd.f32 v23, v15;
	v22 =	vadd.s32 s25, v5;
	v14 =	vsel vm0, v20, v14  }
0x135: {  	v9 =	vsub.f32 v9, v17;
	vm0 =	vgt.s32 v14, v22  }
0x136: {  	v10 =	vadd.f32 v15, v15;
	v15 =	vxor.u32 s26, v6;
	v14 =	vsel vm0, v14, v22  }
0x137: {  	v15 =	vadd.s32 v15, v16;
	v16 =	vadd.s32 $0x81F, v14  }
0x138: {  	v17 =	vld.idx.msk [tilespmem:v18+s3+$0x0], $0xffff;
	v9 =	vadd.f32 v21, v9  }
0x139: {  	v11 =	vsub.f32 v11, v19;
	v8 =	vadd.f32 v8, v10;
	v10 =	vld [tilespmem:s23+$0x0];
	v15 =	vcvt.s32.f32 v15  }
0x13a: {  	v18 =	vld [tilespmem:s23+$0x410];
	v9 =	vadd.f32 v9, v9  }
0x13b: {  	v15 =	vmul.f32 v15, v12;
	v8 =	vadd.f32 v11, v8;
	v11 =	vxor.u32 s25, v6  }
0x13c: {  	v11 =	vadd.s32 v11, v14;
	v16 =	vld.idx.msk [tilespmem:v16+s3+$0x0], $0xffff  }
0x13d: {  	v15 =	vsub.f32 v15, v17;
	v8 =	vadd.f32 v8, v9;
	v9 =	vld [tilespmem:s24+$0x0];
	v11 =	vcvt.s32.f32 v11  }
0x13e: {  	v14 =	vld [tilespmem:s24+$0x410];
	v10 =	vsub.f32 v12, v10  }
0x13f: {  	v12 =	vadd.f32 v18, v15;
	v11 =	vmul.f32 v11, v13  }
0x140: {  	v8 =	vadd.f32 v10, v8  }
0x141: {  	v10 =	vadd.f32 v12, v12;
	v11 =	vsub.f32 v11, v16  }
0x142: {  	v9 =	vsub.f32 v13, v9  }
0x143: {  	v8 =	vadd.f32 v8, v10;
	v10 =	vadd.f32 v14, v11;
	_ =	sdelay $0x1  }
0x144: {  	v8 =	vadd.f32 v9, v8;
	v9 =	vadd.f32 v10, v10;
	_ =	sdelay $0x1  }
0x145: {  	v8 =	vadd.f32 v8, v9;
	_ =	sdelay $0x1  }
0x146: {  	(xrf2) =	vadd.scan.msk.f32 $0xffff, v8;
	_ =	sdelay $0x2  }
0x147: {  	s1 =	smin.u32 s17, $0x401  }
0x148: {  	s1 =	sadd.s32 $0x2, s1  }
0x149: {  	s26 =	smulhi.u32 $0xFF0100, s1;
	s25 =	sand.u32 $0xE, s16;
	v8 =	vmov s16  }
0x14a: {  	v9 =	vmov s25;
	v8 =	vand.u32 $0xFFFFFFFE, v8  }
0x14b: {  	s31 =	smul.u32 $0xFFFFFEFF, s26;
	vm0 =	veq.s32 v9, v0;
	v8 =	vbroadcast v8, $0x0  }
0x14c: {  	s18 =	smul.u32 $0x120, s26  }
0x14d: {  	s1 =	sadd.s32 s1, s31  }
0x14e: {  	s17 =	sadd.s32 s18, s1;
	v9, _, _ =	vpop (xrf2)  }
0x14f: {  	s17 =	sshrl.u32 s17, $0x3;
	v9 =	vbroadcast v9, $0xF  }
0x150: {  	s1 =	sshll.u32 s1, $0x7;
	s17 =	smul.u32 $0x6400, s17  }
0x151: {  	s1 =	sand.u32 $0x380, s1;
	[tilespmem:v8+s12+$0x0] =	vst.idx.msk vm0, v9  }
0x152: {  	s1 =	sor.u32 s1, s17;
	_ =	swait.ge [sflag:s5], $0xC80  }
0x153: {  	s1 =	sshrl.u32 s1, $0x3;
	[sflag:s5] =	ssyncset.done $0x0  }
0x154: {  	s21 =	simm.s32 $0x0;
	s1 =	sadd.s32 s4, s1;
	[sflag:s5] =	ssyncadd.s32 $0xFFFFF380  }
0x155: {  	[tilespmem:s21], [sflag:$0x1] =	stream.strided.gather [hbm4b:s1+s9], $0xC80, s10, s9, $0x38;
	[tilespmem:$0x1980] =	vst v63  }
0x156: {  	s19 =	simm.s32 $0x1090;
	v14 =	vld.idx.msk [tilespmem:v1+s11+$0x0], $0xffff  }
0x157: {  	v10 =	vld [tilespmem:s19+$0xFFFFFBF0];
	_ =	sdelay $0x4  }
0x158: {  	vm0 =	vlt.f32 v14, v10  }
0x159: {  	v8 =	vsel vm0, $0x301, v4  }
0x15a: {  	v9 =	vor.u32 $0x410, v8;
	_ =	sdelay $0x4  }
0x15b: {  	v9 =	vld.idx.msk [tilespmem:v9+s11+$0x0], $0xffff;
	_ =	sdelay $0x4  }
0x15c: {  	v11 =	vsel vm0, $0x401, v3;
	vm1 =	vlt.f32 v9, v10  }
0x15d: {  	v12 =	vadd.s32 $0x1, v8;
	v9 =	vsel vm0, $0x201, v2;
	v11 =	vsel vm1, v11, v8  }
0x15e: {  	v9 =	vsel vm1, v12, v9;
	v8 =	vadd.s32 $0xFFFFFFFF, v11  }
0x15f: {  	v12 =	vxor.u32 v8, v9  }
0x160: {  	v8 =	vor.u32 v8, v9;
	v12 =	vshrl.u32 v12, $0x1  }
0x161: {  	v12 =	vsub.s32 v8, v12  }
0x162: {  	v13 =	vadd.s32 $0x410, v12;
	_ =	sdelay $0x1  }
0x163: {  	s17 =	simm.s32 $0x10A0  }
0x164: {  	v8 =	vld [tilespmem:s17+$0xFFFFFBF0];
	_ =	sdelay $0x1  }
0x165: {  	v13 =	vld.idx.msk [tilespmem:v13+s11+$0x0], $0xffff;
	_ =	sdelay $0x2  }
0x166: {  	vm0 =	vlt.f32 v14, v8  }
0x167: {  	v15 =	vsel vm0, $0x301, v4  }
0x168: {  	v16 =	vor.u32 $0x410, v15;
	vm1 =	vlt.f32 v13, v10;
	v13 =	vadd.s32 $0x1, v12  }
0x169: {  	v9 =	vsel vm1, v13, v9;
	v11 =	vsel vm1, v11, v12  }
0x16a: {  	v12 =	vxor.u32 v9, v11  }
0x16b: {  	v13 =	vand.u32 v9, v11;
	v12 =	vshrl.u32 v12, $0x1  }
0x16c: {  	v12 =	vadd.s32 v12, v13  }
0x16d: {  	v16 =	vld.idx.msk [tilespmem:v16+s11+$0x0], $0xffff;
	v13 =	vadd.s32 $0x410, v12;
	_ =	sdelay $0x4  }
0x16e: {  	v17 =	vsel vm0, $0x401, v3;
	vm1 =	vlt.f32 v16, v8;
	v13 =	vld.idx.msk [tilespmem:v13+s11+$0x0], $0xffff  }
0x16f: {  	v18 =	vadd.s32 $0x1, v15;
	v16 =	vsel vm0, $0x201, v2;
	v15 =	vsel vm1, v17, v15  }
0x170: {  	v16 =	vsel vm1, v18, v16;
	v17 =	vadd.s32 $0xFFFFFFFF, v15  }
0x171: {  	v18 =	vxor.u32 v17, v16  }
0x172: {  	v17 =	vor.u32 v17, v16;
	v18 =	vshrl.u32 v18, $0x1  }
0x173: {  	v17 =	vsub.s32 v17, v18;
	vm0 =	vlt.f32 v13, v10;
	v13 =	vadd.s32 $0x1, v12  }
0x174: {  	v13 =	vsel vm0, v13, v9;
	v11 =	vsel vm0, v11, v12;
	v12 =	vadd.s32 $0x410, v17  }
0x175: {  	s18 =	simm.s32 $0x10B0;
	v18 =	vadd.s32 v13, v11  }
0x176: {  	v9 =	vld [tilespmem:s18+$0xFFFFFBF0];
	v18 =	vshrl.u32 v18, $0x1  }
0x177: {  	v19 =	vadd.s32 $0x410, v18;
	_ =	sdelay $0x1  }
0x178: {  	v12 =	vld.idx.msk [tilespmem:v12+s11+$0x0], $0xffff;
	_ =	sdelay $0x1  }
0x179: {  	vm0 =	vlt.f32 v14, v9  }
0x17a: {  	v20 =	vsel vm0, $0x301, v4;
	v19 =	vld.idx.msk [tilespmem:v19+s11+$0x0], $0xffff  }
0x17b: {  	v21 =	vor.u32 $0x410, v20  }
0x17c: {  	vm1 =	vlt.f32 v12, v8;
	v12 =	vadd.s32 $0x1, v17  }
0x17d: {  	v12 =	vsel vm1, v12, v16;
	v15 =	vsel vm1, v15, v17  }
0x17e: {  	v16 =	vand.u32 v12, v15;
	v17 =	vxor.u32 v12, v15  }
0x17f: {  	v17 =	vshrl.u32 v17, $0x1;
	vm1 =	vlt.f32 v19, v10;
	v19 =	vadd.s32 $0x1, v18  }
0x180: {  	v16 =	vadd.s32 v17, v16;
	v13 =	vsel vm1, v19, v13;
	v17 =	vsel vm1, v11, v18;
	v11 =	vld.idx.msk [tilespmem:v21+s11+$0x0], $0xffff  }
0x181: {  	v18 =	vadd.s32 $0x410, v16;
	v19 =	vadd.s32 v13, v17  }
0x182: {  	v19 =	vshrl.u32 v19, $0x1  }
0x183: {  	v21 =	vadd.s32 $0x410, v19;
	_ =	sdelay $0x1  }
0x184: {  	v22 =	vsel vm0, $0x401, v3;
	vm1 =	vlt.f32 v11, v9  }
0x185: {  	v23 =	vadd.s32 $0x1, v20;
	v11 =	vsel vm0, $0x201, v2;
	v18 =	vld.idx.msk [tilespmem:v18+s11+$0x0], $0xffff;
	v20 =	vsel vm1, v22, v20  }
0x186: {  	v22 =	vsel vm1, v23, v11;
	v11 =	vadd.s32 $0xFFFFFFFF, v20  }
0x187: {  	v21 =	vld.idx.msk [tilespmem:v21+s11+$0x0], $0xffff;
	v23 =	vxor.u32 v11, v22  }
0x188: {  	v11 =	vor.u32 v11, v22;
	v23 =	vshrl.u32 v23, $0x1  }
0x189: {  	v23 =	vsub.s32 v11, v23  }
0x18a: {  	v11 =	vadd.s32 $0x1, v16;
	vm0 =	vlt.f32 v18, v8;
	v18 =	vadd.s32 $0x410, v23  }
0x18b: {  	v12 =	vsel vm0, v11, v12;
	v15 =	vsel vm0, v15, v16  }
0x18c: {  	s20 =	simm.s32 $0x10C0;
	v16 =	vadd.s32 v12, v15;
	vm0 =	vlt.f32 v21, v10;
	v21 =	vadd.s32 $0x1, v19  }
0x18d: {  	v11 =	vld [tilespmem:s20+$0xFFFFFBF0];
	v16 =	vshrl.u32 v16, $0x1;
	v13 =	vsel vm0, v21, v13;
	v17 =	vsel vm0, v17, v19  }
0x18e: {  	v19 =	vadd.s32 $0x410, v16;
	v21 =	vadd.s32 v13, v17  }
0x18f: {  	v21 =	vshrl.u32 v21, $0x1;
	v18 =	vld.idx.msk [tilespmem:v18+s11+$0x0], $0xffff  }
0x190: {  	v24 =	vadd.s32 $0x410, v21;
	_ =	sdelay $0x1  }
0x191: {  	vm0 =	vlt.f32 v14, v11  }
0x192: {  	v25 =	vsel vm0, $0x301, v4;
	v19 =	vld.idx.msk [tilespmem:v19+s11+$0x0], $0xffff  }
0x193: {  	v26 =	vor.u32 $0x410, v25;
	vm1 =	vlt.f32 v18, v9;
	v18 =	vadd.s32 $0x1, v23  }
0x194: {  	v24 =	vld.idx.msk [tilespmem:v24+s11+$0x0], $0xffff;
	v18 =	vsel vm1, v18, v22;
	v20 =	vsel vm1, v20, v23  }
0x195: {  	v22 =	vxor.u32 v18, v20  }
0x196: {  	v23 =	vand.u32 v18, v20;
	v22 =	vshrl.u32 v22, $0x1  }
0x197: {  	vm1 =	vlt.f32 v19, v8;
	v19 =	vadd.s32 $0x1, v16;
	v22 =	vadd.s32 v22, v23  }
0x198: {  	v12 =	vsel vm1, v19, v12;
	v15 =	vsel vm1, v15, v16;
	v16 =	vadd.s32 $0x410, v22;
	v19 =	vld.idx.msk [tilespmem:v26+s11+$0x0], $0xffff  }
0x199: {  	v23 =	vadd.s32 v12, v15;
	vm1 =	vlt.f32 v24, v10;
	v24 =	vadd.s32 $0x1, v21  }
0x19a: {  	v23 =	vshrl.u32 v23, $0x1;
	v13 =	vsel vm1, v24, v13;
	v17 =	vsel vm1, v17, v21  }
0x19b: {  	v21 =	vadd.s32 $0x410, v23;
	v24 =	vadd.s32 v13, v17  }
0x19c: {  	v24 =	vshrl.u32 v24, $0x1  }
0x19d: {  	v26 =	vsel vm0, $0x401, v3;
	v16 =	vld.idx.msk [tilespmem:v16+s11+$0x0], $0xffff;
	v27 =	vadd.s32 $0x410, v24;
	vm1 =	vlt.f32 v19, v11  }
0x19e: {  	v28 =	vadd.s32 $0x1, v25;
	v19 =	vsel vm0, $0x201, v2;
	v25 =	vsel vm1, v26, v25  }
0x19f: {  	v19 =	vsel vm1, v28, v19;
	v26 =	vadd.s32 $0xFFFFFFFF, v25  }
0x1a0: {  	v21 =	vld.idx.msk [tilespmem:v21+s11+$0x0], $0xffff;
	v28 =	vxor.u32 v26, v19  }
0x1a1: {  	v26 =	vor.u32 v26, v19;
	v28 =	vshrl.u32 v28, $0x1  }
0x1a2: {  	vm0 =	vlt.f32 v16, v9;
	v16 =	vadd.s32 $0x1, v22;
	v27 =	vld.idx.msk [tilespmem:v27+s11+$0x0], $0xffff;
	v26 =	vsub.s32 v26, v28  }
0x1a3: {  	v16 =	vsel vm0, v16, v18;
	v18 =	vsel vm0, v20, v22;
	v20 =	vadd.s32 $0x410, v26  }
0x1a4: {  	v22 =	vadd.s32 v16, v18  }
0x1a5: {  	v22 =	vshrl.u32 v22, $0x1;
	vm0 =	vlt.f32 v21, v8;
	v21 =	vadd.s32 $0x1, v23  }
0x1a6: {  	s22 =	simm.s32 $0x10D0;
	v21 =	vsel vm0, v21, v12;
	v15 =	vsel vm0, v15, v23;
	v23 =	vadd.s32 $0x410, v22  }
0x1a7: {  	v12 =	vld [tilespmem:s22+$0xFFFFFBF0];
	v28 =	vadd.s32 v21, v15;
	vm0 =	vlt.f32 v27, v10;
	v27 =	vadd.s32 $0x1, v24  }
0x1a8: {  	v28 =	vshrl.u32 v28, $0x1;
	v13 =	vsel vm0, v27, v13;
	v17 =	vsel vm0, v17, v24;
	v20 =	vld.idx.msk [tilespmem:v20+s11+$0x0], $0xffff  }
0x1a9: {  	v24 =	vadd.s32 $0x410, v28;
	v27 =	vadd.s32 v13, v17  }
0x1aa: {  	v27 =	vshrl.u32 v27, $0x1  }
0x1ab: {  	v23 =	vld.idx.msk [tilespmem:v23+s11+$0x0], $0xffff;
	v29 =	vadd.s32 $0x410, v27  }
0x1ac: {  	vm0 =	vlt.f32 v14, v12  }
0x1ad: {  	v30 =	vsel vm0, $0x301, v4;
	vm1 =	vlt.f32 v20, v11;
	v20 =	vadd.s32 $0x1, v26  }
0x1ae: {  	v31 =	vor.u32 $0x410, v30;
	v24 =	vld.idx.msk [tilespmem:v24+s11+$0x0], $0xffff;
	v19 =	vsel vm1, v20, v19;
	v20 =	vsel vm1, v25, v26  }
0x1af: {  	v25 =	vand.u32 v19, v20;
	v26 =	vxor.u32 v19, v20  }
0x1b0: {  	v29 =	vld.idx.msk [tilespmem:v29+s11+$0x0], $0xffff;
	v26 =	vshrl.u32 v26, $0x1;
	vm1 =	vlt.f32 v23, v9;
	v23 =	vadd.s32 $0x1, v22  }
0x1b1: {  	v25 =	vadd.s32 v26, v25;
	v16 =	vsel vm1, v23, v16;
	v18 =	vsel vm1, v18, v22  }
0x1b2: {  	v22 =	vadd.s32 $0x410, v25;
	v23 =	vadd.s32 v16, v18  }
0x1b3: {  	v26 =	vld.idx.msk [tilespmem:v31+s11+$0x0], $0xffff;
	v23 =	vshrl.u32 v23, $0x1;
	vm1 =	vlt.f32 v24, v8;
	v24 =	vadd.s32 $0x1, v28  }
0x1b4: {  	v31 =	vadd.s32 $0x410, v23;
	v24 =	vsel vm1, v24, v21;
	v15 =	vsel vm1, v15, v28  }
0x1b5: {  	v28 =	vadd.s32 $0x1, v27;
	v21 =	vadd.s32 v24, v15;
	vm1 =	vlt.f32 v29, v10  }
0x1b6: {  	v29 =	vshrl.u32 v21, $0x1;
	v28 =	vsel vm1, v28, v13;
	v17 =	vsel vm1, v17, v27  }
0x1b7: {  	v55 =	vsel vm0, $0x401, v3;
	v21 =	vld.idx.msk [tilespmem:v22+s11+$0x0], $0xffff;
	v22 =	vadd.s32 $0x410, v29;
	v27 =	vadd.s32 v28, v17  }
0x1b8: {  	v13 =	vsel vm0, $0x201, v2;
	vm0 =	vlt.f32 v26, v12;
	v26 =	vshrl.u32 v27, $0x1  }
0x1b9: {  	v27 =	vadd.s32 $0x1, v30;
	v30 =	vsel vm0, v55, v30;
	v56 =	vadd.s32 $0x410, v26  }
0x1ba: {  	v31 =	vld.idx.msk [tilespmem:v31+s11+$0x0], $0xffff;
	v27 =	vsel vm0, v27, v13;
	v13 =	vadd.s32 $0xFFFFFFFF, v30  }
0x1bb: {  	v57 =	vor.u32 v13, v27;
	v13 =	vxor.u32 v13, v27  }
0x1bc: {  	v13 =	vshrl.u32 v13, $0x1;
	vm0 =	vlt.f32 v21, v11;
	v21 =	vadd.s32 $0x1, v25;
	v58 =	vld.idx.msk [tilespmem:v22+s11+$0x0], $0xffff  }
0x1bd: {  	v59 =	vsub.s32 v57, v13;
	v60 =	vsel vm0, v21, v19;
	v25 =	vsel vm0, v20, v25  }
0x1be: {  	v33 =	vadd.s32 $0x410, v59;
	v13 =	vadd.s32 v60, v25;
	v32 =	vld.idx.msk [tilespmem:v56+s11+$0x0], $0xffff  }
0x1bf: {  	vm0 =	vlt.f32 v31, v9;
	v61 =	vshrl.u32 v13, $0x1;
	v13 =	vadd.s32 $0x1, v23  }
0x1c0: {  	v19 =	vadd.s32 $0x1, v29;
	v22 =	vsel vm0, v18, v23;
	v21 =	vsel vm0, v13, v16  }
0x1c1: {  	s30 =	simm.s32 $0x10E0;
	v18 =	vadd.s32 $0x410, v61;
	v16 =	vadd.s32 v21, v22;
	vm0 =	vlt.f32 v58, v8  }
0x1c2: {  	v13 =	vld [tilespmem:s30+$0xFFFFFBF0];
	v23 =	vshrl.u32 v16, $0x1;
	v20 =	vsel vm0, v19, v24;
	v19 =	vsel vm0, v15, v29  }
0x1c3: {  	v29 =	vld.idx.msk [tilespmem:v33+s11+$0x0], $0xffff;
	v15 =	vadd.s32 $0x1, v26;
	vm0 =	vlt.f32 v32, v10;
	v24 =	vadd.s32 v20, v19  }
0x1c4: {  	v16 =	vsel vm0, v15, v28;
	v15 =	vsel vm0, v17, v26;
	v26 =	vadd.s32 $0x410, v23  }
0x1c5: {  	v24 =	vshrl.u32 v24, $0x1;
	v15 =	vadd.s32 v16, v15  }
0x1c6: {  	v63 =	vadd.s32 $0x1, v61;
	v62 =	vld.idx.msk [tilespmem:v18+s11+$0x0], $0xffff;
	v28 =	vadd.s32 $0x410, v24;
	v18 =	vshrl.u32 v15, $0x1  }
0x1c7: {  	v17 =	vadd.s32 s21, v5;
	vm0 =	vlt.f32 v14, v13;
	v39 =	vadd.s32 $0x410, v18  }
0x1c8: {  	v33 =	vsel vm0, $0x301, v4;
	vm1 =	vlt.f32 v29, v12;
	v29 =	vadd.s32 $0x1, v59  }
0x1c9: {  	v35 =	vor.u32 $0x410, v33;
	v29 =	vsel vm1, v29, v27;
	v30 =	vsel vm1, v30, v59;
	v31 =	vld.idx.msk [tilespmem:v26+s11+$0x0], $0xffff  }
0x1ca: {  	s29 =	simm.s32 $0x10;
	v15 =	vimm.f32 $0.0e+00;
	v34 =	vsel vm0, $0x201, v2;
	v27 =	vxor.u32 v29, v30  }
0x1cb: {  	s28 =	simm.s32 $0x20;
	s26 =	simm.s32 $0x30;
	s23 =	simm.s32 $0x10E0;
	v26 =	vand.u32 v29, v30;
	v28 =	vld.idx.msk [tilespmem:v28+s11+$0x0], $0xffff;
	v27 =	vshrl.u32 v27, $0x1;
	vm1 =	vlt.f32 v62, v11  }
0x1cc: {  	s24 =	simm.s32 $0x50;
	s25 =	simm.s32 $0x40;
	s1 =	simm.s32 $0x60;
	v32 =	vadd.s32 v27, v26;
	v27 =	vsel vm1, v63, v60;
	v26 =	vsel vm1, v25, v61;
	v25 =	vld.idx.msk [tilespmem:v39+s11+$0x0], $0xffff  }
.LBB2_5:
0x1cd: {  	p0 =	sne.s32 s1, $0x400;
	v36 =	vsel vm0, $0x401, v3;
	v37 =	vadd.s32 $0x410, v32;
	v38 =	vadd.s32 v27, v26  }
0x1ce: {  	vm0 =	vlt.f32 v31, v9;
	v31 =	vadd.s32 $0x1, v23;
	v35 =	vld.idx.msk [tilespmem:v35+s11+$0x0], $0xffff;
	v38 =	vshrl.u32 v38, $0x1  }
0x1cf: {  	v31 =	vsel vm0, v31, v21;
	v40 =	vsel vm0, v22, v23;
	v39 =	vadd.s32 $0x410, v38  }
0x1d0: {  	v22 =	vadd.s32 $0x1, v24;
	v21 =	vadd.s32 v31, v40;
	vm0 =	vlt.f32 v28, v8  }
0x1d1: {  	v23 =	vadd.s32 $0x1, v33;
	v28 =	vshrl.u32 v21, $0x1;
	v41 =	vsel vm0, v22, v20  }
0x1d2: {  	v18 =	vadd.s32 $0x1, v18;
	v20 =	vld.idx.msk [tilespmem:v37+s11+$0x0], $0xffff;
	v37 =	vsel vm0, v19, v24;
	vm0 =	vlt.f32 v25, v10  }
0x1d3: {  	v19 =	vadd.s32 $0x410, v28;
	v21 =	vadd.s32 v41, v37;
	v16 =	vsel vm0, v18, v16  }
0x1d4: {  	vm0 =	vlt.f32 v35, v13;
	v18 =	vshrl.u32 v21, $0x1;
	vm1 =	vgt.s32 v16, v17;
	v21 =	vld [tilespmem:s19+$0x0]  }
0x1d5: {  	v25 =	vsel vm0, v36, v33;
	v22 =	vld.idx.msk [tilespmem:v39+s11+$0x0], $0xffff;
	v24 =	vadd.s32 $0x410, v18;
	v16 =	vsel vm1, v16, v17  }
0x1d6: {  	v34 =	vsel vm0, v23, v34;
	v17 =	vadd.s32 $0xFFFFFFFF, v25;
	v23 =	vadd.s32 $0x81F, v16  }
0x1d7: {  	v35 =	vxor.u32 s21, v6;
	s21 =	smov.u32 s29;
	s29 =	smov.u32 s28;
	s28 =	smov.u32 s26;
	v33 =	vor.u32 v17, v34;
	v17 =	vxor.u32 v17, v34  }
0x1d8: {  	s30 =	sadd.s32 $0x10, s30;
	s26 =	smov.u32 s25;
	s25 =	smov.u32 s24;
	v17 =	vshrl.u32 v17, $0x1;
	vm0 =	vlt.f32 v20, v12;
	v20 =	vadd.s32 $0x1, v32;
	v19 =	vld.idx.msk [tilespmem:v19+s11+$0x0], $0xffff  }
0x1d9: {  	s24 =	smov.u32 s1;
	v39 =	vsub.s32 v33, v17;
	v42 =	vsel vm0, v20, v29;
	v43 =	vsel vm0, v30, v32;
	v36 =	vld [tilespmem:s30+$0xFFFFFBF0]  }
0x1da: {  	v17 =	vadd.s32 $0x410, v39;
	v20 =	vadd.s32 v42, v43;
	v29 =	vsub.f32 v10, v21;
	v24 =	vld.idx.msk [tilespmem:v24+s11+$0x0], $0xffff  }
0x1db: {  	v44 =	vshrl.u32 v20, $0x1;
	vm0 =	vlt.f32 v22, v11;
	v20 =	vadd.s32 $0x1, v38;
	v30 =	vld.idx.msk [tilespmem:v23+s11+$0x0], $0xffff  }
0x1dc: {  	v16 =	vadd.s32 v35, v16;
	v21 =	vsel vm0, v20, v27;
	v22 =	vsel vm0, v26, v38  }
0x1dd: {  	v16 =	vcvt.s32.f32 v16;
	v26 =	vadd.s32 $0x410, v44;
	v20 =	vadd.s32 v21, v22  }
0x1de: {  	v23 =	vshrl.u32 v20, $0x1;
	vm0 =	vlt.f32 v19, v9;
	v19 =	vadd.s32 $0x1, v28;
	v27 =	vld [tilespmem:s19+$0x410];
	s19 =	smov.u32 s17;
	s17 =	smov.u32 s18;
	s18 =	smov.u32 s20  }
0x1df: {  	v16 =	vmul.f32 v16, v10;
	v10 =	vmovc v8;
	v20 =	vsel vm0, v19, v31;
	v19 =	vsel vm0, v40, v28;
	s20 =	smov.u32 s22;
	s22 =	smov.u32 s23;
	s23 =	smov.u32 s30  }
0x1e0: {  	v8 =	vmovc v9;
	vm0 =	vlt.f32 v14, v36;
	v31 =	vadd.s32 $0x410, v23;
	v28 =	vld.idx.msk [tilespmem:v17+s11+$0x0], $0xffff;
	v17 =	vadd.s32 v20, v19  }
0x1e1: {  	v32 =	vadd.s32 $0x1, v18;
	v9 =	vmovc v11;
	v11 =	vmovc v12;
	vm1 =	vlt.f32 v24, v10;
	v30 =	vsub.f32 v16, v30  }
0x1e2: {  	v12 =	vmovc v13;
	v13 =	vmovc v36;
	v16 =	vsel vm1, v32, v41;
	v24 =	vshrl.u32 v17, $0x1;
	v17 =	vsel vm1, v37, v18  }
0x1e3: {  	v32 =	vadd.s32 $0x410, v24;
	v17 =	vadd.s32 v16, v17;
	v26 =	vld.idx.msk [tilespmem:v26+s11+$0x0], $0xffff;
	v27 =	vadd.f32 v27, v30  }
0x1e4: {  	v33 =	vsel vm0, $0x301, v4;
	v18 =	vshrl.u32 v17, $0x1;
	v17 =	vadd.s32 s21, v5  }
0x1e5: {  	v15 =	vadd.f32 v29, v15;
	v36 =	vadd.s32 $0x410, v18;
	v27 =	vadd.f32 v27, v27  }
.Ltmp1:
0x1e6: {  	v35 =	vor.u32 $0x410, v33;
	vm1 =	vlt.f32 v28, v12;
	v28 =	vadd.s32 $0x1, v39;
	v31 =	vld.idx.msk [tilespmem:v31+s11+$0x0], $0xffff;
	(pc) =	sbr.rel @p0 .LBB2_5-.Ltmp1, $4  }
0x1e7: {  	v29 =	vsel vm1, v28, v34;
	v30 =	vsel vm1, v25, v39;
	v15 =	vadd.f32 v15, v27  }
0x1e8: {  	v34 =	vsel vm0, $0x201, v2;
	v25 =	vand.u32 v29, v30;
	v27 =	vxor.u32 v29, v30;
	v28 =	vld.idx.msk [tilespmem:v32+s11+$0x0], $0xffff  }
0x1e9: {  	v27 =	vshrl.u32 v27, $0x1;
	vm1 =	vlt.f32 v26, v11;
	v26 =	vadd.s32 $0x1, v44  }
0x1ea: {  	s1 =	sadd.s32 $0x10, s1;
	v32 =	vadd.s32 v27, v25;
	v27 =	vsel vm1, v26, v42;
	v26 =	vsel vm1, v43, v44;
	v25 =	vld.idx.msk [tilespmem:v36+s11+$0x0], $0xffff  }
0x1eb: {  	_ =	sdelay $0x3  }
0x1ec: {  	v14 =	vld.idx.msk [tilespmem:v35+s11+$0x0], $0xffff;
	_ =	sdelay $0x4  }
0x1ed: {  	v41 =	vsel vm0, $0x401, v3;
	vm6 =	vlt.f32 v14, v13  }
0x1ee: {  	v42 =	vadd.s32 $0x1, v33;
	v43 =	vsel vm6, v41, v33  }
0x1ef: {  	v14 =	vsel vm6, v42, v34;
	v44 =	vadd.s32 $0xFFFFFFFF, v43  }
0x1f0: {  	v45 =	vxor.u32 v44, v14  }
0x1f1: {  	v34 =	vor.u32 v44, v14;
	v35 =	vshrl.u32 v45, $0x1  }
0x1f2: {  	v34 =	vsub.s32 v34, v35  }
0x1f3: {  	v35 =	vadd.s32 $0x410, v34;
	_ =	sdelay $0x4  }
0x1f4: {  	v35 =	vld.idx.msk [tilespmem:v35+s11+$0x0], $0xffff;
	_ =	sdelay $0x4  }
0x1f5: {  	v36 =	vadd.s32 $0x410, v32;
	v46 =	vadd.s32 $0x1, v34;
	vm7 =	vlt.f32 v35, v13  }
0x1f6: {  	v14 =	vsel vm7, v46, v14;
	v33 =	vsel vm7, v43, v34  }
0x1f7: {  	v34 =	vxor.u32 v14, v33  }
0x1f8: {  	v35 =	vand.u32 v14, v33;
	v34 =	vshrl.u32 v34, $0x1  }
0x1f9: {  	v34 =	vadd.s32 v34, v35  }
0x1fa: {  	v47 =	vld.idx.msk [tilespmem:v36+s11+$0x0], $0xffff;
	v48 =	vadd.s32 $0x410, v34;
	_ =	sdelay $0x4  }
0x1fb: {  	v49 =	vadd.s32 $0x1, v32;
	vm8 =	vlt.f32 v47, v12;
	v36 =	vld.idx.msk [tilespmem:v48+s11+$0x0], $0xffff  }
0x1fc: {  	v29 =	vsel vm8, v49, v29;
	v30 =	vsel vm8, v30, v32  }
0x1fd: {  	v32 =	vadd.s32 v29, v30  }
0x1fe: {  	v32 =	vshrl.u32 v32, $0x1  }
0x1ff: {  	v50 =	vadd.s32 $0x410, v32  }
0x200: {  	v51 =	vadd.s32 $0x1, v34;
	vm9 =	vlt.f32 v36, v13  }
0x201: {  	v14 =	vsel vm9, v51, v14;
	v33 =	vsel vm9, v33, v34  }
0x202: {  	v34 =	vadd.s32 v14, v33  }
0x203: {  	v34 =	vshrl.u32 v34, $0x1  }
0x204: {  	v35 =	vld.idx.msk [tilespmem:v50+s11+$0x0], $0xffff;
	v52 =	vadd.s32 $0x410, v34;
	_ =	sdelay $0x2  }
0x205: {  	v37 =	vadd.s32 v27, v26  }
0x206: {  	v37 =	vshrl.u32 v37, $0x1  }
0x207: {  	v38 =	vadd.s32 $0x410, v37;
	v53 =	vadd.s32 $0x1, v32;
	vm10 =	vlt.f32 v35, v12;
	v36 =	vld.idx.msk [tilespmem:v52+s11+$0x0], $0xffff  }
0x208: {  	v29 =	vsel vm10, v53, v29;
	v30 =	vsel vm10, v30, v32  }
0x209: {  	v32 =	vadd.s32 v29, v30  }
0x20a: {  	v32 =	vshrl.u32 v32, $0x1  }
0x20b: {  	v55 =	vadd.s32 $0x410, v32  }
0x20c: {  	v54 =	vld.idx.msk [tilespmem:v38+s11+$0x0], $0xffff;
	v56 =	vadd.s32 $0x1, v34;
	vm11 =	vlt.f32 v36, v13  }
0x20d: {  	v14 =	vsel vm11, v56, v14;
	v33 =	vsel vm11, v33, v34  }
0x20e: {  	v34 =	vadd.s32 v14, v33  }
0x20f: {  	v34 =	vshrl.u32 v34, $0x1  }
0x210: {  	v58 =	vld.idx.msk [tilespmem:v55+s11+$0x0], $0xffff;
	v59 =	vadd.s32 $0x410, v34  }
0x211: {  	v57 =	vadd.s32 $0x1, v37;
	vm12 =	vlt.f32 v54, v11  }
0x212: {  	v60 =	vsel vm12, v57, v27;
	v61 =	vsel vm12, v26, v37  }
0x213: {  	v35 =	vadd.s32 v60, v61  }
0x214: {  	v35 =	vshrl.u32 v35, $0x1  }
0x215: {  	v62 =	vadd.s32 $0x410, v35;
	v63 =	vadd.s32 $0x1, v32;
	vm13 =	vlt.f32 v58, v12;
	v38 =	vld.idx.msk [tilespmem:v59+s11+$0x0], $0xffff  }
0x216: {  	v29 =	vsel vm13, v63, v29;
	v30 =	vsel vm13, v30, v32  }
0x217: {  	v32 =	vadd.s32 v29, v30  }
0x218: {  	vm14 =	vlt.f32 v31, v9;
	v40 =	vadd.s32 $0x1, v23;
	v32 =	vshrl.u32 v32, $0x1  }
0x219: {  	v21 =	vsel vm14, v40, v21;
	v42 =	vadd.s32 $0x410, v32  }
0x21a: {  	v22 =	vsel vm14, v22, v23;
	v41 =	vld.idx.msk [tilespmem:v62+s11+$0x0], $0xffff;
	v44 =	vadd.s32 $0x1, v34;
	vm15 =	vlt.f32 v38, v13  }
0x21b: {  	v43 =	vadd.s32 v21, v22;
	v14 =	vsel vm15, v44, v14;
	v33 =	vsel vm15, v33, v34  }
0x21c: {  	v36 =	vshrl.u32 v43, $0x1;
	v37 =	vadd.s32 v14, v33  }
0x21d: {  	v45 =	vadd.s32 $0x410, v36;
	v37 =	vshrl.u32 v37, $0x1  }
0x21e: {  	v31 =	vld.idx.msk [tilespmem:v42+s11+$0x0], $0xffff;
	v47 =	vadd.s32 $0x410, v37  }
0x21f: {  	v46 =	vadd.s32 $0x1, v35;
	vm4 =	vlt.f32 v41, v11  }
0x220: {  	v23 =	vsel vm4, v46, v60;
	v26 =	vsel vm4, v61, v35  }
0x221: {  	v27 =	vadd.s32 v23, v26  }
0x222: {  	v27 =	vshrl.u32 v27, $0x1;
	v34 =	vld.idx.msk [tilespmem:v45+s11+$0x0], $0xffff  }
0x223: {  	v49 =	vadd.s32 $0x410, v27;
	v50 =	vadd.s32 $0x1, v32;
	vm6 =	vlt.f32 v31, v12;
	v51 =	vld.idx.msk [tilespmem:v47+s11+$0x0], $0xffff  }
0x224: {  	vm5 =	vlt.f32 v28, v8;
	v29 =	vsel vm6, v50, v29;
	v30 =	vsel vm6, v30, v32  }
0x225: {  	v19 =	vsel vm5, v19, v24;
	v32 =	vadd.s32 v29, v30  }
0x226: {  	v48 =	vadd.s32 $0x1, v24;
	v53 =	vadd.s32 $0x1, v36;
	v32 =	vshrl.u32 v32, $0x1  }
0x227: {  	v54 =	vadd.s32 $0x410, v32;
	v55 =	vadd.s32 $0x1, v37;
	vm7 =	vlt.f32 v34, v9  }
0x228: {  	v24 =	vld.idx.msk [tilespmem:v49+s11+$0x0], $0xffff;
	v21 =	vsel vm7, v53, v21;
	v22 =	vsel vm7, v22, v36;
	vm8 =	vlt.f32 v51, v13  }
0x229: {  	v36 =	vadd.s32 v21, v22;
	v14 =	vsel vm8, v55, v14;
	v33 =	vsel vm8, v33, v37  }
0x22a: {  	v36 =	vshrl.u32 v36, $0x1;
	v37 =	vadd.s32 v14, v33  }
0x22b: {  	v20 =	vsel vm5, v48, v20;
	v56 =	vadd.s32 $0x410, v36;
	v37 =	vshrl.u32 v37, $0x1  }
0x22c: {  	v28 =	vadd.s32 v20, v19;
	v34 =	vld.idx.msk [tilespmem:v54+s11+$0x0], $0xffff;
	v58 =	vadd.s32 $0x410, v37  }
0x22d: {  	v28 =	vshrl.u32 v28, $0x1;
	v57 =	vadd.s32 $0x1, v27;
	vm9 =	vlt.f32 v24, v11  }
0x22e: {  	v52 =	vadd.s32 $0x410, v28;
	v23 =	vsel vm9, v57, v23;
	v59 =	vsel vm9, v26, v27  }
0x22f: {  	v26 =	vadd.s32 v23, v59  }
0x230: {  	v26 =	vshrl.u32 v26, $0x1;
	v60 =	vld.idx.msk [tilespmem:v56+s11+$0x0], $0xffff  }
0x231: {  	v62 =	vadd.s32 $0x410, v26;
	v63 =	vadd.s32 $0x1, v32;
	vm1 =	vlt.f32 v34, v12;
	v39 =	vld.idx.msk [tilespmem:v58+s11+$0x0], $0xffff  }
0x232: {  	v40 =	vsel vm1, v63, v29;
	v41 =	vsel vm1, v30, v32  }
0x233: {  	v18 =	vadd.s32 $0x1, v18;
	v31 =	vld.idx.msk [tilespmem:v52+s11+$0x0], $0xffff;
	v42 =	vadd.s32 v40, v41  }
0x234: {  	vm11 =	vlt.f32 v25, v10;
	v43 =	vadd.s32 $0x1, v36;
	v25 =	vshrl.u32 v42, $0x1  }
0x235: {  	v45 =	vadd.s32 $0x410, v25;
	v47 =	vadd.s32 $0x1, v37;
	vm12 =	vlt.f32 v60, v9  }
0x236: {  	v44 =	vld.idx.msk [tilespmem:v62+s11+$0x0], $0xffff;
	v21 =	vsel vm12, v43, v21;
	v22 =	vsel vm12, v22, v36;
	vm13 =	vlt.f32 v39, v13  }
0x237: {  	v46 =	vadd.s32 v21, v22;
	v14 =	vsel vm13, v47, v14;
	v48 =	vsel vm13, v33, v37  }
0x238: {  	vm10 =	vlt.f32 v31, v8;
	v31 =	vshrl.u32 v46, $0x1;
	v50 =	vadd.s32 v14, v48  }
0x239: {  	v61 =	vadd.s32 $0x1, v28;
	v49 =	vadd.s32 $0x410, v31;
	v34 =	vshrl.u32 v50, $0x1  }
0x23a: {  	v16 =	vsel vm11, v18, v16;
	v52 =	vadd.s32 $0x1, v26;
	v30 =	vld.idx.msk [tilespmem:v45+s11+$0x0], $0xffff;
	v53 =	vadd.s32 $0x410, v34  }
0x23b: {  	v20 =	vsel vm10, v61, v20;
	v19 =	vsel vm10, v19, v28;
	vm14 =	vlt.f32 v44, v11  }
0x23c: {  	v19 =	vadd.s32 v20, v19;
	v54 =	vsel vm14, v52, v23;
	v55 =	vsel vm14, v59, v26  }
0x23d: {  	vm0 =	vgt.s32 v16, v17;
	v19 =	vshrl.u32 v19, $0x1;
	v24 =	vadd.s32 v54, v55  }
0x23e: {  	v16 =	vsel vm0, v16, v17;
	v51 =	vadd.s32 $0x410, v19;
	v24 =	vshrl.u32 v24, $0x1;
	v57 =	vld.idx.msk [tilespmem:v49+s11+$0x0], $0xffff  }
0x23f: {  	v59 =	vadd.s32 $0x410, v24;
	v60 =	vadd.s32 $0x1, v25;
	vm15 =	vlt.f32 v30, v12;
	v61 =	vld.idx.msk [tilespmem:v53+s11+$0x0], $0xffff  }
0x240: {  	v56 =	vxor.u32 s21, v6;
	v28 =	vsel vm15, v60, v40;
	v25 =	vsel vm15, v41, v25  }
0x241: {  	v17 =	vadd.s32 v56, v16;
	v30 =	vadd.s32 v28, v25  }
0x242: {  	v16 =	vadd.s32 $0x81F, v16;
	v63 =	vadd.s32 $0x1, v31;
	v30 =	vshrl.u32 v30, $0x1  }
0x243: {  	v58 =	vld.idx.msk [tilespmem:v51+s11+$0x0], $0xffff;
	v37 =	vadd.s32 $0x410, v30;
	v38 =	vadd.s32 $0x1, v34;
	vm4 =	vlt.f32 v57, v9  }
0x244: {  	v36 =	vld.idx.msk [tilespmem:v59+s11+$0x0], $0xffff;
	v21 =	vsel vm4, v63, v21;
	v22 =	vsel vm4, v22, v31;
	vm6 =	vlt.f32 v61, v13  }
0x245: {  	v22 =	vadd.s32 v21, v22;
	v14 =	vsel vm6, v38, v14;
	v39 =	vsel vm6, v48, v34  }
0x246: {  	v62 =	vadd.s32 s29, v5;
	v22 =	vshrl.u32 v22, $0x1;
	v41 =	vadd.s32 v14, v39  }
0x247: {  	v17 =	vcvt.s32.f32 v17;
	v16 =	vld.idx.msk [tilespmem:v16+s11+$0x0], $0xffff;
	v43 =	vadd.s32 $0x410, v22;
	v33 =	vshrl.u32 v41, $0x1  }
0x248: {  	v19 =	vadd.s32 $0x1, v19;
	v44 =	vadd.s32 $0x1, v24;
	v27 =	vld.idx.msk [tilespmem:v37+s11+$0x0], $0xffff;
	v45 =	vadd.s32 $0x410, v33  }
0x249: {  	v42 =	vld [tilespmem:s19+$0x410];
	v17 =	vmul.f32 v17, v10;
	vm5 =	vlt.f32 v58, v8;
	vm7 =	vlt.f32 v36, v11  }
0x24a: {  	v19 =	vsel vm5, v19, v20;
	v18 =	vsel vm7, v44, v54;
	v23 =	vsel vm7, v55, v24  }
0x24b: {  	vm1 =	vgt.s32 v19, v62;
	v47 =	vadd.s32 v18, v23  }
0x24c: {  	v16 =	vsub.f32 v17, v16;
	v46 =	vsel vm1, v19, v62;
	v19 =	vshrl.u32 v47, $0x1;
	v20 =	vld.idx.msk [tilespmem:v43+s11+$0x0], $0xffff  }
0x24d: {  	v52 =	vadd.s32 $0x1, v30;
	v51 =	vadd.s32 $0x410, v19;
	vm8 =	vlt.f32 v27, v12;
	v53 =	vld.idx.msk [tilespmem:v45+s11+$0x0], $0xffff  }
0x24e: {  	v16 =	vadd.f32 v42, v16;
	v24 =	vsel vm8, v52, v28;
	v25 =	vsel vm8, v25, v30  }
0x24f: {  	v56 =	vadd.s32 s28, v5;
	v49 =	vadd.s32 $0x81F, v46;
	v55 =	vadd.s32 v24, v25  }
0x250: {  	v36 =	vxor.u32 s28, v6;
	v54 =	vadd.f32 v16, v16;
	v16 =	vshrl.u32 v55, $0x1  }
0x251: {  	v50 =	vxor.u32 s29, v6;
	v57 =	vadd.s32 $0x1, v22;
	v59 =	vadd.s32 $0x410, v16  }
0x252: {  	v58 =	vld.idx.msk [tilespmem:v51+s11+$0x0], $0xffff;
	v61 =	vadd.s32 $0x1, v33;
	vm9 =	vlt.f32 v20, v9;
	vm10 =	vlt.f32 v53, v13  }
0x253: {  	v40 =	vld [tilespmem:s19+$0x0];
	v20 =	vsel vm9, v57, v21;
	v14 =	vsel vm10, v61, v14;
	v63 =	vsel vm10, v39, v33  }
0x254: {  	v17 =	vadd.s32 v50, v46;
	v23 =	vld.idx.msk [tilespmem:v49+s11+$0x0], $0xffff;
	vm11 =	vgt.s32 v20, v56;
	v30 =	vadd.s32 v14, v63  }
0x255: {  	v60 =	vld [tilespmem:s17+$0x0];
	v17 =	vcvt.s32.f32 v17;
	v29 =	vsel vm11, v20, v56;
	v20 =	vshrl.u32 v30, $0x1  }
0x256: {  	v42 =	vxor.u32 s26, v6;
	v62 =	vld [tilespmem:s17+$0x410];
	v19 =	vadd.s32 $0x1, v19;
	v33 =	vadd.s32 $0x410, v20  }
0x257: {  	v17 =	vmul.f32 v17, v8;
	vm12 =	vlt.f32 v58, v11;
	v32 =	vld.idx.msk [tilespmem:v59+s11+$0x0], $0xffff;
	v31 =	vadd.s32 $0x81F, v29  }
0x258: {  	v48 =	vsub.f32 v10, v40;
	v34 =	vadd.s32 s26, v5;
	v18 =	vsel vm12, v19, v18  }
0x259: {  	v47 =	vadd.s32 s24, v5;
	v17 =	vsub.f32 v17, v23;
	vm0 =	vgt.s32 v18, v34  }
0x25a: {  	v8 =	vsub.f32 v8, v60;
	v10 =	vadd.f32 v48, v15;
	v18 =	vsel vm0, v18, v34  }
0x25b: {  	v16 =	vadd.s32 $0x1, v16;
	v17 =	vadd.f32 v62, v17;
	v37 =	vadd.s32 $0x81F, v18;
	v38 =	vld.idx.msk [tilespmem:v33+s11+$0x0], $0xffff  }
0x25c: {  	v10 =	vadd.f32 v10, v54;
	v15 =	vadd.s32 v36, v29;
	vm13 =	vlt.f32 v32, v12;
	v21 =	vld.idx.msk [tilespmem:v31+s11+$0x0], $0xffff  }
0x25d: {  	v35 =	vld [tilespmem:s18+$0x0];
	v40 =	vadd.s32 s25, v5;
	v15 =	vcvt.s32.f32 v15;
	v16 =	vsel vm13, v16, v24  }
0x25e: {  	v17 =	vadd.f32 v17, v17;
	v8 =	vadd.f32 v8, v10;
	vm0 =	vgt.s32 v16, v40;
	v39 =	vld [tilespmem:s18+$0x410]  }
0x25f: {  	v10 =	vadd.s32 v42, v18;
	v15 =	vmul.f32 v15, v9;
	v16 =	vsel vm0, v16, v40  }
0x260: {  	v43 =	vld.idx.msk [tilespmem:v37+s11+$0x0], $0xffff;
	v44 =	vadd.s32 $0x81F, v16;
	v20 =	vadd.s32 $0x1, v20;
	vm14 =	vlt.f32 v38, v13  }
0x261: {  	v10 =	vcvt.s32.f32 v10;
	v45 =	vld [tilespmem:s20+$0x0];
	v15 =	vsub.f32 v15, v21;
	v14 =	vsel vm14, v20, v14  }
0x262: {  	v46 =	vld [tilespmem:s20+$0x410];
	v41 =	vsub.f32 v9, v35;
	v8 =	vadd.f32 v8, v17;
	vm0 =	vgt.s32 v14, v47  }
0x263: {  	v48 =	vmul.f32 v10, v11;
	v15 =	vadd.f32 v39, v15;
	v14 =	vsel vm0, v14, v47  }
0x264: {  	v50 =	vxor.u32 s25, v6;
	v8 =	vadd.f32 v41, v8;
	v52 =	vadd.s32 $0x81F, v14  }
0x265: {  	v9 =	vsub.f32 v48, v43;
	v51 =	vld.idx.msk [tilespmem:v44+s11+$0x0], $0xffff;
	v49 =	vadd.f32 v15, v15;
	v15 =	vadd.s32 v50, v16  }
0x266: {  	v53 =	vld [tilespmem:s22+$0x0];
	v54 =	vsub.f32 v11, v45;
	v15 =	vcvt.s32.f32 v15  }
0x267: {  	v55 =	vld [tilespmem:s22+$0x410];
	v9 =	vadd.f32 v46, v9;
	v8 =	vadd.f32 v8, v49  }
0x268: {  	v56 =	vxor.u32 s24, v6;
	v15 =	vmul.f32 v15, v12  }
0x269: {  	v9 =	vadd.f32 v9, v9;
	v8 =	vadd.f32 v54, v8;
	v11 =	vadd.s32 v56, v14;
	v16 =	vld.idx.msk [tilespmem:v52+s11+$0x0], $0xffff  }
0x26a: {  	v57 =	vld [tilespmem:s23+$0x0];
	v15 =	vsub.f32 v15, v51;
	v11 =	vcvt.s32.f32 v11  }
0x26b: {  	v59 =	vld [tilespmem:s23+$0x410];
	v10 =	vsub.f32 v12, v53;
	v8 =	vadd.f32 v8, v9  }
0x26c: {  	v58 =	vadd.f32 v55, v15;
	v11 =	vmul.f32 v11, v13  }
0x26d: {  	v8 =	vadd.f32 v10, v8  }
0x26e: {  	v60 =	vadd.f32 v58, v58;
	v11 =	vsub.f32 v11, v16  }
0x26f: {  	v9 =	vsub.f32 v13, v57  }
0x270: {  	v8 =	vadd.f32 v8, v60;
	v61 =	vadd.f32 v59, v11;
	_ =	sdelay $0x1  }
0x271: {  	v8 =	vadd.f32 v9, v8;
	v62 =	vadd.f32 v61, v61;
	_ =	sdelay $0x1  }
0x272: {  	v8 =	vadd.f32 v8, v62;
	_ =	sdelay $0x1  }
0x273: {  	(xrf2) =	vadd.scan.msk.f32 $0xffff, v8;
	_ =	sdelay $0x3  }
0x274: {  	s1 =	sor.u32 $0x1, s16  }
0x275: {  	s16 =	sand.u32 $0xF, s1  }
0x276: {  	v8 =	vmov s16  }
0x277: {  	s15 =	sadd.s32 $0x1, s15;
	vm15 =	veq.s32 v8, v0  }
0x278: {  	p0 =	sne.s32 s15, $0x10;
	v8 =	vmov s1  }
.Ltmp2:
0x279: {  	_ = 	snop;
	(pc) =	sbr.rel @p0 .LBB2_2-.Ltmp2, $3  }
0x27a: {  	v63, _, _ =	vpop (xrf2)  }
0x27b: {  	v9 =	vbroadcast v63, $0xF;
	_ =	sdelay $0x1  }
0x27c: {  	[tilespmem:v8+s12+$0x0] =	vst.idx.msk vm15, v9  }
0x27d: {  	_ = 	snop  }
0x27e: {  	_ =	swait.ge [sflag:s5], $0xC80  }
0x27f: {  	[sflag:s5] =	ssyncset.done $0x0  }
0x280: {  	s19 =	simm.s32 $0x0;
	[sflag:s5] =	ssyncadd.s32 $0xFFFFF380  }
0x281: {  	s17 =	simm.s32 $0x410;
	v14 =	vld.idx.msk [tilespmem:v1+s19+$0x0], $0xffff  }
0x282: {  	v10 =	vld [tilespmem:s17+$0xFFFFFBF0];
	_ =	sdelay $0x4  }
0x283: {  	vm0 =	vlt.f32 v14, v10  }
0x284: {  	v8 =	vsel vm0, $0x301, v4  }
0x285: {  	v9 =	vor.u32 $0x410, v8;
	_ =	sdelay $0x4  }
0x286: {  	v9 =	vld.idx.msk [tilespmem:v9+s3+$0x0], $0xffff;
	_ =	sdelay $0x4  }
0x287: {  	v11 =	vsel vm0, $0x401, v3;
	vm1 =	vlt.f32 v9, v10  }
0x288: {  	v12 =	vadd.s32 $0x1, v8;
	v9 =	vsel vm0, $0x201, v2;
	v11 =	vsel vm1, v11, v8  }
0x289: {  	v9 =	vsel vm1, v12, v9;
	v8 =	vadd.s32 $0xFFFFFFFF, v11  }
0x28a: {  	v12 =	vxor.u32 v8, v9  }
0x28b: {  	v8 =	vor.u32 v8, v9;
	v12 =	vshrl.u32 v12, $0x1  }
0x28c: {  	v12 =	vsub.s32 v8, v12  }
0x28d: {  	v13 =	vadd.s32 $0x410, v12;
	_ =	sdelay $0x1  }
0x28e: {  	s15 =	simm.s32 $0x420  }
0x28f: {  	v8 =	vld [tilespmem:s15+$0xFFFFFBF0];
	_ =	sdelay $0x1  }
0x290: {  	v13 =	vld.idx.msk [tilespmem:v13+s3+$0x0], $0xffff;
	_ =	sdelay $0x2  }
0x291: {  	vm0 =	vlt.f32 v14, v8  }
0x292: {  	v15 =	vsel vm0, $0x301, v4  }
0x293: {  	v16 =	vor.u32 $0x410, v15;
	vm1 =	vlt.f32 v13, v10;
	v13 =	vadd.s32 $0x1, v12  }
0x294: {  	v9 =	vsel vm1, v13, v9;
	v11 =	vsel vm1, v11, v12  }
0x295: {  	v12 =	vxor.u32 v9, v11  }
0x296: {  	v13 =	vand.u32 v9, v11;
	v12 =	vshrl.u32 v12, $0x1  }
0x297: {  	v12 =	vadd.s32 v12, v13  }
0x298: {  	v16 =	vld.idx.msk [tilespmem:v16+s3+$0x0], $0xffff;
	v13 =	vadd.s32 $0x410, v12;
	_ =	sdelay $0x4  }
0x299: {  	v17 =	vsel vm0, $0x401, v3;
	vm1 =	vlt.f32 v16, v8;
	v13 =	vld.idx.msk [tilespmem:v13+s3+$0x0], $0xffff  }
0x29a: {  	v18 =	vadd.s32 $0x1, v15;
	v16 =	vsel vm0, $0x201, v2;
	v15 =	vsel vm1, v17, v15  }
0x29b: {  	v16 =	vsel vm1, v18, v16;
	v17 =	vadd.s32 $0xFFFFFFFF, v15  }
0x29c: {  	v18 =	vxor.u32 v17, v16  }
0x29d: {  	v17 =	vor.u32 v17, v16;
	v18 =	vshrl.u32 v18, $0x1  }
0x29e: {  	v17 =	vsub.s32 v17, v18;
	vm0 =	vlt.f32 v13, v10;
	v13 =	vadd.s32 $0x1, v12  }
0x29f: {  	v13 =	vsel vm0, v13, v9;
	v11 =	vsel vm0, v11, v12;
	v12 =	vadd.s32 $0x410, v17  }
0x2a0: {  	s16 =	simm.s32 $0x430;
	v18 =	vadd.s32 v13, v11  }
0x2a1: {  	v9 =	vld [tilespmem:s16+$0xFFFFFBF0];
	v18 =	vshrl.u32 v18, $0x1  }
0x2a2: {  	v19 =	vadd.s32 $0x410, v18;
	_ =	sdelay $0x1  }
0x2a3: {  	v12 =	vld.idx.msk [tilespmem:v12+s3+$0x0], $0xffff;
	_ =	sdelay $0x1  }
0x2a4: {  	vm0 =	vlt.f32 v14, v9  }
0x2a5: {  	v20 =	vsel vm0, $0x301, v4;
	v19 =	vld.idx.msk [tilespmem:v19+s3+$0x0], $0xffff  }
0x2a6: {  	v21 =	vor.u32 $0x410, v20  }
0x2a7: {  	vm1 =	vlt.f32 v12, v8;
	v12 =	vadd.s32 $0x1, v17  }
0x2a8: {  	v12 =	vsel vm1, v12, v16;
	v15 =	vsel vm1, v15, v17  }
0x2a9: {  	v16 =	vand.u32 v12, v15;
	v17 =	vxor.u32 v12, v15  }
0x2aa: {  	v17 =	vshrl.u32 v17, $0x1;
	vm1 =	vlt.f32 v19, v10;
	v19 =	vadd.s32 $0x1, v18  }
0x2ab: {  	v16 =	vadd.s32 v17, v16;
	v13 =	vsel vm1, v19, v13;
	v17 =	vsel vm1, v11, v18;
	v11 =	vld.idx.msk [tilespmem:v21+s3+$0x0], $0xffff  }
0x2ac: {  	v18 =	vadd.s32 $0x410, v16;
	v19 =	vadd.s32 v13, v17  }
0x2ad: {  	v19 =	vshrl.u32 v19, $0x1  }
0x2ae: {  	v21 =	vadd.s32 $0x410, v19;
	_ =	sdelay $0x1  }
0x2af: {  	v22 =	vsel vm0, $0x401, v3;
	vm1 =	vlt.f32 v11, v9  }
0x2b0: {  	v23 =	vadd.s32 $0x1, v20;
	v11 =	vsel vm0, $0x201, v2;
	v18 =	vld.idx.msk [tilespmem:v18+s3+$0x0], $0xffff;
	v20 =	vsel vm1, v22, v20  }
0x2b1: {  	v22 =	vsel vm1, v23, v11;
	v11 =	vadd.s32 $0xFFFFFFFF, v20  }
0x2b2: {  	v21 =	vld.idx.msk [tilespmem:v21+s3+$0x0], $0xffff;
	v23 =	vxor.u32 v11, v22  }
0x2b3: {  	v11 =	vor.u32 v11, v22;
	v23 =	vshrl.u32 v23, $0x1  }
0x2b4: {  	v23 =	vsub.s32 v11, v23  }
0x2b5: {  	v11 =	vadd.s32 $0x1, v16;
	vm0 =	vlt.f32 v18, v8;
	v18 =	vadd.s32 $0x410, v23  }
0x2b6: {  	v12 =	vsel vm0, v11, v12;
	v15 =	vsel vm0, v15, v16  }
0x2b7: {  	s18 =	simm.s32 $0x440;
	v16 =	vadd.s32 v12, v15;
	vm0 =	vlt.f32 v21, v10;
	v21 =	vadd.s32 $0x1, v19  }
0x2b8: {  	v11 =	vld [tilespmem:s18+$0xFFFFFBF0];
	v16 =	vshrl.u32 v16, $0x1;
	v13 =	vsel vm0, v21, v13;
	v17 =	vsel vm0, v17, v19  }
0x2b9: {  	v19 =	vadd.s32 $0x410, v16;
	v21 =	vadd.s32 v13, v17  }
0x2ba: {  	v21 =	vshrl.u32 v21, $0x1;
	v18 =	vld.idx.msk [tilespmem:v18+s3+$0x0], $0xffff  }
0x2bb: {  	v24 =	vadd.s32 $0x410, v21;
	_ =	sdelay $0x1  }
0x2bc: {  	vm0 =	vlt.f32 v14, v11  }
0x2bd: {  	v25 =	vsel vm0, $0x301, v4;
	v19 =	vld.idx.msk [tilespmem:v19+s3+$0x0], $0xffff  }
0x2be: {  	v26 =	vor.u32 $0x410, v25;
	vm1 =	vlt.f32 v18, v9;
	v18 =	vadd.s32 $0x1, v23  }
0x2bf: {  	v24 =	vld.idx.msk [tilespmem:v24+s3+$0x0], $0xffff;
	v18 =	vsel vm1, v18, v22;
	v20 =	vsel vm1, v20, v23  }
0x2c0: {  	v22 =	vxor.u32 v18, v20  }
0x2c1: {  	v23 =	vand.u32 v18, v20;
	v22 =	vshrl.u32 v22, $0x1  }
0x2c2: {  	vm1 =	vlt.f32 v19, v8;
	v19 =	vadd.s32 $0x1, v16;
	v22 =	vadd.s32 v22, v23  }
0x2c3: {  	v12 =	vsel vm1, v19, v12;
	v15 =	vsel vm1, v15, v16;
	v16 =	vadd.s32 $0x410, v22;
	v19 =	vld.idx.msk [tilespmem:v26+s3+$0x0], $0xffff  }
0x2c4: {  	v23 =	vadd.s32 v12, v15;
	vm1 =	vlt.f32 v24, v10;
	v24 =	vadd.s32 $0x1, v21  }
0x2c5: {  	v23 =	vshrl.u32 v23, $0x1;
	v13 =	vsel vm1, v24, v13;
	v17 =	vsel vm1, v17, v21  }
0x2c6: {  	v21 =	vadd.s32 $0x410, v23;
	v24 =	vadd.s32 v13, v17  }
0x2c7: {  	v24 =	vshrl.u32 v24, $0x1  }
0x2c8: {  	v26 =	vsel vm0, $0x401, v3;
	v16 =	vld.idx.msk [tilespmem:v16+s3+$0x0], $0xffff;
	v27 =	vadd.s32 $0x410, v24;
	vm1 =	vlt.f32 v19, v11  }
0x2c9: {  	v28 =	vadd.s32 $0x1, v25;
	v19 =	vsel vm0, $0x201, v2;
	v25 =	vsel vm1, v26, v25  }
0x2ca: {  	v19 =	vsel vm1, v28, v19;
	v26 =	vadd.s32 $0xFFFFFFFF, v25  }
0x2cb: {  	v21 =	vld.idx.msk [tilespmem:v21+s3+$0x0], $0xffff;
	v28 =	vxor.u32 v26, v19  }
0x2cc: {  	v26 =	vor.u32 v26, v19;
	v28 =	vshrl.u32 v28, $0x1  }
0x2cd: {  	vm0 =	vlt.f32 v16, v9;
	v16 =	vadd.s32 $0x1, v22;
	v27 =	vld.idx.msk [tilespmem:v27+s3+$0x0], $0xffff;
	v26 =	vsub.s32 v26, v28  }
0x2ce: {  	v16 =	vsel vm0, v16, v18;
	v18 =	vsel vm0, v20, v22;
	v20 =	vadd.s32 $0x410, v26  }
0x2cf: {  	v22 =	vadd.s32 v16, v18  }
0x2d0: {  	v22 =	vshrl.u32 v22, $0x1;
	vm0 =	vlt.f32 v21, v8;
	v21 =	vadd.s32 $0x1, v23  }
0x2d1: {  	s20 =	simm.s32 $0x450;
	v21 =	vsel vm0, v21, v12;
	v15 =	vsel vm0, v15, v23;
	v23 =	vadd.s32 $0x410, v22  }
0x2d2: {  	v12 =	vld [tilespmem:s20+$0xFFFFFBF0];
	v28 =	vadd.s32 v21, v15;
	vm0 =	vlt.f32 v27, v10;
	v27 =	vadd.s32 $0x1, v24  }
0x2d3: {  	v28 =	vshrl.u32 v28, $0x1;
	v13 =	vsel vm0, v27, v13;
	v17 =	vsel vm0, v17, v24;
	v20 =	vld.idx.msk [tilespmem:v20+s3+$0x0], $0xffff  }
0x2d4: {  	v24 =	vadd.s32 $0x410, v28;
	v27 =	vadd.s32 v13, v17  }
0x2d5: {  	v27 =	vshrl.u32 v27, $0x1  }
0x2d6: {  	v23 =	vld.idx.msk [tilespmem:v23+s3+$0x0], $0xffff;
	v29 =	vadd.s32 $0x410, v27  }
0x2d7: {  	vm0 =	vlt.f32 v14, v12  }
0x2d8: {  	v30 =	vsel vm0, $0x301, v4;
	vm1 =	vlt.f32 v20, v11;
	v20 =	vadd.s32 $0x1, v26  }
0x2d9: {  	v31 =	vor.u32 $0x410, v30;
	v24 =	vld.idx.msk [tilespmem:v24+s3+$0x0], $0xffff;
	v19 =	vsel vm1, v20, v19;
	v20 =	vsel vm1, v25, v26  }
0x2da: {  	v25 =	vand.u32 v19, v20;
	v26 =	vxor.u32 v19, v20  }
0x2db: {  	v29 =	vld.idx.msk [tilespmem:v29+s3+$0x0], $0xffff;
	v26 =	vshrl.u32 v26, $0x1;
	vm1 =	vlt.f32 v23, v9;
	v23 =	vadd.s32 $0x1, v22  }
0x2dc: {  	v25 =	vadd.s32 v26, v25;
	v16 =	vsel vm1, v23, v16;
	v18 =	vsel vm1, v18, v22  }
0x2dd: {  	v22 =	vadd.s32 $0x410, v25;
	v23 =	vadd.s32 v16, v18  }
0x2de: {  	v26 =	vld.idx.msk [tilespmem:v31+s3+$0x0], $0xffff;
	v23 =	vshrl.u32 v23, $0x1;
	vm1 =	vlt.f32 v24, v8;
	v24 =	vadd.s32 $0x1, v28  }
0x2df: {  	v31 =	vadd.s32 $0x410, v23;
	v24 =	vsel vm1, v24, v21;
	v15 =	vsel vm1, v15, v28  }
0x2e0: {  	v28 =	vadd.s32 $0x1, v27;
	v21 =	vadd.s32 v24, v15;
	vm1 =	vlt.f32 v29, v10  }
0x2e1: {  	v29 =	vshrl.u32 v21, $0x1;
	v28 =	vsel vm1, v28, v13;
	v17 =	vsel vm1, v17, v27  }
0x2e2: {  	v32 =	vsel vm0, $0x401, v3;
	v21 =	vld.idx.msk [tilespmem:v22+s3+$0x0], $0xffff;
	v22 =	vadd.s32 $0x410, v29;
	v27 =	vadd.s32 v28, v17  }
0x2e3: {  	v13 =	vsel vm0, $0x201, v2;
	vm0 =	vlt.f32 v26, v12;
	v26 =	vshrl.u32 v27, $0x1  }
0x2e4: {  	v27 =	vadd.s32 $0x1, v30;
	v30 =	vsel vm0, v32, v30;
	v61 =	vadd.s32 $0x410, v26  }
0x2e5: {  	v31 =	vld.idx.msk [tilespmem:v31+s3+$0x0], $0xffff;
	v27 =	vsel vm0, v27, v13;
	v13 =	vadd.s32 $0xFFFFFFFF, v30  }
0x2e6: {  	v33 =	vor.u32 v13, v27;
	v13 =	vxor.u32 v13, v27  }
0x2e7: {  	v13 =	vshrl.u32 v13, $0x1;
	vm0 =	vlt.f32 v21, v11;
	v21 =	vadd.s32 $0x1, v25;
	v34 =	vld.idx.msk [tilespmem:v22+s3+$0x0], $0xffff  }
0x2e8: {  	v36 =	vsub.s32 v33, v13;
	v37 =	vsel vm0, v21, v19;
	v25 =	vsel vm0, v20, v25  }
0x2e9: {  	v33 =	vadd.s32 $0x410, v36;
	v13 =	vadd.s32 v37, v25;
	v32 =	vld.idx.msk [tilespmem:v61+s3+$0x0], $0xffff  }
0x2ea: {  	vm0 =	vlt.f32 v31, v9;
	v38 =	vshrl.u32 v13, $0x1;
	v13 =	vadd.s32 $0x1, v23  }
0x2eb: {  	v19 =	vadd.s32 $0x1, v29;
	v22 =	vsel vm0, v18, v23;
	v21 =	vsel vm0, v13, v16  }
0x2ec: {  	s28 =	simm.s32 $0x460;
	v18 =	vadd.s32 $0x410, v38;
	v16 =	vadd.s32 v21, v22;
	vm0 =	vlt.f32 v34, v8  }
0x2ed: {  	v13 =	vld [tilespmem:s28+$0xFFFFFBF0];
	v23 =	vshrl.u32 v16, $0x1;
	v20 =	vsel vm0, v19, v24;
	v19 =	vsel vm0, v15, v29  }
0x2ee: {  	v29 =	vld.idx.msk [tilespmem:v33+s3+$0x0], $0xffff;
	v15 =	vadd.s32 $0x1, v26;
	vm0 =	vlt.f32 v32, v10;
	v24 =	vadd.s32 v20, v19  }
0x2ef: {  	v16 =	vsel vm0, v15, v28;
	v15 =	vsel vm0, v17, v26;
	v26 =	vadd.s32 $0x410, v23  }
0x2f0: {  	v24 =	vshrl.u32 v24, $0x1;
	v15 =	vadd.s32 v16, v15  }
0x2f1: {  	v63 =	vadd.s32 $0x1, v38;
	v62 =	vld.idx.msk [tilespmem:v18+s3+$0x0], $0xffff;
	v28 =	vadd.s32 $0x410, v24;
	v18 =	vshrl.u32 v15, $0x1  }
0x2f2: {  	v17 =	vadd.s32 s19, v5;
	vm0 =	vlt.f32 v14, v13;
	v39 =	vadd.s32 $0x410, v18  }
0x2f3: {  	v33 =	vsel vm0, $0x301, v4;
	vm1 =	vlt.f32 v29, v12;
	v29 =	vadd.s32 $0x1, v36  }
0x2f4: {  	v35 =	vor.u32 $0x410, v33;
	v29 =	vsel vm1, v29, v27;
	v30 =	vsel vm1, v30, v36;
	v31 =	vld.idx.msk [tilespmem:v26+s3+$0x0], $0xffff  }
0x2f5: {  	s26 =	simm.s32 $0x10;
	v15 =	vimm.f32 $0.0e+00;
	v34 =	vsel vm0, $0x201, v2;
	v27 =	vxor.u32 v29, v30  }
0x2f6: {  	s25 =	simm.s32 $0x20;
	s24 =	simm.s32 $0x30;
	s23 =	simm.s32 $0x40;
	v26 =	vand.u32 v29, v30;
	v28 =	vld.idx.msk [tilespmem:v28+s3+$0x0], $0xffff;
	v27 =	vshrl.u32 v27, $0x1;
	vm1 =	vlt.f32 v62, v11  }
0x2f7: {  	s22 =	simm.s32 $0x50;
	s1 =	simm.s32 $0x60;
	s21 =	simm.s32 $0x460;
	v32 =	vadd.s32 v27, v26;
	v27 =	vsel vm1, v63, v37;
	v26 =	vsel vm1, v25, v38;
	v25 =	vld.idx.msk [tilespmem:v39+s3+$0x0], $0xffff  }
.LBB2_8:
0x2f8: {  	p0 =	sne.s32 s1, $0x400;
	v36 =	vsel vm0, $0x401, v3;
	v37 =	vadd.s32 $0x410, v32;
	v38 =	vadd.s32 v27, v26  }
0x2f9: {  	vm0 =	vlt.f32 v31, v9;
	v31 =	vadd.s32 $0x1, v23;
	v35 =	vld.idx.msk [tilespmem:v35+s3+$0x0], $0xffff;
	v38 =	vshrl.u32 v38, $0x1  }
0x2fa: {  	v31 =	vsel vm0, v31, v21;
	v40 =	vsel vm0, v22, v23;
	v39 =	vadd.s32 $0x410, v38  }
0x2fb: {  	v22 =	vadd.s32 $0x1, v24;
	v21 =	vadd.s32 v31, v40;
	vm0 =	vlt.f32 v28, v8  }
0x2fc: {  	v23 =	vadd.s32 $0x1, v33;
	v28 =	vshrl.u32 v21, $0x1;
	v41 =	vsel vm0, v22, v20  }
0x2fd: {  	v18 =	vadd.s32 $0x1, v18;
	v20 =	vld.idx.msk [tilespmem:v37+s3+$0x0], $0xffff;
	v37 =	vsel vm0, v19, v24;
	vm0 =	vlt.f32 v25, v10  }
0x2fe: {  	v19 =	vadd.s32 $0x410, v28;
	v21 =	vadd.s32 v41, v37;
	v16 =	vsel vm0, v18, v16  }
0x2ff: {  	vm0 =	vlt.f32 v35, v13;
	v18 =	vshrl.u32 v21, $0x1;
	vm1 =	vgt.s32 v16, v17;
	v21 =	vld [tilespmem:s17+$0x0]  }
0x300: {  	v25 =	vsel vm0, v36, v33;
	v22 =	vld.idx.msk [tilespmem:v39+s3+$0x0], $0xffff;
	v24 =	vadd.s32 $0x410, v18;
	v16 =	vsel vm1, v16, v17  }
0x301: {  	v34 =	vsel vm0, v23, v34;
	v17 =	vadd.s32 $0xFFFFFFFF, v25;
	v23 =	vadd.s32 $0x81F, v16  }
0x302: {  	v35 =	vxor.u32 s19, v6;
	s19 =	smov.u32 s26;
	s26 =	smov.u32 s25;
	s25 =	smov.u32 s24;
	v33 =	vor.u32 v17, v34;
	v17 =	vxor.u32 v17, v34  }
0x303: {  	s28 =	sadd.s32 $0x10, s28;
	s24 =	smov.u32 s23;
	s23 =	smov.u32 s22;
	v17 =	vshrl.u32 v17, $0x1;
	vm0 =	vlt.f32 v20, v12;
	v20 =	vadd.s32 $0x1, v32;
	v19 =	vld.idx.msk [tilespmem:v19+s3+$0x0], $0xffff  }
0x304: {  	s22 =	smov.u32 s1;
	v39 =	vsub.s32 v33, v17;
	v42 =	vsel vm0, v20, v29;
	v43 =	vsel vm0, v30, v32;
	v36 =	vld [tilespmem:s28+$0xFFFFFBF0]  }
0x305: {  	v17 =	vadd.s32 $0x410, v39;
	v20 =	vadd.s32 v42, v43;
	v29 =	vsub.f32 v10, v21;
	v24 =	vld.idx.msk [tilespmem:v24+s3+$0x0], $0xffff  }
0x306: {  	v44 =	vshrl.u32 v20, $0x1;
	vm0 =	vlt.f32 v22, v11;
	v20 =	vadd.s32 $0x1, v38;
	v30 =	vld.idx.msk [tilespmem:v23+s3+$0x0], $0xffff  }
0x307: {  	v16 =	vadd.s32 v35, v16;
	v21 =	vsel vm0, v20, v27;
	v22 =	vsel vm0, v26, v38  }
0x308: {  	v16 =	vcvt.s32.f32 v16;
	v26 =	vadd.s32 $0x410, v44;
	v20 =	vadd.s32 v21, v22  }
0x309: {  	v23 =	vshrl.u32 v20, $0x1;
	vm0 =	vlt.f32 v19, v9;
	v19 =	vadd.s32 $0x1, v28;
	v27 =	vld [tilespmem:s17+$0x410];
	s17 =	smov.u32 s15;
	s15 =	smov.u32 s16;
	s16 =	smov.u32 s18  }
0x30a: {  	v16 =	vmul.f32 v16, v10;
	v10 =	vmovc v8;
	v20 =	vsel vm0, v19, v31;
	v19 =	vsel vm0, v40, v28;
	s18 =	smov.u32 s20;
	s20 =	smov.u32 s21;
	s21 =	smov.u32 s28  }
0x30b: {  	v8 =	vmovc v9;
	vm0 =	vlt.f32 v14, v36;
	v31 =	vadd.s32 $0x410, v23;
	v28 =	vld.idx.msk [tilespmem:v17+s3+$0x0], $0xffff;
	v17 =	vadd.s32 v20, v19  }
0x30c: {  	v32 =	vadd.s32 $0x1, v18;
	v9 =	vmovc v11;
	v11 =	vmovc v12;
	vm1 =	vlt.f32 v24, v10;
	v30 =	vsub.f32 v16, v30  }
0x30d: {  	v12 =	vmovc v13;
	v13 =	vmovc v36;
	v16 =	vsel vm1, v32, v41;
	v24 =	vshrl.u32 v17, $0x1;
	v17 =	vsel vm1, v37, v18  }
0x30e: {  	v32 =	vadd.s32 $0x410, v24;
	v17 =	vadd.s32 v16, v17;
	v26 =	vld.idx.msk [tilespmem:v26+s3+$0x0], $0xffff;
	v27 =	vadd.f32 v27, v30  }
0x30f: {  	v33 =	vsel vm0, $0x301, v4;
	v18 =	vshrl.u32 v17, $0x1;
	v17 =	vadd.s32 s19, v5  }
0x310: {  	v15 =	vadd.f32 v29, v15;
	v36 =	vadd.s32 $0x410, v18;
	v27 =	vadd.f32 v27, v27  }
.Ltmp3:
0x311: {  	v35 =	vor.u32 $0x410, v33;
	vm1 =	vlt.f32 v28, v12;
	v28 =	vadd.s32 $0x1, v39;
	v31 =	vld.idx.msk [tilespmem:v31+s3+$0x0], $0xffff;
	(pc) =	sbr.rel @p0 .LBB2_8-.Ltmp3, $4  }
0x312: {  	v29 =	vsel vm1, v28, v34;
	v30 =	vsel vm1, v25, v39;
	v15 =	vadd.f32 v15, v27  }
0x313: {  	v34 =	vsel vm0, $0x201, v2;
	v25 =	vand.u32 v29, v30;
	v27 =	vxor.u32 v29, v30;
	v28 =	vld.idx.msk [tilespmem:v32+s3+$0x0], $0xffff  }
0x314: {  	v27 =	vshrl.u32 v27, $0x1;
	vm1 =	vlt.f32 v26, v11;
	v26 =	vadd.s32 $0x1, v44  }
0x315: {  	s1 =	sadd.s32 $0x10, s1;
	v32 =	vadd.s32 v27, v25;
	v27 =	vsel vm1, v26, v42;
	v26 =	vsel vm1, v43, v44;
	v25 =	vld.idx.msk [tilespmem:v36+s3+$0x0], $0xffff  }
0x316: {  	_ =	sdelay $0x3  }
0x317: {  	v14 =	vld.idx.msk [tilespmem:v35+s3+$0x0], $0xffff;
	_ =	sdelay $0x4  }
0x318: {  	v42 =	vsel vm0, $0x401, v3;
	vm7 =	vlt.f32 v14, v13  }
0x319: {  	v43 =	vadd.s32 $0x1, v33;
	v44 =	vsel vm7, v42, v33  }
0x31a: {  	v14 =	vsel vm7, v43, v34;
	v45 =	vadd.s32 $0xFFFFFFFF, v44  }
0x31b: {  	v46 =	vxor.u32 v45, v14  }
0x31c: {  	v34 =	vor.u32 v45, v14;
	v35 =	vshrl.u32 v46, $0x1  }
0x31d: {  	v34 =	vsub.s32 v34, v35  }
0x31e: {  	v35 =	vadd.s32 $0x410, v34;
	_ =	sdelay $0x4  }
0x31f: {  	v35 =	vld.idx.msk [tilespmem:v35+s3+$0x0], $0xffff;
	_ =	sdelay $0x4  }
0x320: {  	v36 =	vadd.s32 $0x410, v32;
	v47 =	vadd.s32 $0x1, v34;
	vm8 =	vlt.f32 v35, v13  }
0x321: {  	v14 =	vsel vm8, v47, v14;
	v33 =	vsel vm8, v44, v34  }
0x322: {  	v34 =	vxor.u32 v14, v33  }
0x323: {  	v35 =	vand.u32 v14, v33;
	v34 =	vshrl.u32 v34, $0x1  }
0x324: {  	v34 =	vadd.s32 v34, v35  }
0x325: {  	v48 =	vld.idx.msk [tilespmem:v36+s3+$0x0], $0xffff;
	v49 =	vadd.s32 $0x410, v34;
	_ =	sdelay $0x4  }
0x326: {  	v50 =	vadd.s32 $0x1, v32;
	vm9 =	vlt.f32 v48, v12;
	v36 =	vld.idx.msk [tilespmem:v49+s3+$0x0], $0xffff  }
0x327: {  	v29 =	vsel vm9, v50, v29;
	v30 =	vsel vm9, v30, v32  }
0x328: {  	v32 =	vadd.s32 v29, v30  }
0x329: {  	v32 =	vshrl.u32 v32, $0x1  }
0x32a: {  	v51 =	vadd.s32 $0x410, v32  }
0x32b: {  	v52 =	vadd.s32 $0x1, v34;
	vm10 =	vlt.f32 v36, v13  }
0x32c: {  	v14 =	vsel vm10, v52, v14;
	v33 =	vsel vm10, v33, v34  }
0x32d: {  	v34 =	vadd.s32 v14, v33  }
0x32e: {  	v34 =	vshrl.u32 v34, $0x1  }
0x32f: {  	v35 =	vld.idx.msk [tilespmem:v51+s3+$0x0], $0xffff;
	v53 =	vadd.s32 $0x410, v34;
	_ =	sdelay $0x2  }
0x330: {  	v37 =	vadd.s32 v27, v26  }
0x331: {  	v37 =	vshrl.u32 v37, $0x1  }
0x332: {  	v38 =	vadd.s32 $0x410, v37;
	v54 =	vadd.s32 $0x1, v32;
	vm11 =	vlt.f32 v35, v12;
	v36 =	vld.idx.msk [tilespmem:v53+s3+$0x0], $0xffff  }
0x333: {  	v29 =	vsel vm11, v54, v29;
	v30 =	vsel vm11, v30, v32  }
0x334: {  	v32 =	vadd.s32 v29, v30  }
0x335: {  	v32 =	vshrl.u32 v32, $0x1  }
0x336: {  	v56 =	vadd.s32 $0x410, v32  }
0x337: {  	v55 =	vld.idx.msk [tilespmem:v38+s3+$0x0], $0xffff;
	v57 =	vadd.s32 $0x1, v34;
	vm12 =	vlt.f32 v36, v13  }
0x338: {  	v14 =	vsel vm12, v57, v14;
	v33 =	vsel vm12, v33, v34  }
0x339: {  	v34 =	vadd.s32 v14, v33  }
0x33a: {  	v34 =	vshrl.u32 v34, $0x1  }
0x33b: {  	v59 =	vld.idx.msk [tilespmem:v56+s3+$0x0], $0xffff;
	v60 =	vadd.s32 $0x410, v34  }
0x33c: {  	v58 =	vadd.s32 $0x1, v37;
	vm13 =	vlt.f32 v55, v11  }
0x33d: {  	v61 =	vsel vm13, v58, v27;
	v62 =	vsel vm13, v26, v37  }
0x33e: {  	v35 =	vadd.s32 v61, v62  }
0x33f: {  	v35 =	vshrl.u32 v35, $0x1  }
0x340: {  	v63 =	vadd.s32 $0x410, v35;
	v40 =	vadd.s32 $0x1, v32;
	vm14 =	vlt.f32 v59, v12;
	v38 =	vld.idx.msk [tilespmem:v60+s3+$0x0], $0xffff  }
0x341: {  	v29 =	vsel vm14, v40, v29;
	v30 =	vsel vm14, v30, v32  }
0x342: {  	v32 =	vadd.s32 v29, v30  }
0x343: {  	vm15 =	vlt.f32 v31, v9;
	v41 =	vadd.s32 $0x1, v23;
	v32 =	vshrl.u32 v32, $0x1  }
0x344: {  	v21 =	vsel vm15, v41, v21;
	v43 =	vadd.s32 $0x410, v32  }
0x345: {  	v22 =	vsel vm15, v22, v23;
	v42 =	vld.idx.msk [tilespmem:v63+s3+$0x0], $0xffff;
	v45 =	vadd.s32 $0x1, v34;
	vm4 =	vlt.f32 v38, v13  }
0x346: {  	v44 =	vadd.s32 v21, v22;
	v14 =	vsel vm4, v45, v14;
	v33 =	vsel vm4, v33, v34  }
0x347: {  	v36 =	vshrl.u32 v44, $0x1;
	v37 =	vadd.s32 v14, v33  }
0x348: {  	v46 =	vadd.s32 $0x410, v36;
	v37 =	vshrl.u32 v37, $0x1  }
0x349: {  	v31 =	vld.idx.msk [tilespmem:v43+s3+$0x0], $0xffff;
	v48 =	vadd.s32 $0x410, v37  }
0x34a: {  	v47 =	vadd.s32 $0x1, v35;
	vm5 =	vlt.f32 v42, v11  }
0x34b: {  	v23 =	vsel vm5, v47, v61;
	v26 =	vsel vm5, v62, v35  }
0x34c: {  	v27 =	vadd.s32 v23, v26  }
0x34d: {  	v27 =	vshrl.u32 v27, $0x1;
	v34 =	vld.idx.msk [tilespmem:v46+s3+$0x0], $0xffff  }
0x34e: {  	v50 =	vadd.s32 $0x410, v27;
	v51 =	vadd.s32 $0x1, v32;
	vm7 =	vlt.f32 v31, v12;
	v52 =	vld.idx.msk [tilespmem:v48+s3+$0x0], $0xffff  }
0x34f: {  	vm6 =	vlt.f32 v28, v8;
	v29 =	vsel vm7, v51, v29;
	v30 =	vsel vm7, v30, v32  }
0x350: {  	v19 =	vsel vm6, v19, v24;
	v32 =	vadd.s32 v29, v30  }
0x351: {  	v49 =	vadd.s32 $0x1, v24;
	v54 =	vadd.s32 $0x1, v36;
	v32 =	vshrl.u32 v32, $0x1  }
0x352: {  	v55 =	vadd.s32 $0x410, v32;
	v56 =	vadd.s32 $0x1, v37;
	vm8 =	vlt.f32 v34, v9  }
0x353: {  	v24 =	vld.idx.msk [tilespmem:v50+s3+$0x0], $0xffff;
	v21 =	vsel vm8, v54, v21;
	v22 =	vsel vm8, v22, v36;
	vm9 =	vlt.f32 v52, v13  }
0x354: {  	v36 =	vadd.s32 v21, v22;
	v14 =	vsel vm9, v56, v14;
	v33 =	vsel vm9, v33, v37  }
0x355: {  	v36 =	vshrl.u32 v36, $0x1;
	v37 =	vadd.s32 v14, v33  }
0x356: {  	v20 =	vsel vm6, v49, v20;
	v57 =	vadd.s32 $0x410, v36;
	v37 =	vshrl.u32 v37, $0x1  }
0x357: {  	v28 =	vadd.s32 v20, v19;
	v34 =	vld.idx.msk [tilespmem:v55+s3+$0x0], $0xffff;
	v59 =	vadd.s32 $0x410, v37  }
0x358: {  	v28 =	vshrl.u32 v28, $0x1;
	v58 =	vadd.s32 $0x1, v27;
	vm10 =	vlt.f32 v24, v11  }
0x359: {  	v53 =	vadd.s32 $0x410, v28;
	v23 =	vsel vm10, v58, v23;
	v60 =	vsel vm10, v26, v27  }
0x35a: {  	v26 =	vadd.s32 v23, v60  }
0x35b: {  	v26 =	vshrl.u32 v26, $0x1;
	v61 =	vld.idx.msk [tilespmem:v57+s3+$0x0], $0xffff  }
0x35c: {  	v63 =	vadd.s32 $0x410, v26;
	v39 =	vadd.s32 $0x1, v32;
	vm1 =	vlt.f32 v34, v12;
	v40 =	vld.idx.msk [tilespmem:v59+s3+$0x0], $0xffff  }
0x35d: {  	v41 =	vsel vm1, v39, v29;
	v42 =	vsel vm1, v30, v32  }
0x35e: {  	v18 =	vadd.s32 $0x1, v18;
	v31 =	vld.idx.msk [tilespmem:v53+s3+$0x0], $0xffff;
	v43 =	vadd.s32 v41, v42  }
0x35f: {  	vm12 =	vlt.f32 v25, v10;
	v44 =	vadd.s32 $0x1, v36;
	v25 =	vshrl.u32 v43, $0x1  }
0x360: {  	v46 =	vadd.s32 $0x410, v25;
	v48 =	vadd.s32 $0x1, v37;
	vm13 =	vlt.f32 v61, v9  }
0x361: {  	v45 =	vld.idx.msk [tilespmem:v63+s3+$0x0], $0xffff;
	v21 =	vsel vm13, v44, v21;
	v22 =	vsel vm13, v22, v36;
	vm14 =	vlt.f32 v40, v13  }
0x362: {  	v47 =	vadd.s32 v21, v22;
	v14 =	vsel vm14, v48, v14;
	v49 =	vsel vm14, v33, v37  }
0x363: {  	vm11 =	vlt.f32 v31, v8;
	v31 =	vshrl.u32 v47, $0x1;
	v51 =	vadd.s32 v14, v49  }
0x364: {  	v62 =	vadd.s32 $0x1, v28;
	v50 =	vadd.s32 $0x410, v31;
	v34 =	vshrl.u32 v51, $0x1  }
0x365: {  	v16 =	vsel vm12, v18, v16;
	v53 =	vadd.s32 $0x1, v26;
	v30 =	vld.idx.msk [tilespmem:v46+s3+$0x0], $0xffff;
	v54 =	vadd.s32 $0x410, v34  }
0x366: {  	v20 =	vsel vm11, v62, v20;
	v19 =	vsel vm11, v19, v28;
	vm15 =	vlt.f32 v45, v11  }
0x367: {  	v19 =	vadd.s32 v20, v19;
	v55 =	vsel vm15, v53, v23;
	v56 =	vsel vm15, v60, v26  }
0x368: {  	vm0 =	vgt.s32 v16, v17;
	v19 =	vshrl.u32 v19, $0x1;
	v24 =	vadd.s32 v55, v56  }
0x369: {  	v16 =	vsel vm0, v16, v17;
	v52 =	vadd.s32 $0x410, v19;
	v24 =	vshrl.u32 v24, $0x1;
	v58 =	vld.idx.msk [tilespmem:v50+s3+$0x0], $0xffff  }
0x36a: {  	v60 =	vadd.s32 $0x410, v24;
	v61 =	vadd.s32 $0x1, v25;
	vm4 =	vlt.f32 v30, v12;
	v62 =	vld.idx.msk [tilespmem:v54+s3+$0x0], $0xffff  }
0x36b: {  	v57 =	vxor.u32 s19, v6;
	v28 =	vsel vm4, v61, v41;
	v25 =	vsel vm4, v42, v25  }
0x36c: {  	v17 =	vadd.s32 v57, v16;
	v30 =	vadd.s32 v28, v25  }
0x36d: {  	v16 =	vadd.s32 $0x81F, v16;
	v36 =	vadd.s32 $0x1, v31;
	v30 =	vshrl.u32 v30, $0x1  }
0x36e: {  	v59 =	vld.idx.msk [tilespmem:v52+s3+$0x0], $0xffff;
	v38 =	vadd.s32 $0x410, v30;
	v39 =	vadd.s32 $0x1, v34;
	vm5 =	vlt.f32 v58, v9  }
0x36f: {  	v37 =	vld.idx.msk [tilespmem:v60+s3+$0x0], $0xffff;
	v21 =	vsel vm5, v36, v21;
	v22 =	vsel vm5, v22, v31;
	vm7 =	vlt.f32 v62, v13  }
0x370: {  	v22 =	vadd.s32 v21, v22;
	v14 =	vsel vm7, v39, v14;
	v40 =	vsel vm7, v49, v34  }
0x371: {  	v63 =	vadd.s32 s26, v5;
	v22 =	vshrl.u32 v22, $0x1;
	v42 =	vadd.s32 v14, v40  }
0x372: {  	v17 =	vcvt.s32.f32 v17;
	v16 =	vld.idx.msk [tilespmem:v16+s3+$0x0], $0xffff;
	v44 =	vadd.s32 $0x410, v22;
	v33 =	vshrl.u32 v42, $0x1  }
0x373: {  	v19 =	vadd.s32 $0x1, v19;
	v45 =	vadd.s32 $0x1, v24;
	v27 =	vld.idx.msk [tilespmem:v38+s3+$0x0], $0xffff;
	v46 =	vadd.s32 $0x410, v33  }
0x374: {  	v43 =	vld [tilespmem:s17+$0x410];
	v17 =	vmul.f32 v17, v10;
	vm6 =	vlt.f32 v59, v8;
	vm8 =	vlt.f32 v37, v11  }
0x375: {  	v19 =	vsel vm6, v19, v20;
	v18 =	vsel vm8, v45, v55;
	v23 =	vsel vm8, v56, v24  }
0x376: {  	vm1 =	vgt.s32 v19, v63;
	v48 =	vadd.s32 v18, v23  }
0x377: {  	v16 =	vsub.f32 v17, v16;
	v47 =	vsel vm1, v19, v63;
	v19 =	vshrl.u32 v48, $0x1;
	v20 =	vld.idx.msk [tilespmem:v44+s3+$0x0], $0xffff  }
0x378: {  	v53 =	vadd.s32 $0x1, v30;
	v52 =	vadd.s32 $0x410, v19;
	vm9 =	vlt.f32 v27, v12;
	v54 =	vld.idx.msk [tilespmem:v46+s3+$0x0], $0xffff  }
0x379: {  	v16 =	vadd.f32 v43, v16;
	v24 =	vsel vm9, v53, v28;
	v25 =	vsel vm9, v25, v30  }
0x37a: {  	v57 =	vadd.s32 s25, v5;
	v50 =	vadd.s32 $0x81F, v47;
	v56 =	vadd.s32 v24, v25  }
0x37b: {  	v51 =	vxor.u32 s26, v6;
	v55 =	vadd.f32 v16, v16;
	v16 =	vshrl.u32 v56, $0x1  }
0x37c: {  	v41 =	vld [tilespmem:s17+$0x0];
	v17 =	vadd.s32 v51, v47;
	v58 =	vadd.s32 $0x1, v22;
	v60 =	vadd.s32 $0x410, v16  }
0x37d: {  	v59 =	vld.idx.msk [tilespmem:v52+s3+$0x0], $0xffff;
	v62 =	vadd.s32 $0x1, v33;
	vm10 =	vlt.f32 v20, v9;
	vm11 =	vlt.f32 v54, v13  }
0x37e: {  	v61 =	vld [tilespmem:s15+$0x0];
	v20 =	vsel vm10, v58, v21;
	v14 =	vsel vm11, v62, v14;
	v29 =	vsel vm11, v40, v33  }
0x37f: {  	v17 =	vcvt.s32.f32 v17;
	v23 =	vld.idx.msk [tilespmem:v50+s3+$0x0], $0xffff;
	vm12 =	vgt.s32 v20, v57;
	v31 =	vadd.s32 v14, v29  }
0x380: {  	v35 =	vadd.s32 s24, v5;
	v30 =	vsel vm12, v20, v57;
	v20 =	vshrl.u32 v31, $0x1  }
0x381: {  	v43 =	vxor.u32 s24, v6;
	v63 =	vld [tilespmem:s15+$0x410];
	v17 =	vmul.f32 v17, v8;
	v34 =	vadd.s32 $0x410, v20  }
0x382: {  	v19 =	vadd.s32 $0x1, v19;
	vm13 =	vlt.f32 v59, v11;
	v32 =	vadd.s32 $0x81F, v30;
	v33 =	vld.idx.msk [tilespmem:v60+s3+$0x0], $0xffff  }
0x383: {  	v37 =	vxor.u32 s25, v6;
	v49 =	vsub.f32 v10, v41;
	v18 =	vsel vm13, v19, v18  }
0x384: {  	v8 =	vsub.f32 v8, v61;
	v17 =	vsub.f32 v17, v23;
	vm0 =	vgt.s32 v18, v35  }
0x385: {  	v48 =	vadd.s32 s22, v5;
	v10 =	vadd.f32 v49, v15;
	v18 =	vsel vm0, v18, v35  }
0x386: {  	v16 =	vadd.s32 $0x1, v16;
	v17 =	vadd.f32 v63, v17;
	v38 =	vadd.s32 $0x81F, v18;
	v39 =	vld.idx.msk [tilespmem:v34+s3+$0x0], $0xffff  }
0x387: {  	v10 =	vadd.f32 v10, v55;
	v15 =	vadd.s32 v37, v30;
	v21 =	vld.idx.msk [tilespmem:v32+s3+$0x0], $0xffff;
	vm14 =	vlt.f32 v33, v12  }
0x388: {  	v36 =	vld [tilespmem:s16+$0x0];
	v41 =	vadd.s32 s23, v5;
	v15 =	vcvt.s32.f32 v15;
	v16 =	vsel vm14, v16, v24  }
0x389: {  	v17 =	vadd.f32 v17, v17;
	v8 =	vadd.f32 v8, v10;
	v40 =	vld [tilespmem:s16+$0x410];
	vm0 =	vgt.s32 v16, v41  }
0x38a: {  	v10 =	vadd.s32 v43, v18;
	v15 =	vmul.f32 v15, v9;
	v16 =	vsel vm0, v16, v41  }
0x38b: {  	v44 =	vld.idx.msk [tilespmem:v38+s3+$0x0], $0xffff;
	v20 =	vadd.s32 $0x1, v20;
	v45 =	vadd.s32 $0x81F, v16;
	vm15 =	vlt.f32 v39, v13  }
0x38c: {  	v46 =	vld [tilespmem:s18+$0x0];
	v10 =	vcvt.s32.f32 v10;
	v15 =	vsub.f32 v15, v21;
	v14 =	vsel vm15, v20, v14  }
0x38d: {  	v47 =	vld [tilespmem:s18+$0x410];
	v42 =	vsub.f32 v9, v36;
	v8 =	vadd.f32 v8, v17;
	vm0 =	vgt.s32 v14, v48  }
0x38e: {  	v49 =	vmul.f32 v10, v11;
	v15 =	vadd.f32 v40, v15;
	v14 =	vsel vm0, v14, v48  }
0x38f: {  	v51 =	vxor.u32 s23, v6;
	v8 =	vadd.f32 v42, v8;
	v53 =	vadd.s32 $0x81F, v14  }
0x390: {  	v9 =	vsub.f32 v49, v44;
	v50 =	vadd.f32 v15, v15;
	v15 =	vadd.s32 v51, v16;
	v52 =	vld.idx.msk [tilespmem:v45+s3+$0x0], $0xffff  }
0x391: {  	v54 =	vld [tilespmem:s20+$0x0];
	v55 =	vsub.f32 v11, v46;
	v15 =	vcvt.s32.f32 v15  }
0x392: {  	v56 =	vld [tilespmem:s20+$0x410];
	v9 =	vadd.f32 v47, v9;
	v8 =	vadd.f32 v8, v50  }
0x393: {  	v57 =	vxor.u32 s22, v6;
	v15 =	vmul.f32 v15, v12  }
0x394: {  	v9 =	vadd.f32 v9, v9;
	v8 =	vadd.f32 v55, v8;
	v11 =	vadd.s32 v57, v14;
	v16 =	vld.idx.msk [tilespmem:v53+s3+$0x0], $0xffff  }
0x395: {  	v58 =	vld [tilespmem:s21+$0x0];
	v11 =	vcvt.s32.f32 v11;
	v15 =	vsub.f32 v15, v52  }
0x396: {  	v60 =	vld [tilespmem:s21+$0x410];
	v10 =	vsub.f32 v12, v54;
	v8 =	vadd.f32 v8, v9  }
0x397: {  	v11 =	vmul.f32 v11, v13;
	v59 =	vadd.f32 v56, v15  }
0x398: {  	v8 =	vadd.f32 v10, v8  }
0x399: {  	v61 =	vadd.f32 v59, v59;
	v11 =	vsub.f32 v11, v16  }
0x39a: {  	v9 =	vsub.f32 v13, v58  }
0x39b: {  	v8 =	vadd.f32 v8, v61;
	v62 =	vadd.f32 v60, v11;
	_ =	sdelay $0x1  }
0x39c: {  	v8 =	vadd.f32 v9, v8;
	v63 =	vadd.f32 v62, v62;
	_ =	sdelay $0x1  }
0x39d: {  	v8 =	vadd.f32 v8, v63;
	_ =	sdelay $0x1  }
0x39e: {  	(xrf2) =	vadd.scan.msk.f32 $0xffff, v8;
	_ =	sdelay $0x9  }
0x39f: {  	v8, _, _ =	vpop (xrf2)  }
0x3a0: {  	s14 =	sadd.s32 $0x1, s14;
	v8 =	vbroadcast v8, $0xF  }
0x3a1: {  	p0 =	sne.s32 s14, s8  }
.Ltmp4:
0x3a2: {  	[tilespmem:v7+s12+$0x0] =	vst.idx.msk $0x1, v8;
	(pc) =	sbr.rel @p0 .LBB2_1-.Ltmp4, $4  }
0x3a3: {  	[hbm4b:s7+s3] =	stream.linear.scatter [tilespmem:s12], [sflag:$0x2], $0x80, $0x38;
	[tilespmem:$0x1980] =	vst v63  }
0x3a4: {  	_ =	swait.ge [sflag:s13], $0x80  }
0x3a5: {  	[sflag:s13] =	ssyncset.done $0x0  }
0x3a6: {  	[sflag:s13] =	ssyncadd.s32 $0xFFFFFF80  }
0x3a7: {  	_ =	sfence.sel $0x180000  }
0x3a8: {  	[bflag:$0x0] =	sbarrier.arrive $0xFFFF  }
0x3a9: {  	_ =	strace $0x90000047  }
0x3aa: {  	[bflag:$0x2] =	sbarrier.arrive $0xFFFF  }
0x3ab: {  	p0 =	sne.s32 s0, $0x0;
	s0 =	rddreg [dreg:$0x1]  }
0x3ac: {  	s0 =	sadd.s32 @!p0 $0x100000, s0  }
0x3ad: {  	[sflag:s0] =	ssyncadd.tile.s32 @!p0 $0x1;
	_ =	shalt  }
.Lfunc_end2:
_tile_overlayer_lowered:
.L_overlay_start_2:
0x3ae: {  	(tag) =	ssettag $0x2  }
0x3af: {  	s0 =	rddreg [dreg:$0x0];
	s2 =	stileid.u32  }
0x3b0: {  	s1 =	rddreg [dreg:$0x1];
	p0 =	sne.s32 s2, $0x0  }
0x3b1: {  	s3 =	rddreg [dreg:$0x2];
	[bflag:$0x3] =	sbarrier.arrive $0xFFFF;
	s2 =	simm.s32 @!p0 $0x1C02  }
0x3b2: {  	[timem:s3], [sflag:s2] =	dma.local @!p0 [hbm:s0], s1  }
0x3b3: {  	s0 =	simm.s32 @!p0 $0x2  }
0x3b4: {  	_ =	swait.ge @!p0 [sflag:s0], s1  }
0x3b5: {  	s1 =	ssub.s32 @!p0 $0x0, s1;
	[sflag:s0] =	ssyncset.done @!p0 $0x0  }
0x3b6: {  	[sflag:s0] =	ssyncadd.s32 @!p0 s1  }
0x3b7: {  	[bflag:$0x3] =	sbarrier.arrive $0xFFFF  }
0x3b8: {  	_ =	shalt  }

// kernel: kernel.9.cloned.1.call-start
scs
__scs_entry_jumppad:
0x0: {  	(pc) =	sbr.rel $0x88, $3  }
0x1: {  	(tag) =	ssettag $0x0;
	lr =	simm.s32 $0x1  }
0x2: {  	[smem:$0x3F9F] =	sst lr;
	_ =	strace $0xD0000000  }
0x3: {  	_ = 	snop  }
0x4: {  	_ = 	snop  }
0x5: {  	_ = 	snop  }
0x6: {  	_ = 	snop  }
0x7: {  	_ = 	snop  }
__scs_overlays_trampoline_lowered:
0x8: {  	[smem:$0x3FAE] =	sst s0  }
0x9: {  	[smem:$0x3FAF] =	sst s1  }
0xa: {  	[smem:$0x3FB0] =	sst s2  }
0xb: {  	[smem:$0x3FB1] =	sst s3  }
0xc: {  	[smem:$0x3FB2] =	sst s4  }
0xd: {  	[smem:$0x3FB3] =	sst s5  }
0xe: {  	[smem:$0x3FB4] =	sst s6  }
0xf: {  	[smem:$0x3FB5] =	sst s7  }
0x10: {  	[smem:$0x3FB6] =	sst s8  }
0x11: {  	[smem:$0x3FB7] =	sst s9;
	s0 =	simm.s32 @!p0 $0x0  }
0x12: {  	s1 =	sld [smem:$0x3F9D];
	s0 =	simm.s32 @p0 $0x1  }
0x13: {  	[smem:$0x3FB8] =	sst s0;
	s0 =	simm.s32 @!p1 $0x0  }
0x14: {  	s2 =	sld [smem:$0x3F9C];
	s0 =	simm.s32 @p1 $0x1  }
0x15: {  	[smem:$0x3FB9] =	sst s0;
	s0 =	simm.s32 @!p2 $0x0  }
0x16: {  	s3 =	sld [smem:$0x3FDB];
	s0 =	simm.s32 @p2 $0x1  }
0x17: {  	s4 =	simm.s32 $0x1BF5;
	[smem:$0x3FBB] =	sst s0  }
0x18: {  	s0 =	sld [smem:$0x3F9E];
	_ =	swait.ge [sflag:s4], $0x0  }
0x19: {  	s7 =	sld [smem:$0x3F9F]  }
0x1a: {  	s8 =	sadd.s32 $0xFFFFE003, lr  }
0x1b: {  	s9 =	sadd.s32 $0xFFFFFEF7, lr;
	s5 =	simm.s32 $0xFFFFFFFF;
	p2 =	slt.u32 s8, $0xFFFFF086  }
0x1c: {  	p1 =	slt.u32 s9, $0xF7A;
	s5 =	simm.s32 @!p2 $0x0  }
0x1d: {  	s5 =	simm.s32 @p1 $0x1;
	p0 =	seq.s32 s7, s2  }
0x1e: {  	s7 =	smul.u32 @!p0 $0xF7A, s2;
	p2 =	seq.s32 @!p0 s5, $0x0  }
0x1f: {  	s9 =	smul.u32 $0xF7A, s1;
	s8 =	simm.s32 @!p0 $0x1BF5;
	p2 =	por !p2, p0  }
0x20: {  	[sflag:s8] =	ssyncset.s32 @!p0 $0xFFFFF086;
	s6 =	sadd.s32 @!p0 s3, s7;
	s7 =	simm.s32 @!p0 $0x108  }
0x21: {  	s3 =	sadd.s32 s3, s9;
	s6 =	sadd.s32 @!p0 $0x88, s6;
	s7 =	simm.s32 @p2 $0x1082  }
0x22: {  	[simem:s7], [sflag:s8] =	dma.local @!p0 [hbm:s6], $0xF7A  }
0x23: {  	s9 =	sor.u32 $0xD0000000, s2;
	s6 =	simm.s32 $0x108;
	_ =	swait.ge @!p0 [sflag:s8], $0x0  }
0x24: {  	s3 =	sadd.s32 $0x88, s3;
	s6 =	simm.s32 @!p1 $0x1082;
	[sflag:s4] =	ssyncset.s32 $0xFFFFF086  }
0x25: {  	[simem:s6], [sflag:s4] =	dma.local [hbm:s3], $0xF7A  }
0x26: {  	[smem:$0x3F9F] =	sst s1;
	(tag) =	ssettag s2;
	_ =	strace s9  }
0x27: {  	s1 =	sld [smem:$0x3FAF]  }
0x28: {  	s2 =	sld [smem:$0x3FB0]  }
0x29: {  	s4 =	sld [smem:$0x3FB2]  }
0x2a: {  	p0 =	seq.s32 s5, $0x0;
	s5 =	sld [smem:$0x3FB3]  }
0x2b: {  	s6 =	sld [smem:$0x3FB4]  }
0x2c: {  	s7 =	sld [smem:$0x3FB5]  }
0x2d: {  	s3 =	simm.s32 $0x108;
	s8 =	sld [smem:$0x3FB6]  }
0x2e: {  	s3 =	simm.s32 @!p0 $0x1082;
	s9 =	sld [smem:$0x3FB7]  }
0x2f: {  	lr =	sadd.s32 s0, s3;
	s0 =	sld [smem:$0x3FAE]  }
0x30: {  	s3 =	sld [smem:$0x3FB1]  }
0x31: {  	[smem:$0x3FBA] =	sst s10  }
0x32: {  	s10 =	sld [smem:$0x3FB8];
	_ =	sdelay $0x3  }
0x33: {  	p0 =	seq.s32 s10, $0x1;
	s10 =	sld [smem:$0x3FBA];
	_ =	sdelay $0x3  }
0x34: {  	[smem:$0x3FBA] =	sst s10  }
0x35: {  	s10 =	sld [smem:$0x3FB9];
	_ =	sdelay $0x3  }
0x36: {  	p1 =	seq.s32 s10, $0x1;
	s10 =	sld [smem:$0x3FBA];
	_ =	sdelay $0x3  }
0x37: {  	[smem:$0x3FBA] =	sst s10  }
0x38: {  	s10 =	sld [smem:$0x3FBB]  }
0x39: {  	_ = 	snop;
	(pc) =	sbr.ind lr, $3  }
0x3a: {  	_ = 	snop  }
0x3b: {  	_ = 	snop  }
0x3c: {  	p2 =	seq.s32 s10, $0x1;
	s10 =	sld [smem:$0x3FBA]  }
0x3d: {  	_ =	shalt  }
0x3e: {  	_ =	shalt  }
0x3f: {  	_ =	shalt  }
0x40: {  	_ =	shalt  }
0x41: {  	_ =	shalt  }
0x42: {  	_ =	shalt  }
0x43: {  	_ =	shalt  }
0x44: {  	_ =	shalt  }
0x45: {  	_ =	shalt  }
0x46: {  	_ =	shalt  }
0x47: {  	_ =	shalt  }
0x48: {  	_ =	shalt  }
0x49: {  	_ =	shalt  }
0x4a: {  	_ =	shalt  }
0x4b: {  	_ =	shalt  }
0x4c: {  	_ =	shalt  }
0x4d: {  	_ =	shalt  }
0x4e: {  	_ =	shalt  }
0x4f: {  	_ =	shalt  }
0x50: {  	_ =	shalt  }
0x51: {  	_ =	shalt  }
0x52: {  	_ =	shalt  }
0x53: {  	_ =	shalt  }
0x54: {  	_ =	shalt  }
0x55: {  	_ =	shalt  }
0x56: {  	_ =	shalt  }
0x57: {  	_ =	shalt  }
0x58: {  	_ =	shalt  }
0x59: {  	_ =	shalt  }
0x5a: {  	_ =	shalt  }
0x5b: {  	_ =	shalt  }
0x5c: {  	_ =	shalt  }
0x5d: {  	_ =	shalt  }
0x5e: {  	_ =	shalt  }
0x5f: {  	_ =	shalt  }
0x60: {  	_ =	shalt  }
0x61: {  	_ =	shalt  }
0x62: {  	_ =	shalt  }
0x63: {  	_ =	shalt  }
0x64: {  	_ =	shalt  }
0x65: {  	_ =	shalt  }
0x66: {  	_ =	shalt  }
0x67: {  	_ =	shalt  }
0x68: {  	_ =	shalt  }
0x69: {  	_ =	shalt  }
0x6a: {  	_ =	shalt  }
0x6b: {  	_ =	shalt  }
0x6c: {  	_ =	shalt  }
0x6d: {  	_ =	shalt  }
0x6e: {  	_ =	shalt  }
0x6f: {  	_ =	shalt  }
0x70: {  	_ =	shalt  }
0x71: {  	_ =	shalt  }
0x72: {  	_ =	shalt  }
0x73: {  	_ =	shalt  }
0x74: {  	_ =	shalt  }
0x75: {  	_ =	shalt  }
0x76: {  	_ =	shalt  }
0x77: {  	_ =	shalt  }
0x78: {  	_ =	shalt  }
0x79: {  	_ =	shalt  }
0x7a: {  	_ =	shalt  }
0x7b: {  	_ =	shalt  }
0x7c: {  	_ =	shalt  }
0x7d: {  	_ =	shalt  }
0x7e: {  	_ =	shalt  }
0x7f: {  	_ =	shalt  }
0x80: {  	_ =	shalt  }
0x81: {  	_ =	shalt  }
0x82: {  	_ =	shalt  }
0x83: {  	_ =	shalt  }
0x84: {  	_ =	shalt  }
0x85: {  	_ =	shalt  }
0x86: {  	_ =	shalt  }
0x87: {  	_ =	shalt  }
.Lfunc_end0:
.L_simem_size_0:
called_computation.1_lowered:
.L_overlay_start_0:
0x88: {  	s2 =	sld [smem:$0x3FD9]  }
0x89: {  	s3 =	sld [smem:$0x3FFE];
	_ =	sdelay $0x1  }
0x8a: {  	s1 =	srdreg.scid  }
0x8b: {  	s0 =	sand.u32 $0x1, s1  }
0x8c: {  	s17 =	sshll.u32 s0, $0xA;
	s2 =	sadd.s32 s3, s2  }
0x8d: {  	s2 =	sadd.s32 s2, s17  }
0x8e: {  	[smem:$0x3FC6] =	sst s2  }
0x8f: {  	_ = 	snop  }
0x90: {  	(tm) =	ssettm $0x1  }
0x91: {  	s18 =	sld [smem:$0x3FFB];
	_ =	sdelay $0x3  }
0x92: {  	_ =	strace s18  }
0x93: {  	s2 =	sld [smem:$0x3FFC];
	_ =	sdelay $0x3  }
0x94: {  	_ =	strace s2  }
0x95: {  	s2 =	sld [smem:$0x3FFD];
	_ =	sdelay $0x3  }
0x96: {  	_ =	strace s2  }
0x97: {  	_ =	strace $0x8FFFFFFF  }
0x98: {  	s19 =	sld [smem:$0x3FDB];
	_ =	sdelay $0x1  }
0x99: {  	s20 =	simm.s32 $_scs_section_size  }
0x9a: {  	s4 =	simm.s32 $_size__tile_overlayer_lowered;
	s5 =	simm.s32 $_tile_overlayer_lowered  }
0x9b: {  	s6 =	simm.s32 $0x1BFF;
	s21 =	sshll.u32 s5, $0x1;
	s3 =	sadd.s32 s20, s19  }
0x9c: {  	s22 =	simm.s32 $0x0;
	s4 =	sshll.u32 s4, $0x1;
	s5 =	sadd.s32 s21, s3  }
0x9d: {  	[timem:s22], [sflag:s6] =	dma.local [hbm:s5], s4  }
0x9e: {  	_ =	swait.ge [sflag:s6], s4  }
0x9f: {  	s4 =	ssub.s32 $0x0, s4;
	[sflag:s6] =	ssyncset.done $0x0  }
0xa0: {  	[sflag:s6] =	ssyncadd.s32 s4;
	_ =	sdelay $0x1  }
0xa1: {  	s23 =	simm.s32 $0x1B8B  }
0xa2: {  	_ =	swait.ge [sflag:s23], $0x1  }
0xa3: {  	[sflag:s23] =	ssyncset.done $0x0  }
0xa4: {  	[sflag:s23] =	ssyncadd.s32 $0xFFFFFFFF  }
0xa5: {  	s4 =	sld [smem:$0x0]  }
0xa6: {  	s5 =	sand.u32 $0xFFFFFFFE, s1  }
0xa7: {  	p0 =	sne.s32 s1, s5  }
0xa8: {  	s5 =	sshll.u32 @p0 s5, $0xE  }
0xa9: {  	s5 =	sadd.s32 @p0 $0x11B8D, s5;
	s6 =	sshll.u32 @p0 s4, $0x11  }
0xaa: {  	s5 =	sor.u32 @p0 s6, s5  }
0xab: {  	[sflag:s5] =	ssyncadd.remote.s32 @p0 $0x1;
	_ =	sdelay $0x1  }
0xac: {  	s5 =	simm.s32 @p0 $0x1B8D  }
0xad: {  	_ =	swait.eq @p0 [sflag:s5], $0x1  }
0xae: {  	[sflag:s5] =	ssyncadd.s32 @p0 $0xFFFFFFFF  }
0xaf: {  	s6 =	sshll.u32 @!p0 s1, $0xE  }
0xb0: {  	s6 =	sor.u32 @!p0 $0x4000, s6;
	s5 =	simm.s32 @!p0 $0x1B8D  }
0xb1: {  	s4 =	sshll.u32 @!p0 s4, $0x11;
	s6 =	sadd.s32 @!p0 $0x11B8D, s6;
	_ =	swait.eq @!p0 [sflag:s5], $0x1  }
0xb2: {  	s4 =	sor.u32 @!p0 s4, s6;
	[sflag:s5] =	ssyncadd.s32 @!p0 $0xFFFFFFFF  }
0xb3: {  	s25 =	simm.s32 $0x1B8E;
	s24 =	sld [smem:$0x3FFE];
	[sflag:s4] =	ssyncadd.remote.s32 @!p0 $0x1  }
0xb4: {  	s26 =	simm.s32 $execute0_lowered;
	[smem:$0x3FD2] =	sst s25  }
0xb5: {  	s5 =	sshll.u32 s26, $0x1;
	_ =	strace $0x80000049;
	[dreg:$0x1] =	wrdreg $0xFFFFFFFF  }
0xb6: {  	s28 =	simm.s32 $_size_execute0_lowered;
	s3 =	sadd.s32 s3, s5;
	[dreg:$0x0] =	wrdreg $0x0  }
0xb7: {  	s5 =	sshll.u32 s28, $0x1;
	[dreg:$0x2] =	wrdreg s3  }
0xb8: {  	[dreg:$0x3] =	wrdreg s5  }
0xb9: {  	[dreg:$0x4] =	wrdreg $0xC0  }
0xba: {  	_ =	task [dreg:s22], $0x5FFFF  }
0xbb: {  	[dreg:$0x1] =	wrdreg $0xFFFFFFFF  }
0xbc: {  	[dreg:$0x0] =	wrdreg $0x60  }
0xbd: {  	[dreg:$0x2] =	wrdreg s24  }
0xbe: {  	[dreg:$0x3] =	wrdreg $0xA  }
0xbf: {  	_ =	task.clear_ibuf [dreg:s22], $0x4FFFF;
	_ =	strace $0x90000049  }
0xc0: {  	s29 =	simm.s32 $0xA;
	_ =	strace $0x8000004B  }
0xc1: {  	_ =	swait.ge [sflag:s29], $0x1  }
0xc2: {  	[sflag:s29] =	ssyncadd.s32 $0xFFFFFFFF  }
0xc3: {  	_ =	strace $0x9000004B  }
0xc4: {  	_ =	sfence  }
0xc5: {  	s30 =	sld [smem:$0x0];
	_ =	sdelay $0x2  }
0xc6: {  	s31 =	sshll.u32 s1, $0xD;
	s1 =	sshrl.u32 s1, $0x2  }
0xc7: {  	s4 =	sand.u32 $0x4000, s31;
	s1 =	sadd.s32 s1, s30  }
0xc8: {  	s0 =	sor.u32 s4, s0;
	s1 =	sshll.u32 s1, $0x11  }
0xc9: {  	s0 =	sor.u32 s1, s0  }
0xca: {  	s0 =	sadd.s32 $0x8F2B, s0  }
0xcb: {  	[sflag:s0] =	ssyncadd.remote.s32 $0x1  }
0xcc: {  	_ =	sfence.sel $0xFFFF  }
0xcd: {  	[dreg:$0x0] =	wrdreg $0xFFFFFFFF;
	(pc) =	sbr.abs _section_cstart, $3  }
0xce: {  	[dreg:$0x1] =	wrdreg $0xFFFFFFFF  }
0xcf: {  	_ =	task.clear_ibuf [dreg:s22], $0x2FFFF;
	_ =	strace $0x9FFFFFFF  }
0xd0: {  	(tm) =	ssettm $0x7FFFFFFF  }
0xd1: {  	_ =	shalt  }
tec
execute0_lowered:
.L_overlay_start_1:
0x0: {  	(tag) =	ssettag $0x1  }
0x1: {  	s1 =	srdreg.scid;
	s0 =	stileid.u32  }
0x2: {  	s1 =	sand.u32 $0x1, s1;
	s2 =	sshll.u32 s0, $0x1  }
0x3: {  	s5 =	sor.u32 s1, s2  }
0x4: {  	s2 =	smul.u32 $0xFFFFDF21, s5;
	_ =	sdelay $0x1  }
0x5: {  	s2 =	sand.u32 $0xFFFF, s2  }
0x6: {  	p0 =	seq.s32 s5, $0x0;
	p1 =	sgt.u32 s2, $0xFF  }
0x7: {  	s29 =	smul.u32 $0x839D, s5;
	p0 =	por !p0, !p1  }
0x8: {  	s3 =	simm.s32 $0x1;
	p0 =	por !p0, !p0  }
0x9: {  	s4 =	sshrl.u32 s29, $0x12;
	s3 =	simm.s32 @!p0 $0x0  }
0xa: {  	s2 =	smul.u32 $0x21, s5;
	s3 =	ssub.s32 s4, s3  }
0xb: {  	s6 =	rddreg [dreg:$0x0];
	s10 =	simm.s32 $0x400;
	s4 =	smul.u32 $0xFFFFFEFF, s3  }
0xc: {  	s11 =	simm.s32 $0xC80;
	s12 =	simm.s32 $0x1900;
	s7 =	smul.u32 $0x120, s3  }
0xd: {  	s13 =	simm.s32 $0x2;
	s1 =	ssub.s32 $0x2, s1;
	s8 =	sadd.s32 s2, s4  }
0xe: {  	s14 =	simm.s32 $0x0;
	s30 =	sshrl.u32 s1, $0x1;
	s4 =	sadd.s32 s7, s8  }
0xf: {  	s1 =	ssub.s32 s1, s30;
	s5 =	sshll.u32 s5, $0x4;
	s7 =	sshrl.u32 s4, $0x3  }
0x10: {  	s3 =	simm.s32 $0x0;
	s8 =	sshll.u32 s8, $0x7;
	s7 =	smul.u32 $0x6400, s7  }
0x11: {  	v0 =	vlaneseq.u32;
	s9 =	sadd.s32 s5, s6;
	[smem:$0x7FF] =	sst s3;
	s8 =	sand.u32 $0x380, s8  }
0x12: {  	v1 =	vimm.s32 $0x610;
	v6 =	vmul.u32 $0xFFFFFFFF, v0;
	s5 =	simm.s32 $0x1;
	_ =	strace $0x8000004A;
	s31 =	sor.u32 s8, s7  }
0x13: {  	v2 =	vimm.s32 $0x0;
	v3 =	vimm.s32 $0x200;
	v4 =	vimm.s32 $0x100;
	s4 =	sadd.s32 $0xB6600, s6;
	s7 =	sadd.s32 $0x1C00, s9;
	s6 =	sshrl.u32 s31, $0x3  }
0x14: {  	v7 =	vimm.s32 $0x20;
	v5 =	vadd.s32 $0x1, v0;
	v6 =	vadd.s32 $0xFFFFFFFF, v6;
	s8 =	smax.u32 s1, $0x1;
	s9 =	simm.s32 $0x80;
	s6 =	sadd.s32 s4, s6  }
.LBB2_1:
0x15: {  	[tilespmem:s3], [sflag:$0x1] =	stream.strided.gather [hbm4b:s6+s9], $0xC80, s10, s9, $0x38;
	[tilespmem:$0x1980] =	vst v63  }
0x16: {  	s15 =	simm.s32 $0x0  }
.LBB2_2:
0x17: {  	s16 =	sshll.u32 s15, $0x1  }
0x18: {  	s17 =	sadd.s32 s2, s16  }
0x19: {  	s1 =	smin.u32 s17, $0x402  }
0x1a: {  	s1 =	sadd.s32 $0x1, s1  }
0x1b: {  	s18 =	smulhi.u32 $0xFF0100, s1;
	_ =	sdelay $0x1  }
0x1c: {  	s19 =	smul.u32 $0xFFFFFEFF, s18  }
0x1d: {  	s18 =	smul.u32 $0x120, s18  }
0x1e: {  	s1 =	sadd.s32 s1, s19  }
0x1f: {  	s18 =	sadd.s32 s18, s1  }
0x20: {  	s18 =	sshrl.u32 s18, $0x3  }
0x21: {  	s1 =	sshll.u32 s1, $0x7;
	s18 =	smul.u32 $0x6400, s18  }
0x22: {  	s1 =	sand.u32 $0x380, s1  }
0x23: {  	_ =	swait.ge [sflag:s5], $0xC80;
	s1 =	sor.u32 s1, s18  }
0x24: {  	[sflag:s5] =	ssyncset.done $0x0;
	s1 =	sshrl.u32 s1, $0x3  }
0x25: {  	s22 =	simm.s32 $0x0;
	[sflag:s5] =	ssyncadd.s32 $0xFFFFF380;
	s1 =	sadd.s32 s4, s1  }
0x26: {  	[tilespmem:s11], [sflag:$0x1] =	stream.strided.gather [hbm4b:s1+s9], $0xC80, s10, s9, $0x38;
	[tilespmem:$0x1980] =	vst v63  }
0x27: {  	s20 =	simm.s32 $0x410;
	v14 =	vld.idx.msk [tilespmem:v1+s22+$0x0], $0xffff  }
0x28: {  	v10 =	vld [tilespmem:s20+$0xFFFFFBF0];
	_ =	sdelay $0x4  }
0x29: {  	vm0 =	vlt.f32 v14, v10  }
0x2a: {  	v8 =	vsel vm0, $0x301, v4  }
0x2b: {  	v9 =	vor.u32 $0x410, v8;
	_ =	sdelay $0x4  }
0x2c: {  	v9 =	vld.idx.msk [tilespmem:v9+s3+$0x0], $0xffff;
	_ =	sdelay $0x4  }
0x2d: {  	v11 =	vsel vm0, $0x401, v3;
	vm1 =	vlt.f32 v9, v10  }
0x2e: {  	v12 =	vadd.s32 $0x1, v8;
	v9 =	vsel vm0, $0x201, v2;
	v11 =	vsel vm1, v11, v8  }
0x2f: {  	v9 =	vsel vm1, v12, v9;
	v8 =	vadd.s32 $0xFFFFFFFF, v11  }
0x30: {  	v12 =	vxor.u32 v8, v9  }
0x31: {  	v8 =	vor.u32 v8, v9;
	v12 =	vshrl.u32 v12, $0x1  }
0x32: {  	v12 =	vsub.s32 v8, v12  }
0x33: {  	v13 =	vadd.s32 $0x410, v12;
	_ =	sdelay $0x1  }
0x34: {  	s18 =	simm.s32 $0x420  }
0x35: {  	v8 =	vld [tilespmem:s18+$0xFFFFFBF0];
	_ =	sdelay $0x1  }
0x36: {  	v13 =	vld.idx.msk [tilespmem:v13+s3+$0x0], $0xffff;
	_ =	sdelay $0x2  }
0x37: {  	vm0 =	vlt.f32 v14, v8  }
0x38: {  	v15 =	vsel vm0, $0x301, v4  }
0x39: {  	v16 =	vor.u32 $0x410, v15;
	vm1 =	vlt.f32 v13, v10;
	v13 =	vadd.s32 $0x1, v12  }
0x3a: {  	v9 =	vsel vm1, v13, v9;
	v11 =	vsel vm1, v11, v12  }
0x3b: {  	v12 =	vxor.u32 v9, v11  }
0x3c: {  	v13 =	vand.u32 v9, v11;
	v12 =	vshrl.u32 v12, $0x1  }
0x3d: {  	v12 =	vadd.s32 v12, v13  }
0x3e: {  	v16 =	vld.idx.msk [tilespmem:v16+s3+$0x0], $0xffff;
	v13 =	vadd.s32 $0x410, v12;
	_ =	sdelay $0x4  }
0x3f: {  	v17 =	vsel vm0, $0x401, v3;
	vm1 =	vlt.f32 v16, v8;
	v13 =	vld.idx.msk [tilespmem:v13+s3+$0x0], $0xffff  }
0x40: {  	v18 =	vadd.s32 $0x1, v15;
	v16 =	vsel vm0, $0x201, v2;
	v15 =	vsel vm1, v17, v15  }
0x41: {  	v16 =	vsel vm1, v18, v16;
	v17 =	vadd.s32 $0xFFFFFFFF, v15  }
0x42: {  	v18 =	vxor.u32 v17, v16  }
0x43: {  	v17 =	vor.u32 v17, v16;
	v18 =	vshrl.u32 v18, $0x1  }
0x44: {  	v17 =	vsub.s32 v17, v18;
	vm0 =	vlt.f32 v13, v10;
	v13 =	vadd.s32 $0x1, v12  }
0x45: {  	v13 =	vsel vm0, v13, v9;
	v11 =	vsel vm0, v11, v12;
	v12 =	vadd.s32 $0x410, v17  }
0x46: {  	s19 =	simm.s32 $0x430;
	v18 =	vadd.s32 v13, v11  }
0x47: {  	v9 =	vld [tilespmem:s19+$0xFFFFFBF0];
	v18 =	vshrl.u32 v18, $0x1  }
0x48: {  	v19 =	vadd.s32 $0x410, v18;
	_ =	sdelay $0x1  }
0x49: {  	v12 =	vld.idx.msk [tilespmem:v12+s3+$0x0], $0xffff;
	_ =	sdelay $0x1  }
0x4a: {  	vm0 =	vlt.f32 v14, v9  }
0x4b: {  	v20 =	vsel vm0, $0x301, v4;
	v19 =	vld.idx.msk [tilespmem:v19+s3+$0x0], $0xffff  }
0x4c: {  	v21 =	vor.u32 $0x410, v20  }
0x4d: {  	vm1 =	vlt.f32 v12, v8;
	v12 =	vadd.s32 $0x1, v17  }
0x4e: {  	v12 =	vsel vm1, v12, v16;
	v15 =	vsel vm1, v15, v17  }
0x4f: {  	v16 =	vand.u32 v12, v15;
	v17 =	vxor.u32 v12, v15  }
0x50: {  	v17 =	vshrl.u32 v17, $0x1;
	vm1 =	vlt.f32 v19, v10;
	v19 =	vadd.s32 $0x1, v18  }
0x51: {  	v16 =	vadd.s32 v17, v16;
	v13 =	vsel vm1, v19, v13;
	v17 =	vsel vm1, v11, v18;
	v11 =	vld.idx.msk [tilespmem:v21+s3+$0x0], $0xffff  }
0x52: {  	v18 =	vadd.s32 $0x410, v16;
	v19 =	vadd.s32 v13, v17  }
0x53: {  	v19 =	vshrl.u32 v19, $0x1  }
0x54: {  	v21 =	vadd.s32 $0x410, v19;
	_ =	sdelay $0x1  }
0x55: {  	v22 =	vsel vm0, $0x401, v3;
	vm1 =	vlt.f32 v11, v9  }
0x56: {  	v23 =	vadd.s32 $0x1, v20;
	v11 =	vsel vm0, $0x201, v2;
	v18 =	vld.idx.msk [tilespmem:v18+s3+$0x0], $0xffff;
	v20 =	vsel vm1, v22, v20  }
0x57: {  	v22 =	vsel vm1, v23, v11;
	v11 =	vadd.s32 $0xFFFFFFFF, v20  }
0x58: {  	v21 =	vld.idx.msk [tilespmem:v21+s3+$0x0], $0xffff;
	v23 =	vxor.u32 v11, v22  }
0x59: {  	v11 =	vor.u32 v11, v22;
	v23 =	vshrl.u32 v23, $0x1  }
0x5a: {  	v23 =	vsub.s32 v11, v23  }
0x5b: {  	v11 =	vadd.s32 $0x1, v16;
	vm0 =	vlt.f32 v18, v8;
	v18 =	vadd.s32 $0x410, v23  }
0x5c: {  	v12 =	vsel vm0, v11, v12;
	v15 =	vsel vm0, v15, v16  }
0x5d: {  	s21 =	simm.s32 $0x440;
	v16 =	vadd.s32 v12, v15;
	vm0 =	vlt.f32 v21, v10;
	v21 =	vadd.s32 $0x1, v19  }
0x5e: {  	v11 =	vld [tilespmem:s21+$0xFFFFFBF0];
	v16 =	vshrl.u32 v16, $0x1;
	v13 =	vsel vm0, v21, v13;
	v17 =	vsel vm0, v17, v19  }
0x5f: {  	v19 =	vadd.s32 $0x410, v16;
	v21 =	vadd.s32 v13, v17  }
0x60: {  	v21 =	vshrl.u32 v21, $0x1;
	v18 =	vld.idx.msk [tilespmem:v18+s3+$0x0], $0xffff  }
0x61: {  	v24 =	vadd.s32 $0x410, v21;
	_ =	sdelay $0x1  }
0x62: {  	vm0 =	vlt.f32 v14, v11  }
0x63: {  	v25 =	vsel vm0, $0x301, v4;
	v19 =	vld.idx.msk [tilespmem:v19+s3+$0x0], $0xffff  }
0x64: {  	v26 =	vor.u32 $0x410, v25;
	vm1 =	vlt.f32 v18, v9;
	v18 =	vadd.s32 $0x1, v23  }
0x65: {  	v24 =	vld.idx.msk [tilespmem:v24+s3+$0x0], $0xffff;
	v18 =	vsel vm1, v18, v22;
	v20 =	vsel vm1, v20, v23  }
0x66: {  	v22 =	vxor.u32 v18, v20  }
0x67: {  	v23 =	vand.u32 v18, v20;
	v22 =	vshrl.u32 v22, $0x1  }
0x68: {  	vm1 =	vlt.f32 v19, v8;
	v19 =	vadd.s32 $0x1, v16;
	v22 =	vadd.s32 v22, v23  }
0x69: {  	v12 =	vsel vm1, v19, v12;
	v15 =	vsel vm1, v15, v16;
	v16 =	vadd.s32 $0x410, v22;
	v19 =	vld.idx.msk [tilespmem:v26+s3+$0x0], $0xffff  }
0x6a: {  	v23 =	vadd.s32 v12, v15;
	vm1 =	vlt.f32 v24, v10;
	v24 =	vadd.s32 $0x1, v21  }
0x6b: {  	v23 =	vshrl.u32 v23, $0x1;
	v13 =	vsel vm1, v24, v13;
	v17 =	vsel vm1, v17, v21  }
0x6c: {  	v21 =	vadd.s32 $0x410, v23;
	v24 =	vadd.s32 v13, v17  }
0x6d: {  	v24 =	vshrl.u32 v24, $0x1  }
0x6e: {  	v26 =	vsel vm0, $0x401, v3;
	v16 =	vld.idx.msk [tilespmem:v16+s3+$0x0], $0xffff;
	v27 =	vadd.s32 $0x410, v24;
	vm1 =	vlt.f32 v19, v11  }
0x6f: {  	v28 =	vadd.s32 $0x1, v25;
	v19 =	vsel vm0, $0x201, v2;
	v25 =	vsel vm1, v26, v25  }
0x70: {  	v19 =	vsel vm1, v28, v19;
	v26 =	vadd.s32 $0xFFFFFFFF, v25  }
0x71: {  	v21 =	vld.idx.msk [tilespmem:v21+s3+$0x0], $0xffff;
	v28 =	vxor.u32 v26, v19  }
0x72: {  	v26 =	vor.u32 v26, v19;
	v28 =	vshrl.u32 v28, $0x1  }
0x73: {  	vm0 =	vlt.f32 v16, v9;
	v16 =	vadd.s32 $0x1, v22;
	v27 =	vld.idx.msk [tilespmem:v27+s3+$0x0], $0xffff;
	v26 =	vsub.s32 v26, v28  }
0x74: {  	v16 =	vsel vm0, v16, v18;
	v18 =	vsel vm0, v20, v22;
	v20 =	vadd.s32 $0x410, v26  }
0x75: {  	v22 =	vadd.s32 v16, v18  }
0x76: {  	v22 =	vshrl.u32 v22, $0x1;
	vm0 =	vlt.f32 v21, v8;
	v21 =	vadd.s32 $0x1, v23  }
0x77: {  	s23 =	simm.s32 $0x450;
	v21 =	vsel vm0, v21, v12;
	v15 =	vsel vm0, v15, v23;
	v23 =	vadd.s32 $0x410, v22  }
0x78: {  	v12 =	vld [tilespmem:s23+$0xFFFFFBF0];
	v28 =	vadd.s32 v21, v15;
	vm0 =	vlt.f32 v27, v10;
	v27 =	vadd.s32 $0x1, v24  }
0x79: {  	v28 =	vshrl.u32 v28, $0x1;
	v13 =	vsel vm0, v27, v13;
	v17 =	vsel vm0, v17, v24;
	v20 =	vld.idx.msk [tilespmem:v20+s3+$0x0], $0xffff  }
0x7a: {  	v24 =	vadd.s32 $0x410, v28;
	v27 =	vadd.s32 v13, v17  }
0x7b: {  	v27 =	vshrl.u32 v27, $0x1  }
0x7c: {  	v23 =	vld.idx.msk [tilespmem:v23+s3+$0x0], $0xffff;
	v29 =	vadd.s32 $0x410, v27  }
0x7d: {  	vm0 =	vlt.f32 v14, v12  }
0x7e: {  	v30 =	vsel vm0, $0x301, v4;
	vm1 =	vlt.f32 v20, v11;
	v20 =	vadd.s32 $0x1, v26  }
0x7f: {  	v31 =	vor.u32 $0x410, v30;
	v24 =	vld.idx.msk [tilespmem:v24+s3+$0x0], $0xffff;
	v19 =	vsel vm1, v20, v19;
	v20 =	vsel vm1, v25, v26  }
0x80: {  	v25 =	vand.u32 v19, v20;
	v26 =	vxor.u32 v19, v20  }
0x81: {  	v29 =	vld.idx.msk [tilespmem:v29+s3+$0x0], $0xffff;
	v26 =	vshrl.u32 v26, $0x1;
	vm1 =	vlt.f32 v23, v9;
	v23 =	vadd.s32 $0x1, v22  }
0x82: {  	v25 =	vadd.s32 v26, v25;
	v16 =	vsel vm1, v23, v16;
	v18 =	vsel vm1, v18, v22  }
0x83: {  	v22 =	vadd.s32 $0x410, v25;
	v23 =	vadd.s32 v16, v18  }
0x84: {  	v26 =	vld.idx.msk [tilespmem:v31+s3+$0x0], $0xffff;
	v23 =	vshrl.u32 v23, $0x1;
	vm1 =	vlt.f32 v24, v8;
	v24 =	vadd.s32 $0x1, v28  }
0x85: {  	v31 =	vadd.s32 $0x410, v23;
	v24 =	vsel vm1, v24, v21;
	v15 =	vsel vm1, v15, v28  }
0x86: {  	v28 =	vadd.s32 $0x1, v27;
	v21 =	vadd.s32 v24, v15;
	vm1 =	vlt.f32 v29, v10  }
0x87: {  	v29 =	vshrl.u32 v21, $0x1;
	v28 =	vsel vm1, v28, v13;
	v17 =	vsel vm1, v17, v27  }
0x88: {  	v32 =	vsel vm0, $0x401, v3;
	v21 =	vld.idx.msk [tilespmem:v22+s3+$0x0], $0xffff;
	v22 =	vadd.s32 $0x410, v29;
	v27 =	vadd.s32 v28, v17  }
0x89: {  	v13 =	vsel vm0, $0x201, v2;
	vm0 =	vlt.f32 v26, v12;
	v26 =	vshrl.u32 v27, $0x1  }
0x8a: {  	v27 =	vadd.s32 $0x1, v30;
	v30 =	vsel vm0, v32, v30;
	v61 =	vadd.s32 $0x410, v26  }
0x8b: {  	v31 =	vld.idx.msk [tilespmem:v31+s3+$0x0], $0xffff;
	v27 =	vsel vm0, v27, v13;
	v13 =	vadd.s32 $0xFFFFFFFF, v30  }
0x8c: {  	v33 =	vor.u32 v13, v27;
	v13 =	vxor.u32 v13, v27  }
0x8d: {  	v13 =	vshrl.u32 v13, $0x1;
	vm0 =	vlt.f32 v21, v11;
	v21 =	vadd.s32 $0x1, v25;
	v34 =	vld.idx.msk [tilespmem:v22+s3+$0x0], $0xffff  }
0x8e: {  	v36 =	vsub.s32 v33, v13;
	v37 =	vsel vm0, v21, v19;
	v25 =	vsel vm0, v20, v25  }
0x8f: {  	v33 =	vadd.s32 $0x410, v36;
	v13 =	vadd.s32 v37, v25;
	v32 =	vld.idx.msk [tilespmem:v61+s3+$0x0], $0xffff  }
0x90: {  	vm0 =	vlt.f32 v31, v9;
	v38 =	vshrl.u32 v13, $0x1;
	v13 =	vadd.s32 $0x1, v23  }
0x91: {  	v19 =	vadd.s32 $0x1, v29;
	v22 =	vsel vm0, v18, v23;
	v21 =	vsel vm0, v13, v16  }
0x92: {  	s31 =	simm.s32 $0x460;
	v18 =	vadd.s32 $0x410, v38;
	v16 =	vadd.s32 v21, v22;
	vm0 =	vlt.f32 v34, v8  }
0x93: {  	v13 =	vld [tilespmem:s31+$0xFFFFFBF0];
	v23 =	vshrl.u32 v16, $0x1;
	v20 =	vsel vm0, v19, v24;
	v19 =	vsel vm0, v15, v29  }
0x94: {  	v29 =	vld.idx.msk [tilespmem:v33+s3+$0x0], $0xffff;
	v15 =	vadd.s32 $0x1, v26;
	vm0 =	vlt.f32 v32, v10;
	v24 =	vadd.s32 v20, v19  }
0x95: {  	v16 =	vsel vm0, v15, v28;
	v15 =	vsel vm0, v17, v26;
	v26 =	vadd.s32 $0x410, v23  }
0x96: {  	v24 =	vshrl.u32 v24, $0x1;
	v15 =	vadd.s32 v16, v15  }
0x97: {  	v63 =	vadd.s32 $0x1, v38;
	v62 =	vld.idx.msk [tilespmem:v18+s3+$0x0], $0xffff;
	v28 =	vadd.s32 $0x410, v24;
	v18 =	vshrl.u32 v15, $0x1  }
0x98: {  	v17 =	vadd.s32 s22, v5;
	vm0 =	vlt.f32 v14, v13;
	v39 =	vadd.s32 $0x410, v18  }
0x99: {  	v33 =	vsel vm0, $0x301, v4;
	vm1 =	vlt.f32 v29, v12;
	v29 =	vadd.s32 $0x1, v36  }
0x9a: {  	v35 =	vor.u32 $0x410, v33;
	v29 =	vsel vm1, v29, v27;
	v30 =	vsel vm1, v30, v36;
	v31 =	vld.idx.msk [tilespmem:v26+s3+$0x0], $0xffff  }
0x9b: {  	s30 =	simm.s32 $0x10;
	v15 =	vimm.f32 $0.0e+00;
	v34 =	vsel vm0, $0x201, v2;
	v27 =	vxor.u32 v29, v30  }
0x9c: {  	s29 =	simm.s32 $0x20;
	s28 =	simm.s32 $0x30;
	s26 =	simm.s32 $0x40;
	v26 =	vand.u32 v29, v30;
	v28 =	vld.idx.msk [tilespmem:v28+s3+$0x0], $0xffff;
	v27 =	vshrl.u32 v27, $0x1;
	vm1 =	vlt.f32 v62, v11  }
0x9d: {  	s25 =	simm.s32 $0x50;
	s24 =	simm.s32 $0x460;
	s1 =	simm.s32 $0x60;
	v32 =	vadd.s32 v27, v26;
	v27 =	vsel vm1, v63, v37;
	v26 =	vsel vm1, v25, v38;
	v25 =	vld.idx.msk [tilespmem:v39+s3+$0x0], $0xffff  }
.LBB2_3:
0x9e: {  	p0 =	sne.s32 s1, $0x400;
	v36 =	vsel vm0, $0x401, v3;
	v37 =	vadd.s32 $0x410, v32;
	v38 =	vadd.s32 v27, v26  }
0x9f: {  	vm0 =	vlt.f32 v31, v9;
	v31 =	vadd.s32 $0x1, v23;
	v35 =	vld.idx.msk [tilespmem:v35+s3+$0x0], $0xffff;
	v38 =	vshrl.u32 v38, $0x1  }
0xa0: {  	v31 =	vsel vm0, v31, v21;
	v40 =	vsel vm0, v22, v23;
	v39 =	vadd.s32 $0x410, v38  }
0xa1: {  	v22 =	vadd.s32 $0x1, v24;
	v21 =	vadd.s32 v31, v40;
	vm0 =	vlt.f32 v28, v8  }
0xa2: {  	v23 =	vadd.s32 $0x1, v33;
	v28 =	vshrl.u32 v21, $0x1;
	v41 =	vsel vm0, v22, v20  }
0xa3: {  	v18 =	vadd.s32 $0x1, v18;
	v20 =	vld.idx.msk [tilespmem:v37+s3+$0x0], $0xffff;
	v37 =	vsel vm0, v19, v24;
	vm0 =	vlt.f32 v25, v10  }
0xa4: {  	v19 =	vadd.s32 $0x410, v28;
	v21 =	vadd.s32 v41, v37;
	v16 =	vsel vm0, v18, v16  }
0xa5: {  	vm0 =	vlt.f32 v35, v13;
	v18 =	vshrl.u32 v21, $0x1;
	vm1 =	vgt.s32 v16, v17;
	v21 =	vld [tilespmem:s20+$0x0]  }
0xa6: {  	v25 =	vsel vm0, v36, v33;
	v22 =	vld.idx.msk [tilespmem:v39+s3+$0x0], $0xffff;
	v24 =	vadd.s32 $0x410, v18;
	v16 =	vsel vm1, v16, v17  }
0xa7: {  	v34 =	vsel vm0, v23, v34;
	v17 =	vadd.s32 $0xFFFFFFFF, v25;
	v23 =	vadd.s32 $0x81F, v16  }
0xa8: {  	v35 =	vxor.u32 s22, v6;
	s22 =	smov.u32 s30;
	s30 =	smov.u32 s29;
	s29 =	smov.u32 s28;
	v33 =	vor.u32 v17, v34;
	v17 =	vxor.u32 v17, v34  }
0xa9: {  	s31 =	sadd.s32 $0x10, s31;
	s28 =	smov.u32 s26;
	s26 =	smov.u32 s25;
	v17 =	vshrl.u32 v17, $0x1;
	vm0 =	vlt.f32 v20, v12;
	v20 =	vadd.s32 $0x1, v32;
	v19 =	vld.idx.msk [tilespmem:v19+s3+$0x0], $0xffff  }
0xaa: {  	s25 =	smov.u32 s1;
	v39 =	vsub.s32 v33, v17;
	v42 =	vsel vm0, v20, v29;
	v43 =	vsel vm0, v30, v32;
	v36 =	vld [tilespmem:s31+$0xFFFFFBF0]  }
0xab: {  	v17 =	vadd.s32 $0x410, v39;
	v20 =	vadd.s32 v42, v43;
	v29 =	vsub.f32 v10, v21;
	v24 =	vld.idx.msk [tilespmem:v24+s3+$0x0], $0xffff  }
0xac: {  	v44 =	vshrl.u32 v20, $0x1;
	vm0 =	vlt.f32 v22, v11;
	v20 =	vadd.s32 $0x1, v38;
	v30 =	vld.idx.msk [tilespmem:v23+s3+$0x0], $0xffff  }
0xad: {  	v16 =	vadd.s32 v35, v16;
	v21 =	vsel vm0, v20, v27;
	v22 =	vsel vm0, v26, v38  }
0xae: {  	v16 =	vcvt.s32.f32 v16;
	v26 =	vadd.s32 $0x410, v44;
	v20 =	vadd.s32 v21, v22  }
0xaf: {  	v23 =	vshrl.u32 v20, $0x1;
	vm0 =	vlt.f32 v19, v9;
	v19 =	vadd.s32 $0x1, v28;
	v27 =	vld [tilespmem:s20+$0x410];
	s20 =	smov.u32 s18;
	s18 =	smov.u32 s19;
	s19 =	smov.u32 s21  }
0xb0: {  	v16 =	vmul.f32 v16, v10;
	v10 =	vmovc v8;
	v20 =	vsel vm0, v19, v31;
	v19 =	vsel vm0, v40, v28;
	s21 =	smov.u32 s23;
	s23 =	smov.u32 s24;
	s24 =	smov.u32 s31  }
0xb1: {  	v8 =	vmovc v9;
	vm0 =	vlt.f32 v14, v36;
	v31 =	vadd.s32 $0x410, v23;
	v28 =	vld.idx.msk [tilespmem:v17+s3+$0x0], $0xffff;
	v17 =	vadd.s32 v20, v19  }
0xb2: {  	v32 =	vadd.s32 $0x1, v18;
	v9 =	vmovc v11;
	v11 =	vmovc v12;
	vm1 =	vlt.f32 v24, v10;
	v30 =	vsub.f32 v16, v30  }
0xb3: {  	v12 =	vmovc v13;
	v13 =	vmovc v36;
	v16 =	vsel vm1, v32, v41;
	v24 =	vshrl.u32 v17, $0x1;
	v17 =	vsel vm1, v37, v18  }
0xb4: {  	v32 =	vadd.s32 $0x410, v24;
	v17 =	vadd.s32 v16, v17;
	v26 =	vld.idx.msk [tilespmem:v26+s3+$0x0], $0xffff;
	v27 =	vadd.f32 v27, v30  }
0xb5: {  	v33 =	vsel vm0, $0x301, v4;
	v18 =	vshrl.u32 v17, $0x1;
	v17 =	vadd.s32 s22, v5  }
0xb6: {  	v15 =	vadd.f32 v29, v15;
	v36 =	vadd.s32 $0x410, v18;
	v27 =	vadd.f32 v27, v27  }
.Ltmp0:
0xb7: {  	v35 =	vor.u32 $0x410, v33;
	vm1 =	vlt.f32 v28, v12;
	v28 =	vadd.s32 $0x1, v39;
	v31 =	vld.idx.msk [tilespmem:v31+s3+$0x0], $0xffff;
	(pc) =	sbr.rel @p0 .LBB2_3-.Ltmp0, $4  }
0xb8: {  	v29 =	vsel vm1, v28, v34;
	v30 =	vsel vm1, v25, v39;
	v15 =	vadd.f32 v15, v27  }
0xb9: {  	v34 =	vsel vm0, $0x201, v2;
	v25 =	vand.u32 v29, v30;
	v27 =	vxor.u32 v29, v30;
	v28 =	vld.idx.msk [tilespmem:v32+s3+$0x0], $0xffff  }
0xba: {  	v27 =	vshrl.u32 v27, $0x1;
	vm1 =	vlt.f32 v26, v11;
	v26 =	vadd.s32 $0x1, v44  }
0xbb: {  	s1 =	sadd.s32 $0x10, s1;
	v32 =	vadd.s32 v27, v25;
	v27 =	vsel vm1, v26, v42;
	v26 =	vsel vm1, v43, v44;
	v25 =	vld.idx.msk [tilespmem:v36+s3+$0x0], $0xffff  }
0xbc: {  	_ =	sdelay $0x3  }
0xbd: {  	v14 =	vld.idx.msk [tilespmem:v35+s3+$0x0], $0xffff;
	_ =	sdelay $0x4  }
0xbe: {  	v62 =	vsel vm0, $0x401, v3;
	vm0 =	vlt.f32 v14, v13  }
0xbf: {  	v14 =	vadd.s32 $0x1, v33;
	v63 =	vsel vm0, v62, v33  }
0xc0: {  	v14 =	vsel vm0, v14, v34;
	v37 =	vadd.s32 $0xFFFFFFFF, v63  }
0xc1: {  	v38 =	vxor.u32 v37, v14  }
0xc2: {  	v34 =	vor.u32 v37, v14;
	v35 =	vshrl.u32 v38, $0x1  }
0xc3: {  	v34 =	vsub.s32 v34, v35  }
0xc4: {  	v35 =	vadd.s32 $0x410, v34;
	_ =	sdelay $0x4  }
0xc5: {  	v35 =	vld.idx.msk [tilespmem:v35+s3+$0x0], $0xffff;
	_ =	sdelay $0x3  }
0xc6: {  	v36 =	vadd.s32 $0x410, v32  }
0xc7: {  	v39 =	vadd.s32 $0x1, v34;
	vm0 =	vlt.f32 v35, v13  }
0xc8: {  	v14 =	vsel vm0, v39, v14;
	v33 =	vsel vm0, v63, v34  }
0xc9: {  	v34 =	vxor.u32 v14, v33  }
0xca: {  	v35 =	vand.u32 v14, v33;
	v34 =	vshrl.u32 v34, $0x1  }
0xcb: {  	v40 =	vld.idx.msk [tilespmem:v36+s3+$0x0], $0xffff;
	v34 =	vadd.s32 v34, v35  }
0xcc: {  	v41 =	vadd.s32 $0x410, v34;
	_ =	sdelay $0x3  }
0xcd: {  	v42 =	vadd.s32 $0x1, v32;
	vm0 =	vlt.f32 v40, v12  }
0xce: {  	v29 =	vsel vm0, v42, v29;
	v30 =	vsel vm0, v30, v32;
	v36 =	vld.idx.msk [tilespmem:v41+s3+$0x0], $0xffff  }
0xcf: {  	v32 =	vadd.s32 v29, v30  }
0xd0: {  	v32 =	vshrl.u32 v32, $0x1  }
0xd1: {  	v43 =	vadd.s32 $0x410, v32;
	_ =	sdelay $0x1  }
0xd2: {  	v44 =	vadd.s32 $0x1, v34;
	vm0 =	vlt.f32 v36, v13  }
0xd3: {  	v14 =	vsel vm0, v44, v14;
	v33 =	vsel vm0, v33, v34  }
0xd4: {  	v34 =	vadd.s32 v14, v33  }
0xd5: {  	v35 =	vld.idx.msk [tilespmem:v43+s3+$0x0], $0xffff;
	v34 =	vshrl.u32 v34, $0x1  }
0xd6: {  	v37 =	vadd.s32 v27, v26;
	v45 =	vadd.s32 $0x410, v34  }
0xd7: {  	v37 =	vshrl.u32 v37, $0x1  }
0xd8: {  	v38 =	vadd.s32 $0x410, v37;
	_ =	sdelay $0x1  }
0xd9: {  	v46 =	vadd.s32 $0x1, v32;
	vm0 =	vlt.f32 v35, v12  }
0xda: {  	v29 =	vsel vm0, v46, v29;
	v30 =	vsel vm0, v30, v32;
	v36 =	vld.idx.msk [tilespmem:v45+s3+$0x0], $0xffff  }
0xdb: {  	v32 =	vadd.s32 v29, v30  }
0xdc: {  	v47 =	vld.idx.msk [tilespmem:v38+s3+$0x0], $0xffff;
	v32 =	vshrl.u32 v32, $0x1  }
0xdd: {  	v48 =	vadd.s32 $0x410, v32;
	_ =	sdelay $0x1  }
0xde: {  	v49 =	vadd.s32 $0x1, v34;
	vm0 =	vlt.f32 v36, v13  }
0xdf: {  	v14 =	vsel vm0, v49, v14;
	v33 =	vsel vm0, v33, v34  }
0xe0: {  	v50 =	vadd.s32 $0x1, v37;
	vm0 =	vlt.f32 v47, v11;
	v34 =	vadd.s32 v14, v33  }
0xe1: {  	v51 =	vld.idx.msk [tilespmem:v48+s3+$0x0], $0xffff;
	v27 =	vsel vm0, v50, v27;
	v26 =	vsel vm0, v26, v37;
	v34 =	vshrl.u32 v34, $0x1  }
0xe2: {  	v35 =	vadd.s32 v27, v26;
	v52 =	vadd.s32 $0x410, v34  }
0xe3: {  	v35 =	vshrl.u32 v35, $0x1  }
0xe4: {  	v53 =	vadd.s32 $0x410, v35;
	_ =	sdelay $0x1  }
0xe5: {  	v54 =	vadd.s32 $0x1, v32;
	vm0 =	vlt.f32 v51, v12  }
0xe6: {  	v29 =	vsel vm0, v54, v29;
	v30 =	vsel vm0, v30, v32;
	v38 =	vld.idx.msk [tilespmem:v52+s3+$0x0], $0xffff  }
0xe7: {  	vm0 =	vlt.f32 v31, v9;
	v32 =	vadd.s32 v29, v30  }
0xe8: {  	v31 =	vadd.s32 $0x1, v23;
	v22 =	vsel vm0, v22, v23;
	v32 =	vshrl.u32 v32, $0x1;
	v23 =	vld.idx.msk [tilespmem:v53+s3+$0x0], $0xffff  }
0xe9: {  	v21 =	vsel vm0, v31, v21;
	v31 =	vadd.s32 $0x410, v32  }
0xea: {  	v55 =	vadd.s32 v21, v22  }
0xeb: {  	v56 =	vadd.s32 $0x1, v34;
	v36 =	vshrl.u32 v55, $0x1;
	vm0 =	vlt.f32 v38, v13  }
0xec: {  	v57 =	vadd.s32 $0x410, v36;
	v14 =	vsel vm0, v56, v14  }
0xed: {  	v33 =	vsel vm0, v33, v34;
	vm0 =	vlt.f32 v23, v11;
	v23 =	vadd.s32 $0x1, v35  }
0xee: {  	v31 =	vld.idx.msk [tilespmem:v31+s3+$0x0], $0xffff;
	v37 =	vadd.s32 v14, v33;
	v23 =	vsel vm0, v23, v27  }
0xef: {  	v26 =	vsel vm0, v26, v35;
	vm0 =	vlt.f32 v28, v8;
	v37 =	vshrl.u32 v37, $0x1  }
0xf0: {  	v28 =	vadd.s32 $0x1, v24;
	v27 =	vadd.s32 v23, v26;
	v58 =	vadd.s32 $0x410, v37  }
0xf1: {  	v20 =	vsel vm0, v28, v20;
	v19 =	vsel vm0, v19, v24;
	v27 =	vshrl.u32 v27, $0x1  }
0xf2: {  	v34 =	vld.idx.msk [tilespmem:v57+s3+$0x0], $0xffff;
	v28 =	vadd.s32 v20, v19;
	v24 =	vadd.s32 $0x410, v27  }
0xf3: {  	vm0 =	vlt.f32 v31, v12;
	v31 =	vadd.s32 $0x1, v32;
	v28 =	vshrl.u32 v28, $0x1  }
0xf4: {  	v29 =	vsel vm0, v31, v29;
	v30 =	vsel vm0, v30, v32;
	v31 =	vadd.s32 $0x410, v28  }
0xf5: {  	v32 =	vadd.s32 v29, v30;
	v59 =	vld.idx.msk [tilespmem:v58+s3+$0x0], $0xffff  }
0xf6: {  	v32 =	vshrl.u32 v32, $0x1  }
0xf7: {  	v60 =	vadd.s32 $0x1, v36;
	vm0 =	vlt.f32 v34, v9;
	v61 =	vadd.s32 $0x410, v32;
	v24 =	vld.idx.msk [tilespmem:v24+s3+$0x0], $0xffff  }
0xf8: {  	v21 =	vsel vm0, v60, v21;
	v22 =	vsel vm0, v22, v36  }
0xf9: {  	v36 =	vadd.s32 v21, v22;
	v31 =	vld.idx.msk [tilespmem:v31+s3+$0x0], $0xffff  }
0xfa: {  	v62 =	vadd.s32 $0x1, v37;
	v36 =	vshrl.u32 v36, $0x1;
	vm0 =	vlt.f32 v59, v13  }
0xfb: {  	v63 =	vadd.s32 $0x410, v36;
	v14 =	vsel vm0, v62, v14  }
0xfc: {  	v34 =	vld.idx.msk [tilespmem:v61+s3+$0x0], $0xffff;
	v33 =	vsel vm0, v33, v37;
	vm0 =	vlt.f32 v24, v11;
	v24 =	vadd.s32 $0x1, v27  }
0xfd: {  	v37 =	vadd.s32 v14, v33;
	v23 =	vsel vm0, v24, v23  }
0xfe: {  	v24 =	vsel vm0, v26, v27;
	vm0 =	vlt.f32 v31, v8;
	v37 =	vshrl.u32 v37, $0x1  }
0xff: {  	v31 =	vadd.s32 $0x1, v28;
	v26 =	vadd.s32 v23, v24;
	v40 =	vadd.s32 $0x410, v37  }
0x100: {  	v18 =	vadd.s32 $0x1, v18;
	v27 =	vld.idx.msk [tilespmem:v63+s3+$0x0], $0xffff;
	v20 =	vsel vm0, v31, v20;
	v26 =	vshrl.u32 v26, $0x1  }
0x101: {  	vm1 =	vlt.f32 v34, v12;
	v31 =	vadd.s32 $0x1, v32;
	v41 =	vadd.s32 $0x410, v26  }
0x102: {  	v19 =	vsel vm0, v19, v28;
	vm0 =	vlt.f32 v25, v10;
	v28 =	vsel vm1, v31, v29  }
0x103: {  	v29 =	vsel vm1, v30, v32;
	v19 =	vadd.s32 v20, v19;
	v43 =	vadd.s32 $0x1, v37  }
0x104: {  	v16 =	vsel vm0, v18, v16;
	v25 =	vadd.s32 v28, v29;
	v19 =	vshrl.u32 v19, $0x1;
	v42 =	vld.idx.msk [tilespmem:v40+s3+$0x0], $0xffff  }
0x105: {  	v25 =	vshrl.u32 v25, $0x1;
	vm1 =	vlt.f32 v27, v9;
	v27 =	vadd.s32 $0x1, v36  }
0x106: {  	v30 =	vadd.s32 $0x410, v25;
	v21 =	vsel vm1, v27, v21;
	v22 =	vsel vm1, v22, v36;
	v27 =	vld.idx.msk [tilespmem:v41+s3+$0x0], $0xffff  }
0x107: {  	vm0 =	vgt.s32 v16, v17;
	v47 =	vadd.s32 $0x410, v19;
	v31 =	vadd.s32 v21, v22  }
0x108: {  	v16 =	vsel vm0, v16, v17;
	v17 =	vxor.u32 s22, v6;
	v31 =	vshrl.u32 v31, $0x1  }
0x109: {  	v17 =	vadd.s32 v17, v16;
	v45 =	vadd.s32 $0x410, v31;
	vm1 =	vlt.f32 v42, v13  }
0x10a: {  	v16 =	vadd.s32 $0x81F, v16;
	v14 =	vsel vm1, v43, v14;
	v44 =	vsel vm1, v33, v37  }
0x10b: {  	v30 =	vld.idx.msk [tilespmem:v30+s3+$0x0], $0xffff;
	vm1 =	vlt.f32 v27, v11;
	v27 =	vadd.s32 $0x1, v26;
	v46 =	vadd.s32 v14, v44  }
0x10c: {  	v18 =	vsel vm1, v27, v23;
	v23 =	vsel vm1, v24, v26;
	v34 =	vshrl.u32 v46, $0x1  }
0x10d: {  	v24 =	vadd.s32 v18, v23;
	v48 =	vadd.s32 $0x410, v34  }
0x10e: {  	v26 =	vld.idx.msk [tilespmem:v45+s3+$0x0], $0xffff;
	v24 =	vshrl.u32 v24, $0x1  }
0x10f: {  	v27 =	vld.idx.msk [tilespmem:v47+s3+$0x0], $0xffff;
	v49 =	vadd.s32 $0x410, v24  }
0x110: {  	v17 =	vcvt.s32.f32 v17;
	v16 =	vld.idx.msk [tilespmem:v16+s3+$0x0], $0xffff;
	vm0 =	vlt.f32 v30, v12;
	v30 =	vadd.s32 $0x1, v25  }
0x111: {  	v28 =	vsel vm0, v30, v28;
	v25 =	vsel vm0, v29, v25  }
0x112: {  	v19 =	vadd.s32 $0x1, v19;
	v17 =	vmul.f32 v17, v10;
	v30 =	vadd.s32 v28, v25;
	v50 =	vld.idx.msk [tilespmem:v48+s3+$0x0], $0xffff  }
0x113: {  	v30 =	vshrl.u32 v30, $0x1;
	vm0 =	vlt.f32 v26, v9;
	v26 =	vadd.s32 $0x1, v31  }
0x114: {  	vm1 =	vlt.f32 v27, v8;
	v27 =	vadd.s32 $0x410, v30;
	v21 =	vsel vm0, v26, v21;
	v26 =	vld.idx.msk [tilespmem:v49+s3+$0x0], $0xffff  }
0x115: {  	v16 =	vsub.f32 v17, v16;
	v29 =	vadd.s32 s30, v5;
	v22 =	vsel vm0, v22, v31  }
0x116: {  	v51 =	vld [tilespmem:s20+$0x0];
	v31 =	vadd.s32 $0x1, v34;
	v19 =	vsel vm1, v19, v20;
	v22 =	vadd.s32 v21, v22  }
0x117: {  	v53 =	vld [tilespmem:s20+$0x410];
	vm1 =	vgt.s32 v19, v29;
	v22 =	vshrl.u32 v22, $0x1;
	vm0 =	vlt.f32 v50, v13  }
0x118: {  	v20 =	vadd.s32 $0x410, v22;
	v14 =	vsel vm0, v31, v14;
	v31 =	vsel vm0, v44, v34  }
0x119: {  	v27 =	vld.idx.msk [tilespmem:v27+s3+$0x0], $0xffff;
	vm0 =	vlt.f32 v26, v11;
	v26 =	vadd.s32 $0x1, v24;
	v52 =	vadd.s32 v14, v31  }
0x11a: {  	v18 =	vsel vm0, v26, v18;
	v23 =	vsel vm0, v23, v24;
	v33 =	vshrl.u32 v52, $0x1  }
0x11b: {  	v17 =	vsel vm1, v19, v29;
	v19 =	vadd.s32 v18, v23;
	v54 =	vadd.s32 $0x410, v33  }
0x11c: {  	v10 =	vsub.f32 v10, v51;
	v16 =	vadd.f32 v53, v16;
	v19 =	vshrl.u32 v19, $0x1  }
0x11d: {  	v24 =	vxor.u32 s30, v6;
	v20 =	vld.idx.msk [tilespmem:v20+s3+$0x0], $0xffff;
	v23 =	vadd.s32 $0x81F, v17;
	v26 =	vadd.s32 $0x410, v19  }
0x11e: {  	v17 =	vadd.s32 v24, v17;
	vm0 =	vlt.f32 v27, v12;
	v24 =	vadd.s32 $0x1, v30  }
0x11f: {  	v10 =	vadd.f32 v10, v15;
	v15 =	vadd.f32 v16, v16;
	v24 =	vsel vm0, v24, v28;
	v28 =	vld [tilespmem:s18+$0x0]  }
0x120: {  	v25 =	vsel vm0, v25, v30;
	v27 =	vld.idx.msk [tilespmem:v54+s3+$0x0], $0xffff  }
0x121: {  	v10 =	vadd.f32 v10, v15;
	v17 =	vcvt.s32.f32 v17;
	v16 =	vadd.s32 v24, v25  }
0x122: {  	v25 =	vadd.s32 s29, v5;
	vm0 =	vlt.f32 v20, v9;
	v20 =	vadd.s32 $0x1, v22;
	v22 =	vld.idx.msk [tilespmem:v26+s3+$0x0], $0xffff  }
0x123: {  	v19 =	vadd.s32 $0x1, v19;
	v17 =	vmul.f32 v17, v8;
	v16 =	vshrl.u32 v16, $0x1  }
0x124: {  	v23 =	vld.idx.msk [tilespmem:v23+s3+$0x0], $0xffff;
	v20 =	vsel vm0, v20, v21;
	v21 =	vadd.s32 $0x1, v33;
	v26 =	vadd.s32 $0x410, v16  }
0x125: {  	vm1 =	vgt.s32 v20, v25;
	v8 =	vsub.f32 v8, v28;
	vm0 =	vlt.f32 v27, v13  }
0x126: {  	v15 =	vsel vm1, v20, v25;
	v14 =	vsel vm0, v21, v14;
	v21 =	vsel vm0, v31, v33  }
0x127: {  	v25 =	vadd.s32 s28, v5;
	v27 =	vld [tilespmem:s18+$0x410];
	vm0 =	vlt.f32 v22, v11;
	v20 =	vadd.s32 v14, v21  }
0x128: {  	v21 =	vadd.s32 $0x81F, v15;
	v18 =	vsel vm0, v19, v18;
	v20 =	vshrl.u32 v20, $0x1  }
0x129: {  	v17 =	vsub.f32 v17, v23;
	v22 =	vld.idx.msk [tilespmem:v26+s3+$0x0], $0xffff;
	vm0 =	vgt.s32 v18, v25;
	v23 =	vadd.s32 $0x410, v20  }
0x12a: {  	v8 =	vadd.f32 v8, v10;
	v10 =	vld [tilespmem:s19+$0x0];
	v19 =	vxor.u32 s29, v6;
	v18 =	vsel vm0, v18, v25  }
0x12b: {  	v15 =	vadd.s32 v19, v15;
	v19 =	vadd.s32 $0x81F, v18  }
0x12c: {  	v15 =	vcvt.s32.f32 v15;
	v17 =	vadd.f32 v27, v17  }
0x12d: {  	v16 =	vadd.s32 $0x1, v16;
	v25 =	vadd.s32 s26, v5;
	v21 =	vld.idx.msk [tilespmem:v21+s3+$0x0], $0xffff  }
0x12e: {  	vm0 =	vlt.f32 v22, v12;
	v15 =	vmul.f32 v15, v9;
	v17 =	vadd.f32 v17, v17;
	v22 =	vld.idx.msk [tilespmem:v23+s3+$0x0], $0xffff  }
0x12f: {  	v9 =	vsub.f32 v9, v10;
	v10 =	vxor.u32 s28, v6;
	v16 =	vsel vm0, v16, v24;
	v23 =	vld [tilespmem:s19+$0x410]  }
0x130: {  	v10 =	vadd.s32 v10, v18;
	vm0 =	vgt.s32 v16, v25;
	v8 =	vadd.f32 v8, v17;
	v17 =	vld.idx.msk [tilespmem:v19+s3+$0x0], $0xffff  }
0x131: {  	v10 =	vcvt.s32.f32 v10;
	v16 =	vsel vm0, v16, v25  }
0x132: {  	v20 =	vadd.s32 $0x1, v20;
	v18 =	vadd.s32 $0x81F, v16;
	v15 =	vsub.f32 v15, v21  }
0x133: {  	v8 =	vadd.f32 v9, v8;
	v9 =	vmul.f32 v10, v11;
	v21 =	vld [tilespmem:s21+$0x410];
	vm0 =	vlt.f32 v22, v13  }
0x134: {  	v19 =	vld [tilespmem:s21+$0x0];
	v15 =	vadd.f32 v23, v15;
	v22 =	vadd.s32 s25, v5;
	v14 =	vsel vm0, v20, v14  }
0x135: {  	v9 =	vsub.f32 v9, v17;
	vm0 =	vgt.s32 v14, v22  }
0x136: {  	v10 =	vadd.f32 v15, v15;
	v15 =	vxor.u32 s26, v6;
	v14 =	vsel vm0, v14, v22  }
0x137: {  	v15 =	vadd.s32 v15, v16;
	v16 =	vadd.s32 $0x81F, v14  }
0x138: {  	v17 =	vld.idx.msk [tilespmem:v18+s3+$0x0], $0xffff;
	v9 =	vadd.f32 v21, v9  }
0x139: {  	v11 =	vsub.f32 v11, v19;
	v8 =	vadd.f32 v8, v10;
	v10 =	vld [tilespmem:s23+$0x0];
	v15 =	vcvt.s32.f32 v15  }
0x13a: {  	v18 =	vld [tilespmem:s23+$0x410];
	v9 =	vadd.f32 v9, v9  }
0x13b: {  	v15 =	vmul.f32 v15, v12;
	v8 =	vadd.f32 v11, v8;
	v11 =	vxor.u32 s25, v6  }
0x13c: {  	v11 =	vadd.s32 v11, v14;
	v16 =	vld.idx.msk [tilespmem:v16+s3+$0x0], $0xffff  }
0x13d: {  	v15 =	vsub.f32 v15, v17;
	v8 =	vadd.f32 v8, v9;
	v9 =	vld [tilespmem:s24+$0x0];
	v11 =	vcvt.s32.f32 v11  }
0x13e: {  	v14 =	vld [tilespmem:s24+$0x410];
	v10 =	vsub.f32 v12, v10  }
0x13f: {  	v12 =	vadd.f32 v18, v15;
	v11 =	vmul.f32 v11, v13  }
0x140: {  	v8 =	vadd.f32 v10, v8  }
0x141: {  	v10 =	vadd.f32 v12, v12;
	v11 =	vsub.f32 v11, v16  }
0x142: {  	v9 =	vsub.f32 v13, v9  }
0x143: {  	v8 =	vadd.f32 v8, v10;
	v10 =	vadd.f32 v14, v11;
	_ =	sdelay $0x1  }
0x144: {  	v8 =	vadd.f32 v9, v8;
	v9 =	vadd.f32 v10, v10;
	_ =	sdelay $0x1  }
0x145: {  	v8 =	vadd.f32 v8, v9;
	_ =	sdelay $0x1  }
0x146: {  	(xrf2) =	vadd.scan.msk.f32 $0xffff, v8;
	_ =	sdelay $0x2  }
0x147: {  	s1 =	smin.u32 s17, $0x401  }
0x148: {  	s1 =	sadd.s32 $0x2, s1  }
0x149: {  	s26 =	smulhi.u32 $0xFF0100, s1;
	s25 =	sand.u32 $0xE, s16;
	v8 =	vmov s16  }
0x14a: {  	v9 =	vmov s25;
	v8 =	vand.u32 $0xFFFFFFFE, v8  }
0x14b: {  	s31 =	smul.u32 $0xFFFFFEFF, s26;
	vm0 =	veq.s32 v9, v0;
	v8 =	vbroadcast v8, $0x0  }
0x14c: {  	s18 =	smul.u32 $0x120, s26  }
0x14d: {  	s1 =	sadd.s32 s1, s31  }
0x14e: {  	s17 =	sadd.s32 s18, s1;
	v9, _, _ =	vpop (xrf2)  }
0x14f: {  	s17 =	sshrl.u32 s17, $0x3;
	v9 =	vbroadcast v9, $0xF  }
0x150: {  	s1 =	sshll.u32 s1, $0x7;
	s17 =	smul.u32 $0x6400, s17  }
0x151: {  	s1 =	sand.u32 $0x380, s1;
	[tilespmem:v8+s12+$0x0] =	vst.idx.msk vm0, v9  }
0x152: {  	s1 =	sor.u32 s1, s17;
	_ =	swait.ge [sflag:s5], $0xC80  }
0x153: {  	s1 =	sshrl.u32 s1, $0x3;
	[sflag:s5] =	ssyncset.done $0x0  }
0x154: {  	s21 =	simm.s32 $0x0;
	s1 =	sadd.s32 s4, s1;
	[sflag:s5] =	ssyncadd.s32 $0xFFFFF380  }
0x155: {  	[tilespmem:s21], [sflag:$0x1] =	stream.strided.gather [hbm4b:s1+s9], $0xC80, s10, s9, $0x38;
	[tilespmem:$0x1980] =	vst v63  }
0x156: {  	s19 =	simm.s32 $0x1090;
	v14 =	vld.idx.msk [tilespmem:v1+s11+$0x0], $0xffff  }
0x157: {  	v10 =	vld [tilespmem:s19+$0xFFFFFBF0];
	_ =	sdelay $0x4  }
0x158: {  	vm0 =	vlt.f32 v14, v10  }
0x159: {  	v8 =	vsel vm0, $0x301, v4  }
0x15a: {  	v9 =	vor.u32 $0x410, v8;
	_ =	sdelay $0x4  }
0x15b: {  	v9 =	vld.idx.msk [tilespmem:v9+s11+$0x0], $0xffff;
	_ =	sdelay $0x4  }
0x15c: {  	v11 =	vsel vm0, $0x401, v3;
	vm1 =	vlt.f32 v9, v10  }
0x15d: {  	v12 =	vadd.s32 $0x1, v8;
	v9 =	vsel vm0, $0x201, v2;
	v11 =	vsel vm1, v11, v8  }
0x15e: {  	v9 =	vsel vm1, v12, v9;
	v8 =	vadd.s32 $0xFFFFFFFF, v11  }
0x15f: {  	v12 =	vxor.u32 v8, v9  }
0x160: {  	v8 =	vor.u32 v8, v9;
	v12 =	vshrl.u32 v12, $0x1  }
0x161: {  	v12 =	vsub.s32 v8, v12  }
0x162: {  	v13 =	vadd.s32 $0x410, v12;
	_ =	sdelay $0x1  }
0x163: {  	s17 =	simm.s32 $0x10A0  }
0x164: {  	v8 =	vld [tilespmem:s17+$0xFFFFFBF0];
	_ =	sdelay $0x1  }
0x165: {  	v13 =	vld.idx.msk [tilespmem:v13+s11+$0x0], $0xffff;
	_ =	sdelay $0x2  }
0x166: {  	vm0 =	vlt.f32 v14, v8  }
0x167: {  	v15 =	vsel vm0, $0x301, v4  }
0x168: {  	v16 =	vor.u32 $0x410, v15;
	vm1 =	vlt.f32 v13, v10;
	v13 =	vadd.s32 $0x1, v12  }
0x169: {  	v9 =	vsel vm1, v13, v9;
	v11 =	vsel vm1, v11, v12  }
0x16a: {  	v12 =	vxor.u32 v9, v11  }
0x16b: {  	v13 =	vand.u32 v9, v11;
	v12 =	vshrl.u32 v12, $0x1  }
0x16c: {  	v12 =	vadd.s32 v12, v13  }
0x16d: {  	v16 =	vld.idx.msk [tilespmem:v16+s11+$0x0], $0xffff;
	v13 =	vadd.s32 $0x410, v12;
	_ =	sdelay $0x4  }
0x16e: {  	v17 =	vsel vm0, $0x401, v3;
	vm1 =	vlt.f32 v16, v8;
	v13 =	vld.idx.msk [tilespmem:v13+s11+$0x0], $0xffff  }
0x16f: {  	v18 =	vadd.s32 $0x1, v15;
	v16 =	vsel vm0, $0x201, v2;
	v15 =	vsel vm1, v17, v15  }
0x170: {  	v16 =	vsel vm1, v18, v16;
	v17 =	vadd.s32 $0xFFFFFFFF, v15  }
0x171: {  	v18 =	vxor.u32 v17, v16  }
0x172: {  	v17 =	vor.u32 v17, v16;
	v18 =	vshrl.u32 v18, $0x1  }
0x173: {  	v17 =	vsub.s32 v17, v18;
	vm0 =	vlt.f32 v13, v10;
	v13 =	vadd.s32 $0x1, v12  }
0x174: {  	v13 =	vsel vm0, v13, v9;
	v11 =	vsel vm0, v11, v12;
	v12 =	vadd.s32 $0x410, v17  }
0x175: {  	s18 =	simm.s32 $0x10B0;
	v18 =	vadd.s32 v13, v11  }
0x176: {  	v9 =	vld [tilespmem:s18+$0xFFFFFBF0];
	v18 =	vshrl.u32 v18, $0x1  }
0x177: {  	v19 =	vadd.s32 $0x410, v18;
	_ =	sdelay $0x1  }
0x178: {  	v12 =	vld.idx.msk [tilespmem:v12+s11+$0x0], $0xffff;
	_ =	sdelay $0x1  }
0x179: {  	vm0 =	vlt.f32 v14, v9  }
0x17a: {  	v20 =	vsel vm0, $0x301, v4;
	v19 =	vld.idx.msk [tilespmem:v19+s11+$0x0], $0xffff  }
0x17b: {  	v21 =	vor.u32 $0x410, v20  }
0x17c: {  	vm1 =	vlt.f32 v12, v8;
	v12 =	vadd.s32 $0x1, v17  }
0x17d: {  	v12 =	vsel vm1, v12, v16;
	v15 =	vsel vm1, v15, v17  }
0x17e: {  	v16 =	vand.u32 v12, v15;
	v17 =	vxor.u32 v12, v15  }
0x17f: {  	v17 =	vshrl.u32 v17, $0x1;
	vm1 =	vlt.f32 v19, v10;
	v19 =	vadd.s32 $0x1, v18  }
0x180: {  	v16 =	vadd.s32 v17, v16;
	v13 =	vsel vm1, v19, v13;
	v17 =	vsel vm1, v11, v18;
	v11 =	vld.idx.msk [tilespmem:v21+s11+$0x0], $0xffff  }
0x181: {  	v18 =	vadd.s32 $0x410, v16;
	v19 =	vadd.s32 v13, v17  }
0x182: {  	v19 =	vshrl.u32 v19, $0x1  }
0x183: {  	v21 =	vadd.s32 $0x410, v19;
	_ =	sdelay $0x1  }
0x184: {  	v22 =	vsel vm0, $0x401, v3;
	vm1 =	vlt.f32 v11, v9  }
0x185: {  	v23 =	vadd.s32 $0x1, v20;
	v11 =	vsel vm0, $0x201, v2;
	v18 =	vld.idx.msk [tilespmem:v18+s11+$0x0], $0xffff;
	v20 =	vsel vm1, v22, v20  }
0x186: {  	v22 =	vsel vm1, v23, v11;
	v11 =	vadd.s32 $0xFFFFFFFF, v20  }
0x187: {  	v21 =	vld.idx.msk [tilespmem:v21+s11+$0x0], $0xffff;
	v23 =	vxor.u32 v11, v22  }
0x188: {  	v11 =	vor.u32 v11, v22;
	v23 =	vshrl.u32 v23, $0x1  }
0x189: {  	v23 =	vsub.s32 v11, v23  }
0x18a: {  	v11 =	vadd.s32 $0x1, v16;
	vm0 =	vlt.f32 v18, v8;
	v18 =	vadd.s32 $0x410, v23  }
0x18b: {  	v12 =	vsel vm0, v11, v12;
	v15 =	vsel vm0, v15, v16  }
0x18c: {  	s20 =	simm.s32 $0x10C0;
	v16 =	vadd.s32 v12, v15;
	vm0 =	vlt.f32 v21, v10;
	v21 =	vadd.s32 $0x1, v19  }
0x18d: {  	v11 =	vld [tilespmem:s20+$0xFFFFFBF0];
	v16 =	vshrl.u32 v16, $0x1;
	v13 =	vsel vm0, v21, v13;
	v17 =	vsel vm0, v17, v19  }
0x18e: {  	v19 =	vadd.s32 $0x410, v16;
	v21 =	vadd.s32 v13, v17  }
0x18f: {  	v21 =	vshrl.u32 v21, $0x1;
	v18 =	vld.idx.msk [tilespmem:v18+s11+$0x0], $0xffff  }
0x190: {  	v24 =	vadd.s32 $0x410, v21;
	_ =	sdelay $0x1  }
0x191: {  	vm0 =	vlt.f32 v14, v11  }
0x192: {  	v25 =	vsel vm0, $0x301, v4;
	v19 =	vld.idx.msk [tilespmem:v19+s11+$0x0], $0xffff  }
0x193: {  	v26 =	vor.u32 $0x410, v25;
	vm1 =	vlt.f32 v18, v9;
	v18 =	vadd.s32 $0x1, v23  }
0x194: {  	v24 =	vld.idx.msk [tilespmem:v24+s11+$0x0], $0xffff;
	v18 =	vsel vm1, v18, v22;
	v20 =	vsel vm1, v20, v23  }
0x195: {  	v22 =	vxor.u32 v18, v20  }
0x196: {  	v23 =	vand.u32 v18, v20;
	v22 =	vshrl.u32 v22, $0x1  }
0x197: {  	vm1 =	vlt.f32 v19, v8;
	v19 =	vadd.s32 $0x1, v16;
	v22 =	vadd.s32 v22, v23  }
0x198: {  	v12 =	vsel vm1, v19, v12;
	v15 =	vsel vm1, v15, v16;
	v16 =	vadd.s32 $0x410, v22;
	v19 =	vld.idx.msk [tilespmem:v26+s11+$0x0], $0xffff  }
0x199: {  	v23 =	vadd.s32 v12, v15;
	vm1 =	vlt.f32 v24, v10;
	v24 =	vadd.s32 $0x1, v21  }
0x19a: {  	v23 =	vshrl.u32 v23, $0x1;
	v13 =	vsel vm1, v24, v13;
	v17 =	vsel vm1, v17, v21  }
0x19b: {  	v21 =	vadd.s32 $0x410, v23;
	v24 =	vadd.s32 v13, v17  }
0x19c: {  	v24 =	vshrl.u32 v24, $0x1  }
0x19d: {  	v26 =	vsel vm0, $0x401, v3;
	v16 =	vld.idx.msk [tilespmem:v16+s11+$0x0], $0xffff;
	v27 =	vadd.s32 $0x410, v24;
	vm1 =	vlt.f32 v19, v11  }
0x19e: {  	v28 =	vadd.s32 $0x1, v25;
	v19 =	vsel vm0, $0x201, v2;
	v25 =	vsel vm1, v26, v25  }
0x19f: {  	v19 =	vsel vm1, v28, v19;
	v26 =	vadd.s32 $0xFFFFFFFF, v25  }
0x1a0: {  	v21 =	vld.idx.msk [tilespmem:v21+s11+$0x0], $0xffff;
	v28 =	vxor.u32 v26, v19  }
0x1a1: {  	v26 =	vor.u32 v26, v19;
	v28 =	vshrl.u32 v28, $0x1  }
0x1a2: {  	vm0 =	vlt.f32 v16, v9;
	v16 =	vadd.s32 $0x1, v22;
	v27 =	vld.idx.msk [tilespmem:v27+s11+$0x0], $0xffff;
	v26 =	vsub.s32 v26, v28  }
0x1a3: {  	v16 =	vsel vm0, v16, v18;
	v18 =	vsel vm0, v20, v22;
	v20 =	vadd.s32 $0x410, v26  }
0x1a4: {  	v22 =	vadd.s32 v16, v18  }
0x1a5: {  	v22 =	vshrl.u32 v22, $0x1;
	vm0 =	vlt.f32 v21, v8;
	v21 =	vadd.s32 $0x1, v23  }
0x1a6: {  	s22 =	simm.s32 $0x10D0;
	v21 =	vsel vm0, v21, v12;
	v15 =	vsel vm0, v15, v23;
	v23 =	vadd.s32 $0x410, v22  }
0x1a7: {  	v12 =	vld [tilespmem:s22+$0xFFFFFBF0];
	v28 =	vadd.s32 v21, v15;
	vm0 =	vlt.f32 v27, v10;
	v27 =	vadd.s32 $0x1, v24  }
0x1a8: {  	v28 =	vshrl.u32 v28, $0x1;
	v13 =	vsel vm0, v27, v13;
	v17 =	vsel vm0, v17, v24;
	v20 =	vld.idx.msk [tilespmem:v20+s11+$0x0], $0xffff  }
0x1a9: {  	v24 =	vadd.s32 $0x410, v28;
	v27 =	vadd.s32 v13, v17  }
0x1aa: {  	v27 =	vshrl.u32 v27, $0x1  }
0x1ab: {  	v23 =	vld.idx.msk [tilespmem:v23+s11+$0x0], $0xffff;
	v29 =	vadd.s32 $0x410, v27  }
0x1ac: {  	vm0 =	vlt.f32 v14, v12  }
0x1ad: {  	v30 =	vsel vm0, $0x301, v4;
	vm1 =	vlt.f32 v20, v11;
	v20 =	vadd.s32 $0x1, v26  }
0x1ae: {  	v31 =	vor.u32 $0x410, v30;
	v24 =	vld.idx.msk [tilespmem:v24+s11+$0x0], $0xffff;
	v19 =	vsel vm1, v20, v19;
	v20 =	vsel vm1, v25, v26  }
0x1af: {  	v25 =	vand.u32 v19, v20;
	v26 =	vxor.u32 v19, v20  }
0x1b0: {  	v29 =	vld.idx.msk [tilespmem:v29+s11+$0x0], $0xffff;
	v26 =	vshrl.u32 v26, $0x1;
	vm1 =	vlt.f32 v23, v9;
	v23 =	vadd.s32 $0x1, v22  }
0x1b1: {  	v25 =	vadd.s32 v26, v25;
	v16 =	vsel vm1, v23, v16;
	v18 =	vsel vm1, v18, v22  }
0x1b2: {  	v22 =	vadd.s32 $0x410, v25;
	v23 =	vadd.s32 v16, v18  }
0x1b3: {  	v26 =	vld.idx.msk [tilespmem:v31+s11+$0x0], $0xffff;
	v23 =	vshrl.u32 v23, $0x1;
	vm1 =	vlt.f32 v24, v8;
	v24 =	vadd.s32 $0x1, v28  }
0x1b4: {  	v31 =	vadd.s32 $0x410, v23;
	v24 =	vsel vm1, v24, v21;
	v15 =	vsel vm1, v15, v28  }
0x1b5: {  	v28 =	vadd.s32 $0x1, v27;
	v21 =	vadd.s32 v24, v15;
	vm1 =	vlt.f32 v29, v10  }
0x1b6: {  	v29 =	vshrl.u32 v21, $0x1;
	v28 =	vsel vm1, v28, v13;
	v17 =	vsel vm1, v17, v27  }
0x1b7: {  	v55 =	vsel vm0, $0x401, v3;
	v21 =	vld.idx.msk [tilespmem:v22+s11+$0x0], $0xffff;
	v22 =	vadd.s32 $0x410, v29;
	v27 =	vadd.s32 v28, v17  }
0x1b8: {  	v13 =	vsel vm0, $0x201, v2;
	vm0 =	vlt.f32 v26, v12;
	v26 =	vshrl.u32 v27, $0x1  }
0x1b9: {  	v27 =	vadd.s32 $0x1, v30;
	v30 =	vsel vm0, v55, v30;
	v56 =	vadd.s32 $0x410, v26  }
0x1ba: {  	v31 =	vld.idx.msk [tilespmem:v31+s11+$0x0], $0xffff;
	v27 =	vsel vm0, v27, v13;
	v13 =	vadd.s32 $0xFFFFFFFF, v30  }
0x1bb: {  	v57 =	vor.u32 v13, v27;
	v13 =	vxor.u32 v13, v27  }
0x1bc: {  	v13 =	vshrl.u32 v13, $0x1;
	vm0 =	vlt.f32 v21, v11;
	v21 =	vadd.s32 $0x1, v25;
	v58 =	vld.idx.msk [tilespmem:v22+s11+$0x0], $0xffff  }
0x1bd: {  	v59 =	vsub.s32 v57, v13;
	v60 =	vsel vm0, v21, v19;
	v25 =	vsel vm0, v20, v25  }
0x1be: {  	v33 =	vadd.s32 $0x410, v59;
	v13 =	vadd.s32 v60, v25;
	v32 =	vld.idx.msk [tilespmem:v56+s11+$0x0], $0xffff  }
0x1bf: {  	vm0 =	vlt.f32 v31, v9;
	v61 =	vshrl.u32 v13, $0x1;
	v13 =	vadd.s32 $0x1, v23  }
0x1c0: {  	v19 =	vadd.s32 $0x1, v29;
	v22 =	vsel vm0, v18, v23;
	v21 =	vsel vm0, v13, v16  }
0x1c1: {  	s30 =	simm.s32 $0x10E0;
	v18 =	vadd.s32 $0x410, v61;
	v16 =	vadd.s32 v21, v22;
	vm0 =	vlt.f32 v58, v8  }
0x1c2: {  	v13 =	vld [tilespmem:s30+$0xFFFFFBF0];
	v23 =	vshrl.u32 v16, $0x1;
	v20 =	vsel vm0, v19, v24;
	v19 =	vsel vm0, v15, v29  }
0x1c3: {  	v29 =	vld.idx.msk [tilespmem:v33+s11+$0x0], $0xffff;
	v15 =	vadd.s32 $0x1, v26;
	vm0 =	vlt.f32 v32, v10;
	v24 =	vadd.s32 v20, v19  }
0x1c4: {  	v16 =	vsel vm0, v15, v28;
	v15 =	vsel vm0, v17, v26;
	v26 =	vadd.s32 $0x410, v23  }
0x1c5: {  	v24 =	vshrl.u32 v24, $0x1;
	v15 =	vadd.s32 v16, v15  }
0x1c6: {  	v63 =	vadd.s32 $0x1, v61;
	v62 =	vld.idx.msk [tilespmem:v18+s11+$0x0], $0xffff;
	v28 =	vadd.s32 $0x410, v24;
	v18 =	vshrl.u32 v15, $0x1  }
0x1c7: {  	v17 =	vadd.s32 s21, v5;
	vm0 =	vlt.f32 v14, v13;
	v39 =	vadd.s32 $0x410, v18  }
0x1c8: {  	v33 =	vsel vm0, $0x301, v4;
	vm1 =	vlt.f32 v29, v12;
	v29 =	vadd.s32 $0x1, v59  }
0x1c9: {  	v35 =	vor.u32 $0x410, v33;
	v29 =	vsel vm1, v29, v27;
	v30 =	vsel vm1, v30, v59;
	v31 =	vld.idx.msk [tilespmem:v26+s11+$0x0], $0xffff  }
0x1ca: {  	s29 =	simm.s32 $0x10;
	v15 =	vimm.f32 $0.0e+00;
	v34 =	vsel vm0, $0x201, v2;
	v27 =	vxor.u32 v29, v30  }
0x1cb: {  	s28 =	simm.s32 $0x20;
	s26 =	simm.s32 $0x30;
	s23 =	simm.s32 $0x10E0;
	v26 =	vand.u32 v29, v30;
	v28 =	vld.idx.msk [tilespmem:v28+s11+$0x0], $0xffff;
	v27 =	vshrl.u32 v27, $0x1;
	vm1 =	vlt.f32 v62, v11  }
0x1cc: {  	s24 =	simm.s32 $0x50;
	s25 =	simm.s32 $0x40;
	s1 =	simm.s32 $0x60;
	v32 =	vadd.s32 v27, v26;
	v27 =	vsel vm1, v63, v60;
	v26 =	vsel vm1, v25, v61;
	v25 =	vld.idx.msk [tilespmem:v39+s11+$0x0], $0xffff  }
.LBB2_5:
0x1cd: {  	p0 =	sne.s32 s1, $0x400;
	v36 =	vsel vm0, $0x401, v3;
	v37 =	vadd.s32 $0x410, v32;
	v38 =	vadd.s32 v27, v26  }
0x1ce: {  	vm0 =	vlt.f32 v31, v9;
	v31 =	vadd.s32 $0x1, v23;
	v35 =	vld.idx.msk [tilespmem:v35+s11+$0x0], $0xffff;
	v38 =	vshrl.u32 v38, $0x1  }
0x1cf: {  	v31 =	vsel vm0, v31, v21;
	v40 =	vsel vm0, v22, v23;
	v39 =	vadd.s32 $0x410, v38  }
0x1d0: {  	v22 =	vadd.s32 $0x1, v24;
	v21 =	vadd.s32 v31, v40;
	vm0 =	vlt.f32 v28, v8  }
0x1d1: {  	v23 =	vadd.s32 $0x1, v33;
	v28 =	vshrl.u32 v21, $0x1;
	v41 =	vsel vm0, v22, v20  }
0x1d2: {  	v18 =	vadd.s32 $0x1, v18;
	v20 =	vld.idx.msk [tilespmem:v37+s11+$0x0], $0xffff;
	v37 =	vsel vm0, v19, v24;
	vm0 =	vlt.f32 v25, v10  }
0x1d3: {  	v19 =	vadd.s32 $0x410, v28;
	v21 =	vadd.s32 v41, v37;
	v16 =	vsel vm0, v18, v16  }
0x1d4: {  	vm0 =	vlt.f32 v35, v13;
	v18 =	vshrl.u32 v21, $0x1;
	vm1 =	vgt.s32 v16, v17;
	v21 =	vld [tilespmem:s19+$0x0]  }
0x1d5: {  	v25 =	vsel vm0, v36, v33;
	v22 =	vld.idx.msk [tilespmem:v39+s11+$0x0], $0xffff;
	v24 =	vadd.s32 $0x410, v18;
	v16 =	vsel vm1, v16, v17  }
0x1d6: {  	v34 =	vsel vm0, v23, v34;
	v17 =	vadd.s32 $0xFFFFFFFF, v25;
	v23 =	vadd.s32 $0x81F, v16  }
0x1d7: {  	v35 =	vxor.u32 s21, v6;
	s21 =	smov.u32 s29;
	s29 =	smov.u32 s28;
	s28 =	smov.u32 s26;
	v33 =	vor.u32 v17, v34;
	v17 =	vxor.u32 v17, v34  }
0x1d8: {  	s30 =	sadd.s32 $0x10, s30;
	s26 =	smov.u32 s25;
	s25 =	smov.u32 s24;
	v17 =	vshrl.u32 v17, $0x1;
	vm0 =	vlt.f32 v20, v12;
	v20 =	vadd.s32 $0x1, v32;
	v19 =	vld.idx.msk [tilespmem:v19+s11+$0x0], $0xffff  }
0x1d9: {  	s24 =	smov.u32 s1;
	v39 =	vsub.s32 v33, v17;
	v42 =	vsel vm0, v20, v29;
	v43 =	vsel vm0, v30, v32;
	v36 =	vld [tilespmem:s30+$0xFFFFFBF0]  }
0x1da: {  	v17 =	vadd.s32 $0x410, v39;
	v20 =	vadd.s32 v42, v43;
	v29 =	vsub.f32 v10, v21;
	v24 =	vld.idx.msk [tilespmem:v24+s11+$0x0], $0xffff  }
0x1db: {  	v44 =	vshrl.u32 v20, $0x1;
	vm0 =	vlt.f32 v22, v11;
	v20 =	vadd.s32 $0x1, v38;
	v30 =	vld.idx.msk [tilespmem:v23+s11+$0x0], $0xffff  }
0x1dc: {  	v16 =	vadd.s32 v35, v16;
	v21 =	vsel vm0, v20, v27;
	v22 =	vsel vm0, v26, v38  }
0x1dd: {  	v16 =	vcvt.s32.f32 v16;
	v26 =	vadd.s32 $0x410, v44;
	v20 =	vadd.s32 v21, v22  }
0x1de: {  	v23 =	vshrl.u32 v20, $0x1;
	vm0 =	vlt.f32 v19, v9;
	v19 =	vadd.s32 $0x1, v28;
	v27 =	vld [tilespmem:s19+$0x410];
	s19 =	smov.u32 s17;
	s17 =	smov.u32 s18;
	s18 =	smov.u32 s20  }
0x1df: {  	v16 =	vmul.f32 v16, v10;
	v10 =	vmovc v8;
	v20 =	vsel vm0, v19, v31;
	v19 =	vsel vm0, v40, v28;
	s20 =	smov.u32 s22;
	s22 =	smov.u32 s23;
	s23 =	smov.u32 s30  }
0x1e0: {  	v8 =	vmovc v9;
	vm0 =	vlt.f32 v14, v36;
	v31 =	vadd.s32 $0x410, v23;
	v28 =	vld.idx.msk [tilespmem:v17+s11+$0x0], $0xffff;
	v17 =	vadd.s32 v20, v19  }
0x1e1: {  	v32 =	vadd.s32 $0x1, v18;
	v9 =	vmovc v11;
	v11 =	vmovc v12;
	vm1 =	vlt.f32 v24, v10;
	v30 =	vsub.f32 v16, v30  }
0x1e2: {  	v12 =	vmovc v13;
	v13 =	vmovc v36;
	v16 =	vsel vm1, v32, v41;
	v24 =	vshrl.u32 v17, $0x1;
	v17 =	vsel vm1, v37, v18  }
0x1e3: {  	v32 =	vadd.s32 $0x410, v24;
	v17 =	vadd.s32 v16, v17;
	v26 =	vld.idx.msk [tilespmem:v26+s11+$0x0], $0xffff;
	v27 =	vadd.f32 v27, v30  }
0x1e4: {  	v33 =	vsel vm0, $0x301, v4;
	v18 =	vshrl.u32 v17, $0x1;
	v17 =	vadd.s32 s21, v5  }
0x1e5: {  	v15 =	vadd.f32 v29, v15;
	v36 =	vadd.s32 $0x410, v18;
	v27 =	vadd.f32 v27, v27  }
.Ltmp1:
0x1e6: {  	v35 =	vor.u32 $0x410, v33;
	vm1 =	vlt.f32 v28, v12;
	v28 =	vadd.s32 $0x1, v39;
	v31 =	vld.idx.msk [tilespmem:v31+s11+$0x0], $0xffff;
	(pc) =	sbr.rel @p0 .LBB2_5-.Ltmp1, $4  }
0x1e7: {  	v29 =	vsel vm1, v28, v34;
	v30 =	vsel vm1, v25, v39;
	v15 =	vadd.f32 v15, v27  }
0x1e8: {  	v34 =	vsel vm0, $0x201, v2;
	v25 =	vand.u32 v29, v30;
	v27 =	vxor.u32 v29, v30;
	v28 =	vld.idx.msk [tilespmem:v32+s11+$0x0], $0xffff  }
0x1e9: {  	v27 =	vshrl.u32 v27, $0x1;
	vm1 =	vlt.f32 v26, v11;
	v26 =	vadd.s32 $0x1, v44  }
0x1ea: {  	s1 =	sadd.s32 $0x10, s1;
	v32 =	vadd.s32 v27, v25;
	v27 =	vsel vm1, v26, v42;
	v26 =	vsel vm1, v43, v44;
	v25 =	vld.idx.msk [tilespmem:v36+s11+$0x0], $0xffff  }
0x1eb: {  	_ =	sdelay $0x3  }
0x1ec: {  	v14 =	vld.idx.msk [tilespmem:v35+s11+$0x0], $0xffff;
	_ =	sdelay $0x4  }
0x1ed: {  	v41 =	vsel vm0, $0x401, v3;
	vm6 =	vlt.f32 v14, v13  }
0x1ee: {  	v42 =	vadd.s32 $0x1, v33;
	v43 =	vsel vm6, v41, v33  }
0x1ef: {  	v14 =	vsel vm6, v42, v34;
	v44 =	vadd.s32 $0xFFFFFFFF, v43  }
0x1f0: {  	v45 =	vxor.u32 v44, v14  }
0x1f1: {  	v34 =	vor.u32 v44, v14;
	v35 =	vshrl.u32 v45, $0x1  }
0x1f2: {  	v34 =	vsub.s32 v34, v35  }
0x1f3: {  	v35 =	vadd.s32 $0x410, v34;
	_ =	sdelay $0x4  }
0x1f4: {  	v35 =	vld.idx.msk [tilespmem:v35+s11+$0x0], $0xffff;
	_ =	sdelay $0x4  }
0x1f5: {  	v36 =	vadd.s32 $0x410, v32;
	v46 =	vadd.s32 $0x1, v34;
	vm7 =	vlt.f32 v35, v13  }
0x1f6: {  	v14 =	vsel vm7, v46, v14;
	v33 =	vsel vm7, v43, v34  }
0x1f7: {  	v34 =	vxor.u32 v14, v33  }
0x1f8: {  	v35 =	vand.u32 v14, v33;
	v34 =	vshrl.u32 v34, $0x1  }
0x1f9: {  	v34 =	vadd.s32 v34, v35  }
0x1fa: {  	v47 =	vld.idx.msk [tilespmem:v36+s11+$0x0], $0xffff;
	v48 =	vadd.s32 $0x410, v34;
	_ =	sdelay $0x4  }
0x1fb: {  	v49 =	vadd.s32 $0x1, v32;
	vm8 =	vlt.f32 v47, v12;
	v36 =	vld.idx.msk [tilespmem:v48+s11+$0x0], $0xffff  }
0x1fc: {  	v29 =	vsel vm8, v49, v29;
	v30 =	vsel vm8, v30, v32  }
0x1fd: {  	v32 =	vadd.s32 v29, v30  }
0x1fe: {  	v32 =	vshrl.u32 v32, $0x1  }
0x1ff: {  	v50 =	vadd.s32 $0x410, v32  }
0x200: {  	v51 =	vadd.s32 $0x1, v34;
	vm9 =	vlt.f32 v36, v13  }
0x201: {  	v14 =	vsel vm9, v51, v14;
	v33 =	vsel vm9, v33, v34  }
0x202: {  	v34 =	vadd.s32 v14, v33  }
0x203: {  	v34 =	vshrl.u32 v34, $0x1  }
0x204: {  	v35 =	vld.idx.msk [tilespmem:v50+s11+$0x0], $0xffff;
	v52 =	vadd.s32 $0x410, v34;
	_ =	sdelay $0x2  }
0x205: {  	v37 =	vadd.s32 v27, v26  }
0x206: {  	v37 =	vshrl.u32 v37, $0x1  }
0x207: {  	v38 =	vadd.s32 $0x410, v37;
	v53 =	vadd.s32 $0x1, v32;
	vm10 =	vlt.f32 v35, v12;
	v36 =	vld.idx.msk [tilespmem:v52+s11+$0x0], $0xffff  }
0x208: {  	v29 =	vsel vm10, v53, v29;
	v30 =	vsel vm10, v30, v32  }
0x209: {  	v32 =	vadd.s32 v29, v30  }
0x20a: {  	v32 =	vshrl.u32 v32, $0x1  }
0x20b: {  	v55 =	vadd.s32 $0x410, v32  }
0x20c: {  	v54 =	vld.idx.msk [tilespmem:v38+s11+$0x0], $0xffff;
	v56 =	vadd.s32 $0x1, v34;
	vm11 =	vlt.f32 v36, v13  }
0x20d: {  	v14 =	vsel vm11, v56, v14;
	v33 =	vsel vm11, v33, v34  }
0x20e: {  	v34 =	vadd.s32 v14, v33  }
0x20f: {  	v34 =	vshrl.u32 v34, $0x1  }
0x210: {  	v58 =	vld.idx.msk [tilespmem:v55+s11+$0x0], $0xffff;
	v59 =	vadd.s32 $0x410, v34  }
0x211: {  	v57 =	vadd.s32 $0x1, v37;
	vm12 =	vlt.f32 v54, v11  }
0x212: {  	v60 =	vsel vm12, v57, v27;
	v61 =	vsel vm12, v26, v37  }
0x213: {  	v35 =	vadd.s32 v60, v61  }
0x214: {  	v35 =	vshrl.u32 v35, $0x1  }
0x215: {  	v62 =	vadd.s32 $0x410, v35;
	v63 =	vadd.s32 $0x1, v32;
	vm13 =	vlt.f32 v58, v12;
	v38 =	vld.idx.msk [tilespmem:v59+s11+$0x0], $0xffff  }
0x216: {  	v29 =	vsel vm13, v63, v29;
	v30 =	vsel vm13, v30, v32  }
0x217: {  	v32 =	vadd.s32 v29, v30  }
0x218: {  	vm14 =	vlt.f32 v31, v9;
	v40 =	vadd.s32 $0x1, v23;
	v32 =	vshrl.u32 v32, $0x1  }
0x219: {  	v21 =	vsel vm14, v40, v21;
	v42 =	vadd.s32 $0x410, v32  }
0x21a: {  	v22 =	vsel vm14, v22, v23;
	v41 =	vld.idx.msk [tilespmem:v62+s11+$0x0], $0xffff;
	v44 =	vadd.s32 $0x1, v34;
	vm15 =	vlt.f32 v38, v13  }
0x21b: {  	v43 =	vadd.s32 v21, v22;
	v14 =	vsel vm15, v44, v14;
	v33 =	vsel vm15, v33, v34  }
0x21c: {  	v36 =	vshrl.u32 v43, $0x1;
	v37 =	vadd.s32 v14, v33  }
0x21d: {  	v45 =	vadd.s32 $0x410, v36;
	v37 =	vshrl.u32 v37, $0x1  }
0x21e: {  	v31 =	vld.idx.msk [tilespmem:v42+s11+$0x0], $0xffff;
	v47 =	vadd.s32 $0x410, v37  }
0x21f: {  	v46 =	vadd.s32 $0x1, v35;
	vm4 =	vlt.f32 v41, v11  }
0x220: {  	v23 =	vsel vm4, v46, v60;
	v26 =	vsel vm4, v61, v35  }
0x221: {  	v27 =	vadd.s32 v23, v26  }
0x222: {  	v27 =	vshrl.u32 v27, $0x1;
	v34 =	vld.idx.msk [tilespmem:v45+s11+$0x0], $0xffff  }
0x223: {  	v49 =	vadd.s32 $0x410, v27;
	v50 =	vadd.s32 $0x1, v32;
	vm6 =	vlt.f32 v31, v12;
	v51 =	vld.idx.msk [tilespmem:v47+s11+$0x0], $0xffff  }
0x224: {  	vm5 =	vlt.f32 v28, v8;
	v29 =	vsel vm6, v50, v29;
	v30 =	vsel vm6, v30, v32  }
0x225: {  	v19 =	vsel vm5, v19, v24;
	v32 =	vadd.s32 v29, v30  }
0x226: {  	v48 =	vadd.s32 $0x1, v24;
	v53 =	vadd.s32 $0x1, v36;
	v32 =	vshrl.u32 v32, $0x1  }
0x227: {  	v54 =	vadd.s32 $0x410, v32;
	v55 =	vadd.s32 $0x1, v37;
	vm7 =	vlt.f32 v34, v9  }
0x228: {  	v24 =	vld.idx.msk [tilespmem:v49+s11+$0x0], $0xffff;
	v21 =	vsel vm7, v53, v21;
	v22 =	vsel vm7, v22, v36;
	vm8 =	vlt.f32 v51, v13  }
0x229: {  	v36 =	vadd.s32 v21, v22;
	v14 =	vsel vm8, v55, v14;
	v33 =	vsel vm8, v33, v37  }
0x22a: {  	v36 =	vshrl.u32 v36, $0x1;
	v37 =	vadd.s32 v14, v33  }
0x22b: {  	v20 =	vsel vm5, v48, v20;
	v56 =	vadd.s32 $0x410, v36;
	v37 =	vshrl.u32 v37, $0x1  }
0x22c: {  	v28 =	vadd.s32 v20, v19;
	v34 =	vld.idx.msk [tilespmem:v54+s11+$0x0], $0xffff;
	v58 =	vadd.s32 $0x410, v37  }
0x22d: {  	v28 =	vshrl.u32 v28, $0x1;
	v57 =	vadd.s32 $0x1, v27;
	vm9 =	vlt.f32 v24, v11  }
0x22e: {  	v52 =	vadd.s32 $0x410, v28;
	v23 =	vsel vm9, v57, v23;
	v59 =	vsel vm9, v26, v27  }
0x22f: {  	v26 =	vadd.s32 v23, v59  }
0x230: {  	v26 =	vshrl.u32 v26, $0x1;
	v60 =	vld.idx.msk [tilespmem:v56+s11+$0x0], $0xffff  }
0x231: {  	v62 =	vadd.s32 $0x410, v26;
	v63 =	vadd.s32 $0x1, v32;
	vm1 =	vlt.f32 v34, v12;
	v39 =	vld.idx.msk [tilespmem:v58+s11+$0x0], $0xffff  }
0x232: {  	v40 =	vsel vm1, v63, v29;
	v41 =	vsel vm1, v30, v32  }
0x233: {  	v18 =	vadd.s32 $0x1, v18;
	v31 =	vld.idx.msk [tilespmem:v52+s11+$0x0], $0xffff;
	v42 =	vadd.s32 v40, v41  }
0x234: {  	vm11 =	vlt.f32 v25, v10;
	v43 =	vadd.s32 $0x1, v36;
	v25 =	vshrl.u32 v42, $0x1  }
0x235: {  	v45 =	vadd.s32 $0x410, v25;
	v47 =	vadd.s32 $0x1, v37;
	vm12 =	vlt.f32 v60, v9  }
0x236: {  	v44 =	vld.idx.msk [tilespmem:v62+s11+$0x0], $0xffff;
	v21 =	vsel vm12, v43, v21;
	v22 =	vsel vm12, v22, v36;
	vm13 =	vlt.f32 v39, v13  }
0x237: {  	v46 =	vadd.s32 v21, v22;
	v14 =	vsel vm13, v47, v14;
	v48 =	vsel vm13, v33, v37  }
0x238: {  	vm10 =	vlt.f32 v31, v8;
	v31 =	vshrl.u32 v46, $0x1;
	v50 =	vadd.s32 v14, v48  }
0x239: {  	v61 =	vadd.s32 $0x1, v28;
	v49 =	vadd.s32 $0x410, v31;
	v34 =	vshrl.u32 v50, $0x1  }
0x23a: {  	v16 =	vsel vm11, v18, v16;
	v52 =	vadd.s32 $0x1, v26;
	v30 =	vld.idx.msk [tilespmem:v45+s11+$0x0], $0xffff;
	v53 =	vadd.s32 $0x410, v34  }
0x23b: {  	v20 =	vsel vm10, v61, v20;
	v19 =	vsel vm10, v19, v28;
	vm14 =	vlt.f32 v44, v11  }
0x23c: {  	v19 =	vadd.s32 v20, v19;
	v54 =	vsel vm14, v52, v23;
	v55 =	vsel vm14, v59, v26  }
0x23d: {  	vm0 =	vgt.s32 v16, v17;
	v19 =	vshrl.u32 v19, $0x1;
	v24 =	vadd.s32 v54, v55  }
0x23e: {  	v16 =	vsel vm0, v16, v17;
	v51 =	vadd.s32 $0x410, v19;
	v24 =	vshrl.u32 v24, $0x1;
	v57 =	vld.idx.msk [tilespmem:v49+s11+$0x0], $0xffff  }
0x23f: {  	v59 =	vadd.s32 $0x410, v24;
	v60 =	vadd.s32 $0x1, v25;
	vm15 =	vlt.f32 v30, v12;
	v61 =	vld.idx.msk [tilespmem:v53+s11+$0x0], $0xffff  }
0x240: {  	v56 =	vxor.u32 s21, v6;
	v28 =	vsel vm15, v60, v40;
	v25 =	vsel vm15, v41, v25  }
0x241: {  	v17 =	vadd.s32 v56, v16;
	v30 =	vadd.s32 v28, v25  }
0x242: {  	v16 =	vadd.s32 $0x81F, v16;
	v63 =	vadd.s32 $0x1, v31;
	v30 =	vshrl.u32 v30, $0x1  }
0x243: {  	v58 =	vld.idx.msk [tilespmem:v51+s11+$0x0], $0xffff;
	v37 =	vadd.s32 $0x410, v30;
	v38 =	vadd.s32 $0x1, v34;
	vm4 =	vlt.f32 v57, v9  }
0x244: {  	v36 =	vld.idx.msk [tilespmem:v59+s11+$0x0], $0xffff;
	v21 =	vsel vm4, v63, v21;
	v22 =	vsel vm4, v22, v31;
	vm6 =	vlt.f32 v61, v13  }
0x245: {  	v22 =	vadd.s32 v21, v22;
	v14 =	vsel vm6, v38, v14;
	v39 =	vsel vm6, v48, v34  }
0x246: {  	v62 =	vadd.s32 s29, v5;
	v22 =	vshrl.u32 v22, $0x1;
	v41 =	vadd.s32 v14, v39  }
0x247: {  	v17 =	vcvt.s32.f32 v17;
	v16 =	vld.idx.msk [tilespmem:v16+s11+$0x0], $0xffff;
	v43 =	vadd.s32 $0x410, v22;
	v33 =	vshrl.u32 v41, $0x1  }
0x248: {  	v19 =	vadd.s32 $0x1, v19;
	v44 =	vadd.s32 $0x1, v24;
	v27 =	vld.idx.msk [tilespmem:v37+s11+$0x0], $0xffff;
	v45 =	vadd.s32 $0x410, v33  }
0x249: {  	v42 =	vld [tilespmem:s19+$0x410];
	v17 =	vmul.f32 v17, v10;
	vm5 =	vlt.f32 v58, v8;
	vm7 =	vlt.f32 v36, v11  }
0x24a: {  	v19 =	vsel vm5, v19, v20;
	v18 =	vsel vm7, v44, v54;
	v23 =	vsel vm7, v55, v24  }
0x24b: {  	vm1 =	vgt.s32 v19, v62;
	v47 =	vadd.s32 v18, v23  }
0x24c: {  	v16 =	vsub.f32 v17, v16;
	v46 =	vsel vm1, v19, v62;
	v19 =	vshrl.u32 v47, $0x1;
	v20 =	vld.idx.msk [tilespmem:v43+s11+$0x0], $0xffff  }
0x24d: {  	v52 =	vadd.s32 $0x1, v30;
	v51 =	vadd.s32 $0x410, v19;
	vm8 =	vlt.f32 v27, v12;
	v53 =	vld.idx.msk [tilespmem:v45+s11+$0x0], $0xffff  }
0x24e: {  	v16 =	vadd.f32 v42, v16;
	v24 =	vsel vm8, v52, v28;
	v25 =	vsel vm8, v25, v30  }
0x24f: {  	v56 =	vadd.s32 s28, v5;
	v49 =	vadd.s32 $0x81F, v46;
	v55 =	vadd.s32 v24, v25  }
0x250: {  	v36 =	vxor.u32 s28, v6;
	v54 =	vadd.f32 v16, v16;
	v16 =	vshrl.u32 v55, $0x1  }
0x251: {  	v50 =	vxor.u32 s29, v6;
	v57 =	vadd.s32 $0x1, v22;
	v59 =	vadd.s32 $0x410, v16  }
0x252: {  	v58 =	vld.idx.msk [tilespmem:v51+s11+$0x0], $0xffff;
	v61 =	vadd.s32 $0x1, v33;
	vm9 =	vlt.f32 v20, v9;
	vm10 =	vlt.f32 v53, v13  }
0x253: {  	v40 =	vld [tilespmem:s19+$0x0];
	v20 =	vsel vm9, v57, v21;
	v14 =	vsel vm10, v61, v14;
	v63 =	vsel vm10, v39, v33  }
0x254: {  	v17 =	vadd.s32 v50, v46;
	v23 =	vld.idx.msk [tilespmem:v49+s11+$0x0], $0xffff;
	vm11 =	vgt.s32 v20, v56;
	v30 =	vadd.s32 v14, v63  }
0x255: {  	v60 =	vld [tilespmem:s17+$0x0];
	v17 =	vcvt.s32.f32 v17;
	v29 =	vsel vm11, v20, v56;
	v20 =	vshrl.u32 v30, $0x1  }
0x256: {  	v42 =	vxor.u32 s26, v6;
	v62 =	vld [tilespmem:s17+$0x410];
	v19 =	vadd.s32 $0x1, v19;
	v33 =	vadd.s32 $0x410, v20  }
0x257: {  	v17 =	vmul.f32 v17, v8;
	vm12 =	vlt.f32 v58, v11;
	v32 =	vld.idx.msk [tilespmem:v59+s11+$0x0], $0xffff;
	v31 =	vadd.s32 $0x81F, v29  }
0x258: {  	v48 =	vsub.f32 v10, v40;
	v34 =	vadd.s32 s26, v5;
	v18 =	vsel vm12, v19, v18  }
0x259: {  	v47 =	vadd.s32 s24, v5;
	v17 =	vsub.f32 v17, v23;
	vm0 =	vgt.s32 v18, v34  }
0x25a: {  	v8 =	vsub.f32 v8, v60;
	v10 =	vadd.f32 v48, v15;
	v18 =	vsel vm0, v18, v34  }
0x25b: {  	v16 =	vadd.s32 $0x1, v16;
	v17 =	vadd.f32 v62, v17;
	v37 =	vadd.s32 $0x81F, v18;
	v38 =	vld.idx.msk [tilespmem:v33+s11+$0x0], $0xffff  }
0x25c: {  	v10 =	vadd.f32 v10, v54;
	v15 =	vadd.s32 v36, v29;
	vm13 =	vlt.f32 v32, v12;
	v21 =	vld.idx.msk [tilespmem:v31+s11+$0x0], $0xffff  }
0x25d: {  	v35 =	vld [tilespmem:s18+$0x0];
	v40 =	vadd.s32 s25, v5;
	v15 =	vcvt.s32.f32 v15;
	v16 =	vsel vm13, v16, v24  }
0x25e: {  	v17 =	vadd.f32 v17, v17;
	v8 =	vadd.f32 v8, v10;
	vm0 =	vgt.s32 v16, v40;
	v39 =	vld [tilespmem:s18+$0x410]  }
0x25f: {  	v10 =	vadd.s32 v42, v18;
	v15 =	vmul.f32 v15, v9;
	v16 =	vsel vm0, v16, v40  }
0x260: {  	v43 =	vld.idx.msk [tilespmem:v37+s11+$0x0], $0xffff;
	v44 =	vadd.s32 $0x81F, v16;
	v20 =	vadd.s32 $0x1, v20;
	vm14 =	vlt.f32 v38, v13  }
0x261: {  	v10 =	vcvt.s32.f32 v10;
	v45 =	vld [tilespmem:s20+$0x0];
	v15 =	vsub.f32 v15, v21;
	v14 =	vsel vm14, v20, v14  }
0x262: {  	v46 =	vld [tilespmem:s20+$0x410];
	v41 =	vsub.f32 v9, v35;
	v8 =	vadd.f32 v8, v17;
	vm0 =	vgt.s32 v14, v47  }
0x263: {  	v48 =	vmul.f32 v10, v11;
	v15 =	vadd.f32 v39, v15;
	v14 =	vsel vm0, v14, v47  }
0x264: {  	v50 =	vxor.u32 s25, v6;
	v8 =	vadd.f32 v41, v8;
	v52 =	vadd.s32 $0x81F, v14  }
0x265: {  	v9 =	vsub.f32 v48, v43;
	v51 =	vld.idx.msk [tilespmem:v44+s11+$0x0], $0xffff;
	v49 =	vadd.f32 v15, v15;
	v15 =	vadd.s32 v50, v16  }
0x266: {  	v53 =	vld [tilespmem:s22+$0x0];
	v54 =	vsub.f32 v11, v45;
	v15 =	vcvt.s32.f32 v15  }
0x267: {  	v55 =	vld [tilespmem:s22+$0x410];
	v9 =	vadd.f32 v46, v9;
	v8 =	vadd.f32 v8, v49  }
0x268: {  	v56 =	vxor.u32 s24, v6;
	v15 =	vmul.f32 v15, v12  }
0x269: {  	v9 =	vadd.f32 v9, v9;
	v8 =	vadd.f32 v54, v8;
	v11 =	vadd.s32 v56, v14;
	v16 =	vld.idx.msk [tilespmem:v52+s11+$0x0], $0xffff  }
0x26a: {  	v57 =	vld [tilespmem:s23+$0x0];
	v15 =	vsub.f32 v15, v51;
	v11 =	vcvt.s32.f32 v11  }
0x26b: {  	v59 =	vld [tilespmem:s23+$0x410];
	v10 =	vsub.f32 v12, v53;
	v8 =	vadd.f32 v8, v9  }
0x26c: {  	v58 =	vadd.f32 v55, v15;
	v11 =	vmul.f32 v11, v13  }
0x26d: {  	v8 =	vadd.f32 v10, v8  }
0x26e: {  	v60 =	vadd.f32 v58, v58;
	v11 =	vsub.f32 v11, v16  }
0x26f: {  	v9 =	vsub.f32 v13, v57  }
0x270: {  	v8 =	vadd.f32 v8, v60;
	v61 =	vadd.f32 v59, v11;
	_ =	sdelay $0x1  }
0x271: {  	v8 =	vadd.f32 v9, v8;
	v62 =	vadd.f32 v61, v61;
	_ =	sdelay $0x1  }
0x272: {  	v8 =	vadd.f32 v8, v62;
	_ =	sdelay $0x1  }
0x273: {  	(xrf2) =	vadd.scan.msk.f32 $0xffff, v8;
	_ =	sdelay $0x3  }
0x274: {  	s1 =	sor.u32 $0x1, s16  }
0x275: {  	s16 =	sand.u32 $0xF, s1  }
0x276: {  	v8 =	vmov s16  }
0x277: {  	s15 =	sadd.s32 $0x1, s15;
	vm15 =	veq.s32 v8, v0  }
0x278: {  	p0 =	sne.s32 s15, $0x10;
	v8 =	vmov s1  }
.Ltmp2:
0x279: {  	_ = 	snop;
	(pc) =	sbr.rel @p0 .LBB2_2-.Ltmp2, $3  }
0x27a: {  	v63, _, _ =	vpop (xrf2)  }
0x27b: {  	v9 =	vbroadcast v63, $0xF;
	_ =	sdelay $0x1  }
0x27c: {  	[tilespmem:v8+s12+$0x0] =	vst.idx.msk vm15, v9  }
0x27d: {  	_ = 	snop  }
0x27e: {  	_ =	swait.ge [sflag:s5], $0xC80  }
0x27f: {  	[sflag:s5] =	ssyncset.done $0x0  }
0x280: {  	s19 =	simm.s32 $0x0;
	[sflag:s5] =	ssyncadd.s32 $0xFFFFF380  }
0x281: {  	s17 =	simm.s32 $0x410;
	v14 =	vld.idx.msk [tilespmem:v1+s19+$0x0], $0xffff  }
0x282: {  	v10 =	vld [tilespmem:s17+$0xFFFFFBF0];
	_ =	sdelay $0x4  }
0x283: {  	vm0 =	vlt.f32 v14, v10  }
0x284: {  	v8 =	vsel vm0, $0x301, v4  }
0x285: {  	v9 =	vor.u32 $0x410, v8;
	_ =	sdelay $0x4  }
0x286: {  	v9 =	vld.idx.msk [tilespmem:v9+s3+$0x0], $0xffff;
	_ =	sdelay $0x4  }
0x287: {  	v11 =	vsel vm0, $0x401, v3;
	vm1 =	vlt.f32 v9, v10  }
0x288: {  	v12 =	vadd.s32 $0x1, v8;
	v9 =	vsel vm0, $0x201, v2;
	v11 =	vsel vm1, v11, v8  }
0x289: {  	v9 =	vsel vm1, v12, v9;
	v8 =	vadd.s32 $0xFFFFFFFF, v11  }
0x28a: {  	v12 =	vxor.u32 v8, v9  }
0x28b: {  	v8 =	vor.u32 v8, v9;
	v12 =	vshrl.u32 v12, $0x1  }
0x28c: {  	v12 =	vsub.s32 v8, v12  }
0x28d: {  	v13 =	vadd.s32 $0x410, v12;
	_ =	sdelay $0x1  }
0x28e: {  	s15 =	simm.s32 $0x420  }
0x28f: {  	v8 =	vld [tilespmem:s15+$0xFFFFFBF0];
	_ =	sdelay $0x1  }
0x290: {  	v13 =	vld.idx.msk [tilespmem:v13+s3+$0x0], $0xffff;
	_ =	sdelay $0x2  }
0x291: {  	vm0 =	vlt.f32 v14, v8  }
0x292: {  	v15 =	vsel vm0, $0x301, v4  }
0x293: {  	v16 =	vor.u32 $0x410, v15;
	vm1 =	vlt.f32 v13, v10;
	v13 =	vadd.s32 $0x1, v12  }
0x294: {  	v9 =	vsel vm1, v13, v9;
	v11 =	vsel vm1, v11, v12  }
0x295: {  	v12 =	vxor.u32 v9, v11  }
0x296: {  	v13 =	vand.u32 v9, v11;
	v12 =	vshrl.u32 v12, $0x1  }
0x297: {  	v12 =	vadd.s32 v12, v13  }
0x298: {  	v16 =	vld.idx.msk [tilespmem:v16+s3+$0x0], $0xffff;
	v13 =	vadd.s32 $0x410, v12;
	_ =	sdelay $0x4  }
0x299: {  	v17 =	vsel vm0, $0x401, v3;
	vm1 =	vlt.f32 v16, v8;
	v13 =	vld.idx.msk [tilespmem:v13+s3+$0x0], $0xffff  }
0x29a: {  	v18 =	vadd.s32 $0x1, v15;
	v16 =	vsel vm0, $0x201, v2;
	v15 =	vsel vm1, v17, v15  }
0x29b: {  	v16 =	vsel vm1, v18, v16;
	v17 =	vadd.s32 $0xFFFFFFFF, v15  }
0x29c: {  	v18 =	vxor.u32 v17, v16  }
0x29d: {  	v17 =	vor.u32 v17, v16;
	v18 =	vshrl.u32 v18, $0x1  }
0x29e: {  	v17 =	vsub.s32 v17, v18;
	vm0 =	vlt.f32 v13, v10;
	v13 =	vadd.s32 $0x1, v12  }
0x29f: {  	v13 =	vsel vm0, v13, v9;
	v11 =	vsel vm0, v11, v12;
	v12 =	vadd.s32 $0x410, v17  }
0x2a0: {  	s16 =	simm.s32 $0x430;
	v18 =	vadd.s32 v13, v11  }
0x2a1: {  	v9 =	vld [tilespmem:s16+$0xFFFFFBF0];
	v18 =	vshrl.u32 v18, $0x1  }
0x2a2: {  	v19 =	vadd.s32 $0x410, v18;
	_ =	sdelay $0x1  }
0x2a3: {  	v12 =	vld.idx.msk [tilespmem:v12+s3+$0x0], $0xffff;
	_ =	sdelay $0x1  }
0x2a4: {  	vm0 =	vlt.f32 v14, v9  }
0x2a5: {  	v20 =	vsel vm0, $0x301, v4;
	v19 =	vld.idx.msk [tilespmem:v19+s3+$0x0], $0xffff  }
0x2a6: {  	v21 =	vor.u32 $0x410, v20  }
0x2a7: {  	vm1 =	vlt.f32 v12, v8;
	v12 =	vadd.s32 $0x1, v17  }
0x2a8: {  	v12 =	vsel vm1, v12, v16;
	v15 =	vsel vm1, v15, v17  }
0x2a9: {  	v16 =	vand.u32 v12, v15;
	v17 =	vxor.u32 v12, v15  }
0x2aa: {  	v17 =	vshrl.u32 v17, $0x1;
	vm1 =	vlt.f32 v19, v10;
	v19 =	vadd.s32 $0x1, v18  }
0x2ab: {  	v16 =	vadd.s32 v17, v16;
	v13 =	vsel vm1, v19, v13;
	v17 =	vsel vm1, v11, v18;
	v11 =	vld.idx.msk [tilespmem:v21+s3+$0x0], $0xffff  }
0x2ac: {  	v18 =	vadd.s32 $0x410, v16;
	v19 =	vadd.s32 v13, v17  }
0x2ad: {  	v19 =	vshrl.u32 v19, $0x1  }
0x2ae: {  	v21 =	vadd.s32 $0x410, v19;
	_ =	sdelay $0x1  }
0x2af: {  	v22 =	vsel vm0, $0x401, v3;
	vm1 =	vlt.f32 v11, v9  }
0x2b0: {  	v23 =	vadd.s32 $0x1, v20;
	v11 =	vsel vm0, $0x201, v2;
	v18 =	vld.idx.msk [tilespmem:v18+s3+$0x0], $0xffff;
	v20 =	vsel vm1, v22, v20  }
0x2b1: {  	v22 =	vsel vm1, v23, v11;
	v11 =	vadd.s32 $0xFFFFFFFF, v20  }
0x2b2: {  	v21 =	vld.idx.msk [tilespmem:v21+s3+$0x0], $0xffff;
	v23 =	vxor.u32 v11, v22  }
0x2b3: {  	v11 =	vor.u32 v11, v22;
	v23 =	vshrl.u32 v23, $0x1  }
0x2b4: {  	v23 =	vsub.s32 v11, v23  }
0x2b5: {  	v11 =	vadd.s32 $0x1, v16;
	vm0 =	vlt.f32 v18, v8;
	v18 =	vadd.s32 $0x410, v23  }
0x2b6: {  	v12 =	vsel vm0, v11, v12;
	v15 =	vsel vm0, v15, v16  }
0x2b7: {  	s18 =	simm.s32 $0x440;
	v16 =	vadd.s32 v12, v15;
	vm0 =	vlt.f32 v21, v10;
	v21 =	vadd.s32 $0x1, v19  }
0x2b8: {  	v11 =	vld [tilespmem:s18+$0xFFFFFBF0];
	v16 =	vshrl.u32 v16, $0x1;
	v13 =	vsel vm0, v21, v13;
	v17 =	vsel vm0, v17, v19  }
0x2b9: {  	v19 =	vadd.s32 $0x410, v16;
	v21 =	vadd.s32 v13, v17  }
0x2ba: {  	v21 =	vshrl.u32 v21, $0x1;
	v18 =	vld.idx.msk [tilespmem:v18+s3+$0x0], $0xffff  }
0x2bb: {  	v24 =	vadd.s32 $0x410, v21;
	_ =	sdelay $0x1  }
0x2bc: {  	vm0 =	vlt.f32 v14, v11  }
0x2bd: {  	v25 =	vsel vm0, $0x301, v4;
	v19 =	vld.idx.msk [tilespmem:v19+s3+$0x0], $0xffff  }
0x2be: {  	v26 =	vor.u32 $0x410, v25;
	vm1 =	vlt.f32 v18, v9;
	v18 =	vadd.s32 $0x1, v23  }
0x2bf: {  	v24 =	vld.idx.msk [tilespmem:v24+s3+$0x0], $0xffff;
	v18 =	vsel vm1, v18, v22;
	v20 =	vsel vm1, v20, v23  }
0x2c0: {  	v22 =	vxor.u32 v18, v20  }
0x2c1: {  	v23 =	vand.u32 v18, v20;
	v22 =	vshrl.u32 v22, $0x1  }
0x2c2: {  	vm1 =	vlt.f32 v19, v8;
	v19 =	vadd.s32 $0x1, v16;
	v22 =	vadd.s32 v22, v23  }
0x2c3: {  	v12 =	vsel vm1, v19, v12;
	v15 =	vsel vm1, v15, v16;
	v16 =	vadd.s32 $0x410, v22;
	v19 =	vld.idx.msk [tilespmem:v26+s3+$0x0], $0xffff  }
0x2c4: {  	v23 =	vadd.s32 v12, v15;
	vm1 =	vlt.f32 v24, v10;
	v24 =	vadd.s32 $0x1, v21  }
0x2c5: {  	v23 =	vshrl.u32 v23, $0x1;
	v13 =	vsel vm1, v24, v13;
	v17 =	vsel vm1, v17, v21  }
0x2c6: {  	v21 =	vadd.s32 $0x410, v23;
	v24 =	vadd.s32 v13, v17  }
0x2c7: {  	v24 =	vshrl.u32 v24, $0x1  }
0x2c8: {  	v26 =	vsel vm0, $0x401, v3;
	v16 =	vld.idx.msk [tilespmem:v16+s3+$0x0], $0xffff;
	v27 =	vadd.s32 $0x410, v24;
	vm1 =	vlt.f32 v19, v11  }
0x2c9: {  	v28 =	vadd.s32 $0x1, v25;
	v19 =	vsel vm0, $0x201, v2;
	v25 =	vsel vm1, v26, v25  }
0x2ca: {  	v19 =	vsel vm1, v28, v19;
	v26 =	vadd.s32 $0xFFFFFFFF, v25  }
0x2cb: {  	v21 =	vld.idx.msk [tilespmem:v21+s3+$0x0], $0xffff;
	v28 =	vxor.u32 v26, v19  }
0x2cc: {  	v26 =	vor.u32 v26, v19;
	v28 =	vshrl.u32 v28, $0x1  }
0x2cd: {  	vm0 =	vlt.f32 v16, v9;
	v16 =	vadd.s32 $0x1, v22;
	v27 =	vld.idx.msk [tilespmem:v27+s3+$0x0], $0xffff;
	v26 =	vsub.s32 v26, v28  }
0x2ce: {  	v16 =	vsel vm0, v16, v18;
	v18 =	vsel vm0, v20, v22;
	v20 =	vadd.s32 $0x410, v26  }
0x2cf: {  	v22 =	vadd.s32 v16, v18  }
0x2d0: {  	v22 =	vshrl.u32 v22, $0x1;
	vm0 =	vlt.f32 v21, v8;
	v21 =	vadd.s32 $0x1, v23  }
0x2d1: {  	s20 =	simm.s32 $0x450;
	v21 =	vsel vm0, v21, v12;
	v15 =	vsel vm0, v15, v23;
	v23 =	vadd.s32 $0x410, v22  }
0x2d2: {  	v12 =	vld [tilespmem:s20+$0xFFFFFBF0];
	v28 =	vadd.s32 v21, v15;
	vm0 =	vlt.f32 v27, v10;
	v27 =	vadd.s32 $0x1, v24  }
0x2d3: {  	v28 =	vshrl.u32 v28, $0x1;
	v13 =	vsel vm0, v27, v13;
	v17 =	vsel vm0, v17, v24;
	v20 =	vld.idx.msk [tilespmem:v20+s3+$0x0], $0xffff  }
0x2d4: {  	v24 =	vadd.s32 $0x410, v28;
	v27 =	vadd.s32 v13, v17  }
0x2d5: {  	v27 =	vshrl.u32 v27, $0x1  }
0x2d6: {  	v23 =	vld.idx.msk [tilespmem:v23+s3+$0x0], $0xffff;
	v29 =	vadd.s32 $0x410, v27  }
0x2d7: {  	vm0 =	vlt.f32 v14, v12  }
0x2d8: {  	v30 =	vsel vm0, $0x301, v4;
	vm1 =	vlt.f32 v20, v11;
	v20 =	vadd.s32 $0x1, v26  }
0x2d9: {  	v31 =	vor.u32 $0x410, v30;
	v24 =	vld.idx.msk [tilespmem:v24+s3+$0x0], $0xffff;
	v19 =	vsel vm1, v20, v19;
	v20 =	vsel vm1, v25, v26  }
0x2da: {  	v25 =	vand.u32 v19, v20;
	v26 =	vxor.u32 v19, v20  }
0x2db: {  	v29 =	vld.idx.msk [tilespmem:v29+s3+$0x0], $0xffff;
	v26 =	vshrl.u32 v26, $0x1;
	vm1 =	vlt.f32 v23, v9;
	v23 =	vadd.s32 $0x1, v22  }
0x2dc: {  	v25 =	vadd.s32 v26, v25;
	v16 =	vsel vm1, v23, v16;
	v18 =	vsel vm1, v18, v22  }
0x2dd: {  	v22 =	vadd.s32 $0x410, v25;
	v23 =	vadd.s32 v16, v18  }
0x2de: {  	v26 =	vld.idx.msk [tilespmem:v31+s3+$0x0], $0xffff;
	v23 =	vshrl.u32 v23, $0x1;
	vm1 =	vlt.f32 v24, v8;
	v24 =	vadd.s32 $0x1, v28  }
0x2df: {  	v31 =	vadd.s32 $0x410, v23;
	v24 =	vsel vm1, v24, v21;
	v15 =	vsel vm1, v15, v28  }
0x2e0: {  	v28 =	vadd.s32 $0x1, v27;
	v21 =	vadd.s32 v24, v15;
	vm1 =	vlt.f32 v29, v10  }
0x2e1: {  	v29 =	vshrl.u32 v21, $0x1;
	v28 =	vsel vm1, v28, v13;
	v17 =	vsel vm1, v17, v27  }
0x2e2: {  	v32 =	vsel vm0, $0x401, v3;
	v21 =	vld.idx.msk [tilespmem:v22+s3+$0x0], $0xffff;
	v22 =	vadd.s32 $0x410, v29;
	v27 =	vadd.s32 v28, v17  }
0x2e3: {  	v13 =	vsel vm0, $0x201, v2;
	vm0 =	vlt.f32 v26, v12;
	v26 =	vshrl.u32 v27, $0x1  }
0x2e4: {  	v27 =	vadd.s32 $0x1, v30;
	v30 =	vsel vm0, v32, v30;
	v61 =	vadd.s32 $0x410, v26  }
0x2e5: {  	v31 =	vld.idx.msk [tilespmem:v31+s3+$0x0], $0xffff;
	v27 =	vsel vm0, v27, v13;
	v13 =	vadd.s32 $0xFFFFFFFF, v30  }
0x2e6: {  	v33 =	vor.u32 v13, v27;
	v13 =	vxor.u32 v13, v27  }
0x2e7: {  	v13 =	vshrl.u32 v13, $0x1;
	vm0 =	vlt.f32 v21, v11;
	v21 =	vadd.s32 $0x1, v25;
	v34 =	vld.idx.msk [tilespmem:v22+s3+$0x0], $0xffff  }
0x2e8: {  	v36 =	vsub.s32 v33, v13;
	v37 =	vsel vm0, v21, v19;
	v25 =	vsel vm0, v20, v25  }
0x2e9: {  	v33 =	vadd.s32 $0x410, v36;
	v13 =	vadd.s32 v37, v25;
	v32 =	vld.idx.msk [tilespmem:v61+s3+$0x0], $0xffff  }
0x2ea: {  	vm0 =	vlt.f32 v31, v9;
	v38 =	vshrl.u32 v13, $0x1;
	v13 =	vadd.s32 $0x1, v23  }
0x2eb: {  	v19 =	vadd.s32 $0x1, v29;
	v22 =	vsel vm0, v18, v23;
	v21 =	vsel vm0, v13, v16  }
0x2ec: {  	s28 =	simm.s32 $0x460;
	v18 =	vadd.s32 $0x410, v38;
	v16 =	vadd.s32 v21, v22;
	vm0 =	vlt.f32 v34, v8  }
0x2ed: {  	v13 =	vld [tilespmem:s28+$0xFFFFFBF0];
	v23 =	vshrl.u32 v16, $0x1;
	v20 =	vsel vm0, v19, v24;
	v19 =	vsel vm0, v15, v29  }
0x2ee: {  	v29 =	vld.idx.msk [tilespmem:v33+s3+$0x0], $0xffff;
	v15 =	vadd.s32 $0x1, v26;
	vm0 =	vlt.f32 v32, v10;
	v24 =	vadd.s32 v20, v19  }
0x2ef: {  	v16 =	vsel vm0, v15, v28;
	v15 =	vsel vm0, v17, v26;
	v26 =	vadd.s32 $0x410, v23  }
0x2f0: {  	v24 =	vshrl.u32 v24, $0x1;
	v15 =	vadd.s32 v16, v15  }
0x2f1: {  	v63 =	vadd.s32 $0x1, v38;
	v62 =	vld.idx.msk [tilespmem:v18+s3+$0x0], $0xffff;
	v28 =	vadd.s32 $0x410, v24;
	v18 =	vshrl.u32 v15, $0x1  }
0x2f2: {  	v17 =	vadd.s32 s19, v5;
	vm0 =	vlt.f32 v14, v13;
	v39 =	vadd.s32 $0x410, v18  }
0x2f3: {  	v33 =	vsel vm0, $0x301, v4;
	vm1 =	vlt.f32 v29, v12;
	v29 =	vadd.s32 $0x1, v36  }
0x2f4: {  	v35 =	vor.u32 $0x410, v33;
	v29 =	vsel vm1, v29, v27;
	v30 =	vsel vm1, v30, v36;
	v31 =	vld.idx.msk [tilespmem:v26+s3+$0x0], $0xffff  }
0x2f5: {  	s26 =	simm.s32 $0x10;
	v15 =	vimm.f32 $0.0e+00;
	v34 =	vsel vm0, $0x201, v2;
	v27 =	vxor.u32 v29, v30  }
0x2f6: {  	s25 =	simm.s32 $0x20;
	s24 =	simm.s32 $0x30;
	s23 =	simm.s32 $0x40;
	v26 =	vand.u32 v29, v30;
	v28 =	vld.idx.msk [tilespmem:v28+s3+$0x0], $0xffff;
	v27 =	vshrl.u32 v27, $0x1;
	vm1 =	vlt.f32 v62, v11  }
0x2f7: {  	s22 =	simm.s32 $0x50;
	s1 =	simm.s32 $0x60;
	s21 =	simm.s32 $0x460;
	v32 =	vadd.s32 v27, v26;
	v27 =	vsel vm1, v63, v37;
	v26 =	vsel vm1, v25, v38;
	v25 =	vld.idx.msk [tilespmem:v39+s3+$0x0], $0xffff  }
.LBB2_8:
0x2f8: {  	p0 =	sne.s32 s1, $0x400;
	v36 =	vsel vm0, $0x401, v3;
	v37 =	vadd.s32 $0x410, v32;
	v38 =	vadd.s32 v27, v26  }
0x2f9: {  	vm0 =	vlt.f32 v31, v9;
	v31 =	vadd.s32 $0x1, v23;
	v35 =	vld.idx.msk [tilespmem:v35+s3+$0x0], $0xffff;
	v38 =	vshrl.u32 v38, $0x1  }
0x2fa: {  	v31 =	vsel vm0, v31, v21;
	v40 =	vsel vm0, v22, v23;
	v39 =	vadd.s32 $0x410, v38  }
0x2fb: {  	v22 =	vadd.s32 $0x1, v24;
	v21 =	vadd.s32 v31, v40;
	vm0 =	vlt.f32 v28, v8  }
0x2fc: {  	v23 =	vadd.s32 $0x1, v33;
	v28 =	vshrl.u32 v21, $0x1;
	v41 =	vsel vm0, v22, v20  }
0x2fd: {  	v18 =	vadd.s32 $0x1, v18;
	v20 =	vld.idx.msk [tilespmem:v37+s3+$0x0], $0xffff;
	v37 =	vsel vm0, v19, v24;
	vm0 =	vlt.f32 v25, v10  }
0x2fe: {  	v19 =	vadd.s32 $0x410, v28;
	v21 =	vadd.s32 v41, v37;
	v16 =	vsel vm0, v18, v16  }
0x2ff: {  	vm0 =	vlt.f32 v35, v13;
	v18 =	vshrl.u32 v21, $0x1;
	vm1 =	vgt.s32 v16, v17;
	v21 =	vld [tilespmem:s17+$0x0]  }
0x300: {  	v25 =	vsel vm0, v36, v33;
	v22 =	vld.idx.msk [tilespmem:v39+s3+$0x0], $0xffff;
	v24 =	vadd.s32 $0x410, v18;
	v16 =	vsel vm1, v16, v17  }
0x301: {  	v34 =	vsel vm0, v23, v34;
	v17 =	vadd.s32 $0xFFFFFFFF, v25;
	v23 =	vadd.s32 $0x81F, v16  }
0x302: {  	v35 =	vxor.u32 s19, v6;
	s19 =	smov.u32 s26;
	s26 =	smov.u32 s25;
	s25 =	smov.u32 s24;
	v33 =	vor.u32 v17, v34;
	v17 =	vxor.u32 v17, v34  }
0x303: {  	s28 =	sadd.s32 $0x10, s28;
	s24 =	smov.u32 s23;
	s23 =	smov.u32 s22;
	v17 =	vshrl.u32 v17, $0x1;
	vm0 =	vlt.f32 v20, v12;
	v20 =	vadd.s32 $0x1, v32;
	v19 =	vld.idx.msk [tilespmem:v19+s3+$0x0], $0xffff  }
0x304: {  	s22 =	smov.u32 s1;
	v39 =	vsub.s32 v33, v17;
	v42 =	vsel vm0, v20, v29;
	v43 =	vsel vm0, v30, v32;
	v36 =	vld [tilespmem:s28+$0xFFFFFBF0]  }
0x305: {  	v17 =	vadd.s32 $0x410, v39;
	v20 =	vadd.s32 v42, v43;
	v29 =	vsub.f32 v10, v21;
	v24 =	vld.idx.msk [tilespmem:v24+s3+$0x0], $0xffff  }
0x306: {  	v44 =	vshrl.u32 v20, $0x1;
	vm0 =	vlt.f32 v22, v11;
	v20 =	vadd.s32 $0x1, v38;
	v30 =	vld.idx.msk [tilespmem:v23+s3+$0x0], $0xffff  }
0x307: {  	v16 =	vadd.s32 v35, v16;
	v21 =	vsel vm0, v20, v27;
	v22 =	vsel vm0, v26, v38  }
0x308: {  	v16 =	vcvt.s32.f32 v16;
	v26 =	vadd.s32 $0x410, v44;
	v20 =	vadd.s32 v21, v22  }
0x309: {  	v23 =	vshrl.u32 v20, $0x1;
	vm0 =	vlt.f32 v19, v9;
	v19 =	vadd.s32 $0x1, v28;
	v27 =	vld [tilespmem:s17+$0x410];
	s17 =	smov.u32 s15;
	s15 =	smov.u32 s16;
	s16 =	smov.u32 s18  }
0x30a: {  	v16 =	vmul.f32 v16, v10;
	v10 =	vmovc v8;
	v20 =	vsel vm0, v19, v31;
	v19 =	vsel vm0, v40, v28;
	s18 =	smov.u32 s20;
	s20 =	smov.u32 s21;
	s21 =	smov.u32 s28  }
0x30b: {  	v8 =	vmovc v9;
	vm0 =	vlt.f32 v14, v36;
	v31 =	vadd.s32 $0x410, v23;
	v28 =	vld.idx.msk [tilespmem:v17+s3+$0x0], $0xffff;
	v17 =	vadd.s32 v20, v19  }
0x30c: {  	v32 =	vadd.s32 $0x1, v18;
	v9 =	vmovc v11;
	v11 =	vmovc v12;
	vm1 =	vlt.f32 v24, v10;
	v30 =	vsub.f32 v16, v30  }
0x30d: {  	v12 =	vmovc v13;
	v13 =	vmovc v36;
	v16 =	vsel vm1, v32, v41;
	v24 =	vshrl.u32 v17, $0x1;
	v17 =	vsel vm1, v37, v18  }
0x30e: {  	v32 =	vadd.s32 $0x410, v24;
	v17 =	vadd.s32 v16, v17;
	v26 =	vld.idx.msk [tilespmem:v26+s3+$0x0], $0xffff;
	v27 =	vadd.f32 v27, v30  }
0x30f: {  	v33 =	vsel vm0, $0x301, v4;
	v18 =	vshrl.u32 v17, $0x1;
	v17 =	vadd.s32 s19, v5  }
0x310: {  	v15 =	vadd.f32 v29, v15;
	v36 =	vadd.s32 $0x410, v18;
	v27 =	vadd.f32 v27, v27  }
.Ltmp3:
0x311: {  	v35 =	vor.u32 $0x410, v33;
	vm1 =	vlt.f32 v28, v12;
	v28 =	vadd.s32 $0x1, v39;
	v31 =	vld.idx.msk [tilespmem:v31+s3+$0x0], $0xffff;
	(pc) =	sbr.rel @p0 .LBB2_8-.Ltmp3, $4  }
0x312: {  	v29 =	vsel vm1, v28, v34;
	v30 =	vsel vm1, v25, v39;
	v15 =	vadd.f32 v15, v27  }
0x313: {  	v34 =	vsel vm0, $0x201, v2;
	v25 =	vand.u32 v29, v30;
	v27 =	vxor.u32 v29, v30;
	v28 =	vld.idx.msk [tilespmem:v32+s3+$0x0], $0xffff  }
0x314: {  	v27 =	vshrl.u32 v27, $0x1;
	vm1 =	vlt.f32 v26, v11;
	v26 =	vadd.s32 $0x1, v44  }
0x315: {  	s1 =	sadd.s32 $0x10, s1;
	v32 =	vadd.s32 v27, v25;
	v27 =	vsel vm1, v26, v42;
	v26 =	vsel vm1, v43, v44;
	v25 =	vld.idx.msk [tilespmem:v36+s3+$0x0], $0xffff  }
0x316: {  	_ =	sdelay $0x3  }
0x317: {  	v14 =	vld.idx.msk [tilespmem:v35+s3+$0x0], $0xffff;
	_ =	sdelay $0x4  }
0x318: {  	v42 =	vsel vm0, $0x401, v3;
	vm7 =	vlt.f32 v14, v13  }
0x319: {  	v43 =	vadd.s32 $0x1, v33;
	v44 =	vsel vm7, v42, v33  }
0x31a: {  	v14 =	vsel vm7, v43, v34;
	v45 =	vadd.s32 $0xFFFFFFFF, v44  }
0x31b: {  	v46 =	vxor.u32 v45, v14  }
0x31c: {  	v34 =	vor.u32 v45, v14;
	v35 =	vshrl.u32 v46, $0x1  }
0x31d: {  	v34 =	vsub.s32 v34, v35  }
0x31e: {  	v35 =	vadd.s32 $0x410, v34;
	_ =	sdelay $0x4  }
0x31f: {  	v35 =	vld.idx.msk [tilespmem:v35+s3+$0x0], $0xffff;
	_ =	sdelay $0x4  }
0x320: {  	v36 =	vadd.s32 $0x410, v32;
	v47 =	vadd.s32 $0x1, v34;
	vm8 =	vlt.f32 v35, v13  }
0x321: {  	v14 =	vsel vm8, v47, v14;
	v33 =	vsel vm8, v44, v34  }
0x322: {  	v34 =	vxor.u32 v14, v33  }
0x323: {  	v35 =	vand.u32 v14, v33;
	v34 =	vshrl.u32 v34, $0x1  }
0x324: {  	v34 =	vadd.s32 v34, v35  }
0x325: {  	v48 =	vld.idx.msk [tilespmem:v36+s3+$0x0], $0xffff;
	v49 =	vadd.s32 $0x410, v34;
	_ =	sdelay $0x4  }
0x326: {  	v50 =	vadd.s32 $0x1, v32;
	vm9 =	vlt.f32 v48, v12;
	v36 =	vld.idx.msk [tilespmem:v49+s3+$0x0], $0xffff  }
0x327: {  	v29 =	vsel vm9, v50, v29;
	v30 =	vsel vm9, v30, v32  }
0x328: {  	v32 =	vadd.s32 v29, v30  }
0x329: {  	v32 =	vshrl.u32 v32, $0x1  }
0x32a: {  	v51 =	vadd.s32 $0x410, v32  }
0x32b: {  	v52 =	vadd.s32 $0x1, v34;
	vm10 =	vlt.f32 v36, v13  }
0x32c: {  	v14 =	vsel vm10, v52, v14;
	v33 =	vsel vm10, v33, v34  }
0x32d: {  	v34 =	vadd.s32 v14, v33  }
0x32e: {  	v34 =	vshrl.u32 v34, $0x1  }
0x32f: {  	v35 =	vld.idx.msk [tilespmem:v51+s3+$0x0], $0xffff;
	v53 =	vadd.s32 $0x410, v34;
	_ =	sdelay $0x2  }
0x330: {  	v37 =	vadd.s32 v27, v26  }
0x331: {  	v37 =	vshrl.u32 v37, $0x1  }
0x332: {  	v38 =	vadd.s32 $0x410, v37;
	v54 =	vadd.s32 $0x1, v32;
	vm11 =	vlt.f32 v35, v12;
	v36 =	vld.idx.msk [tilespmem:v53+s3+$0x0], $0xffff  }
0x333: {  	v29 =	vsel vm11, v54, v29;
	v30 =	vsel vm11, v30, v32  }
0x334: {  	v32 =	vadd.s32 v29, v30  }
0x335: {  	v32 =	vshrl.u32 v32, $0x1  }
0x336: {  	v56 =	vadd.s32 $0x410, v32  }
0x337: {  	v55 =	vld.idx.msk [tilespmem:v38+s3+$0x0], $0xffff;
	v57 =	vadd.s32 $0x1, v34;
	vm12 =	vlt.f32 v36, v13  }
0x338: {  	v14 =	vsel vm12, v57, v14;
	v33 =	vsel vm12, v33, v34  }
0x339: {  	v34 =	vadd.s32 v14, v33  }
0x33a: {  	v34 =	vshrl.u32 v34, $0x1  }
0x33b: {  	v59 =	vld.idx.msk [tilespmem:v56+s3+$0x0], $0xffff;
	v60 =	vadd.s32 $0x410, v34  }
0x33c: {  	v58 =	vadd.s32 $0x1, v37;
	vm13 =	vlt.f32 v55, v11  }
0x33d: {  	v61 =	vsel vm13, v58, v27;
	v62 =	vsel vm13, v26, v37  }
0x33e: {  	v35 =	vadd.s32 v61, v62  }
0x33f: {  	v35 =	vshrl.u32 v35, $0x1  }
0x340: {  	v63 =	vadd.s32 $0x410, v35;
	v40 =	vadd.s32 $0x1, v32;
	vm14 =	vlt.f32 v59, v12;
	v38 =	vld.idx.msk [tilespmem:v60+s3+$0x0], $0xffff  }
0x341: {  	v29 =	vsel vm14, v40, v29;
	v30 =	vsel vm14, v30, v32  }
0x342: {  	v32 =	vadd.s32 v29, v30  }
0x343: {  	vm15 =	vlt.f32 v31, v9;
	v41 =	vadd.s32 $0x1, v23;
	v32 =	vshrl.u32 v32, $0x1  }
0x344: {  	v21 =	vsel vm15, v41, v21;
	v43 =	vadd.s32 $0x410, v32  }
0x345: {  	v22 =	vsel vm15, v22, v23;
	v42 =	vld.idx.msk [tilespmem:v63+s3+$0x0], $0xffff;
	v45 =	vadd.s32 $0x1, v34;
	vm4 =	vlt.f32 v38, v13  }
0x346: {  	v44 =	vadd.s32 v21, v22;
	v14 =	vsel vm4, v45, v14;
	v33 =	vsel vm4, v33, v34  }
0x347: {  	v36 =	vshrl.u32 v44, $0x1;
	v37 =	vadd.s32 v14, v33  }
0x348: {  	v46 =	vadd.s32 $0x410, v36;
	v37 =	vshrl.u32 v37, $0x1  }
0x349: {  	v31 =	vld.idx.msk [tilespmem:v43+s3+$0x0], $0xffff;
	v48 =	vadd.s32 $0x410, v37  }
0x34a: {  	v47 =	vadd.s32 $0x1, v35;
	vm5 =	vlt.f32 v42, v11  }
0x34b: {  	v23 =	vsel vm5, v47, v61;
	v26 =	vsel vm5, v62, v35  }
0x34c: {  	v27 =	vadd.s32 v23, v26  }
0x34d: {  	v27 =	vshrl.u32 v27, $0x1;
	v34 =	vld.idx.msk [tilespmem:v46+s3+$0x0], $0xffff  }
0x34e: {  	v50 =	vadd.s32 $0x410, v27;
	v51 =	vadd.s32 $0x1, v32;
	vm7 =	vlt.f32 v31, v12;
	v52 =	vld.idx.msk [tilespmem:v48+s3+$0x0], $0xffff  }
0x34f: {  	vm6 =	vlt.f32 v28, v8;
	v29 =	vsel vm7, v51, v29;
	v30 =	vsel vm7, v30, v32  }
0x350: {  	v19 =	vsel vm6, v19, v24;
	v32 =	vadd.s32 v29, v30  }
0x351: {  	v49 =	vadd.s32 $0x1, v24;
	v54 =	vadd.s32 $0x1, v36;
	v32 =	vshrl.u32 v32, $0x1  }
0x352: {  	v55 =	vadd.s32 $0x410, v32;
	v56 =	vadd.s32 $0x1, v37;
	vm8 =	vlt.f32 v34, v9  }
0x353: {  	v24 =	vld.idx.msk [tilespmem:v50+s3+$0x0], $0xffff;
	v21 =	vsel vm8, v54, v21;
	v22 =	vsel vm8, v22, v36;
	vm9 =	vlt.f32 v52, v13  }
0x354: {  	v36 =	vadd.s32 v21, v22;
	v14 =	vsel vm9, v56, v14;
	v33 =	vsel vm9, v33, v37  }
0x355: {  	v36 =	vshrl.u32 v36, $0x1;
	v37 =	vadd.s32 v14, v33  }
0x356: {  	v20 =	vsel vm6, v49, v20;
	v57 =	vadd.s32 $0x410, v36;
	v37 =	vshrl.u32 v37, $0x1  }
0x357: {  	v28 =	vadd.s32 v20, v19;
	v34 =	vld.idx.msk [tilespmem:v55+s3+$0x0], $0xffff;
	v59 =	vadd.s32 $0x410, v37  }
0x358: {  	v28 =	vshrl.u32 v28, $0x1;
	v58 =	vadd.s32 $0x1, v27;
	vm10 =	vlt.f32 v24, v11  }
0x359: {  	v53 =	vadd.s32 $0x410, v28;
	v23 =	vsel vm10, v58, v23;
	v60 =	vsel vm10, v26, v27  }
0x35a: {  	v26 =	vadd.s32 v23, v60  }
0x35b: {  	v26 =	vshrl.u32 v26, $0x1;
	v61 =	vld.idx.msk [tilespmem:v57+s3+$0x0], $0xffff  }
0x35c: {  	v63 =	vadd.s32 $0x410, v26;
	v39 =	vadd.s32 $0x1, v32;
	vm1 =	vlt.f32 v34, v12;
	v40 =	vld.idx.msk [tilespmem:v59+s3+$0x0], $0xffff  }
0x35d: {  	v41 =	vsel vm1, v39, v29;
	v42 =	vsel vm1, v30, v32  }
0x35e: {  	v18 =	vadd.s32 $0x1, v18;
	v31 =	vld.idx.msk [tilespmem:v53+s3+$0x0], $0xffff;
	v43 =	vadd.s32 v41, v42  }
0x35f: {  	vm12 =	vlt.f32 v25, v10;
	v44 =	vadd.s32 $0x1, v36;
	v25 =	vshrl.u32 v43, $0x1  }
0x360: {  	v46 =	vadd.s32 $0x410, v25;
	v48 =	vadd.s32 $0x1, v37;
	vm13 =	vlt.f32 v61, v9  }
0x361: {  	v45 =	vld.idx.msk [tilespmem:v63+s3+$0x0], $0xffff;
	v21 =	vsel vm13, v44, v21;
	v22 =	vsel vm13, v22, v36;
	vm14 =	vlt.f32 v40, v13  }
0x362: {  	v47 =	vadd.s32 v21, v22;
	v14 =	vsel vm14, v48, v14;
	v49 =	vsel vm14, v33, v37  }
0x363: {  	vm11 =	vlt.f32 v31, v8;
	v31 =	vshrl.u32 v47, $0x1;
	v51 =	vadd.s32 v14, v49  }
0x364: {  	v62 =	vadd.s32 $0x1, v28;
	v50 =	vadd.s32 $0x410, v31;
	v34 =	vshrl.u32 v51, $0x1  }
0x365: {  	v16 =	vsel vm12, v18, v16;
	v53 =	vadd.s32 $0x1, v26;
	v30 =	vld.idx.msk [tilespmem:v46+s3+$0x0], $0xffff;
	v54 =	vadd.s32 $0x410, v34  }
0x366: {  	v20 =	vsel vm11, v62, v20;
	v19 =	vsel vm11, v19, v28;
	vm15 =	vlt.f32 v45, v11  }
0x367: {  	v19 =	vadd.s32 v20, v19;
	v55 =	vsel vm15, v53, v23;
	v56 =	vsel vm15, v60, v26  }
0x368: {  	vm0 =	vgt.s32 v16, v17;
	v19 =	vshrl.u32 v19, $0x1;
	v24 =	vadd.s32 v55, v56  }
0x369: {  	v16 =	vsel vm0, v16, v17;
	v52 =	vadd.s32 $0x410, v19;
	v24 =	vshrl.u32 v24, $0x1;
	v58 =	vld.idx.msk [tilespmem:v50+s3+$0x0], $0xffff  }
0x36a: {  	v60 =	vadd.s32 $0x410, v24;
	v61 =	vadd.s32 $0x1, v25;
	vm4 =	vlt.f32 v30, v12;
	v62 =	vld.idx.msk [tilespmem:v54+s3+$0x0], $0xffff  }
0x36b: {  	v57 =	vxor.u32 s19, v6;
	v28 =	vsel vm4, v61, v41;
	v25 =	vsel vm4, v42, v25  }
0x36c: {  	v17 =	vadd.s32 v57, v16;
	v30 =	vadd.s32 v28, v25  }
0x36d: {  	v16 =	vadd.s32 $0x81F, v16;
	v36 =	vadd.s32 $0x1, v31;
	v30 =	vshrl.u32 v30, $0x1  }
0x36e: {  	v59 =	vld.idx.msk [tilespmem:v52+s3+$0x0], $0xffff;
	v38 =	vadd.s32 $0x410, v30;
	v39 =	vadd.s32 $0x1, v34;
	vm5 =	vlt.f32 v58, v9  }
0x36f: {  	v37 =	vld.idx.msk [tilespmem:v60+s3+$0x0], $0xffff;
	v21 =	vsel vm5, v36, v21;
	v22 =	vsel vm5, v22, v31;
	vm7 =	vlt.f32 v62, v13  }
0x370: {  	v22 =	vadd.s32 v21, v22;
	v14 =	vsel vm7, v39, v14;
	v40 =	vsel vm7, v49, v34  }
0x371: {  	v63 =	vadd.s32 s26, v5;
	v22 =	vshrl.u32 v22, $0x1;
	v42 =	vadd.s32 v14, v40  }
0x372: {  	v17 =	vcvt.s32.f32 v17;
	v16 =	vld.idx.msk [tilespmem:v16+s3+$0x0], $0xffff;
	v44 =	vadd.s32 $0x410, v22;
	v33 =	vshrl.u32 v42, $0x1  }
0x373: {  	v19 =	vadd.s32 $0x1, v19;
	v45 =	vadd.s32 $0x1, v24;
	v27 =	vld.idx.msk [tilespmem:v38+s3+$0x0], $0xffff;
	v46 =	vadd.s32 $0x410, v33  }
0x374: {  	v43 =	vld [tilespmem:s17+$0x410];
	v17 =	vmul.f32 v17, v10;
	vm6 =	vlt.f32 v59, v8;
	vm8 =	vlt.f32 v37, v11  }
0x375: {  	v19 =	vsel vm6, v19, v20;
	v18 =	vsel vm8, v45, v55;
	v23 =	vsel vm8, v56, v24  }
0x376: {  	vm1 =	vgt.s32 v19, v63;
	v48 =	vadd.s32 v18, v23  }
0x377: {  	v16 =	vsub.f32 v17, v16;
	v47 =	vsel vm1, v19, v63;
	v19 =	vshrl.u32 v48, $0x1;
	v20 =	vld.idx.msk [tilespmem:v44+s3+$0x0], $0xffff  }
0x378: {  	v53 =	vadd.s32 $0x1, v30;
	v52 =	vadd.s32 $0x410, v19;
	vm9 =	vlt.f32 v27, v12;
	v54 =	vld.idx.msk [tilespmem:v46+s3+$0x0], $0xffff  }
0x379: {  	v16 =	vadd.f32 v43, v16;
	v24 =	vsel vm9, v53, v28;
	v25 =	vsel vm9, v25, v30  }
0x37a: {  	v57 =	vadd.s32 s25, v5;
	v50 =	vadd.s32 $0x81F, v47;
	v56 =	vadd.s32 v24, v25  }
0x37b: {  	v51 =	vxor.u32 s26, v6;
	v55 =	vadd.f32 v16, v16;
	v16 =	vshrl.u32 v56, $0x1  }
0x37c: {  	v41 =	vld [tilespmem:s17+$0x0];
	v17 =	vadd.s32 v51, v47;
	v58 =	vadd.s32 $0x1, v22;
	v60 =	vadd.s32 $0x410, v16  }
0x37d: {  	v59 =	vld.idx.msk [tilespmem:v52+s3+$0x0], $0xffff;
	v62 =	vadd.s32 $0x1, v33;
	vm10 =	vlt.f32 v20, v9;
	vm11 =	vlt.f32 v54, v13  }
0x37e: {  	v61 =	vld [tilespmem:s15+$0x0];
	v20 =	vsel vm10, v58, v21;
	v14 =	vsel vm11, v62, v14;
	v29 =	vsel vm11, v40, v33  }
0x37f: {  	v17 =	vcvt.s32.f32 v17;
	v23 =	vld.idx.msk [tilespmem:v50+s3+$0x0], $0xffff;
	vm12 =	vgt.s32 v20, v57;
	v31 =	vadd.s32 v14, v29  }
0x380: {  	v35 =	vadd.s32 s24, v5;
	v30 =	vsel vm12, v20, v57;
	v20 =	vshrl.u32 v31, $0x1  }
0x381: {  	v43 =	vxor.u32 s24, v6;
	v63 =	vld [tilespmem:s15+$0x410];
	v17 =	vmul.f32 v17, v8;
	v34 =	vadd.s32 $0x410, v20  }
0x382: {  	v19 =	vadd.s32 $0x1, v19;
	vm13 =	vlt.f32 v59, v11;
	v32 =	vadd.s32 $0x81F, v30;
	v33 =	vld.idx.msk [tilespmem:v60+s3+$0x0], $0xffff  }
0x383: {  	v37 =	vxor.u32 s25, v6;
	v49 =	vsub.f32 v10, v41;
	v18 =	vsel vm13, v19, v18  }
0x384: {  	v8 =	vsub.f32 v8, v61;
	v17 =	vsub.f32 v17, v23;
	vm0 =	vgt.s32 v18, v35  }
0x385: {  	v48 =	vadd.s32 s22, v5;
	v10 =	vadd.f32 v49, v15;
	v18 =	vsel vm0, v18, v35  }
0x386: {  	v16 =	vadd.s32 $0x1, v16;
	v17 =	vadd.f32 v63, v17;
	v38 =	vadd.s32 $0x81F, v18;
	v39 =	vld.idx.msk [tilespmem:v34+s3+$0x0], $0xffff  }
0x387: {  	v10 =	vadd.f32 v10, v55;
	v15 =	vadd.s32 v37, v30;
	v21 =	vld.idx.msk [tilespmem:v32+s3+$0x0], $0xffff;
	vm14 =	vlt.f32 v33, v12  }
0x388: {  	v36 =	vld [tilespmem:s16+$0x0];
	v41 =	vadd.s32 s23, v5;
	v15 =	vcvt.s32.f32 v15;
	v16 =	vsel vm14, v16, v24  }
0x389: {  	v17 =	vadd.f32 v17, v17;
	v8 =	vadd.f32 v8, v10;
	v40 =	vld [tilespmem:s16+$0x410];
	vm0 =	vgt.s32 v16, v41  }
0x38a: {  	v10 =	vadd.s32 v43, v18;
	v15 =	vmul.f32 v15, v9;
	v16 =	vsel vm0, v16, v41  }
0x38b: {  	v44 =	vld.idx.msk [tilespmem:v38+s3+$0x0], $0xffff;
	v20 =	vadd.s32 $0x1, v20;
	v45 =	vadd.s32 $0x81F, v16;
	vm15 =	vlt.f32 v39, v13  }
0x38c: {  	v46 =	vld [tilespmem:s18+$0x0];
	v10 =	vcvt.s32.f32 v10;
	v15 =	vsub.f32 v15, v21;
	v14 =	vsel vm15, v20, v14  }
0x38d: {  	v47 =	vld [tilespmem:s18+$0x410];
	v42 =	vsub.f32 v9, v36;
	v8 =	vadd.f32 v8, v17;
	vm0 =	vgt.s32 v14, v48  }
0x38e: {  	v49 =	vmul.f32 v10, v11;
	v15 =	vadd.f32 v40, v15;
	v14 =	vsel vm0, v14, v48  }
0x38f: {  	v51 =	vxor.u32 s23, v6;
	v8 =	vadd.f32 v42, v8;
	v53 =	vadd.s32 $0x81F, v14  }
0x390: {  	v9 =	vsub.f32 v49, v44;
	v50 =	vadd.f32 v15, v15;
	v15 =	vadd.s32 v51, v16;
	v52 =	vld.idx.msk [tilespmem:v45+s3+$0x0], $0xffff  }
0x391: {  	v54 =	vld [tilespmem:s20+$0x0];
	v55 =	vsub.f32 v11, v46;
	v15 =	vcvt.s32.f32 v15  }
0x392: {  	v56 =	vld [tilespmem:s20+$0x410];
	v9 =	vadd.f32 v47, v9;
	v8 =	vadd.f32 v8, v50  }
0x393: {  	v57 =	vxor.u32 s22, v6;
	v15 =	vmul.f32 v15, v12  }
0x394: {  	v9 =	vadd.f32 v9, v9;
	v8 =	vadd.f32 v55, v8;
	v11 =	vadd.s32 v57, v14;
	v16 =	vld.idx.msk [tilespmem:v53+s3+$0x0], $0xffff  }
0x395: {  	v58 =	vld [tilespmem:s21+$0x0];
	v11 =	vcvt.s32.f32 v11;
	v15 =	vsub.f32 v15, v52  }
0x396: {  	v60 =	vld [tilespmem:s21+$0x410];
	v10 =	vsub.f32 v12, v54;
	v8 =	vadd.f32 v8, v9  }
0x397: {  	v11 =	vmul.f32 v11, v13;
	v59 =	vadd.f32 v56, v15  }
0x398: {  	v8 =	vadd.f32 v10, v8  }
0x399: {  	v61 =	vadd.f32 v59, v59;
	v11 =	vsub.f32 v11, v16  }
0x39a: {  	v9 =	vsub.f32 v13, v58  }
0x39b: {  	v8 =	vadd.f32 v8, v61;
	v62 =	vadd.f32 v60, v11;
	_ =	sdelay $0x1  }
0x39c: {  	v8 =	vadd.f32 v9, v8;
	v63 =	vadd.f32 v62, v62;
	_ =	sdelay $0x1  }
0x39d: {  	v8 =	vadd.f32 v8, v63;
	_ =	sdelay $0x1  }
0x39e: {  	(xrf2) =	vadd.scan.msk.f32 $0xffff, v8;
	_ =	sdelay $0x9  }
0x39f: {  	v8, _, _ =	vpop (xrf2)  }
0x3a0: {  	s14 =	sadd.s32 $0x1, s14;
	v8 =	vbroadcast v8, $0xF  }
0x3a1: {  	p0 =	sne.s32 s14, s8  }
.Ltmp4:
0x3a2: {  	[tilespmem:v7+s12+$0x0] =	vst.idx.msk $0x1, v8;
	(pc) =	sbr.rel @p0 .LBB2_1-.Ltmp4, $4  }
0x3a3: {  	[hbm4b:s7+s3] =	stream.linear.scatter [tilespmem:s12], [sflag:$0x2], $0x80, $0x38;
	[tilespmem:$0x1980] =	vst v63  }
0x3a4: {  	_ =	swait.ge [sflag:s13], $0x80  }
0x3a5: {  	[sflag:s13] =	ssyncset.done $0x0  }
0x3a6: {  	[sflag:s13] =	ssyncadd.s32 $0xFFFFFF80  }
0x3a7: {  	_ =	sfence.sel $0x180000  }
0x3a8: {  	[bflag:$0x0] =	sbarrier.arrive $0xFFFF  }
0x3a9: {  	_ =	strace $0x9000004A  }
0x3aa: {  	[bflag:$0x2] =	sbarrier.arrive $0xFFFF  }
0x3ab: {  	p0 =	sne.s32 s0, $0x0;
	s0 =	rddreg [dreg:$0x1]  }
0x3ac: {  	s0 =	sadd.s32 @!p0 $0x100000, s0  }
0x3ad: {  	[sflag:s0] =	ssyncadd.tile.s32 @!p0 $0x1;
	_ =	shalt  }
.Lfunc_end2:
_tile_overlayer_lowered:
.L_overlay_start_2:
0x3ae: {  	(tag) =	ssettag $0x2  }
0x3af: {  	s0 =	rddreg [dreg:$0x0];
	s2 =	stileid.u32  }
0x3b0: {  	s1 =	rddreg [dreg:$0x1];
	p0 =	sne.s32 s2, $0x0  }
0x3b1: {  	s3 =	rddreg [dreg:$0x2];
	[bflag:$0x3] =	sbarrier.arrive $0xFFFF;
	s2 =	simm.s32 @!p0 $0x1C02  }
0x3b2: {  	[timem:s3], [sflag:s2] =	dma.local @!p0 [hbm:s0], s1  }
0x3b3: {  	s0 =	simm.s32 @!p0 $0x2  }
0x3b4: {  	_ =	swait.ge @!p0 [sflag:s0], s1  }
0x3b5: {  	s1 =	ssub.s32 @!p0 $0x0, s1;
	[sflag:s0] =	ssyncset.done @!p0 $0x0  }
0x3b6: {  	[sflag:s0] =	ssyncadd.s32 @!p0 s1  }
0x3b7: {  	[bflag:$0x3] =	sbarrier.arrive $0xFFFF  }
0x3b8: {  	_ =	shalt  }

</sc_bundles>
